<compile_context>
chip_gen: v7x
topology: tpu7x:2x2x1
jax: 0.10.2.dev20260603
libtpu: 0.0.44.dev20260713+nightly
codegen_flags: <defaults>
</compile_context>

<pallas_src>
import functools

import jax
import jax.numpy as jnp
from jax import lax
from jax.experimental import pallas as pl
from jax.experimental.pallas import tpu as pltpu
from jax.experimental.pallas import tpu_sc as plsc

N = 10000
E = 160000
D = 256
H = 256

NC = 2
NS = 16
DH = D // 2
CH = 128
E_PAD = 163840
EPT = E_PAD // NS
NCH = EPT // CH
NROWCH = E_PAD // CH
N_PAD = 10240
GCH = 8
NG = NCH // GCH
CNT_G = NG // 2
RPT = N_PAD // NS


def _sc_scatter_kernel(x2_hbm, src_hbm, dst_hbm, agg_hbm, cnt_hbm,
                       src_v, dst_v, rows_v, ones_v, stage_v, cstage_v,
                       gsem, isem, ssem, zsem, csem, acc_sh, cnt_sh):
    cid = lax.axis_index("c")
    sid = lax.axis_index("s")

    zf = jnp.zeros((16,), jnp.float32)
    for r in range(16):
        for c in range(DH // 16):
            stage_v[r, pl.ds(c * 16, 16)] = zf
    for c in range(RPT // 16):
        cstage_v[pl.ds(c * 16, 16)] = zf
    of = jnp.ones((16,), jnp.float32)
    for c in range(CH // 16):
        ones_v[pl.ds(c * 16, 16)] = of

    def stage(g, b):
        row0 = sid * NCH + g * GCH
        pltpu.async_copy(src_hbm.at[pl.ds(row0, GCH)], src_v.at[b], isem)
        pltpu.async_copy(dst_hbm.at[pl.ds(row0, GCH)], dst_v.at[b], isem)

    stage(0, 0)

    for wb in range(RPT // 16 // 5):
        for w in range(5):
            r0 = sid * RPT + (wb * 5 + w) * 16
            pltpu.async_copy(stage_v, acc_sh.at[pl.ds(r0, 16)], zsem)
        for w in range(5):
            r0 = sid * RPT + (wb * 5 + w) * 16
            pltpu.make_async_copy(stage_v, acc_sh.at[pl.ds(r0, 16)],
                                  zsem).wait()
    pltpu.sync_copy(cstage_v, cnt_sh.at[pl.ds(sid * RPT, RPT)])
    plsc.subcore_barrier()

    for g in range(NG):
        ib = g % 2
        row0 = sid * NCH + g * GCH
        pltpu.make_async_copy(src_hbm.at[pl.ds(row0, GCH)], src_v.at[ib],
                              isem).wait()
        pltpu.make_async_copy(dst_hbm.at[pl.ds(row0, GCH)], dst_v.at[ib],
                              isem).wait()
        if g + 1 < NG:
            stage(g + 1, 1 - ib)

        def tbody(i, carry):
            r = i // (CH // 16)
            c = (i % (CH // 16)) * 16
            v = src_v[ib, r, pl.ds(c, 16)]
            src_v[ib, r, pl.ds(c, 16)] = v * 2 + cid
            return carry

        lax.fori_loop(0, GCH * (CH // 16), tbody, 0)

        do_cnt = (cid == 0) if g < CNT_G else (cid == 1)
        pltpu.async_copy(x2_hbm.at[src_v.at[ib, 0]], rows_v.at[0], gsem)

        def chunk_body(j, carry):
            b = j % 2
            pltpu.make_async_copy(x2_hbm.at[src_v.at[ib, j]],
                                  rows_v.at[b], gsem).wait()

            pltpu.async_copy(rows_v.at[b], acc_sh.at[dst_v.at[ib, j]],
                             ssem, add=True)

            @pl.when(j >= 1)
            def _():
                pltpu.make_async_copy(
                    rows_v.at[1 - b], acc_sh.at[dst_v.at[ib, j - 1]],
                    ssem).wait()

            @pl.when(j + 1 < GCH)
            def _():
                pltpu.async_copy(x2_hbm.at[src_v.at[ib, j + 1]],
                                 rows_v.at[1 - b], gsem)

            @pl.when(do_cnt)
            def _():
                pltpu.sync_copy(ones_v, cnt_sh.at[dst_v.at[ib, j]], add=True)

            return carry

        lax.fori_loop(0, GCH, chunk_body, 0)
        pltpu.make_async_copy(rows_v.at[(GCH - 1) % 2],
                              acc_sh.at[dst_v.at[ib, GCH - 1]],
                              ssem).wait()
    plsc.subcore_barrier()

    pltpu.sync_copy(acc_sh.at[pl.ds(sid * RPT, RPT)],
                    agg_hbm.at[cid, pl.ds(sid * RPT, RPT)])
    pltpu.sync_copy(cnt_sh.at[pl.ds(sid * RPT, RPT)],
                    cnt_hbm.at[cid, pl.ds(sid * RPT, RPT)])


def _sc_scatter(x2, src_rows, dst_rows):
    mesh = plsc.VectorSubcoreMesh(core_axis_name="c", subcore_axis_name="s")
    return pl.kernel(
        _sc_scatter_kernel,
        out_type=[
            jax.ShapeDtypeStruct((NC, N_PAD, DH), jnp.float32),
            jax.ShapeDtypeStruct((NC, N_PAD), jnp.float32),
        ],
        mesh=mesh,
        scratch_types=[
            pltpu.VMEM((2, GCH, CH), jnp.int32),
            pltpu.VMEM((2, GCH, CH), jnp.int32),
            pltpu.VMEM((2, CH, DH), jnp.float32),
            pltpu.VMEM((CH,), jnp.float32),
            pltpu.VMEM((16, DH), jnp.float32),
            pltpu.VMEM((RPT,), jnp.float32),
            pltpu.SemaphoreType.DMA,
            pltpu.SemaphoreType.DMA,
            pltpu.SemaphoreType.DMA,
            pltpu.SemaphoreType.DMA,
            pltpu.SemaphoreType.DMA,
            pltpu.VMEM_SHARED((N_PAD, DH), jnp.float32),
            pltpu.VMEM_SHARED((N_PAD,), jnp.float32),
        ],
    )(x2, src_rows, dst_rows)


BR = 1000


def _tc_combine_kernel(x_ref, al_ref, ah_ref, c0_ref, c1_ref, wl_ref, wr_ref,
                       b_ref, o_ref):
    cnt = jnp.maximum(c0_ref[0] + c1_ref[0], 1.0)
    mean = jnp.concatenate([al_ref[0], ah_ref[0]], axis=1) / cnt
    h = lax.dot_general(mean, wl_ref[...],
                        (((1,), (1,)), ((), ())),
                        preferred_element_type=jnp.float32)
    h = h + lax.dot_general(x_ref[...], wr_ref[...],
                            (((1,), (1,)), ((), ())),
                            preferred_element_type=jnp.float32)
    h = h + b_ref[...]
    h = jnp.where(h > 0, h, 0.01 * h)
    o_ref[...] = h + x_ref[...]


def _tc_combine(x, agg, cnt, W_l, b_l, W_r):
    grid = (N // BR,)
    return pl.pallas_call(
        _tc_combine_kernel,
        out_shape=jax.ShapeDtypeStruct((N, H), jnp.float32),
        grid=grid,
        in_specs=[
            pl.BlockSpec((BR, D), lambda i: (i, 0)),
            pl.BlockSpec((1, BR, DH), lambda i: (0, i, 0)),
            pl.BlockSpec((1, BR, DH), lambda i: (1, i, 0)),
            pl.BlockSpec((1, BR, 1), lambda i: (0, i, 0)),
            pl.BlockSpec((1, BR, 1), lambda i: (1, i, 0)),
            pl.BlockSpec((H, D), lambda i: (0, 0)),
            pl.BlockSpec((H, D), lambda i: (0, 0)),
            pl.BlockSpec((1, H), lambda i: (0, 0)),
        ],
        out_specs=pl.BlockSpec((BR, H), lambda i: (i, 0)),
    )(x, agg, agg, cnt, cnt, W_l, W_r, b_l.reshape(1, H))


def kernel(x, edge_index, W_l, b_l, W_r):
    x2 = x.reshape(2 * N, DH)

    npad = E_PAD - E
    ar = jnp.arange(npad, dtype=jnp.int32)
    ei = edge_index.reshape(2, E // CH, CH)
    src_rows = jnp.concatenate([ei[0], ((ar * 41) % N).reshape(-1, CH)])
    dst_rows = jnp.concatenate(
        [ei[1], (N + (ar % (N_PAD - N))).reshape(-1, CH)])

    agg, cnt = _sc_scatter(x2, src_rows, dst_rows)
    return _tc_combine(x, agg, cnt.reshape(NC, N_PAD, 1), W_l, b_l, W_r)

# --- scband reference (transcript-rebuilt; emitter-appended) ---
"""Pipeline reference for scband-base-message-layer-38757784879436 (READ-ONLY COPY).

The authoritative reference and input builder live on the scoring server;
editing this copy changes nothing except your own understanding.
"""

import jax, jax.numpy as jnp
import numpy as np

N = 10000
E = 160000
D = 256
H = 256

def setup_inputs(seed: int = 0) -> dict:
    key = jax.random.key(seed)
    k1, k2, k3, k4, k5 = jax.random.split(key, 5)
    x = jax.random.normal(k1, (N, D), dtype=jnp.float32)
    edge_index = jax.random.randint(k2, (2, E), 0, N, dtype=jnp.int32)
    scale = 1.0 / np.sqrt(D)
    W_l = jax.random.uniform(k3, (H, D), dtype=jnp.float32, minval=-scale, maxval=scale)
    b_l = jnp.zeros((H,), dtype=jnp.float32)
    W_r = jax.random.uniform(k4, (H, D), dtype=jnp.float32, minval=-scale, maxval=scale)
    return {"x": x, "edge_index": edge_index, "W_l": W_l, "b_l": b_l, "W_r": W_r}

def reference(x, edge_index, W_l, b_l, W_r):
    # SAGEConv with mean aggregation: out = lin_l(mean_j x_j) + lin_r(x_i)
    src = edge_index[0]
    dst = edge_index[1]
    n = x.shape[0]
    msg = jnp.take(x, src, axis=0)  # gather source features [E, D]
    agg = jax.ops.segment_sum(msg, dst, num_segments=n)  # scatter-add by dst
    cnt = jax.ops.segment_sum(jnp.ones((msg.shape[0], 1), dtype=x.dtype), dst, num_segments=n)
    mean = agg / jnp.maximum(cnt, 1.0)
    out = mean @ W_l.T + b_l + x @ W_r.T
    # post_conv: LeakyReLU (no batchnorm, no dropout)
    out = jnp.where(out > 0, out, 0.01 * out)
    # skipsum (not input layer, not output layer)
    out = out + x
    # L2_norm = False -> no normalize
    return out

if __name__ == "__main__":
    import jax
    _d = setup_inputs()
    print(jax.jit(kernel)(*tuple(_d.values())))

</pallas_src>

<mosaic_0001>
#map = affine_map<(d0, d1) -> (0, 0)>
#map1 = affine_map<(d0, d1) -> (0, 0, 0)>
module attributes {stable_mosaic.version = 14 : i64} {
  func.func @_sc_scatter_kernel(%arg0: i32, %arg1: i32, %arg2: memref<20000x128xf32, #tpu.memory_space<hbm>>, %arg3: memref<1280x128xi32, #tpu.memory_space<hbm>>, %arg4: memref<1280x128xi32, #tpu.memory_space<hbm>>, %arg5: memref<2x10240x128xf32, #tpu.memory_space<hbm>>, %arg6: memref<2x10240xf32, #tpu.memory_space<hbm>>, %arg7: memref<2x8x128xi32, #tpu.memory_space<vmem>>, %arg8: memref<2x8x128xi32, #tpu.memory_space<vmem>>, %arg9: memref<2x128x128xf32, #tpu.memory_space<vmem>>, %arg10: memref<128xf32, #tpu.memory_space<vmem>>, %arg11: memref<16x128xf32, #tpu.memory_space<vmem>>, %arg12: memref<640xf32, #tpu.memory_space<vmem>>, %arg13: memref<!tpu.dma_semaphore, #tpu.memory_space<semaphore_mem>>, %arg14: memref<!tpu.dma_semaphore, #tpu.memory_space<semaphore_mem>>, %arg15: memref<!tpu.dma_semaphore, #tpu.memory_space<semaphore_mem>>, %arg16: memref<!tpu.dma_semaphore, #tpu.memory_space<semaphore_mem>>, %arg17: memref<!tpu.dma_semaphore, #tpu.memory_space<semaphore_mem>>, %arg18: memref<10240x128xf32, #tpu.memory_space<vmem_shared>>, %arg19: memref<10240xf32, #tpu.memory_space<vmem_shared>>) attributes {dimension_semantics = [#tpu.dimension_semantics<core_parallel>, #tpu.dimension_semantics<subcore_parallel>], iteration_bounds = array<i64: 2, 16>, scalar_prefetch = 0 : i64, scratch_operands = 13 : i64, tpu.core_type = #tpu.core_type<sc_vector_subcore>, window_params = [{transform_indices = #map}, {transform_indices = #map}, {transform_indices = #map}, {transform_indices = #map1}, {transform_indices = #map}]} {
    %broadcast_in_dim3A = arith.constant 0.000000e+00 : f32
    %broadcast_in_dim3A_0 = vector.broadcast %broadcast_in_dim3A : f32 to vector<16xf32>
    %swap3A = arith.constant 0 : i32
    %swap3A_1 = arith.index_cast %swap3A : i32 to index
    %swap3A_2 = arith.constant 0 : index
    %swap3A_3 = tpu.vector_load %arg11[%swap3A_1, %swap3A_2] {strides = array<i32>} : memref<16x128xf32, #tpu.memory_space<vmem>>, vector<1x16xf32>,
    %swap3A_4 = vector.shape_cast %swap3A_3 : vector<1x16xf32> to vector<16xf32>
    %swap3A_5 = vector.shape_cast %broadcast_in_dim3A_0 : vector<16xf32> to vector<1x16xf32>
    tpu.vector_store %arg11[%swap3A_1, %swap3A_2], %swap3A_5 {strides = array<i32>} : memref<16x128xf32, #tpu.memory_space<vmem>>, vector<1x16xf32>,
    %swap3A_6 = arith.constant 0 : i32
    %swap3A_7 = arith.index_cast %swap3A_6 : i32 to index
    %swap3A_8 = arith.constant 16 : index
    %swap3A_9 = tpu.vector_load %arg11[%swap3A_7, %swap3A_8] {strides = array<i32>} : memref<16x128xf32, #tpu.memory_space<vmem>>, vector<1x16xf32>,
    %swap3A_10 = vector.shape_cast %swap3A_9 : vector<1x16xf32> to vector<16xf32>
    %swap3A_11 = vector.shape_cast %broadcast_in_dim3A_0 : vector<16xf32> to vector<1x16xf32>
    tpu.vector_store %arg11[%swap3A_7, %swap3A_8], %swap3A_11 {strides = array<i32>} : memref<16x128xf32, #tpu.memory_space<vmem>>, vector<1x16xf32>,
    %swap3A_12 = arith.constant 0 : i32
    %swap3A_13 = arith.index_cast %swap3A_12 : i32 to index
    %swap3A_14 = arith.constant 32 : index
    %swap3A_15 = tpu.vector_load %arg11[%swap3A_13, %swap3A_14] {strides = array<i32>} : memref<16x128xf32, #tpu.memory_space<vmem>>, vector<1x16xf32>,
    %swap3A_16 = vector.shape_cast %swap3A_15 : vector<1x16xf32> to vector<16xf32>
    %swap3A_17 = vector.shape_cast %broadcast_in_dim3A_0 : vector<16xf32> to vector<1x16xf32>
    tpu.vector_store %arg11[%swap3A_13, %swap3A_14], %swap3A_17 {strides = array<i32>} : memref<16x128xf32, #tpu.memory_space<vmem>>, vector<1x16xf32>,
    %swap3A_18 = arith.constant 0 : i32
    %swap3A_19 = arith.index_cast %swap3A_18 : i32 to index
    %swap3A_20 = arith.constant 48 : index
    %swap3A_21 = tpu.vector_load %arg11[%swap3A_19, %swap3A_20] {strides = array<i32>} : memref<16x128xf32, #tpu.memory_space<vmem>>, vector<1x16xf32>,
    %swap3A_22 = vector.shape_cast %swap3A_21 : vector<1x16xf32> to vector<16xf32>
    %swap3A_23 = vector.shape_cast %broadcast_in_dim3A_0 : vector<16xf32> to vector<1x16xf32>
    tpu.vector_store %arg11[%swap3A_19, %swap3A_20], %swap3A_23 {strides = array<i32>} : memref<16x128xf32, #tpu.memory_space<vmem>>, vector<1x16xf32>,
    %swap3A_24 = arith.constant 0 : i32
    %swap3A_25 = arith.index_cast %swap3A_24 : i32 to index
    %swap3A_26 = arith.constant 64 : index
    %swap3A_27 = tpu.vector_load %arg11[%swap3A_25, %swap3A_26] {strides = array<i32>} : memref<16x128xf32, #tpu.memory_space<vmem>>, vector<1x16xf32>,
    %swap3A_28 = vector.shape_cast %swap3A_27 : vector<1x16xf32> to vector<16xf32>
    %swap3A_29 = vector.shape_cast %broadcast_in_dim3A_0 : vector<16xf32> to vector<1x16xf32>
    tpu.vector_store %arg11[%swap3A_25, %swap3A_26], %swap3A_29 {strides = array<i32>} : memref<16x128xf32, #tpu.memory_space<vmem>>, vector<1x16xf32>,
    %swap3A_30 = arith.constant 0 : i32
    %swap3A_31 = arith.index_cast %swap3A_30 : i32 to index
    %swap3A_32 = arith.constant 80 : index
    %swap3A_33 = tpu.vector_load %arg11[%swap3A_31, %swap3A_32] {strides = array<i32>} : memref<16x128xf32, #tpu.memory_space<vmem>>, vector<1x16xf32>,
    %swap3A_34 = vector.shape_cast %swap3A_33 : vector<1x16xf32> to vector<16xf32>
    %swap3A_35 = vector.shape_cast %broadcast_in_dim3A_0 : vector<16xf32> to vector<1x16xf32>
    tpu.vector_store %arg11[%swap3A_31, %swap3A_32], %swap3A_35 {strides = array<i32>} : memref<16x128xf32, #tpu.memory_space<vmem>>, vector<1x16xf32>,
    %swap3A_36 = arith.constant 0 : i32
    %swap3A_37 = arith.index_cast %swap3A_36 : i32 to index
    %swap3A_38 = arith.constant 96 : index
    %swap3A_39 = tpu.vector_load %arg11[%swap3A_37, %swap3A_38] {strides = array<i32>} : memref<16x128xf32, #tpu.memory_space<vmem>>, vector<1x16xf32>,
    %swap3A_40 = vector.shape_cast %swap3A_39 : vector<1x16xf32> to vector<16xf32>
    %swap3A_41 = vector.shape_cast %broadcast_in_dim3A_0 : vector<16xf32> to vector<1x16xf32>
    tpu.vector_store %arg11[%swap3A_37, %swap3A_38], %swap3A_41 {strides = array<i32>} : memref<16x128xf32, #tpu.memory_space<vmem>>, vector<1x16xf32>,
    %swap3A_42 = arith.constant 0 : i32
    %swap3A_43 = arith.index_cast %swap3A_42 : i32 to index
    %swap3A_44 = arith.constant 112 : index
    %swap3A_45 = tpu.vector_load %arg11[%swap3A_43, %swap3A_44] {strides = array<i32>} : memref<16x128xf32, #tpu.memory_space<vmem>>, vector<1x16xf32>,
    %swap3A_46 = vector.shape_cast %swap3A_45 : vector<1x16xf32> to vector<16xf32>
    %swap3A_47 = vector.shape_cast %broadcast_in_dim3A_0 : vector<16xf32> to vector<1x16xf32>
    tpu.vector_store %arg11[%swap3A_43, %swap3A_44], %swap3A_47 {strides = array<i32>} : memref<16x128xf32, #tpu.memory_space<vmem>>, vector<1x16xf32>,
    %swap3A_48 = arith.constant 1 : i32
    %swap3A_49 = arith.index_cast %swap3A_48 : i32 to index
    %swap3A_50 = arith.constant 0 : index
    %swap3A_51 = tpu.vector_load %arg11[%swap3A_49, %swap3A_50] {strides = array<i32>} : memref<16x128xf32, #tpu.memory_space<vmem>>, vector<1x16xf32>,
    %swap3A_52 = vector.shape_cast %swap3A_51 : vector<1x16xf32> to vector<16xf32>
    %swap3A_53 = vector.shape_cast %broadcast_in_dim3A_0 : vector<16xf32> to vector<1x16xf32>
    tpu.vector_store %arg11[%swap3A_49, %swap3A_50], %swap3A_53 {strides = array<i32>} : memref<16x128xf32, #tpu.memory_space<vmem>>, vector<1x16xf32>,
    %swap3A_54 = arith.constant 1 : i32
    %swap3A_55 = arith.index_cast %swap3A_54 : i32 to index
    %swap3A_56 = arith.constant 16 : index
    %swap3A_57 = tpu.vector_load %arg11[%swap3A_55, %swap3A_56] {strides = array<i32>} : memref<16x128xf32, #tpu.memory_space<vmem>>, vector<1x16xf32>,
    %swap3A_58 = vector.shape_cast %swap3A_57 : vector<1x16xf32> to vector<16xf32>
    %swap3A_59 = vector.shape_cast %broadcast_in_dim3A_0 : vector<16xf32> to vector<1x16xf32>
    tpu.vector_store %arg11[%swap3A_55, %swap3A_56], %swap3A_59 {strides = array<i32>} : memref<16x128xf32, #tpu.memory_space<vmem>>, vector<1x16xf32>,
    %swap3A_60 = arith.constant 1 : i32
    %swap3A_61 = arith.index_cast %swap3A_60 : i32 to index
    %swap3A_62 = arith.constant 32 : index
    %swap3A_63 = tpu.vector_load %arg11[%swap3A_61, %swap3A_62] {strides = array<i32>} : memref<16x128xf32, #tpu.memory_space<vmem>>, vector<1x16xf32>,
    %swap3A_64 = vector.shape_cast %swap3A_63 : vector<1x16xf32> to vector<16xf32>
    %swap3A_65 = vector.shape_cast %broadcast_in_dim3A_0 : vector<16xf32> to vector<1x16xf32>
    tpu.vector_store %arg11[%swap3A_61, %swap3A_62], %swap3A_65 {strides = array<i32>} : memref<16x128xf32, #tpu.memory_space<vmem>>, vector<1x16xf32>,
    %swap3A_66 = arith.constant 1 : i32
    %swap3A_67 = arith.index_cast %swap3A_66 : i32 to index
    %swap3A_68 = arith.constant 48 : index
    %swap3A_69 = tpu.vector_load %arg11[%swap3A_67, %swap3A_68] {strides = array<i32>} : memref<16x128xf32, #tpu.memory_space<vmem>>, vector<1x16xf32>,
    %swap3A_70 = vector.shape_cast %swap3A_69 : vector<1x16xf32> to vector<16xf32>
    %swap3A_71 = vector.shape_cast %broadcast_in_dim3A_0 : vector<16xf32> to vector<1x16xf32>
    tpu.vector_store %arg11[%swap3A_67, %swap3A_68], %swap3A_71 {strides = array<i32>} : memref<16x128xf32, #tpu.memory_space<vmem>>, vector<1x16xf32>,
    %swap3A_72 = arith.constant 1 : i32
    %swap3A_73 = arith.index_cast %swap3A_72 : i32 to index
    %swap3A_74 = arith.constant 64 : index
    %swap3A_75 = tpu.vector_load %arg11[%swap3A_73, %swap3A_74] {strides = array<i32>} : memref<16x128xf32, #tpu.memory_space<vmem>>, vector<1x16xf32>,
    %swap3A_76 = vector.shape_cast %swap3A_75 : vector<1x16xf32> to vector<16xf32>
    %swap3A_77 = vector.shape_cast %broadcast_in_dim3A_0 : vector<16xf32> to vector<1x16xf32>
    tpu.vector_store %arg11[%swap3A_73, %swap3A_74], %swap3A_77 {strides = array<i32>} : memref<16x128xf32, #tpu.memory_space<vmem>>, vector<1x16xf32>,
    %swap3A_78 = arith.constant 1 : i32
    %swap3A_79 = arith.index_cast %swap3A_78 : i32 to index
    %swap3A_80 = arith.constant 80 : index
    %swap3A_81 = tpu.vector_load %arg11[%swap3A_79, %swap3A_80] {strides = array<i32>} : memref<16x128xf32, #tpu.memory_space<vmem>>, vector<1x16xf32>,
    %swap3A_82 = vector.shape_cast %swap3A_81 : vector<1x16xf32> to vector<16xf32>
    %swap3A_83 = vector.shape_cast %broadcast_in_dim3A_0 : vector<16xf32> to vector<1x16xf32>
    tpu.vector_store %arg11[%swap3A_79, %swap3A_80], %swap3A_83 {strides = array<i32>} : memref<16x128xf32, #tpu.memory_space<vmem>>, vector<1x16xf32>,
    %swap3A_84 = arith.constant 1 : i32
    %swap3A_85 = arith.index_cast %swap3A_84 : i32 to index
    %swap3A_86 = arith.constant 96 : index
    %swap3A_87 = tpu.vector_load %arg11[%swap3A_85, %swap3A_86] {strides = array<i32>} : memref<16x128xf32, #tpu.memory_space<vmem>>, vector<1x16xf32>,
    %swap3A_88 = vector.shape_cast %swap3A_87 : vector<1x16xf32> to vector<16xf32>
    %swap3A_89 = vector.shape_cast %broadcast_in_dim3A_0 : vector<16xf32> to vector<1x16xf32>
    tpu.vector_store %arg11[%swap3A_85, %swap3A_86], %swap3A_89 {strides = array<i32>} : memref<16x128xf32, #tpu.memory_space<vmem>>, vector<1x16xf32>,
    %swap3A_90 = arith.constant 1 : i32
    %swap3A_91 = arith.index_cast %swap3A_90 : i32 to index
    %swap3A_92 = arith.constant 112 : index
    %swap3A_93 = tpu.vector_load %arg11[%swap3A_91, %swap3A_92] {strides = array<i32>} : memref<16x128xf32, #tpu.memory_space<vmem>>, vector<1x16xf32>,
    %swap3A_94 = vector.shape_cast %swap3A_93 : vector<1x16xf32> to vector<16xf32>
    %swap3A_95 = vector.shape_cast %broadcast_in_dim3A_0 : vector<16xf32> to vector<1x16xf32>
    tpu.vector_store %arg11[%swap3A_91, %swap3A_92], %swap3A_95 {strides = array<i32>} : memref<16x128xf32, #tpu.memory_space<vmem>>, vector<1x16xf32>,
    %swap3A_96 = arith.constant 2 : i32
    %swap3A_97 = arith.index_cast %swap3A_96 : i32 to index
    %swap3A_98 = arith.constant 0 : index
    %swap3A_99 = tpu.vector_load %arg11[%swap3A_97, %swap3A_98] {strides = array<i32>} : memref<16x128xf32, #tpu.memory_space<vmem>>, vector<1x16xf32>,
    %swap3A_100 = vector.shape_cast %swap3A_99 : vector<1x16xf32> to vector<16xf32>
    %swap3A_101 = vector.shape_cast %broadcast_in_dim3A_0 : vector<16xf32> to vector<1x16xf32>
    tpu.vector_store %arg11[%swap3A_97, %swap3A_98], %swap3A_101 {strides = array<i32>} : memref<16x128xf32, #tpu.memory_space<vmem>>, vector<1x16xf32>,
    %swap3A_102 = arith.constant 2 : i32
    %swap3A_103 = arith.index_cast %swap3A_102 : i32 to index
    %swap3A_104 = arith.constant 16 : index
    %swap3A_105 = tpu.vector_load %arg11[%swap3A_103, %swap3A_104] {strides = array<i32>} : memref<16x128xf32, #tpu.memory_space<vmem>>, vector<1x16xf32>,
    %swap3A_106 = vector.shape_cast %swap3A_105 : vector<1x16xf32> to vector<16xf32>
    %swap3A_107 = vector.shape_cast %broadcast_in_dim3A_0 : vector<16xf32> to vector<1x16xf32>
    tpu.vector_store %arg11[%swap3A_103, %swap3A_104], %swap3A_107 {strides = array<i32>} : memref<16x128xf32, #tpu.memory_space<vmem>>, vector<1x16xf32>,
    %swap3A_108 = arith.constant 2 : i32
    %swap3A_109 = arith.index_cast %swap3A_108 : i32 to index
    %swap3A_110 = arith.constant 32 : index
    %swap3A_111 = tpu.vector_load %arg11[%swap3A_109, %swap3A_110] {strides = array<i32>} : memref<16x128xf32, #tpu.memory_space<vmem>>, vector<1x16xf32>,
    %swap3A_112 = vector.shape_cast %swap3A_111 : vector<1x16xf32> to vector<16xf32>
    %swap3A_113 = vector.shape_cast %broadcast_in_dim3A_0 : vector<16xf32> to vector<1x16xf32>
    tpu.vector_store %arg11[%swap3A_109, %swap3A_110], %swap3A_113 {strides = array<i32>} : memref<16x128xf32, #tpu.memory_space<vmem>>, vector<1x16xf32>,
    %swap3A_114 = arith.constant 2 : i32
    %swap3A_115 = arith.index_cast %swap3A_114 : i32 to index
    %swap3A_116 = arith.constant 48 : index
    %swap3A_117 = tpu.vector_load %arg11[%swap3A_115, %swap3A_116] {strides = array<i32>} : memref<16x128xf32, #tpu.memory_space<vmem>>, vector<1x16xf32>,
    %swap3A_118 = vector.shape_cast %swap3A_117 : vector<1x16xf32> to vector<16xf32>
    %swap3A_119 = vector.shape_cast %broadcast_in_dim3A_0 : vector<16xf32> to vector<1x16xf32>
    tpu.vector_store %arg11[%swap3A_115, %swap3A_116], %swap3A_119 {strides = array<i32>} : memref<16x128xf32, #tpu.memory_space<vmem>>, vector<1x16xf32>,
    %swap3A_120 = arith.constant 2 : i32
    %swap3A_121 = arith.index_cast %swap3A_120 : i32 to index
    %swap3A_122 = arith.constant 64 : index
    %swap3A_123 = tpu.vector_load %arg11[%swap3A_121, %swap3A_122] {strides = array<i32>} : memref<16x128xf32, #tpu.memory_space<vmem>>, vector<1x16xf32>,
    %swap3A_124 = vector.shape_cast %swap3A_123 : vector<1x16xf32> to vector<16xf32>
    %swap3A_125 = vector.shape_cast %broadcast_in_dim3A_0 : vector<16xf32> to vector<1x16xf32>
    tpu.vector_store %arg11[%swap3A_121, %swap3A_122], %swap3A_125 {strides = array<i32>} : memref<16x128xf32, #tpu.memory_space<vmem>>, vector<1x16xf32>,
    %swap3A_126 = arith.constant 2 : i32
    %swap3A_127 = arith.index_cast %swap3A_126 : i32 to index
    %swap3A_128 = arith.constant 80 : index
    %swap3A_129 = tpu.vector_load %arg11[%swap3A_127, %swap3A_128] {strides = array<i32>} : memref<16x128xf32, #tpu.memory_space<vmem>>, vector<1x16xf32>,
    %swap3A_130 = vector.shape_cast %swap3A_129 : vector<1x16xf32> to vector<16xf32>
    %swap3A_131 = vector.shape_cast %broadcast_in_dim3A_0 : vector<16xf32> to vector<1x16xf32>
    tpu.vector_store %arg11[%swap3A_127, %swap3A_128], %swap3A_131 {strides = array<i32>} : memref<16x128xf32, #tpu.memory_space<vmem>>, vector<1x16xf32>,
    %swap3A_132 = arith.constant 2 : i32
    %swap3A_133 = arith.index_cast %swap3A_132 : i32 to index
    %swap3A_134 = arith.constant 96 : index
    %swap3A_135 = tpu.vector_load %arg11[%swap3A_133, %swap3A_134] {strides = array<i32>} : memref<16x128xf32, #tpu.memory_space<vmem>>, vector<1x16xf32>,
    %swap3A_136 = vector.shape_cast %swap3A_135 : vector<1x16xf32> to vector<16xf32>
    %swap3A_137 = vector.shape_cast %broadcast_in_dim3A_0 : vector<16xf32> to vector<1x16xf32>
    tpu.vector_store %arg11[%swap3A_133, %swap3A_134], %swap3A_137 {strides = array<i32>} : memref<16x128xf32, #tpu.memory_space<vmem>>, vector<1x16xf32>,
    %swap3A_138 = arith.constant 2 : i32
    %swap3A_139 = arith.index_cast %swap3A_138 : i32 to index
    %swap3A_140 = arith.constant 112 : index
    %swap3A_141 = tpu.vector_load %arg11[%swap3A_139, %swap3A_140] {strides = array<i32>} : memref<16x128xf32, #tpu.memory_space<vmem>>, vector<1x16xf32>,
    %swap3A_142 = vector.shape_cast %swap3A_141 : vector<1x16xf32> to vector<16xf32>
    %swap3A_143 = vector.shape_cast %broadcast_in_dim3A_0 : vector<16xf32> to vector<1x16xf32>
    tpu.vector_store %arg11[%swap3A_139, %swap3A_140], %swap3A_143 {strides = array<i32>} : memref<16x128xf32, #tpu.memory_space<vmem>>, vector<1x16xf32>,
    %swap3A_144 = arith.constant 3 : i32
    %swap3A_145 = arith.index_cast %swap3A_144 : i32 to index
    %swap3A_146 = arith.constant 0 : index
    %swap3A_147 = tpu.vector_load %arg11[%swap3A_145, %swap3A_146] {strides = array<i32>} : memref<16x128xf32, #tpu.memory_space<vmem>>, vector<1x16xf32>,
    %swap3A_148 = vector.shape_cast %swap3A_147 : vector<1x16xf32> to vector<16xf32>
    %swap3A_149 = vector.shape_cast %broadcast_in_dim3A_0 : vector<16xf32> to vector<1x16xf32>
    tpu.vector_store %arg11[%swap3A_145, %swap3A_146], %swap3A_149 {strides = array<i32>} : memref<16x128xf32, #tpu.memory_space<vmem>>, vector<1x16xf32>,
    %swap3A_150 = arith.constant 3 : i32
    %swap3A_151 = arith.index_cast %swap3A_150 : i32 to index
    %swap3A_152 = arith.constant 16 : index
    %swap3A_153 = tpu.vector_load %arg11[%swap3A_151, %swap3A_152] {strides = array<i32>} : memref<16x128xf32, #tpu.memory_space<vmem>>, vector<1x16xf32>,
    %swap3A_154 = vector.shape_cast %swap3A_153 : vector<1x16xf32> to vector<16xf32>
    %swap3A_155 = vector.shape_cast %broadcast_in_dim3A_0 : vector<16xf32> to vector<1x16xf32>
    tpu.vector_store %arg11[%swap3A_151, %swap3A_152], %swap3A_155 {strides = array<i32>} : memref<16x128xf32, #tpu.memory_space<vmem>>, vector<1x16xf32>,
    %swap3A_156 = arith.constant 3 : i32
    %swap3A_157 = arith.index_cast %swap3A_156 : i32 to index
    %swap3A_158 = arith.constant 32 : index
    %swap3A_159 = tpu.vector_load %arg11[%swap3A_157, %swap3A_158] {strides = array<i32>} : memref<16x128xf32, #tpu.memory_space<vmem>>, vector<1x16xf32>,
    %swap3A_160 = vector.shape_cast %swap3A_159 : vector<1x16xf32> to vector<16xf32>
    %swap3A_161 = vector.shape_cast %broadcast_in_dim3A_0 : vector<16xf32> to vector<1x16xf32>
    tpu.vector_store %arg11[%swap3A_157, %swap3A_158], %swap3A_161 {strides = array<i32>} : memref<16x128xf32, #tpu.memory_space<vmem>>, vector<1x16xf32>,
    %swap3A_162 = arith.constant 3 : i32
    %swap3A_163 = arith.index_cast %swap3A_162 : i32 to index
    %swap3A_164 = arith.constant 48 : index
    %swap3A_165 = tpu.vector_load %arg11[%swap3A_163, %swap3A_164] {strides = array<i32>} : memref<16x128xf32, #tpu.memory_space<vmem>>, vector<1x16xf32>,
    %swap3A_166 = vector.shape_cast %swap3A_165 : vector<1x16xf32> to vector<16xf32>
    %swap3A_167 = vector.shape_cast %broadcast_in_dim3A_0 : vector<16xf32> to vector<1x16xf32>
    tpu.vector_store %arg11[%swap3A_163, %swap3A_164], %swap3A_167 {strides = array<i32>} : memref<16x128xf32, #tpu.memory_space<vmem>>, vector<1x16xf32>,
    %swap3A_168 = arith.constant 3 : i32
    %swap3A_169 = arith.index_cast %swap3A_168 : i32 to index
    %swap3A_170 = arith.constant 64 : index
    %swap3A_171 = tpu.vector_load %arg11[%swap3A_169, %swap3A_170] {strides = array<i32>} : memref<16x128xf32, #tpu.memory_space<vmem>>, vector<1x16xf32>,
    %swap3A_172 = vector.shape_cast %swap3A_171 : vector<1x16xf32> to vector<16xf32>
    %swap3A_173 = vector.shape_cast %broadcast_in_dim3A_0 : vector<16xf32> to vector<1x16xf32>
    tpu.vector_store %arg11[%swap3A_169, %swap3A_170], %swap3A_173 {strides = array<i32>} : memref<16x128xf32, #tpu.memory_space<vmem>>, vector<1x16xf32>,
    %swap3A_174 = arith.constant 3 : i32
    %swap3A_175 = arith.index_cast %swap3A_174 : i32 to index
    %swap3A_176 = arith.constant 80 : index
    %swap3A_177 = tpu.vector_load %arg11[%swap3A_175, %swap3A_176] {strides = array<i32>} : memref<16x128xf32, #tpu.memory_space<vmem>>, vector<1x16xf32>,
    %swap3A_178 = vector.shape_cast %swap3A_177 : vector<1x16xf32> to vector<16xf32>
    %swap3A_179 = vector.shape_cast %broadcast_in_dim3A_0 : vector<16xf32> to vector<1x16xf32>
    tpu.vector_store %arg11[%swap3A_175, %swap3A_176], %swap3A_179 {strides = array<i32>} : memref<16x128xf32, #tpu.memory_space<vmem>>, vector<1x16xf32>,
    %swap3A_180 = arith.constant 3 : i32
    %swap3A_181 = arith.index_cast %swap3A_180 : i32 to index
    %swap3A_182 = arith.constant 96 : index
    %swap3A_183 = tpu.vector_load %arg11[%swap3A_181, %swap3A_182] {strides = array<i32>} : memref<16x128xf32, #tpu.memory_space<vmem>>, vector<1x16xf32>,
    %swap3A_184 = vector.shape_cast %swap3A_183 : vector<1x16xf32> to vector<16xf32>
    %swap3A_185 = vector.shape_cast %broadcast_in_dim3A_0 : vector<16xf32> to vector<1x16xf32>
    tpu.vector_store %arg11[%swap3A_181, %swap3A_182], %swap3A_185 {strides = array<i32>} : memref<16x128xf32, #tpu.memory_space<vmem>>, vector<1x16xf32>,
    %swap3A_186 = arith.constant 3 : i32
    %swap3A_187 = arith.index_cast %swap3A_186 : i32 to index
    %swap3A_188 = arith.constant 112 : index
    %swap3A_189 = tpu.vector_load %arg11[%swap3A_187, %swap3A_188] {strides = array<i32>} : memref<16x128xf32, #tpu.memory_space<vmem>>, vector<1x16xf32>,
    %swap3A_190 = vector.shape_cast %swap3A_189 : vector<1x16xf32> to vector<16xf32>
    %swap3A_191 = vector.shape_cast %broadcast_in_dim3A_0 : vector<16xf32> to vector<1x16xf32>
    tpu.vector_store %arg11[%swap3A_187, %swap3A_188], %swap3A_191 {strides = array<i32>} : memref<16x128xf32, #tpu.memory_space<vmem>>, vector<1x16xf32>,
    %swap3A_192 = arith.constant 4 : i32
    %swap3A_193 = arith.index_cast %swap3A_192 : i32 to index
    %swap3A_194 = arith.constant 0 : index
    %swap3A_195 = tpu.vector_load %arg11[%swap3A_193, %swap3A_194] {strides = array<i32>} : memref<16x128xf32, #tpu.memory_space<vmem>>, vector<1x16xf32>,
    %swap3A_196 = vector.shape_cast %swap3A_195 : vector<1x16xf32> to vector<16xf32>
    %swap3A_197 = vector.shape_cast %broadcast_in_dim3A_0 : vector<16xf32> to vector<1x16xf32>
    tpu.vector_store %arg11[%swap3A_193, %swap3A_194], %swap3A_197 {strides = array<i32>} : memref<16x128xf32, #tpu.memory_space<vmem>>, vector<1x16xf32>,
    %swap3A_198 = arith.constant 4 : i32
    %swap3A_199 = arith.index_cast %swap3A_198 : i32 to index
    %swap3A_200 = arith.constant 16 : index
    %swap3A_201 = tpu.vector_load %arg11[%swap3A_199, %swap3A_200] {strides = array<i32>} : memref<16x128xf32, #tpu.memory_space<vmem>>, vector<1x16xf32>,
    %swap3A_202 = vector.shape_cast %swap3A_201 : vector<1x16xf32> to vector<16xf32>
    %swap3A_203 = vector.shape_cast %broadcast_in_dim3A_0 : vector<16xf32> to vector<1x16xf32>
    tpu.vector_store %arg11[%swap3A_199, %swap3A_200], %swap3A_203 {strides = array<i32>} : memref<16x128xf32, #tpu.memory_space<vmem>>, vector<1x16xf32>,
    %swap3A_204 = arith.constant 4 : i32
    %swap3A_205 = arith.index_cast %swap3A_204 : i32 to index
    %swap3A_206 = arith.constant 32 : index
    %swap3A_207 = tpu.vector_load %arg11[%swap3A_205, %swap3A_206] {strides = array<i32>} : memref<16x128xf32, #tpu.memory_space<vmem>>, vector<1x16xf32>,
    %swap3A_208 = vector.shape_cast %swap3A_207 : vector<1x16xf32> to vector<16xf32>
    %swap3A_209 = vector.shape_cast %broadcast_in_dim3A_0 : vector<16xf32> to vector<1x16xf32>
    tpu.vector_store %arg11[%swap3A_205, %swap3A_206], %swap3A_209 {strides = array<i32>} : memref<16x128xf32, #tpu.memory_space<vmem>>, vector<1x16xf32>,
    %swap3A_210 = arith.constant 4 : i32
    %swap3A_211 = arith.index_cast %swap3A_210 : i32 to index
    %swap3A_212 = arith.constant 48 : index
    %swap3A_213 = tpu.vector_load %arg11[%swap3A_211, %swap3A_212] {strides = array<i32>} : memref<16x128xf32, #tpu.memory_space<vmem>>, vector<1x16xf32>,
    %swap3A_214 = vector.shape_cast %swap3A_213 : vector<1x16xf32> to vector<16xf32>
    %swap3A_215 = vector.shape_cast %broadcast_in_dim3A_0 : vector<16xf32> to vector<1x16xf32>
    tpu.vector_store %arg11[%swap3A_211, %swap3A_212], %swap3A_215 {strides = array<i32>} : memref<16x128xf32, #tpu.memory_space<vmem>>, vector<1x16xf32>,
    %swap3A_216 = arith.constant 4 : i32
    %swap3A_217 = arith.index_cast %swap3A_216 : i32 to index
    %swap3A_218 = arith.constant 64 : index
    %swap3A_219 = tpu.vector_load %arg11[%swap3A_217, %swap3A_218] {strides = array<i32>} : memref<16x128xf32, #tpu.memory_space<vmem>>, vector<1x16xf32>,
    %swap3A_220 = vector.shape_cast %swap3A_219 : vector<1x16xf32> to vector<16xf32>
    %swap3A_221 = vector.shape_cast %broadcast_in_dim3A_0 : vector<16xf32> to vector<1x16xf32>
    tpu.vector_store %arg11[%swap3A_217, %swap3A_218], %swap3A_221 {strides = array<i32>} : memref<16x128xf32, #tpu.memory_space<vmem>>, vector<1x16xf32>,
    %swap3A_222 = arith.constant 4 : i32
    %swap3A_223 = arith.index_cast %swap3A_222 : i32 to index
    %swap3A_224 = arith.constant 80 : index
    %swap3A_225 = tpu.vector_load %arg11[%swap3A_223, %swap3A_224] {strides = array<i32>} : memref<16x128xf32, #tpu.memory_space<vmem>>, vector<1x16xf32>,
    %swap3A_226 = vector.shape_cast %swap3A_225 : vector<1x16xf32> to vector<16xf32>
    %swap3A_227 = vector.shape_cast %broadcast_in_dim3A_0 : vector<16xf32> to vector<1x16xf32>
    tpu.vector_store %arg11[%swap3A_223, %swap3A_224], %swap3A_227 {strides = array<i32>} : memref<16x128xf32, #tpu.memory_space<vmem>>, vector<1x16xf32>,
    %swap3A_228 = arith.constant 4 : i32
    %swap3A_229 = arith.index_cast %swap3A_228 : i32 to index
    %swap3A_230 = arith.constant 96 : index
    %swap3A_231 = tpu.vector_load %arg11[%swap3A_229, %swap3A_230] {strides = array<i32>} : memref<16x128xf32, #tpu.memory_space<vmem>>, vector<1x16xf32>,
    %swap3A_232 = vector.shape_cast %swap3A_231 : vector<1x16xf32> to vector<16xf32>
    %swap3A_233 = vector.shape_cast %broadcast_in_dim3A_0 : vector<16xf32> to vector<1x16xf32>
    tpu.vector_store %arg11[%swap3A_229, %swap3A_230], %swap3A_233 {strides = array<i32>} : memref<16x128xf32, #tpu.memory_space<vmem>>, vector<1x16xf32>,
    %swap3A_234 = arith.constant 4 : i32
    %swap3A_235 = arith.index_cast %swap3A_234 : i32 to index
    %swap3A_236 = arith.constant 112 : index
    %swap3A_237 = tpu.vector_load %arg11[%swap3A_235, %swap3A_236] {strides = array<i32>} : memref<16x128xf32, #tpu.memory_space<vmem>>, vector<1x16xf32>,
    %swap3A_238 = vector.shape_cast %swap3A_237 : vector<1x16xf32> to vector<16xf32>
    %swap3A_239 = vector.shape_cast %broadcast_in_dim3A_0 : vector<16xf32> to vector<1x16xf32>
    tpu.vector_store %arg11[%swap3A_235, %swap3A_236], %swap3A_239 {strides = array<i32>} : memref<16x128xf32, #tpu.memory_space<vmem>>, vector<1x16xf32>,
    %swap3A_240 = arith.constant 5 : i32
    %swap3A_241 = arith.index_cast %swap3A_240 : i32 to index
    %swap3A_242 = arith.constant 0 : index
    %swap3A_243 = tpu.vector_load %arg11[%swap3A_241, %swap3A_242] {strides = array<i32>} : memref<16x128xf32, #tpu.memory_space<vmem>>, vector<1x16xf32>,
    %swap3A_244 = vector.shape_cast %swap3A_243 : vector<1x16xf32> to vector<16xf32>
    %swap3A_245 = vector.shape_cast %broadcast_in_dim3A_0 : vector<16xf32> to vector<1x16xf32>
    tpu.vector_store %arg11[%swap3A_241, %swap3A_242], %swap3A_245 {strides = array<i32>} : memref<16x128xf32, #tpu.memory_space<vmem>>, vector<1x16xf32>,
    %swap3A_246 = arith.constant 5 : i32
    %swap3A_247 = arith.index_cast %swap3A_246 : i32 to index
    %swap3A_248 = arith.constant 16 : index
    %swap3A_249 = tpu.vector_load %arg11[%swap3A_247, %swap3A_248] {strides = array<i32>} : memref<16x128xf32, #tpu.memory_space<vmem>>, vector<1x16xf32>,
    %swap3A_250 = vector.shape_cast %swap3A_249 : vector<1x16xf32> to vector<16xf32>
    %swap3A_251 = vector.shape_cast %broadcast_in_dim3A_0 : vector<16xf32> to vector<1x16xf32>
    tpu.vector_store %arg11[%swap3A_247, %swap3A_248], %swap3A_251 {strides = array<i32>} : memref<16x128xf32, #tpu.memory_space<vmem>>, vector<1x16xf32>,
    %swap3A_252 = arith.constant 5 : i32
    %swap3A_253 = arith.index_cast %swap3A_252 : i32 to index
    %swap3A_254 = arith.constant 32 : index
    %swap3A_255 = tpu.vector_load %arg11[%swap3A_253, %swap3A_254] {strides = array<i32>} : memref<16x128xf32, #tpu.memory_space<vmem>>, vector<1x16xf32>,
    %swap3A_256 = vector.shape_cast %swap3A_255 : vector<1x16xf32> to vector<16xf32>
    %swap3A_257 = vector.shape_cast %broadcast_in_dim3A_0 : vector<16xf32> to vector<1x16xf32>
    tpu.vector_store %arg11[%swap3A_253, %swap3A_254], %swap3A_257 {strides = array<i32>} : memref<16x128xf32, #tpu.memory_space<vmem>>, vector<1x16xf32>,
    %swap3A_258 = arith.constant 5 : i32
    %swap3A_259 = arith.index_cast %swap3A_258 : i32 to index
    %swap3A_260 = arith.constant 48 : index
    %swap3A_261 = tpu.vector_load %arg11[%swap3A_259, %swap3A_260] {strides = array<i32>} : memref<16x128xf32, #tpu.memory_space<vmem>>, vector<1x16xf32>,
    %swap3A_262 = vector.shape_cast %swap3A_261 : vector<1x16xf32> to vector<16xf32>
    %swap3A_263 = vector.shape_cast %broadcast_in_dim3A_0 : vector<16xf32> to vector<1x16xf32>
    tpu.vector_store %arg11[%swap3A_259, %swap3A_260], %swap3A_263 {strides = array<i32>} : memref<16x128xf32, #tpu.memory_space<vmem>>, vector<1x16xf32>,
    %swap3A_264 = arith.constant 5 : i32
    %swap3A_265 = arith.index_cast %swap3A_264 : i32 to index
    %swap3A_266 = arith.constant 64 : index
    %swap3A_267 = tpu.vector_load %arg11[%swap3A_265, %swap3A_266] {strides = array<i32>} : memref<16x128xf32, #tpu.memory_space<vmem>>, vector<1x16xf32>,
    %swap3A_268 = vector.shape_cast %swap3A_267 : vector<1x16xf32> to vector<16xf32>
    %swap3A_269 = vector.shape_cast %broadcast_in_dim3A_0 : vector<16xf32> to vector<1x16xf32>
    tpu.vector_store %arg11[%swap3A_265, %swap3A_266], %swap3A_269 {strides = array<i32>} : memref<16x128xf32, #tpu.memory_space<vmem>>, vector<1x16xf32>,
    %swap3A_270 = arith.constant 5 : i32
    %swap3A_271 = arith.index_cast %swap3A_270 : i32 to index
    %swap3A_272 = arith.constant 80 : index
    %swap3A_273 = tpu.vector_load %arg11[%swap3A_271, %swap3A_272] {strides = array<i32>} : memref<16x128xf32, #tpu.memory_space<vmem>>, vector<1x16xf32>,
    %swap3A_274 = vector.shape_cast %swap3A_273 : vector<1x16xf32> to vector<16xf32>
    %swap3A_275 = vector.shape_cast %broadcast_in_dim3A_0 : vector<16xf32> to vector<1x16xf32>
    tpu.vector_store %arg11[%swap3A_271, %swap3A_272], %swap3A_275 {strides = array<i32>} : memref<16x128xf32, #tpu.memory_space<vmem>>, vector<1x16xf32>,
    %swap3A_276 = arith.constant 5 : i32
    %swap3A_277 = arith.index_cast %swap3A_276 : i32 to index
    %swap3A_278 = arith.constant 96 : index
    %swap3A_279 = tpu.vector_load %arg11[%swap3A_277, %swap3A_278] {strides = array<i32>} : memref<16x128xf32, #tpu.memory_space<vmem>>, vector<1x16xf32>,
    %swap3A_280 = vector.shape_cast %swap3A_279 : vector<1x16xf32> to vector<16xf32>
    %swap3A_281 = vector.shape_cast %broadcast_in_dim3A_0 : vector<16xf32> to vector<1x16xf32>
    tpu.vector_store %arg11[%swap3A_277, %swap3A_278], %swap3A_281 {strides = array<i32>} : memref<16x128xf32, #tpu.memory_space<vmem>>, vector<1x16xf32>,
    %swap3A_282 = arith.constant 5 : i32
    %swap3A_283 = arith.index_cast %swap3A_282 : i32 to index
    %swap3A_284 = arith.constant 112 : index
    %swap3A_285 = tpu.vector_load %arg11[%swap3A_283, %swap3A_284] {strides = array<i32>} : memref<16x128xf32, #tpu.memory_space<vmem>>, vector<1x16xf32>,
    %swap3A_286 = vector.shape_cast %swap3A_285 : vector<1x16xf32> to vector<16xf32>
    %swap3A_287 = vector.shape_cast %broadcast_in_dim3A_0 : vector<16xf32> to vector<1x16xf32>
    tpu.vector_store %arg11[%swap3A_283, %swap3A_284], %swap3A_287 {strides = array<i32>} : memref<16x128xf32, #tpu.memory_space<vmem>>, vector<1x16xf32>,
    %swap3A_288 = arith.constant 6 : i32
    %swap3A_289 = arith.index_cast %swap3A_288 : i32 to index
    %swap3A_290 = arith.constant 0 : index
    %swap3A_291 = tpu.vector_load %arg11[%swap3A_289, %swap3A_290] {strides = array<i32>} : memref<16x128xf32, #tpu.memory_space<vmem>>, vector<1x16xf32>,
    %swap3A_292 = vector.shape_cast %swap3A_291 : vector<1x16xf32> to vector<16xf32>
    %swap3A_293 = vector.shape_cast %broadcast_in_dim3A_0 : vector<16xf32> to vector<1x16xf32>
    tpu.vector_store %arg11[%swap3A_289, %swap3A_290], %swap3A_293 {strides = array<i32>} : memref<16x128xf32, #tpu.memory_space<vmem>>, vector<1x16xf32>,
    %swap3A_294 = arith.constant 6 : i32
    %swap3A_295 = arith.index_cast %swap3A_294 : i32 to index
    %swap3A_296 = arith.constant 16 : index
    %swap3A_297 = tpu.vector_load %arg11[%swap3A_295, %swap3A_296] {strides = array<i32>} : memref<16x128xf32, #tpu.memory_space<vmem>>, vector<1x16xf32>,
    %swap3A_298 = vector.shape_cast %swap3A_297 : vector<1x16xf32> to vector<16xf32>
    %swap3A_299 = vector.shape_cast %broadcast_in_dim3A_0 : vector<16xf32> to vector<1x16xf32>
    tpu.vector_store %arg11[%swap3A_295, %swap3A_296], %swap3A_299 {strides = array<i32>} : memref<16x128xf32, #tpu.memory_space<vmem>>, vector<1x16xf32>,
    %swap3A_300 = arith.constant 6 : i32
    %swap3A_301 = arith.index_cast %swap3A_300 : i32 to index
    %swap3A_302 = arith.constant 32 : index
    %swap3A_303 = tpu.vector_load %arg11[%swap3A_301, %swap3A_302] {strides = array<i32>} : memref<16x128xf32, #tpu.memory_space<vmem>>, vector<1x16xf32>,
    %swap3A_304 = vector.shape_cast %swap3A_303 : vector<1x16xf32> to vector<16xf32>
    %swap3A_305 = vector.shape_cast %broadcast_in_dim3A_0 : vector<16xf32> to vector<1x16xf32>
    tpu.vector_store %arg11[%swap3A_301, %swap3A_302], %swap3A_305 {strides = array<i32>} : memref<16x128xf32, #tpu.memory_space<vmem>>, vector<1x16xf32>,
    %swap3A_306 = arith.constant 6 : i32
    %swap3A_307 = arith.index_cast %swap3A_306 : i32 to index
    %swap3A_308 = arith.constant 48 : index
    %swap3A_309 = tpu.vector_load %arg11[%swap3A_307, %swap3A_308] {strides = array<i32>} : memref<16x128xf32, #tpu.memory_space<vmem>>, vector<1x16xf32>,
    %swap3A_310 = vector.shape_cast %swap3A_309 : vector<1x16xf32> to vector<16xf32>
    %swap3A_311 = vector.shape_cast %broadcast_in_dim3A_0 : vector<16xf32> to vector<1x16xf32>
    tpu.vector_store %arg11[%swap3A_307, %swap3A_308], %swap3A_311 {strides = array<i32>} : memref<16x128xf32, #tpu.memory_space<vmem>>, vector<1x16xf32>,
    %swap3A_312 = arith.constant 6 : i32
    %swap3A_313 = arith.index_cast %swap3A_312 : i32 to index
    %swap3A_314 = arith.constant 64 : index
    %swap3A_315 = tpu.vector_load %arg11[%swap3A_313, %swap3A_314] {strides = array<i32>} : memref<16x128xf32, #tpu.memory_space<vmem>>, vector<1x16xf32>,
    %swap3A_316 = vector.shape_cast %swap3A_315 : vector<1x16xf32> to vector<16xf32>
    %swap3A_317 = vector.shape_cast %broadcast_in_dim3A_0 : vector<16xf32> to vector<1x16xf32>
    tpu.vector_store %arg11[%swap3A_313, %swap3A_314], %swap3A_317 {strides = array<i32>} : memref<16x128xf32, #tpu.memory_space<vmem>>, vector<1x16xf32>,
    %swap3A_318 = arith.constant 6 : i32
    %swap3A_319 = arith.index_cast %swap3A_318 : i32 to index
    %swap3A_320 = arith.constant 80 : index
    %swap3A_321 = tpu.vector_load %arg11[%swap3A_319, %swap3A_320] {strides = array<i32>} : memref<16x128xf32, #tpu.memory_space<vmem>>, vector<1x16xf32>,
    %swap3A_322 = vector.shape_cast %swap3A_321 : vector<1x16xf32> to vector<16xf32>
    %swap3A_323 = vector.shape_cast %broadcast_in_dim3A_0 : vector<16xf32> to vector<1x16xf32>
    tpu.vector_store %arg11[%swap3A_319, %swap3A_320], %swap3A_323 {strides = array<i32>} : memref<16x128xf32, #tpu.memory_space<vmem>>, vector<1x16xf32>,
    %swap3A_324 = arith.constant 6 : i32
    %swap3A_325 = arith.index_cast %swap3A_324 : i32 to index
    %swap3A_326 = arith.constant 96 : index
    %swap3A_327 = tpu.vector_load %arg11[%swap3A_325, %swap3A_326] {strides = array<i32>} : memref<16x128xf32, #tpu.memory_space<vmem>>, vector<1x16xf32>,
    %swap3A_328 = vector.shape_cast %swap3A_327 : vector<1x16xf32> to vector<16xf32>
    %swap3A_329 = vector.shape_cast %broadcast_in_dim3A_0 : vector<16xf32> to vector<1x16xf32>
    tpu.vector_store %arg11[%swap3A_325, %swap3A_326], %swap3A_329 {strides = array<i32>} : memref<16x128xf32, #tpu.memory_space<vmem>>, vector<1x16xf32>,
    %swap3A_330 = arith.constant 6 : i32
    %swap3A_331 = arith.index_cast %swap3A_330 : i32 to index
    %swap3A_332 = arith.constant 112 : index
    %swap3A_333 = tpu.vector_load %arg11[%swap3A_331, %swap3A_332] {strides = array<i32>} : memref<16x128xf32, #tpu.memory_space<vmem>>, vector<1x16xf32>,
    %swap3A_334 = vector.shape_cast %swap3A_333 : vector<1x16xf32> to vector<16xf32>
    %swap3A_335 = vector.shape_cast %broadcast_in_dim3A_0 : vector<16xf32> to vector<1x16xf32>
    tpu.vector_store %arg11[%swap3A_331, %swap3A_332], %swap3A_335 {strides = array<i32>} : memref<16x128xf32, #tpu.memory_space<vmem>>, vector<1x16xf32>,
    %swap3A_336 = arith.constant 7 : i32
    %swap3A_337 = arith.index_cast %swap3A_336 : i32 to index
    %swap3A_338 = arith.constant 0 : index
    %swap3A_339 = tpu.vector_load %arg11[%swap3A_337, %swap3A_338] {strides = array<i32>} : memref<16x128xf32, #tpu.memory_space<vmem>>, vector<1x16xf32>,
    %swap3A_340 = vector.shape_cast %swap3A_339 : vector<1x16xf32> to vector<16xf32>
    %swap3A_341 = vector.shape_cast %broadcast_in_dim3A_0 : vector<16xf32> to vector<1x16xf32>
    tpu.vector_store %arg11[%swap3A_337, %swap3A_338], %swap3A_341 {strides = array<i32>} : memref<16x128xf32, #tpu.memory_space<vmem>>, vector<1x16xf32>,
    %swap3A_342 = arith.constant 7 : i32
    %swap3A_343 = arith.index_cast %swap3A_342 : i32 to index
    %swap3A_344 = arith.constant 16 : index
    %swap3A_345 = tpu.vector_load %arg11[%swap3A_343, %swap3A_344] {strides = array<i32>} : memref<16x128xf32, #tpu.memory_space<vmem>>, vector<1x16xf32>,
    %swap3A_346 = vector.shape_cast %swap3A_345 : vector<1x16xf32> to vector<16xf32>
    %swap3A_347 = vector.shape_cast %broadcast_in_dim3A_0 : vector<16xf32> to vector<1x16xf32>
    tpu.vector_store %arg11[%swap3A_343, %swap3A_344], %swap3A_347 {strides = array<i32>} : memref<16x128xf32, #tpu.memory_space<vmem>>, vector<1x16xf32>,
    %swap3A_348 = arith.constant 7 : i32
    %swap3A_349 = arith.index_cast %swap3A_348 : i32 to index
    %swap3A_350 = arith.constant 32 : index
    %swap3A_351 = tpu.vector_load %arg11[%swap3A_349, %swap3A_350] {strides = array<i32>} : memref<16x128xf32, #tpu.memory_space<vmem>>, vector<1x16xf32>,
    %swap3A_352 = vector.shape_cast %swap3A_351 : vector<1x16xf32> to vector<16xf32>
    %swap3A_353 = vector.shape_cast %broadcast_in_dim3A_0 : vector<16xf32> to vector<1x16xf32>
    tpu.vector_store %arg11[%swap3A_349, %swap3A_350], %swap3A_353 {strides = array<i32>} : memref<16x128xf32, #tpu.memory_space<vmem>>, vector<1x16xf32>,
    %swap3A_354 = arith.constant 7 : i32
    %swap3A_355 = arith.index_cast %swap3A_354 : i32 to index
    %swap3A_356 = arith.constant 48 : index
    %swap3A_357 = tpu.vector_load %arg11[%swap3A_355, %swap3A_356] {strides = array<i32>} : memref<16x128xf32, #tpu.memory_space<vmem>>, vector<1x16xf32>,
    %swap3A_358 = vector.shape_cast %swap3A_357 : vector<1x16xf32> to vector<16xf32>
    %swap3A_359 = vector.shape_cast %broadcast_in_dim3A_0 : vector<16xf32> to vector<1x16xf32>
    tpu.vector_store %arg11[%swap3A_355, %swap3A_356], %swap3A_359 {strides = array<i32>} : memref<16x128xf32, #tpu.memory_space<vmem>>, vector<1x16xf32>,
    %swap3A_360 = arith.constant 7 : i32
    %swap3A_361 = arith.index_cast %swap3A_360 : i32 to index
    %swap3A_362 = arith.constant 64 : index
    %swap3A_363 = tpu.vector_load %arg11[%swap3A_361, %swap3A_362] {strides = array<i32>} : memref<16x128xf32, #tpu.memory_space<vmem>>, vector<1x16xf32>,
    %swap3A_364 = vector.shape_cast %swap3A_363 : vector<1x16xf32> to vector<16xf32>
    %swap3A_365 = vector.shape_cast %broadcast_in_dim3A_0 : vector<16xf32> to vector<1x16xf32>
    tpu.vector_store %arg11[%swap3A_361, %swap3A_362], %swap3A_365 {strides = array<i32>} : memref<16x128xf32, #tpu.memory_space<vmem>>, vector<1x16xf32>,
    %swap3A_366 = arith.constant 7 : i32
    %swap3A_367 = arith.index_cast %swap3A_366 : i32 to index
    %swap3A_368 = arith.constant 80 : index
    %swap3A_369 = tpu.vector_load %arg11[%swap3A_367, %swap3A_368] {strides = array<i32>} : memref<16x128xf32, #tpu.memory_space<vmem>>, vector<1x16xf32>,
    %swap3A_370 = vector.shape_cast %swap3A_369 : vector<1x16xf32> to vector<16xf32>
    %swap3A_371 = vector.shape_cast %broadcast_in_dim3A_0 : vector<16xf32> to vector<1x16xf32>
    tpu.vector_store %arg11[%swap3A_367, %swap3A_368], %swap3A_371 {strides = array<i32>} : memref<16x128xf32, #tpu.memory_space<vmem>>, vector<1x16xf32>,
    %swap3A_372 = arith.constant 7 : i32
    %swap3A_373 = arith.index_cast %swap3A_372 : i32 to index
    %swap3A_374 = arith.constant 96 : index
    %swap3A_375 = tpu.vector_load %arg11[%swap3A_373, %swap3A_374] {strides = array<i32>} : memref<16x128xf32, #tpu.memory_space<vmem>>, vector<1x16xf32>,
    %swap3A_376 = vector.shape_cast %swap3A_375 : vector<1x16xf32> to vector<16xf32>
    %swap3A_377 = vector.shape_cast %broadcast_in_dim3A_0 : vector<16xf32> to vector<1x16xf32>
    tpu.vector_store %arg11[%swap3A_373, %swap3A_374], %swap3A_377 {strides = array<i32>} : memref<16x128xf32, #tpu.memory_space<vmem>>, vector<1x16xf32>,
    %swap3A_378 = arith.constant 7 : i32
    %swap3A_379 = arith.index_cast %swap3A_378 : i32 to index
    %swap3A_380 = arith.constant 112 : index
    %swap3A_381 = tpu.vector_load %arg11[%swap3A_379, %swap3A_380] {strides = array<i32>} : memref<16x128xf32, #tpu.memory_space<vmem>>, vector<1x16xf32>,
    %swap3A_382 = vector.shape_cast %swap3A_381 : vector<1x16xf32> to vector<16xf32>
    %swap3A_383 = vector.shape_cast %broadcast_in_dim3A_0 : vector<16xf32> to vector<1x16xf32>
    tpu.vector_store %arg11[%swap3A_379, %swap3A_380], %swap3A_383 {strides = array<i32>} : memref<16x128xf32, #tpu.memory_space<vmem>>, vector<1x16xf32>,
    %swap3A_384 = arith.constant 8 : i32
    %swap3A_385 = arith.index_cast %swap3A_384 : i32 to index
    %swap3A_386 = arith.constant 0 : index
    %swap3A_387 = tpu.vector_load %arg11[%swap3A_385, %swap3A_386] {strides = array<i32>} : memref<16x128xf32, #tpu.memory_space<vmem>>, vector<1x16xf32>,
    %swap3A_388 = vector.shape_cast %swap3A_387 : vector<1x16xf32> to vector<16xf32>
    %swap3A_389 = vector.shape_cast %broadcast_in_dim3A_0 : vector<16xf32> to vector<1x16xf32>
    tpu.vector_store %arg11[%swap3A_385, %swap3A_386], %swap3A_389 {strides = array<i32>} : memref<16x128xf32, #tpu.memory_space<vmem>>, vector<1x16xf32>,
    %swap3A_390 = arith.constant 8 : i32
    %swap3A_391 = arith.index_cast %swap3A_390 : i32 to index
    %swap3A_392 = arith.constant 16 : index
    %swap3A_393 = tpu.vector_load %arg11[%swap3A_391, %swap3A_392] {strides = array<i32>} : memref<16x128xf32, #tpu.memory_space<vmem>>, vector<1x16xf32>,
    %swap3A_394 = vector.shape_cast %swap3A_393 : vector<1x16xf32> to vector<16xf32>
    %swap3A_395 = vector.shape_cast %broadcast_in_dim3A_0 : vector<16xf32> to vector<1x16xf32>
    tpu.vector_store %arg11[%swap3A_391, %swap3A_392], %swap3A_395 {strides = array<i32>} : memref<16x128xf32, #tpu.memory_space<vmem>>, vector<1x16xf32>,
    %swap3A_396 = arith.constant 8 : i32
    %swap3A_397 = arith.index_cast %swap3A_396 : i32 to index
    %swap3A_398 = arith.constant 32 : index
    %swap3A_399 = tpu.vector_load %arg11[%swap3A_397, %swap3A_398] {strides = array<i32>} : memref<16x128xf32, #tpu.memory_space<vmem>>, vector<1x16xf32>,
    %swap3A_400 = vector.shape_cast %swap3A_399 : vector<1x16xf32> to vector<16xf32>
    %swap3A_401 = vector.shape_cast %broadcast_in_dim3A_0 : vector<16xf32> to vector<1x16xf32>
    tpu.vector_store %arg11[%swap3A_397, %swap3A_398], %swap3A_401 {strides = array<i32>} : memref<16x128xf32, #tpu.memory_space<vmem>>, vector<1x16xf32>,
    %swap3A_402 = arith.constant 8 : i32
    %swap3A_403 = arith.index_cast %swap3A_402 : i32 to index
    %swap3A_404 = arith.constant 48 : index
    %swap3A_405 = tpu.vector_load %arg11[%swap3A_403, %swap3A_404] {strides = array<i32>} : memref<16x128xf32, #tpu.memory_space<vmem>>, vector<1x16xf32>,
    %swap3A_406 = vector.shape_cast %swap3A_405 : vector<1x16xf32> to vector<16xf32>
    %swap3A_407 = vector.shape_cast %broadcast_in_dim3A_0 : vector<16xf32> to vector<1x16xf32>
    tpu.vector_store %arg11[%swap3A_403, %swap3A_404], %swap3A_407 {strides = array<i32>} : memref<16x128xf32, #tpu.memory_space<vmem>>, vector<1x16xf32>,
    %swap3A_408 = arith.constant 8 : i32
    %swap3A_409 = arith.index_cast %swap3A_408 : i32 to index
    %swap3A_410 = arith.constant 64 : index
    %swap3A_411 = tpu.vector_load %arg11[%swap3A_409, %swap3A_410] {strides = array<i32>} : memref<16x128xf32, #tpu.memory_space<vmem>>, vector<1x16xf32>,
    %swap3A_412 = vector.shape_cast %swap3A_411 : vector<1x16xf32> to vector<16xf32>
    %swap3A_413 = vector.shape_cast %broadcast_in_dim3A_0 : vector<16xf32> to vector<1x16xf32>
    tpu.vector_store %arg11[%swap3A_409, %swap3A_410], %swap3A_413 {strides = array<i32>} : memref<16x128xf32, #tpu.memory_space<vmem>>, vector<1x16xf32>,
    %swap3A_414 = arith.constant 8 : i32
    %swap3A_415 = arith.index_cast %swap3A_414 : i32 to index
    %swap3A_416 = arith.constant 80 : index
    %swap3A_417 = tpu.vector_load %arg11[%swap3A_415, %swap3A_416] {strides = array<i32>} : memref<16x128xf32, #tpu.memory_space<vmem>>, vector<1x16xf32>,
    %swap3A_418 = vector.shape_cast %swap3A_417 : vector<1x16xf32> to vector<16xf32>
    %swap3A_419 = vector.shape_cast %broadcast_in_dim3A_0 : vector<16xf32> to vector<1x16xf32>
    tpu.vector_store %arg11[%swap3A_415, %swap3A_416], %swap3A_419 {strides = array<i32>} : memref<16x128xf32, #tpu.memory_space<vmem>>, vector<1x16xf32>,
    %swap3A_420 = arith.constant 8 : i32
    %swap3A_421 = arith.index_cast %swap3A_420 : i32 to index
    %swap3A_422 = arith.constant 96 : index
    %swap3A_423 = tpu.vector_load %arg11[%swap3A_421, %swap3A_422] {strides = array<i32>} : memref<16x128xf32, #tpu.memory_space<vmem>>, vector<1x16xf32>,
    %swap3A_424 = vector.shape_cast %swap3A_423 : vector<1x16xf32> to vector<16xf32>
    %swap3A_425 = vector.shape_cast %broadcast_in_dim3A_0 : vector<16xf32> to vector<1x16xf32>
    tpu.vector_store %arg11[%swap3A_421, %swap3A_422], %swap3A_425 {strides = array<i32>} : memref<16x128xf32, #tpu.memory_space<vmem>>, vector<1x16xf32>,
    %swap3A_426 = arith.constant 8 : i32
    %swap3A_427 = arith.index_cast %swap3A_426 : i32 to index
    %swap3A_428 = arith.constant 112 : index
    %swap3A_429 = tpu.vector_load %arg11[%swap3A_427, %swap3A_428] {strides = array<i32>} : memref<16x128xf32, #tpu.memory_space<vmem>>, vector<1x16xf32>,
    %swap3A_430 = vector.shape_cast %swap3A_429 : vector<1x16xf32> to vector<16xf32>
    %swap3A_431 = vector.shape_cast %broadcast_in_dim3A_0 : vector<16xf32> to vector<1x16xf32>
    tpu.vector_store %arg11[%swap3A_427, %swap3A_428], %swap3A_431 {strides = array<i32>} : memref<16x128xf32, #tpu.memory_space<vmem>>, vector<1x16xf32>,
    %swap3A_432 = arith.constant 9 : i32
    %swap3A_433 = arith.index_cast %swap3A_432 : i32 to index
    %swap3A_434 = arith.constant 0 : index
    %swap3A_435 = tpu.vector_load %arg11[%swap3A_433, %swap3A_434] {strides = array<i32>} : memref<16x128xf32, #tpu.memory_space<vmem>>, vector<1x16xf32>,
    %swap3A_436 = vector.shape_cast %swap3A_435 : vector<1x16xf32> to vector<16xf32>
    %swap3A_437 = vector.shape_cast %broadcast_in_dim3A_0 : vector<16xf32> to vector<1x16xf32>
    tpu.vector_store %arg11[%swap3A_433, %swap3A_434], %swap3A_437 {strides = array<i32>} : memref<16x128xf32, #tpu.memory_space<vmem>>, vector<1x16xf32>,
    %swap3A_438 = arith.constant 9 : i32
    %swap3A_439 = arith.index_cast %swap3A_438 : i32 to index
    %swap3A_440 = arith.constant 16 : index
    %swap3A_441 = tpu.vector_load %arg11[%swap3A_439, %swap3A_440] {strides = array<i32>} : memref<16x128xf32, #tpu.memory_space<vmem>>, vector<1x16xf32>,
    %swap3A_442 = vector.shape_cast %swap3A_441 : vector<1x16xf32> to vector<16xf32>
    %swap3A_443 = vector.shape_cast %broadcast_in_dim3A_0 : vector<16xf32> to vector<1x16xf32>
    tpu.vector_store %arg11[%swap3A_439, %swap3A_440], %swap3A_443 {strides = array<i32>} : memref<16x128xf32, #tpu.memory_space<vmem>>, vector<1x16xf32>,
    %swap3A_444 = arith.constant 9 : i32
    %swap3A_445 = arith.index_cast %swap3A_444 : i32 to index
    %swap3A_446 = arith.constant 32 : index
    %swap3A_447 = tpu.vector_load %arg11[%swap3A_445, %swap3A_446] {strides = array<i32>} : memref<16x128xf32, #tpu.memory_space<vmem>>, vector<1x16xf32>,
    %swap3A_448 = vector.shape_cast %swap3A_447 : vector<1x16xf32> to vector<16xf32>
    %swap3A_449 = vector.shape_cast %broadcast_in_dim3A_0 : vector<16xf32> to vector<1x16xf32>
    tpu.vector_store %arg11[%swap3A_445, %swap3A_446], %swap3A_449 {strides = array<i32>} : memref<16x128xf32, #tpu.memory_space<vmem>>, vector<1x16xf32>,
    %swap3A_450 = arith.constant 9 : i32
    %swap3A_451 = arith.index_cast %swap3A_450 : i32 to index
    %swap3A_452 = arith.constant 48 : index
    %swap3A_453 = tpu.vector_load %arg11[%swap3A_451, %swap3A_452] {strides = array<i32>} : memref<16x128xf32, #tpu.memory_space<vmem>>, vector<1x16xf32>,
    %swap3A_454 = vector.shape_cast %swap3A_453 : vector<1x16xf32> to vector<16xf32>
    %swap3A_455 = vector.shape_cast %broadcast_in_dim3A_0 : vector<16xf32> to vector<1x16xf32>
    tpu.vector_store %arg11[%swap3A_451, %swap3A_452], %swap3A_455 {strides = array<i32>} : memref<16x128xf32, #tpu.memory_space<vmem>>, vector<1x16xf32>,
    %swap3A_456 = arith.constant 9 : i32
    %swap3A_457 = arith.index_cast %swap3A_456 : i32 to index
    %swap3A_458 = arith.constant 64 : index
    %swap3A_459 = tpu.vector_load %arg11[%swap3A_457, %swap3A_458] {strides = array<i32>} : memref<16x128xf32, #tpu.memory_space<vmem>>, vector<1x16xf32>,
    %swap3A_460 = vector.shape_cast %swap3A_459 : vector<1x16xf32> to vector<16xf32>
    %swap3A_461 = vector.shape_cast %broadcast_in_dim3A_0 : vector<16xf32> to vector<1x16xf32>
    tpu.vector_store %arg11[%swap3A_457, %swap3A_458], %swap3A_461 {strides = array<i32>} : memref<16x128xf32, #tpu.memory_space<vmem>>, vector<1x16xf32>,
    %swap3A_462 = arith.constant 9 : i32
    %swap3A_463 = arith.index_cast %swap3A_462 : i32 to index
    %swap3A_464 = arith.constant 80 : index
    %swap3A_465 = tpu.vector_load %arg11[%swap3A_463, %swap3A_464] {strides = array<i32>} : memref<16x128xf32, #tpu.memory_space<vmem>>, vector<1x16xf32>,
    %swap3A_466 = vector.shape_cast %swap3A_465 : vector<1x16xf32> to vector<16xf32>
    %swap3A_467 = vector.shape_cast %broadcast_in_dim3A_0 : vector<16xf32> to vector<1x16xf32>
    tpu.vector_store %arg11[%swap3A_463, %swap3A_464], %swap3A_467 {strides = array<i32>} : memref<16x128xf32, #tpu.memory_space<vmem>>, vector<1x16xf32>,
    %swap3A_468 = arith.constant 9 : i32
    %swap3A_469 = arith.index_cast %swap3A_468 : i32 to index
    %swap3A_470 = arith.constant 96 : index
    %swap3A_471 = tpu.vector_load %arg11[%swap3A_469, %swap3A_470] {strides = array<i32>} : memref<16x128xf32, #tpu.memory_space<vmem>>, vector<1x16xf32>,
    %swap3A_472 = vector.shape_cast %swap3A_471 : vector<1x16xf32> to vector<16xf32>
    %swap3A_473 = vector.shape_cast %broadcast_in_dim3A_0 : vector<16xf32> to vector<1x16xf32>
    tpu.vector_store %arg11[%swap3A_469, %swap3A_470], %swap3A_473 {strides = array<i32>} : memref<16x128xf32, #tpu.memory_space<vmem>>, vector<1x16xf32>,
    %swap3A_474 = arith.constant 9 : i32
    %swap3A_475 = arith.index_cast %swap3A_474 : i32 to index
    %swap3A_476 = arith.constant 112 : index
    %swap3A_477 = tpu.vector_load %arg11[%swap3A_475, %swap3A_476] {strides = array<i32>} : memref<16x128xf32, #tpu.memory_space<vmem>>, vector<1x16xf32>,
    %swap3A_478 = vector.shape_cast %swap3A_477 : vector<1x16xf32> to vector<16xf32>
    %swap3A_479 = vector.shape_cast %broadcast_in_dim3A_0 : vector<16xf32> to vector<1x16xf32>
    tpu.vector_store %arg11[%swap3A_475, %swap3A_476], %swap3A_479 {strides = array<i32>} : memref<16x128xf32, #tpu.memory_space<vmem>>, vector<1x16xf32>,
    %swap3A_480 = arith.constant 10 : i32
    %swap3A_481 = arith.index_cast %swap3A_480 : i32 to index
    %swap3A_482 = arith.constant 0 : index
    %swap3A_483 = tpu.vector_load %arg11[%swap3A_481, %swap3A_482] {strides = array<i32>} : memref<16x128xf32, #tpu.memory_space<vmem>>, vector<1x16xf32>,
    %swap3A_484 = vector.shape_cast %swap3A_483 : vector<1x16xf32> to vector<16xf32>
    %swap3A_485 = vector.shape_cast %broadcast_in_dim3A_0 : vector<16xf32> to vector<1x16xf32>
    tpu.vector_store %arg11[%swap3A_481, %swap3A_482], %swap3A_485 {strides = array<i32>} : memref<16x128xf32, #tpu.memory_space<vmem>>, vector<1x16xf32>,
    %swap3A_486 = arith.constant 10 : i32
    %swap3A_487 = arith.index_cast %swap3A_486 : i32 to index
    %swap3A_488 = arith.constant 16 : index
    %swap3A_489 = tpu.vector_load %arg11[%swap3A_487, %swap3A_488] {strides = array<i32>} : memref<16x128xf32, #tpu.memory_space<vmem>>, vector<1x16xf32>,
    %swap3A_490 = vector.shape_cast %swap3A_489 : vector<1x16xf32> to vector<16xf32>
    %swap3A_491 = vector.shape_cast %broadcast_in_dim3A_0 : vector<16xf32> to vector<1x16xf32>
    tpu.vector_store %arg11[%swap3A_487, %swap3A_488], %swap3A_491 {strides = array<i32>} : memref<16x128xf32, #tpu.memory_space<vmem>>, vector<1x16xf32>,
    %swap3A_492 = arith.constant 10 : i32
    %swap3A_493 = arith.index_cast %swap3A_492 : i32 to index
    %swap3A_494 = arith.constant 32 : index
    %swap3A_495 = tpu.vector_load %arg11[%swap3A_493, %swap3A_494] {strides = array<i32>} : memref<16x128xf32, #tpu.memory_space<vmem>>, vector<1x16xf32>,
    %swap3A_496 = vector.shape_cast %swap3A_495 : vector<1x16xf32> to vector<16xf32>
    %swap3A_497 = vector.shape_cast %broadcast_in_dim3A_0 : vector<16xf32> to vector<1x16xf32>
    tpu.vector_store %arg11[%swap3A_493, %swap3A_494], %swap3A_497 {strides = array<i32>} : memref<16x128xf32, #tpu.memory_space<vmem>>, vector<1x16xf32>,
    %swap3A_498 = arith.constant 10 : i32
    %swap3A_499 = arith.index_cast %swap3A_498 : i32 to index
    %swap3A_500 = arith.constant 48 : index
    %swap3A_501 = tpu.vector_load %arg11[%swap3A_499, %swap3A_500] {strides = array<i32>} : memref<16x128xf32, #tpu.memory_space<vmem>>, vector<1x16xf32>,
    %swap3A_502 = vector.shape_cast %swap3A_501 : vector<1x16xf32> to vector<16xf32>
    %swap3A_503 = vector.shape_cast %broadcast_in_dim3A_0 : vector<16xf32> to vector<1x16xf32>
    tpu.vector_store %arg11[%swap3A_499, %swap3A_500], %swap3A_503 {strides = array<i32>} : memref<16x128xf32, #tpu.memory_space<vmem>>, vector<1x16xf32>,
    %swap3A_504 = arith.constant 10 : i32
    %swap3A_505 = arith.index_cast %swap3A_504 : i32 to index
    %swap3A_506 = arith.constant 64 : index
    %swap3A_507 = tpu.vector_load %arg11[%swap3A_505, %swap3A_506] {strides = array<i32>} : memref<16x128xf32, #tpu.memory_space<vmem>>, vector<1x16xf32>,
    %swap3A_508 = vector.shape_cast %swap3A_507 : vector<1x16xf32> to vector<16xf32>
    %swap3A_509 = vector.shape_cast %broadcast_in_dim3A_0 : vector<16xf32> to vector<1x16xf32>
    tpu.vector_store %arg11[%swap3A_505, %swap3A_506], %swap3A_509 {strides = array<i32>} : memref<16x128xf32, #tpu.memory_space<vmem>>, vector<1x16xf32>,
    %swap3A_510 = arith.constant 10 : i32
    %swap3A_511 = arith.index_cast %swap3A_510 : i32 to index
    %swap3A_512 = arith.constant 80 : index
    %swap3A_513 = tpu.vector_load %arg11[%swap3A_511, %swap3A_512] {strides = array<i32>} : memref<16x128xf32, #tpu.memory_space<vmem>>, vector<1x16xf32>,
    %swap3A_514 = vector.shape_cast %swap3A_513 : vector<1x16xf32> to vector<16xf32>
    %swap3A_515 = vector.shape_cast %broadcast_in_dim3A_0 : vector<16xf32> to vector<1x16xf32>
    tpu.vector_store %arg11[%swap3A_511, %swap3A_512], %swap3A_515 {strides = array<i32>} : memref<16x128xf32, #tpu.memory_space<vmem>>, vector<1x16xf32>,
    %swap3A_516 = arith.constant 10 : i32
    %swap3A_517 = arith.index_cast %swap3A_516 : i32 to index
    %swap3A_518 = arith.constant 96 : index
    %swap3A_519 = tpu.vector_load %arg11[%swap3A_517, %swap3A_518] {strides = array<i32>} : memref<16x128xf32, #tpu.memory_space<vmem>>, vector<1x16xf32>,
    %swap3A_520 = vector.shape_cast %swap3A_519 : vector<1x16xf32> to vector<16xf32>
    %swap3A_521 = vector.shape_cast %broadcast_in_dim3A_0 : vector<16xf32> to vector<1x16xf32>
    tpu.vector_store %arg11[%swap3A_517, %swap3A_518], %swap3A_521 {strides = array<i32>} : memref<16x128xf32, #tpu.memory_space<vmem>>, vector<1x16xf32>,
    %swap3A_522 = arith.constant 10 : i32
    %swap3A_523 = arith.index_cast %swap3A_522 : i32 to index
    %swap3A_524 = arith.constant 112 : index
    %swap3A_525 = tpu.vector_load %arg11[%swap3A_523, %swap3A_524] {strides = array<i32>} : memref<16x128xf32, #tpu.memory_space<vmem>>, vector<1x16xf32>,
    %swap3A_526 = vector.shape_cast %swap3A_525 : vector<1x16xf32> to vector<16xf32>
    %swap3A_527 = vector.shape_cast %broadcast_in_dim3A_0 : vector<16xf32> to vector<1x16xf32>
    tpu.vector_store %arg11[%swap3A_523, %swap3A_524], %swap3A_527 {strides = array<i32>} : memref<16x128xf32, #tpu.memory_space<vmem>>, vector<1x16xf32>,
    %swap3A_528 = arith.constant 11 : i32
    %swap3A_529 = arith.index_cast %swap3A_528 : i32 to index
    %swap3A_530 = arith.constant 0 : index
    %swap3A_531 = tpu.vector_load %arg11[%swap3A_529, %swap3A_530] {strides = array<i32>} : memref<16x128xf32, #tpu.memory_space<vmem>>, vector<1x16xf32>,
    %swap3A_532 = vector.shape_cast %swap3A_531 : vector<1x16xf32> to vector<16xf32>
    %swap3A_533 = vector.shape_cast %broadcast_in_dim3A_0 : vector<16xf32> to vector<1x16xf32>
    tpu.vector_store %arg11[%swap3A_529, %swap3A_530], %swap3A_533 {strides = array<i32>} : memref<16x128xf32, #tpu.memory_space<vmem>>, vector<1x16xf32>,
    %swap3A_534 = arith.constant 11 : i32
    %swap3A_535 = arith.index_cast %swap3A_534 : i32 to index
    %swap3A_536 = arith.constant 16 : index
    %swap3A_537 = tpu.vector_load %arg11[%swap3A_535, %swap3A_536] {strides = array<i32>} : memref<16x128xf32, #tpu.memory_space<vmem>>, vector<1x16xf32>,
    %swap3A_538 = vector.shape_cast %swap3A_537 : vector<1x16xf32> to vector<16xf32>
    %swap3A_539 = vector.shape_cast %broadcast_in_dim3A_0 : vector<16xf32> to vector<1x16xf32>
    tpu.vector_store %arg11[%swap3A_535, %swap3A_536], %swap3A_539 {strides = array<i32>} : memref<16x128xf32, #tpu.memory_space<vmem>>, vector<1x16xf32>,
    %swap3A_540 = arith.constant 11 : i32
    %swap3A_541 = arith.index_cast %swap3A_540 : i32 to index
    %swap3A_542 = arith.constant 32 : index
    %swap3A_543 = tpu.vector_load %arg11[%swap3A_541, %swap3A_542] {strides = array<i32>} : memref<16x128xf32, #tpu.memory_space<vmem>>, vector<1x16xf32>,
    %swap3A_544 = vector.shape_cast %swap3A_543 : vector<1x16xf32> to vector<16xf32>
    %swap3A_545 = vector.shape_cast %broadcast_in_dim3A_0 : vector<16xf32> to vector<1x16xf32>
    tpu.vector_store %arg11[%swap3A_541, %swap3A_542], %swap3A_545 {strides = array<i32>} : memref<16x128xf32, #tpu.memory_space<vmem>>, vector<1x16xf32>,
    %swap3A_546 = arith.constant 11 : i32
    %swap3A_547 = arith.index_cast %swap3A_546 : i32 to index
    %swap3A_548 = arith.constant 48 : index
    %swap3A_549 = tpu.vector_load %arg11[%swap3A_547, %swap3A_548] {strides = array<i32>} : memref<16x128xf32, #tpu.memory_space<vmem>>, vector<1x16xf32>,
    %swap3A_550 = vector.shape_cast %swap3A_549 : vector<1x16xf32> to vector<16xf32>
    %swap3A_551 = vector.shape_cast %broadcast_in_dim3A_0 : vector<16xf32> to vector<1x16xf32>
    tpu.vector_store %arg11[%swap3A_547, %swap3A_548], %swap3A_551 {strides = array<i32>} : memref<16x128xf32, #tpu.memory_space<vmem>>, vector<1x16xf32>,
    %swap3A_552 = arith.constant 11 : i32
    %swap3A_553 = arith.index_cast %swap3A_552 : i32 to index
    %swap3A_554 = arith.constant 64 : index
    %swap3A_555 = tpu.vector_load %arg11[%swap3A_553, %swap3A_554] {strides = array<i32>} : memref<16x128xf32, #tpu.memory_space<vmem>>, vector<1x16xf32>,
    %swap3A_556 = vector.shape_cast %swap3A_555 : vector<1x16xf32> to vector<16xf32>
    %swap3A_557 = vector.shape_cast %broadcast_in_dim3A_0 : vector<16xf32> to vector<1x16xf32>
    tpu.vector_store %arg11[%swap3A_553, %swap3A_554], %swap3A_557 {strides = array<i32>} : memref<16x128xf32, #tpu.memory_space<vmem>>, vector<1x16xf32>,
    %swap3A_558 = arith.constant 11 : i32
    %swap3A_559 = arith.index_cast %swap3A_558 : i32 to index
    %swap3A_560 = arith.constant 80 : index
    %swap3A_561 = tpu.vector_load %arg11[%swap3A_559, %swap3A_560] {strides = array<i32>} : memref<16x128xf32, #tpu.memory_space<vmem>>, vector<1x16xf32>,
    %swap3A_562 = vector.shape_cast %swap3A_561 : vector<1x16xf32> to vector<16xf32>
    %swap3A_563 = vector.shape_cast %broadcast_in_dim3A_0 : vector<16xf32> to vector<1x16xf32>
    tpu.vector_store %arg11[%swap3A_559, %swap3A_560], %swap3A_563 {strides = array<i32>} : memref<16x128xf32, #tpu.memory_space<vmem>>, vector<1x16xf32>,
    %swap3A_564 = arith.constant 11 : i32
    %swap3A_565 = arith.index_cast %swap3A_564 : i32 to index
    %swap3A_566 = arith.constant 96 : index
    %swap3A_567 = tpu.vector_load %arg11[%swap3A_565, %swap3A_566] {strides = array<i32>} : memref<16x128xf32, #tpu.memory_space<vmem>>, vector<1x16xf32>,
    %swap3A_568 = vector.shape_cast %swap3A_567 : vector<1x16xf32> to vector<16xf32>
    %swap3A_569 = vector.shape_cast %broadcast_in_dim3A_0 : vector<16xf32> to vector<1x16xf32>
    tpu.vector_store %arg11[%swap3A_565, %swap3A_566], %swap3A_569 {strides = array<i32>} : memref<16x128xf32, #tpu.memory_space<vmem>>, vector<1x16xf32>,
    %swap3A_570 = arith.constant 11 : i32
    %swap3A_571 = arith.index_cast %swap3A_570 : i32 to index
    %swap3A_572 = arith.constant 112 : index
    %swap3A_573 = tpu.vector_load %arg11[%swap3A_571, %swap3A_572] {strides = array<i32>} : memref<16x128xf32, #tpu.memory_space<vmem>>, vector<1x16xf32>,
    %swap3A_574 = vector.shape_cast %swap3A_573 : vector<1x16xf32> to vector<16xf32>
    %swap3A_575 = vector.shape_cast %broadcast_in_dim3A_0 : vector<16xf32> to vector<1x16xf32>
    tpu.vector_store %arg11[%swap3A_571, %swap3A_572], %swap3A_575 {strides = array<i32>} : memref<16x128xf32, #tpu.memory_space<vmem>>, vector<1x16xf32>,
    %swap3A_576 = arith.constant 12 : i32
    %swap3A_577 = arith.index_cast %swap3A_576 : i32 to index
    %swap3A_578 = arith.constant 0 : index
    %swap3A_579 = tpu.vector_load %arg11[%swap3A_577, %swap3A_578] {strides = array<i32>} : memref<16x128xf32, #tpu.memory_space<vmem>>, vector<1x16xf32>,
    %swap3A_580 = vector.shape_cast %swap3A_579 : vector<1x16xf32> to vector<16xf32>
    %swap3A_581 = vector.shape_cast %broadcast_in_dim3A_0 : vector<16xf32> to vector<1x16xf32>
    tpu.vector_store %arg11[%swap3A_577, %swap3A_578], %swap3A_581 {strides = array<i32>} : memref<16x128xf32, #tpu.memory_space<vmem>>, vector<1x16xf32>,
    %swap3A_582 = arith.constant 12 : i32
    %swap3A_583 = arith.index_cast %swap3A_582 : i32 to index
    %swap3A_584 = arith.constant 16 : index
    %swap3A_585 = tpu.vector_load %arg11[%swap3A_583, %swap3A_584] {strides = array<i32>} : memref<16x128xf32, #tpu.memory_space<vmem>>, vector<1x16xf32>,
    %swap3A_586 = vector.shape_cast %swap3A_585 : vector<1x16xf32> to vector<16xf32>
    %swap3A_587 = vector.shape_cast %broadcast_in_dim3A_0 : vector<16xf32> to vector<1x16xf32>
    tpu.vector_store %arg11[%swap3A_583, %swap3A_584], %swap3A_587 {strides = array<i32>} : memref<16x128xf32, #tpu.memory_space<vmem>>, vector<1x16xf32>,
    %swap3A_588 = arith.constant 12 : i32
    %swap3A_589 = arith.index_cast %swap3A_588 : i32 to index
    %swap3A_590 = arith.constant 32 : index
    %swap3A_591 = tpu.vector_load %arg11[%swap3A_589, %swap3A_590] {strides = array<i32>} : memref<16x128xf32, #tpu.memory_space<vmem>>, vector<1x16xf32>,
    %swap3A_592 = vector.shape_cast %swap3A_591 : vector<1x16xf32> to vector<16xf32>
    %swap3A_593 = vector.shape_cast %broadcast_in_dim3A_0 : vector<16xf32> to vector<1x16xf32>
    tpu.vector_store %arg11[%swap3A_589, %swap3A_590], %swap3A_593 {strides = array<i32>} : memref<16x128xf32, #tpu.memory_space<vmem>>, vector<1x16xf32>,
    %swap3A_594 = arith.constant 12 : i32
    %swap3A_595 = arith.index_cast %swap3A_594 : i32 to index
    %swap3A_596 = arith.constant 48 : index
    %swap3A_597 = tpu.vector_load %arg11[%swap3A_595, %swap3A_596] {strides = array<i32>} : memref<16x128xf32, #tpu.memory_space<vmem>>, vector<1x16xf32>,
    %swap3A_598 = vector.shape_cast %swap3A_597 : vector<1x16xf32> to vector<16xf32>
    %swap3A_599 = vector.shape_cast %broadcast_in_dim3A_0 : vector<16xf32> to vector<1x16xf32>
    tpu.vector_store %arg11[%swap3A_595, %swap3A_596], %swap3A_599 {strides = array<i32>} : memref<16x128xf32, #tpu.memory_space<vmem>>, vector<1x16xf32>,
    %swap3A_600 = arith.constant 12 : i32
    %swap3A_601 = arith.index_cast %swap3A_600 : i32 to index
    %swap3A_602 = arith.constant 64 : index
    %swap3A_603 = tpu.vector_load %arg11[%swap3A_601, %swap3A_602] {strides = array<i32>} : memref<16x128xf32, #tpu.memory_space<vmem>>, vector<1x16xf32>,
    %swap3A_604 = vector.shape_cast %swap3A_603 : vector<1x16xf32> to vector<16xf32>
    %swap3A_605 = vector.shape_cast %broadcast_in_dim3A_0 : vector<16xf32> to vector<1x16xf32>
    tpu.vector_store %arg11[%swap3A_601, %swap3A_602], %swap3A_605 {strides = array<i32>} : memref<16x128xf32, #tpu.memory_space<vmem>>, vector<1x16xf32>,
    %swap3A_606 = arith.constant 12 : i32
    %swap3A_607 = arith.index_cast %swap3A_606 : i32 to index
    %swap3A_608 = arith.constant 80 : index
    %swap3A_609 = tpu.vector_load %arg11[%swap3A_607, %swap3A_608] {strides = array<i32>} : memref<16x128xf32, #tpu.memory_space<vmem>>, vector<1x16xf32>,
    %swap3A_610 = vector.shape_cast %swap3A_609 : vector<1x16xf32> to vector<16xf32>
    %swap3A_611 = vector.shape_cast %broadcast_in_dim3A_0 : vector<16xf32> to vector<1x16xf32>
    tpu.vector_store %arg11[%swap3A_607, %swap3A_608], %swap3A_611 {strides = array<i32>} : memref<16x128xf32, #tpu.memory_space<vmem>>, vector<1x16xf32>,
    %swap3A_612 = arith.constant 12 : i32
    %swap3A_613 = arith.index_cast %swap3A_612 : i32 to index
    %swap3A_614 = arith.constant 96 : index
    %swap3A_615 = tpu.vector_load %arg11[%swap3A_613, %swap3A_614] {strides = array<i32>} : memref<16x128xf32, #tpu.memory_space<vmem>>, vector<1x16xf32>,
    %swap3A_616 = vector.shape_cast %swap3A_615 : vector<1x16xf32> to vector<16xf32>
    %swap3A_617 = vector.shape_cast %broadcast_in_dim3A_0 : vector<16xf32> to vector<1x16xf32>
    tpu.vector_store %arg11[%swap3A_613, %swap3A_614], %swap3A_617 {strides = array<i32>} : memref<16x128xf32, #tpu.memory_space<vmem>>, vector<1x16xf32>,
    %swap3A_618 = arith.constant 12 : i32
    %swap3A_619 = arith.index_cast %swap3A_618 : i32 to index
    %swap3A_620 = arith.constant 112 : index
    %swap3A_621 = tpu.vector_load %arg11[%swap3A_619, %swap3A_620] {strides = array<i32>} : memref<16x128xf32, #tpu.memory_space<vmem>>, vector<1x16xf32>,
    %swap3A_622 = vector.shape_cast %swap3A_621 : vector<1x16xf32> to vector<16xf32>
    %swap3A_623 = vector.shape_cast %broadcast_in_dim3A_0 : vector<16xf32> to vector<1x16xf32>
    tpu.vector_store %arg11[%swap3A_619, %swap3A_620], %swap3A_623 {strides = array<i32>} : memref<16x128xf32, #tpu.memory_space<vmem>>, vector<1x16xf32>,
    %swap3A_624 = arith.constant 13 : i32
    %swap3A_625 = arith.index_cast %swap3A_624 : i32 to index
    %swap3A_626 = arith.constant 0 : index
    %swap3A_627 = tpu.vector_load %arg11[%swap3A_625, %swap3A_626] {strides = array<i32>} : memref<16x128xf32, #tpu.memory_space<vmem>>, vector<1x16xf32>,
    %swap3A_628 = vector.shape_cast %swap3A_627 : vector<1x16xf32> to vector<16xf32>
    %swap3A_629 = vector.shape_cast %broadcast_in_dim3A_0 : vector<16xf32> to vector<1x16xf32>
    tpu.vector_store %arg11[%swap3A_625, %swap3A_626], %swap3A_629 {strides = array<i32>} : memref<16x128xf32, #tpu.memory_space<vmem>>, vector<1x16xf32>,
    %swap3A_630 = arith.constant 13 : i32
    %swap3A_631 = arith.index_cast %swap3A_630 : i32 to index
    %swap3A_632 = arith.constant 16 : index
    %swap3A_633 = tpu.vector_load %arg11[%swap3A_631, %swap3A_632] {strides = array<i32>} : memref<16x128xf32, #tpu.memory_space<vmem>>, vector<1x16xf32>,
    %swap3A_634 = vector.shape_cast %swap3A_633 : vector<1x16xf32> to vector<16xf32>
    %swap3A_635 = vector.shape_cast %broadcast_in_dim3A_0 : vector<16xf32> to vector<1x16xf32>
    tpu.vector_store %arg11[%swap3A_631, %swap3A_632], %swap3A_635 {strides = array<i32>} : memref<16x128xf32, #tpu.memory_space<vmem>>, vector<1x16xf32>,
    %swap3A_636 = arith.constant 13 : i32
    %swap3A_637 = arith.index_cast %swap3A_636 : i32 to index
    %swap3A_638 = arith.constant 32 : index
    %swap3A_639 = tpu.vector_load %arg11[%swap3A_637, %swap3A_638] {strides = array<i32>} : memref<16x128xf32, #tpu.memory_space<vmem>>, vector<1x16xf32>,
    %swap3A_640 = vector.shape_cast %swap3A_639 : vector<1x16xf32> to vector<16xf32>
    %swap3A_641 = vector.shape_cast %broadcast_in_dim3A_0 : vector<16xf32> to vector<1x16xf32>
    tpu.vector_store %arg11[%swap3A_637, %swap3A_638], %swap3A_641 {strides = array<i32>} : memref<16x128xf32, #tpu.memory_space<vmem>>, vector<1x16xf32>,
    %swap3A_642 = arith.constant 13 : i32
    %swap3A_643 = arith.index_cast %swap3A_642 : i32 to index
    %swap3A_644 = arith.constant 48 : index
    %swap3A_645 = tpu.vector_load %arg11[%swap3A_643, %swap3A_644] {strides = array<i32>} : memref<16x128xf32, #tpu.memory_space<vmem>>, vector<1x16xf32>,
    %swap3A_646 = vector.shape_cast %swap3A_645 : vector<1x16xf32> to vector<16xf32>
    %swap3A_647 = vector.shape_cast %broadcast_in_dim3A_0 : vector<16xf32> to vector<1x16xf32>
    tpu.vector_store %arg11[%swap3A_643, %swap3A_644], %swap3A_647 {strides = array<i32>} : memref<16x128xf32, #tpu.memory_space<vmem>>, vector<1x16xf32>,
    %swap3A_648 = arith.constant 13 : i32
    %swap3A_649 = arith.index_cast %swap3A_648 : i32 to index
    %swap3A_650 = arith.constant 64 : index
    %swap3A_651 = tpu.vector_load %arg11[%swap3A_649, %swap3A_650] {strides = array<i32>} : memref<16x128xf32, #tpu.memory_space<vmem>>, vector<1x16xf32>,
    %swap3A_652 = vector.shape_cast %swap3A_651 : vector<1x16xf32> to vector<16xf32>
    %swap3A_653 = vector.shape_cast %broadcast_in_dim3A_0 : vector<16xf32> to vector<1x16xf32>
    tpu.vector_store %arg11[%swap3A_649, %swap3A_650], %swap3A_653 {strides = array<i32>} : memref<16x128xf32, #tpu.memory_space<vmem>>, vector<1x16xf32>,
    %swap3A_654 = arith.constant 13 : i32
    %swap3A_655 = arith.index_cast %swap3A_654 : i32 to index
    %swap3A_656 = arith.constant 80 : index
    %swap3A_657 = tpu.vector_load %arg11[%swap3A_655, %swap3A_656] {strides = array<i32>} : memref<16x128xf32, #tpu.memory_space<vmem>>, vector<1x16xf32>,
    %swap3A_658 = vector.shape_cast %swap3A_657 : vector<1x16xf32> to vector<16xf32>
    %swap3A_659 = vector.shape_cast %broadcast_in_dim3A_0 : vector<16xf32> to vector<1x16xf32>
    tpu.vector_store %arg11[%swap3A_655, %swap3A_656], %swap3A_659 {strides = array<i32>} : memref<16x128xf32, #tpu.memory_space<vmem>>, vector<1x16xf32>,
    %swap3A_660 = arith.constant 13 : i32
    %swap3A_661 = arith.index_cast %swap3A_660 : i32 to index
    %swap3A_662 = arith.constant 96 : index
    %swap3A_663 = tpu.vector_load %arg11[%swap3A_661, %swap3A_662] {strides = array<i32>} : memref<16x128xf32, #tpu.memory_space<vmem>>, vector<1x16xf32>,
    %swap3A_664 = vector.shape_cast %swap3A_663 : vector<1x16xf32> to vector<16xf32>
    %swap3A_665 = vector.shape_cast %broadcast_in_dim3A_0 : vector<16xf32> to vector<1x16xf32>
    tpu.vector_store %arg11[%swap3A_661, %swap3A_662], %swap3A_665 {strides = array<i32>} : memref<16x128xf32, #tpu.memory_space<vmem>>, vector<1x16xf32>,
    %swap3A_666 = arith.constant 13 : i32
    %swap3A_667 = arith.index_cast %swap3A_666 : i32 to index
    %swap3A_668 = arith.constant 112 : index
    %swap3A_669 = tpu.vector_load %arg11[%swap3A_667, %swap3A_668] {strides = array<i32>} : memref<16x128xf32, #tpu.memory_space<vmem>>, vector<1x16xf32>,
    %swap3A_670 = vector.shape_cast %swap3A_669 : vector<1x16xf32> to vector<16xf32>
    %swap3A_671 = vector.shape_cast %broadcast_in_dim3A_0 : vector<16xf32> to vector<1x16xf32>
    tpu.vector_store %arg11[%swap3A_667, %swap3A_668], %swap3A_671 {strides = array<i32>} : memref<16x128xf32, #tpu.memory_space<vmem>>, vector<1x16xf32>,
    %swap3A_672 = arith.constant 14 : i32
    %swap3A_673 = arith.index_cast %swap3A_672 : i32 to index
    %swap3A_674 = arith.constant 0 : index
    %swap3A_675 = tpu.vector_load %arg11[%swap3A_673, %swap3A_674] {strides = array<i32>} : memref<16x128xf32, #tpu.memory_space<vmem>>, vector<1x16xf32>,
    %swap3A_676 = vector.shape_cast %swap3A_675 : vector<1x16xf32> to vector<16xf32>
    %swap3A_677 = vector.shape_cast %broadcast_in_dim3A_0 : vector<16xf32> to vector<1x16xf32>
    tpu.vector_store %arg11[%swap3A_673, %swap3A_674], %swap3A_677 {strides = array<i32>} : memref<16x128xf32, #tpu.memory_space<vmem>>, vector<1x16xf32>,
    %swap3A_678 = arith.constant 14 : i32
    %swap3A_679 = arith.index_cast %swap3A_678 : i32 to index
    %swap3A_680 = arith.constant 16 : index
    %swap3A_681 = tpu.vector_load %arg11[%swap3A_679, %swap3A_680] {strides = array<i32>} : memref<16x128xf32, #tpu.memory_space<vmem>>, vector<1x16xf32>,
    %swap3A_682 = vector.shape_cast %swap3A_681 : vector<1x16xf32> to vector<16xf32>
    %swap3A_683 = vector.shape_cast %broadcast_in_dim3A_0 : vector<16xf32> to vector<1x16xf32>
    tpu.vector_store %arg11[%swap3A_679, %swap3A_680], %swap3A_683 {strides = array<i32>} : memref<16x128xf32, #tpu.memory_space<vmem>>, vector<1x16xf32>,
    %swap3A_684 = arith.constant 14 : i32
    %swap3A_685 = arith.index_cast %swap3A_684 : i32 to index
    %swap3A_686 = arith.constant 32 : index
    %swap3A_687 = tpu.vector_load %arg11[%swap3A_685, %swap3A_686] {strides = array<i32>} : memref<16x128xf32, #tpu.memory_space<vmem>>, vector<1x16xf32>,
    %swap3A_688 = vector.shape_cast %swap3A_687 : vector<1x16xf32> to vector<16xf32>
    %swap3A_689 = vector.shape_cast %broadcast_in_dim3A_0 : vector<16xf32> to vector<1x16xf32>
    tpu.vector_store %arg11[%swap3A_685, %swap3A_686], %swap3A_689 {strides = array<i32>} : memref<16x128xf32, #tpu.memory_space<vmem>>, vector<1x16xf32>,
    %swap3A_690 = arith.constant 14 : i32
    %swap3A_691 = arith.index_cast %swap3A_690 : i32 to index
    %swap3A_692 = arith.constant 48 : index
    %swap3A_693 = tpu.vector_load %arg11[%swap3A_691, %swap3A_692] {strides = array<i32>} : memref<16x128xf32, #tpu.memory_space<vmem>>, vector<1x16xf32>,
    %swap3A_694 = vector.shape_cast %swap3A_693 : vector<1x16xf32> to vector<16xf32>
    %swap3A_695 = vector.shape_cast %broadcast_in_dim3A_0 : vector<16xf32> to vector<1x16xf32>
    tpu.vector_store %arg11[%swap3A_691, %swap3A_692], %swap3A_695 {strides = array<i32>} : memref<16x128xf32, #tpu.memory_space<vmem>>, vector<1x16xf32>,
    %swap3A_696 = arith.constant 14 : i32
    %swap3A_697 = arith.index_cast %swap3A_696 : i32 to index
    %swap3A_698 = arith.constant 64 : index
    %swap3A_699 = tpu.vector_load %arg11[%swap3A_697, %swap3A_698] {strides = array<i32>} : memref<16x128xf32, #tpu.memory_space<vmem>>, vector<1x16xf32>,
    %swap3A_700 = vector.shape_cast %swap3A_699 : vector<1x16xf32> to vector<16xf32>
    %swap3A_701 = vector.shape_cast %broadcast_in_dim3A_0 : vector<16xf32> to vector<1x16xf32>
    tpu.vector_store %arg11[%swap3A_697, %swap3A_698], %swap3A_701 {strides = array<i32>} : memref<16x128xf32, #tpu.memory_space<vmem>>, vector<1x16xf32>,
    %swap3A_702 = arith.constant 14 : i32
    %swap3A_703 = arith.index_cast %swap3A_702 : i32 to index
    %swap3A_704 = arith.constant 80 : index
    %swap3A_705 = tpu.vector_load %arg11[%swap3A_703, %swap3A_704] {strides = array<i32>} : memref<16x128xf32, #tpu.memory_space<vmem>>, vector<1x16xf32>,
    %swap3A_706 = vector.shape_cast %swap3A_705 : vector<1x16xf32> to vector<16xf32>
    %swap3A_707 = vector.shape_cast %broadcast_in_dim3A_0 : vector<16xf32> to vector<1x16xf32>
    tpu.vector_store %arg11[%swap3A_703, %swap3A_704], %swap3A_707 {strides = array<i32>} : memref<16x128xf32, #tpu.memory_space<vmem>>, vector<1x16xf32>,
    %swap3A_708 = arith.constant 14 : i32
    %swap3A_709 = arith.index_cast %swap3A_708 : i32 to index
    %swap3A_710 = arith.constant 96 : index
    %swap3A_711 = tpu.vector_load %arg11[%swap3A_709, %swap3A_710] {strides = array<i32>} : memref<16x128xf32, #tpu.memory_space<vmem>>, vector<1x16xf32>,
    %swap3A_712 = vector.shape_cast %swap3A_711 : vector<1x16xf32> to vector<16xf32>
    %swap3A_713 = vector.shape_cast %broadcast_in_dim3A_0 : vector<16xf32> to vector<1x16xf32>
    tpu.vector_store %arg11[%swap3A_709, %swap3A_710], %swap3A_713 {strides = array<i32>} : memref<16x128xf32, #tpu.memory_space<vmem>>, vector<1x16xf32>,
    %swap3A_714 = arith.constant 14 : i32
    %swap3A_715 = arith.index_cast %swap3A_714 : i32 to index
    %swap3A_716 = arith.constant 112 : index
    %swap3A_717 = tpu.vector_load %arg11[%swap3A_715, %swap3A_716] {strides = array<i32>} : memref<16x128xf32, #tpu.memory_space<vmem>>, vector<1x16xf32>,
    %swap3A_718 = vector.shape_cast %swap3A_717 : vector<1x16xf32> to vector<16xf32>
    %swap3A_719 = vector.shape_cast %broadcast_in_dim3A_0 : vector<16xf32> to vector<1x16xf32>
    tpu.vector_store %arg11[%swap3A_715, %swap3A_716], %swap3A_719 {strides = array<i32>} : memref<16x128xf32, #tpu.memory_space<vmem>>, vector<1x16xf32>,
    %swap3A_720 = arith.constant 15 : i32
    %swap3A_721 = arith.index_cast %swap3A_720 : i32 to index
    %swap3A_722 = arith.constant 0 : index
    %swap3A_723 = tpu.vector_load %arg11[%swap3A_721, %swap3A_722] {strides = array<i32>} : memref<16x128xf32, #tpu.memory_space<vmem>>, vector<1x16xf32>,
    %swap3A_724 = vector.shape_cast %swap3A_723 : vector<1x16xf32> to vector<16xf32>
    %swap3A_725 = vector.shape_cast %broadcast_in_dim3A_0 : vector<16xf32> to vector<1x16xf32>
    tpu.vector_store %arg11[%swap3A_721, %swap3A_722], %swap3A_725 {strides = array<i32>} : memref<16x128xf32, #tpu.memory_space<vmem>>, vector<1x16xf32>,
    %swap3A_726 = arith.constant 15 : i32
    %swap3A_727 = arith.index_cast %swap3A_726 : i32 to index
    %swap3A_728 = arith.constant 16 : index
    %swap3A_729 = tpu.vector_load %arg11[%swap3A_727, %swap3A_728] {strides = array<i32>} : memref<16x128xf32, #tpu.memory_space<vmem>>, vector<1x16xf32>,
    %swap3A_730 = vector.shape_cast %swap3A_729 : vector<1x16xf32> to vector<16xf32>
    %swap3A_731 = vector.shape_cast %broadcast_in_dim3A_0 : vector<16xf32> to vector<1x16xf32>
    tpu.vector_store %arg11[%swap3A_727, %swap3A_728], %swap3A_731 {strides = array<i32>} : memref<16x128xf32, #tpu.memory_space<vmem>>, vector<1x16xf32>,
    %swap3A_732 = arith.constant 15 : i32
    %swap3A_733 = arith.index_cast %swap3A_732 : i32 to index
    %swap3A_734 = arith.constant 32 : index
    %swap3A_735 = tpu.vector_load %arg11[%swap3A_733, %swap3A_734] {strides = array<i32>} : memref<16x128xf32, #tpu.memory_space<vmem>>, vector<1x16xf32>,
    %swap3A_736 = vector.shape_cast %swap3A_735 : vector<1x16xf32> to vector<16xf32>
    %swap3A_737 = vector.shape_cast %broadcast_in_dim3A_0 : vector<16xf32> to vector<1x16xf32>
    tpu.vector_store %arg11[%swap3A_733, %swap3A_734], %swap3A_737 {strides = array<i32>} : memref<16x128xf32, #tpu.memory_space<vmem>>, vector<1x16xf32>,
    %swap3A_738 = arith.constant 15 : i32
    %swap3A_739 = arith.index_cast %swap3A_738 : i32 to index
    %swap3A_740 = arith.constant 48 : index
    %swap3A_741 = tpu.vector_load %arg11[%swap3A_739, %swap3A_740] {strides = array<i32>} : memref<16x128xf32, #tpu.memory_space<vmem>>, vector<1x16xf32>,
    %swap3A_742 = vector.shape_cast %swap3A_741 : vector<1x16xf32> to vector<16xf32>
    %swap3A_743 = vector.shape_cast %broadcast_in_dim3A_0 : vector<16xf32> to vector<1x16xf32>
    tpu.vector_store %arg11[%swap3A_739, %swap3A_740], %swap3A_743 {strides = array<i32>} : memref<16x128xf32, #tpu.memory_space<vmem>>, vector<1x16xf32>,
    %swap3A_744 = arith.constant 15 : i32
    %swap3A_745 = arith.index_cast %swap3A_744 : i32 to index
    %swap3A_746 = arith.constant 64 : index
    %swap3A_747 = tpu.vector_load %arg11[%swap3A_745, %swap3A_746] {strides = array<i32>} : memref<16x128xf32, #tpu.memory_space<vmem>>, vector<1x16xf32>,
    %swap3A_748 = vector.shape_cast %swap3A_747 : vector<1x16xf32> to vector<16xf32>
    %swap3A_749 = vector.shape_cast %broadcast_in_dim3A_0 : vector<16xf32> to vector<1x16xf32>
    tpu.vector_store %arg11[%swap3A_745, %swap3A_746], %swap3A_749 {strides = array<i32>} : memref<16x128xf32, #tpu.memory_space<vmem>>, vector<1x16xf32>,
    %swap3A_750 = arith.constant 15 : i32
    %swap3A_751 = arith.index_cast %swap3A_750 : i32 to index
    %swap3A_752 = arith.constant 80 : index
    %swap3A_753 = tpu.vector_load %arg11[%swap3A_751, %swap3A_752] {strides = array<i32>} : memref<16x128xf32, #tpu.memory_space<vmem>>, vector<1x16xf32>,
    %swap3A_754 = vector.shape_cast %swap3A_753 : vector<1x16xf32> to vector<16xf32>
    %swap3A_755 = vector.shape_cast %broadcast_in_dim3A_0 : vector<16xf32> to vector<1x16xf32>
    tpu.vector_store %arg11[%swap3A_751, %swap3A_752], %swap3A_755 {strides = array<i32>} : memref<16x128xf32, #tpu.memory_space<vmem>>, vector<1x16xf32>,
    %swap3A_756 = arith.constant 15 : i32
    %swap3A_757 = arith.index_cast %swap3A_756 : i32 to index
    %swap3A_758 = arith.constant 96 : index
    %swap3A_759 = tpu.vector_load %arg11[%swap3A_757, %swap3A_758] {strides = array<i32>} : memref<16x128xf32, #tpu.memory_space<vmem>>, vector<1x16xf32>,
    %swap3A_760 = vector.shape_cast %swap3A_759 : vector<1x16xf32> to vector<16xf32>
    %swap3A_761 = vector.shape_cast %broadcast_in_dim3A_0 : vector<16xf32> to vector<1x16xf32>
    tpu.vector_store %arg11[%swap3A_757, %swap3A_758], %swap3A_761 {strides = array<i32>} : memref<16x128xf32, #tpu.memory_space<vmem>>, vector<1x16xf32>,
    %swap3A_762 = arith.constant 15 : i32
    %swap3A_763 = arith.index_cast %swap3A_762 : i32 to index
    %swap3A_764 = arith.constant 112 : index
    %swap3A_765 = tpu.vector_load %arg11[%swap3A_763, %swap3A_764] {strides = array<i32>} : memref<16x128xf32, #tpu.memory_space<vmem>>, vector<1x16xf32>,
    %swap3A_766 = vector.shape_cast %swap3A_765 : vector<1x16xf32> to vector<16xf32>
    %swap3A_767 = vector.shape_cast %broadcast_in_dim3A_0 : vector<16xf32> to vector<1x16xf32>
    tpu.vector_store %arg11[%swap3A_763, %swap3A_764], %swap3A_767 {strides = array<i32>} : memref<16x128xf32, #tpu.memory_space<vmem>>, vector<1x16xf32>,
    %swap3A_768 = arith.constant 0 : index
    %swap3A_769 = tpu.vector_load %arg12[%swap3A_768] {strides = array<i32>} : memref<640xf32, #tpu.memory_space<vmem>>, vector<16xf32>,
    %swap3A_770 = vector.shape_cast %swap3A_769 : vector<16xf32> to vector<16xf32>
    %swap3A_771 = vector.shape_cast %broadcast_in_dim3A_0 : vector<16xf32> to vector<16xf32>
    tpu.vector_store %arg12[%swap3A_768], %swap3A_771 {strides = array<i32>} : memref<640xf32, #tpu.memory_space<vmem>>, vector<16xf32>,
    %swap3A_772 = arith.constant 16 : index
    %swap3A_773 = tpu.vector_load %arg12[%swap3A_772] {strides = array<i32>} : memref<640xf32, #tpu.memory_space<vmem>>, vector<16xf32>,
    %swap3A_774 = vector.shape_cast %swap3A_773 : vector<16xf32> to vector<16xf32>
    %swap3A_775 = vector.shape_cast %broadcast_in_dim3A_0 : vector<16xf32> to vector<16xf32>
    tpu.vector_store %arg12[%swap3A_772], %swap3A_775 {strides = array<i32>} : memref<640xf32, #tpu.memory_space<vmem>>, vector<16xf32>,
    %swap3A_776 = arith.constant 32 : index
    %swap3A_777 = tpu.vector_load %arg12[%swap3A_776] {strides = array<i32>} : memref<640xf32, #tpu.memory_space<vmem>>, vector<16xf32>,
    %swap3A_778 = vector.shape_cast %swap3A_777 : vector<16xf32> to vector<16xf32>
    %swap3A_779 = vector.shape_cast %broadcast_in_dim3A_0 : vector<16xf32> to vector<16xf32>
    tpu.vector_store %arg12[%swap3A_776], %swap3A_779 {strides = array<i32>} : memref<640xf32, #tpu.memory_space<vmem>>, vector<16xf32>,
    %swap3A_780 = arith.constant 48 : index
    %swap3A_781 = tpu.vector_load %arg12[%swap3A_780] {strides = array<i32>} : memref<640xf32, #tpu.memory_space<vmem>>, vector<16xf32>,
    %swap3A_782 = vector.shape_cast %swap3A_781 : vector<16xf32> to vector<16xf32>
    %swap3A_783 = vector.shape_cast %broadcast_in_dim3A_0 : vector<16xf32> to vector<16xf32>
    tpu.vector_store %arg12[%swap3A_780], %swap3A_783 {strides = array<i32>} : memref<640xf32, #tpu.memory_space<vmem>>, vector<16xf32>,
    %swap3A_784 = arith.constant 64 : index
    %swap3A_785 = tpu.vector_load %arg12[%swap3A_784] {strides = array<i32>} : memref<640xf32, #tpu.memory_space<vmem>>, vector<16xf32>,
    %swap3A_786 = vector.shape_cast %swap3A_785 : vector<16xf32> to vector<16xf32>
    %swap3A_787 = vector.shape_cast %broadcast_in_dim3A_0 : vector<16xf32> to vector<16xf32>
    tpu.vector_store %arg12[%swap3A_784], %swap3A_787 {strides = array<i32>} : memref<640xf32, #tpu.memory_space<vmem>>, vector<16xf32>,
    %swap3A_788 = arith.constant 80 : index
    %swap3A_789 = tpu.vector_load %arg12[%swap3A_788] {strides = array<i32>} : memref<640xf32, #tpu.memory_space<vmem>>, vector<16xf32>,
    %swap3A_790 = vector.shape_cast %swap3A_789 : vector<16xf32> to vector<16xf32>
    %swap3A_791 = vector.shape_cast %broadcast_in_dim3A_0 : vector<16xf32> to vector<16xf32>
    tpu.vector_store %arg12[%swap3A_788], %swap3A_791 {strides = array<i32>} : memref<640xf32, #tpu.memory_space<vmem>>, vector<16xf32>,
    %swap3A_792 = arith.constant 96 : index
    %swap3A_793 = tpu.vector_load %arg12[%swap3A_792] {strides = array<i32>} : memref<640xf32, #tpu.memory_space<vmem>>, vector<16xf32>,
    %swap3A_794 = vector.shape_cast %swap3A_793 : vector<16xf32> to vector<16xf32>
    %swap3A_795 = vector.shape_cast %broadcast_in_dim3A_0 : vector<16xf32> to vector<16xf32>
    tpu.vector_store %arg12[%swap3A_792], %swap3A_795 {strides = array<i32>} : memref<640xf32, #tpu.memory_space<vmem>>, vector<16xf32>,
    %swap3A_796 = arith.constant 112 : index
    %swap3A_797 = tpu.vector_load %arg12[%swap3A_796] {strides = array<i32>} : memref<640xf32, #tpu.memory_space<vmem>>, vector<16xf32>,
    %swap3A_798 = vector.shape_cast %swap3A_797 : vector<16xf32> to vector<16xf32>
    %swap3A_799 = vector.shape_cast %broadcast_in_dim3A_0 : vector<16xf32> to vector<16xf32>
    tpu.vector_store %arg12[%swap3A_796], %swap3A_799 {strides = array<i32>} : memref<640xf32, #tpu.memory_space<vmem>>, vector<16xf32>,
    %swap3A_800 = arith.constant 128 : index
    %swap3A_801 = tpu.vector_load %arg12[%swap3A_800] {strides = array<i32>} : memref<640xf32, #tpu.memory_space<vmem>>, vector<16xf32>,
    %swap3A_802 = vector.shape_cast %swap3A_801 : vector<16xf32> to vector<16xf32>
    %swap3A_803 = vector.shape_cast %broadcast_in_dim3A_0 : vector<16xf32> to vector<16xf32>
    tpu.vector_store %arg12[%swap3A_800], %swap3A_803 {strides = array<i32>} : memref<640xf32, #tpu.memory_space<vmem>>, vector<16xf32>,
    %swap3A_804 = arith.constant 144 : index
    %swap3A_805 = tpu.vector_load %arg12[%swap3A_804] {strides = array<i32>} : memref<640xf32, #tpu.memory_space<vmem>>, vector<16xf32>,
    %swap3A_806 = vector.shape_cast %swap3A_805 : vector<16xf32> to vector<16xf32>
    %swap3A_807 = vector.shape_cast %broadcast_in_dim3A_0 : vector<16xf32> to vector<16xf32>
    tpu.vector_store %arg12[%swap3A_804], %swap3A_807 {strides = array<i32>} : memref<640xf32, #tpu.memory_space<vmem>>, vector<16xf32>,
    %swap3A_808 = arith.constant 160 : index
    %swap3A_809 = tpu.vector_load %arg12[%swap3A_808] {strides = array<i32>} : memref<640xf32, #tpu.memory_space<vmem>>, vector<16xf32>,
    %swap3A_810 = vector.shape_cast %swap3A_809 : vector<16xf32> to vector<16xf32>
    %swap3A_811 = vector.shape_cast %broadcast_in_dim3A_0 : vector<16xf32> to vector<16xf32>
    tpu.vector_store %arg12[%swap3A_808], %swap3A_811 {strides = array<i32>} : memref<640xf32, #tpu.memory_space<vmem>>, vector<16xf32>,
    %swap3A_812 = arith.constant 176 : index
    %swap3A_813 = tpu.vector_load %arg12[%swap3A_812] {strides = array<i32>} : memref<640xf32, #tpu.memory_space<vmem>>, vector<16xf32>,
    %swap3A_814 = vector.shape_cast %swap3A_813 : vector<16xf32> to vector<16xf32>
    %swap3A_815 = vector.shape_cast %broadcast_in_dim3A_0 : vector<16xf32> to vector<16xf32>
    tpu.vector_store %arg12[%swap3A_812], %swap3A_815 {strides = array<i32>} : memref<640xf32, #tpu.memory_space<vmem>>, vector<16xf32>,
    %swap3A_816 = arith.constant 192 : index
    %swap3A_817 = tpu.vector_load %arg12[%swap3A_816] {strides = array<i32>} : memref<640xf32, #tpu.memory_space<vmem>>, vector<16xf32>,
    %swap3A_818 = vector.shape_cast %swap3A_817 : vector<16xf32> to vector<16xf32>
    %swap3A_819 = vector.shape_cast %broadcast_in_dim3A_0 : vector<16xf32> to vector<16xf32>
    tpu.vector_store %arg12[%swap3A_816], %swap3A_819 {strides = array<i32>} : memref<640xf32, #tpu.memory_space<vmem>>, vector<16xf32>,
    %swap3A_820 = arith.constant 208 : index
    %swap3A_821 = tpu.vector_load %arg12[%swap3A_820] {strides = array<i32>} : memref<640xf32, #tpu.memory_space<vmem>>, vector<16xf32>,
    %swap3A_822 = vector.shape_cast %swap3A_821 : vector<16xf32> to vector<16xf32>
    %swap3A_823 = vector.shape_cast %broadcast_in_dim3A_0 : vector<16xf32> to vector<16xf32>
    tpu.vector_store %arg12[%swap3A_820], %swap3A_823 {strides = array<i32>} : memref<640xf32, #tpu.memory_space<vmem>>, vector<16xf32>,
    %swap3A_824 = arith.constant 224 : index
    %swap3A_825 = tpu.vector_load %arg12[%swap3A_824] {strides = array<i32>} : memref<640xf32, #tpu.memory_space<vmem>>, vector<16xf32>,
    %swap3A_826 = vector.shape_cast %swap3A_825 : vector<16xf32> to vector<16xf32>
    %swap3A_827 = vector.shape_cast %broadcast_in_dim3A_0 : vector<16xf32> to vector<16xf32>
    tpu.vector_store %arg12[%swap3A_824], %swap3A_827 {strides = array<i32>} : memref<640xf32, #tpu.memory_space<vmem>>, vector<16xf32>,
    %swap3A_828 = arith.constant 240 : index
    %swap3A_829 = tpu.vector_load %arg12[%swap3A_828] {strides = array<i32>} : memref<640xf32, #tpu.memory_space<vmem>>, vector<16xf32>,
    %swap3A_830 = vector.shape_cast %swap3A_829 : vector<16xf32> to vector<16xf32>
    %swap3A_831 = vector.shape_cast %broadcast_in_dim3A_0 : vector<16xf32> to vector<16xf32>
    tpu.vector_store %arg12[%swap3A_828], %swap3A_831 {strides = array<i32>} : memref<640xf32, #tpu.memory_space<vmem>>, vector<16xf32>,
    %swap3A_832 = arith.constant 256 : index
    %swap3A_833 = tpu.vector_load %arg12[%swap3A_832] {strides = array<i32>} : memref<640xf32, #tpu.memory_space<vmem>>, vector<16xf32>,
    %swap3A_834 = vector.shape_cast %swap3A_833 : vector<16xf32> to vector<16xf32>
    %swap3A_835 = vector.shape_cast %broadcast_in_dim3A_0 : vector<16xf32> to vector<16xf32>
    tpu.vector_store %arg12[%swap3A_832], %swap3A_835 {strides = array<i32>} : memref<640xf32, #tpu.memory_space<vmem>>, vector<16xf32>,
    %swap3A_836 = arith.constant 272 : index
    %swap3A_837 = tpu.vector_load %arg12[%swap3A_836] {strides = array<i32>} : memref<640xf32, #tpu.memory_space<vmem>>, vector<16xf32>,
    %swap3A_838 = vector.shape_cast %swap3A_837 : vector<16xf32> to vector<16xf32>
    %swap3A_839 = vector.shape_cast %broadcast_in_dim3A_0 : vector<16xf32> to vector<16xf32>
    tpu.vector_store %arg12[%swap3A_836], %swap3A_839 {strides = array<i32>} : memref<640xf32, #tpu.memory_space<vmem>>, vector<16xf32>,
    %swap3A_840 = arith.constant 288 : index
    %swap3A_841 = tpu.vector_load %arg12[%swap3A_840] {strides = array<i32>} : memref<640xf32, #tpu.memory_space<vmem>>, vector<16xf32>,
    %swap3A_842 = vector.shape_cast %swap3A_841 : vector<16xf32> to vector<16xf32>
    %swap3A_843 = vector.shape_cast %broadcast_in_dim3A_0 : vector<16xf32> to vector<16xf32>
    tpu.vector_store %arg12[%swap3A_840], %swap3A_843 {strides = array<i32>} : memref<640xf32, #tpu.memory_space<vmem>>, vector<16xf32>,
    %swap3A_844 = arith.constant 304 : index
    %swap3A_845 = tpu.vector_load %arg12[%swap3A_844] {strides = array<i32>} : memref<640xf32, #tpu.memory_space<vmem>>, vector<16xf32>,
    %swap3A_846 = vector.shape_cast %swap3A_845 : vector<16xf32> to vector<16xf32>
    %swap3A_847 = vector.shape_cast %broadcast_in_dim3A_0 : vector<16xf32> to vector<16xf32>
    tpu.vector_store %arg12[%swap3A_844], %swap3A_847 {strides = array<i32>} : memref<640xf32, #tpu.memory_space<vmem>>, vector<16xf32>,
    %swap3A_848 = arith.constant 320 : index
    %swap3A_849 = tpu.vector_load %arg12[%swap3A_848] {strides = array<i32>} : memref<640xf32, #tpu.memory_space<vmem>>, vector<16xf32>,
    %swap3A_850 = vector.shape_cast %swap3A_849 : vector<16xf32> to vector<16xf32>
    %swap3A_851 = vector.shape_cast %broadcast_in_dim3A_0 : vector<16xf32> to vector<16xf32>
    tpu.vector_store %arg12[%swap3A_848], %swap3A_851 {strides = array<i32>} : memref<640xf32, #tpu.memory_space<vmem>>, vector<16xf32>,
    %swap3A_852 = arith.constant 336 : index
    %swap3A_853 = tpu.vector_load %arg12[%swap3A_852] {strides = array<i32>} : memref<640xf32, #tpu.memory_space<vmem>>, vector<16xf32>,
    %swap3A_854 = vector.shape_cast %swap3A_853 : vector<16xf32> to vector<16xf32>
    %swap3A_855 = vector.shape_cast %broadcast_in_dim3A_0 : vector<16xf32> to vector<16xf32>
    tpu.vector_store %arg12[%swap3A_852], %swap3A_855 {strides = array<i32>} : memref<640xf32, #tpu.memory_space<vmem>>, vector<16xf32>,
    %swap3A_856 = arith.constant 352 : index
    %swap3A_857 = tpu.vector_load %arg12[%swap3A_856] {strides = array<i32>} : memref<640xf32, #tpu.memory_space<vmem>>, vector<16xf32>,
    %swap3A_858 = vector.shape_cast %swap3A_857 : vector<16xf32> to vector<16xf32>
    %swap3A_859 = vector.shape_cast %broadcast_in_dim3A_0 : vector<16xf32> to vector<16xf32>
    tpu.vector_store %arg12[%swap3A_856], %swap3A_859 {strides = array<i32>} : memref<640xf32, #tpu.memory_space<vmem>>, vector<16xf32>,
    %swap3A_860 = arith.constant 368 : index
    %swap3A_861 = tpu.vector_load %arg12[%swap3A_860] {strides = array<i32>} : memref<640xf32, #tpu.memory_space<vmem>>, vector<16xf32>,
    %swap3A_862 = vector.shape_cast %swap3A_861 : vector<16xf32> to vector<16xf32>
    %swap3A_863 = vector.shape_cast %broadcast_in_dim3A_0 : vector<16xf32> to vector<16xf32>
    tpu.vector_store %arg12[%swap3A_860], %swap3A_863 {strides = array<i32>} : memref<640xf32, #tpu.memory_space<vmem>>, vector<16xf32>,
    %swap3A_864 = arith.constant 384 : index
    %swap3A_865 = tpu.vector_load %arg12[%swap3A_864] {strides = array<i32>} : memref<640xf32, #tpu.memory_space<vmem>>, vector<16xf32>,
    %swap3A_866 = vector.shape_cast %swap3A_865 : vector<16xf32> to vector<16xf32>
    %swap3A_867 = vector.shape_cast %broadcast_in_dim3A_0 : vector<16xf32> to vector<16xf32>
    tpu.vector_store %arg12[%swap3A_864], %swap3A_867 {strides = array<i32>} : memref<640xf32, #tpu.memory_space<vmem>>, vector<16xf32>,
    %swap3A_868 = arith.constant 400 : index
    %swap3A_869 = tpu.vector_load %arg12[%swap3A_868] {strides = array<i32>} : memref<640xf32, #tpu.memory_space<vmem>>, vector<16xf32>,
    %swap3A_870 = vector.shape_cast %swap3A_869 : vector<16xf32> to vector<16xf32>
    %swap3A_871 = vector.shape_cast %broadcast_in_dim3A_0 : vector<16xf32> to vector<16xf32>
    tpu.vector_store %arg12[%swap3A_868], %swap3A_871 {strides = array<i32>} : memref<640xf32, #tpu.memory_space<vmem>>, vector<16xf32>,
    %swap3A_872 = arith.constant 416 : index
    %swap3A_873 = tpu.vector_load %arg12[%swap3A_872] {strides = array<i32>} : memref<640xf32, #tpu.memory_space<vmem>>, vector<16xf32>,
    %swap3A_874 = vector.shape_cast %swap3A_873 : vector<16xf32> to vector<16xf32>
    %swap3A_875 = vector.shape_cast %broadcast_in_dim3A_0 : vector<16xf32> to vector<16xf32>
    tpu.vector_store %arg12[%swap3A_872], %swap3A_875 {strides = array<i32>} : memref<640xf32, #tpu.memory_space<vmem>>, vector<16xf32>,
    %swap3A_876 = arith.constant 432 : index
    %swap3A_877 = tpu.vector_load %arg12[%swap3A_876] {strides = array<i32>} : memref<640xf32, #tpu.memory_space<vmem>>, vector<16xf32>,
    %swap3A_878 = vector.shape_cast %swap3A_877 : vector<16xf32> to vector<16xf32>
    %swap3A_879 = vector.shape_cast %broadcast_in_dim3A_0 : vector<16xf32> to vector<16xf32>
    tpu.vector_store %arg12[%swap3A_876], %swap3A_879 {strides = array<i32>} : memref<640xf32, #tpu.memory_space<vmem>>, vector<16xf32>,
    %swap3A_880 = arith.constant 448 : index
    %swap3A_881 = tpu.vector_load %arg12[%swap3A_880] {strides = array<i32>} : memref<640xf32, #tpu.memory_space<vmem>>, vector<16xf32>,
    %swap3A_882 = vector.shape_cast %swap3A_881 : vector<16xf32> to vector<16xf32>
    %swap3A_883 = vector.shape_cast %broadcast_in_dim3A_0 : vector<16xf32> to vector<16xf32>
    tpu.vector_store %arg12[%swap3A_880], %swap3A_883 {strides = array<i32>} : memref<640xf32, #tpu.memory_space<vmem>>, vector<16xf32>,
    %swap3A_884 = arith.constant 464 : index
    %swap3A_885 = tpu.vector_load %arg12[%swap3A_884] {strides = array<i32>} : memref<640xf32, #tpu.memory_space<vmem>>, vector<16xf32>,
    %swap3A_886 = vector.shape_cast %swap3A_885 : vector<16xf32> to vector<16xf32>
    %swap3A_887 = vector.shape_cast %broadcast_in_dim3A_0 : vector<16xf32> to vector<16xf32>
    tpu.vector_store %arg12[%swap3A_884], %swap3A_887 {strides = array<i32>} : memref<640xf32, #tpu.memory_space<vmem>>, vector<16xf32>,
    %swap3A_888 = arith.constant 480 : index
    %swap3A_889 = tpu.vector_load %arg12[%swap3A_888] {strides = array<i32>} : memref<640xf32, #tpu.memory_space<vmem>>, vector<16xf32>,
    %swap3A_890 = vector.shape_cast %swap3A_889 : vector<16xf32> to vector<16xf32>
    %swap3A_891 = vector.shape_cast %broadcast_in_dim3A_0 : vector<16xf32> to vector<16xf32>
    tpu.vector_store %arg12[%swap3A_888], %swap3A_891 {strides = array<i32>} : memref<640xf32, #tpu.memory_space<vmem>>, vector<16xf32>,
    %swap3A_892 = arith.constant 496 : index
    %swap3A_893 = tpu.vector_load %arg12[%swap3A_892] {strides = array<i32>} : memref<640xf32, #tpu.memory_space<vmem>>, vector<16xf32>,
    %swap3A_894 = vector.shape_cast %swap3A_893 : vector<16xf32> to vector<16xf32>
    %swap3A_895 = vector.shape_cast %broadcast_in_dim3A_0 : vector<16xf32> to vector<16xf32>
    tpu.vector_store %arg12[%swap3A_892], %swap3A_895 {strides = array<i32>} : memref<640xf32, #tpu.memory_space<vmem>>, vector<16xf32>,
    %swap3A_896 = arith.constant 512 : index
    %swap3A_897 = tpu.vector_load %arg12[%swap3A_896] {strides = array<i32>} : memref<640xf32, #tpu.memory_space<vmem>>, vector<16xf32>,
    %swap3A_898 = vector.shape_cast %swap3A_897 : vector<16xf32> to vector<16xf32>
    %swap3A_899 = vector.shape_cast %broadcast_in_dim3A_0 : vector<16xf32> to vector<16xf32>
    tpu.vector_store %arg12[%swap3A_896], %swap3A_899 {strides = array<i32>} : memref<640xf32, #tpu.memory_space<vmem>>, vector<16xf32>,
    %swap3A_900 = arith.constant 528 : index
    %swap3A_901 = tpu.vector_load %arg12[%swap3A_900] {strides = array<i32>} : memref<640xf32, #tpu.memory_space<vmem>>, vector<16xf32>,
    %swap3A_902 = vector.shape_cast %swap3A_901 : vector<16xf32> to vector<16xf32>
    %swap3A_903 = vector.shape_cast %broadcast_in_dim3A_0 : vector<16xf32> to vector<16xf32>
    tpu.vector_store %arg12[%swap3A_900], %swap3A_903 {strides = array<i32>} : memref<640xf32, #tpu.memory_space<vmem>>, vector<16xf32>,
    %swap3A_904 = arith.constant 544 : index
    %swap3A_905 = tpu.vector_load %arg12[%swap3A_904] {strides = array<i32>} : memref<640xf32, #tpu.memory_space<vmem>>, vector<16xf32>,
    %swap3A_906 = vector.shape_cast %swap3A_905 : vector<16xf32> to vector<16xf32>
    %swap3A_907 = vector.shape_cast %broadcast_in_dim3A_0 : vector<16xf32> to vector<16xf32>
    tpu.vector_store %arg12[%swap3A_904], %swap3A_907 {strides = array<i32>} : memref<640xf32, #tpu.memory_space<vmem>>, vector<16xf32>,
    %swap3A_908 = arith.constant 560 : index
    %swap3A_909 = tpu.vector_load %arg12[%swap3A_908] {strides = array<i32>} : memref<640xf32, #tpu.memory_space<vmem>>, vector<16xf32>,
    %swap3A_910 = vector.shape_cast %swap3A_909 : vector<16xf32> to vector<16xf32>
    %swap3A_911 = vector.shape_cast %broadcast_in_dim3A_0 : vector<16xf32> to vector<16xf32>
    tpu.vector_store %arg12[%swap3A_908], %swap3A_911 {strides = array<i32>} : memref<640xf32, #tpu.memory_space<vmem>>, vector<16xf32>,
    %swap3A_912 = arith.constant 576 : index
    %swap3A_913 = tpu.vector_load %arg12[%swap3A_912] {strides = array<i32>} : memref<640xf32, #tpu.memory_space<vmem>>, vector<16xf32>,
    %swap3A_914 = vector.shape_cast %swap3A_913 : vector<16xf32> to vector<16xf32>
    %swap3A_915 = vector.shape_cast %broadcast_in_dim3A_0 : vector<16xf32> to vector<16xf32>
    tpu.vector_store %arg12[%swap3A_912], %swap3A_915 {strides = array<i32>} : memref<640xf32, #tpu.memory_space<vmem>>, vector<16xf32>,
    %swap3A_916 = arith.constant 592 : index
    %swap3A_917 = tpu.vector_load %arg12[%swap3A_916] {strides = array<i32>} : memref<640xf32, #tpu.memory_space<vmem>>, vector<16xf32>,
    %swap3A_918 = vector.shape_cast %swap3A_917 : vector<16xf32> to vector<16xf32>
    %swap3A_919 = vector.shape_cast %broadcast_in_dim3A_0 : vector<16xf32> to vector<16xf32>
    tpu.vector_store %arg12[%swap3A_916], %swap3A_919 {strides = array<i32>} : memref<640xf32, #tpu.memory_space<vmem>>, vector<16xf32>,
    %swap3A_920 = arith.constant 608 : index
    %swap3A_921 = tpu.vector_load %arg12[%swap3A_920] {strides = array<i32>} : memref<640xf32, #tpu.memory_space<vmem>>, vector<16xf32>,
    %swap3A_922 = vector.shape_cast %swap3A_921 : vector<16xf32> to vector<16xf32>
    %swap3A_923 = vector.shape_cast %broadcast_in_dim3A_0 : vector<16xf32> to vector<16xf32>
    tpu.vector_store %arg12[%swap3A_920], %swap3A_923 {strides = array<i32>} : memref<640xf32, #tpu.memory_space<vmem>>, vector<16xf32>,
    %swap3A_924 = arith.constant 624 : index
    %swap3A_925 = tpu.vector_load %arg12[%swap3A_924] {strides = array<i32>} : memref<640xf32, #tpu.memory_space<vmem>>, vector<16xf32>,
    %swap3A_926 = vector.shape_cast %swap3A_925 : vector<16xf32> to vector<16xf32>
    %swap3A_927 = vector.shape_cast %broadcast_in_dim3A_0 : vector<16xf32> to vector<16xf32>
    tpu.vector_store %arg12[%swap3A_924], %swap3A_927 {strides = array<i32>} : memref<640xf32, #tpu.memory_space<vmem>>, vector<16xf32>,
    %broadcast_in_dim3A_928 = arith.constant 1.000000e+00 : f32
    %broadcast_in_dim3A_929 = vector.broadcast %broadcast_in_dim3A_928 : f32 to vector<16xf32>
    %swap3A_930 = arith.constant 0 : index
    %swap3A_931 = tpu.vector_load %arg10[%swap3A_930] {strides = array<i32>} : memref<128xf32, #tpu.memory_space<vmem>>, vector<16xf32>,
    %swap3A_932 = vector.shape_cast %swap3A_931 : vector<16xf32> to vector<16xf32>
    %swap3A_933 = vector.shape_cast %broadcast_in_dim3A_929 : vector<16xf32> to vector<16xf32>
    tpu.vector_store %arg10[%swap3A_930], %swap3A_933 {strides = array<i32>} : memref<128xf32, #tpu.memory_space<vmem>>, vector<16xf32>,
    %swap3A_934 = arith.constant 16 : index
    %swap3A_935 = tpu.vector_load %arg10[%swap3A_934] {strides = array<i32>} : memref<128xf32, #tpu.memory_space<vmem>>, vector<16xf32>,
    %swap3A_936 = vector.shape_cast %swap3A_935 : vector<16xf32> to vector<16xf32>
    %swap3A_937 = vector.shape_cast %broadcast_in_dim3A_929 : vector<16xf32> to vector<16xf32>
    tpu.vector_store %arg10[%swap3A_934], %swap3A_937 {strides = array<i32>} : memref<128xf32, #tpu.memory_space<vmem>>, vector<16xf32>,
    %swap3A_938 = arith.constant 32 : index
    %swap3A_939 = tpu.vector_load %arg10[%swap3A_938] {strides = array<i32>} : memref<128xf32, #tpu.memory_space<vmem>>, vector<16xf32>,
    %swap3A_940 = vector.shape_cast %swap3A_939 : vector<16xf32> to vector<16xf32>
    %swap3A_941 = vector.shape_cast %broadcast_in_dim3A_929 : vector<16xf32> to vector<16xf32>
    tpu.vector_store %arg10[%swap3A_938], %swap3A_941 {strides = array<i32>} : memref<128xf32, #tpu.memory_space<vmem>>, vector<16xf32>,
    %swap3A_942 = arith.constant 48 : index
    %swap3A_943 = tpu.vector_load %arg10[%swap3A_942] {strides = array<i32>} : memref<128xf32, #tpu.memory_space<vmem>>, vector<16xf32>,
    %swap3A_944 = vector.shape_cast %swap3A_943 : vector<16xf32> to vector<16xf32>
    %swap3A_945 = vector.shape_cast %broadcast_in_dim3A_929 : vector<16xf32> to vector<16xf32>
    tpu.vector_store %arg10[%swap3A_942], %swap3A_945 {strides = array<i32>} : memref<128xf32, #tpu.memory_space<vmem>>, vector<16xf32>,
    %swap3A_946 = arith.constant 64 : index
    %swap3A_947 = tpu.vector_load %arg10[%swap3A_946] {strides = array<i32>} : memref<128xf32, #tpu.memory_space<vmem>>, vector<16xf32>,
    %swap3A_948 = vector.shape_cast %swap3A_947 : vector<16xf32> to vector<16xf32>
    %swap3A_949 = vector.shape_cast %broadcast_in_dim3A_929 : vector<16xf32> to vector<16xf32>
    tpu.vector_store %arg10[%swap3A_946], %swap3A_949 {strides = array<i32>} : memref<128xf32, #tpu.memory_space<vmem>>, vector<16xf32>,
    %swap3A_950 = arith.constant 80 : index
    %swap3A_951 = tpu.vector_load %arg10[%swap3A_950] {strides = array<i32>} : memref<128xf32, #tpu.memory_space<vmem>>, vector<16xf32>,
    %swap3A_952 = vector.shape_cast %swap3A_951 : vector<16xf32> to vector<16xf32>
    %swap3A_953 = vector.shape_cast %broadcast_in_dim3A_929 : vector<16xf32> to vector<16xf32>
    tpu.vector_store %arg10[%swap3A_950], %swap3A_953 {strides = array<i32>} : memref<128xf32, #tpu.memory_space<vmem>>, vector<16xf32>,
    %swap3A_954 = arith.constant 96 : index
    %swap3A_955 = tpu.vector_load %arg10[%swap3A_954] {strides = array<i32>} : memref<128xf32, #tpu.memory_space<vmem>>, vector<16xf32>,
    %swap3A_956 = vector.shape_cast %swap3A_955 : vector<16xf32> to vector<16xf32>
    %swap3A_957 = vector.shape_cast %broadcast_in_dim3A_929 : vector<16xf32> to vector<16xf32>
    tpu.vector_store %arg10[%swap3A_954], %swap3A_957 {strides = array<i32>} : memref<128xf32, #tpu.memory_space<vmem>>, vector<16xf32>,
    %swap3A_958 = arith.constant 112 : index
    %swap3A_959 = tpu.vector_load %arg10[%swap3A_958] {strides = array<i32>} : memref<128xf32, #tpu.memory_space<vmem>>, vector<16xf32>,
    %swap3A_960 = vector.shape_cast %swap3A_959 : vector<16xf32> to vector<16xf32>
    %swap3A_961 = vector.shape_cast %broadcast_in_dim3A_929 : vector<16xf32> to vector<16xf32>
    tpu.vector_store %arg10[%swap3A_958], %swap3A_961 {strides = array<i32>} : memref<128xf32, #tpu.memory_space<vmem>>, vector<16xf32>,
    %mul3A = arith.constant 80 : i32
    %mul3A_962 = arith.muli %arg1, %mul3A : i32
    %add3A = arith.constant 0 : i32
    %add3A_963 = arith.addi %mul3A_962, %add3A : i32
    %dma_start3A = arith.constant 0 : i32
    %dma_start3A_964 = arith.constant 0 : i32
    %dma_start3A_965 = arith.constant 0 : i32
    %dma_start3A_966 = tpu.memref_slice %arg7[%dma_start3A, %dma_start3A_964, %dma_start3A_965] : memref<2x8x128xi32, #tpu.memory_space<vmem>> -> memref<1x8x128xi32, #tpu.memory_space<vmem>>
    %dma_start3A_967 = tpu.memref_squeeze %dma_start3A_966 : memref<1x8x128xi32, #tpu.memory_space<vmem>> -> memref<8x128xi32, #tpu.memory_space<vmem>>
    %dma_start3A_968 = arith.constant 0 : i32
    %dma_start3A_969 = tpu.memref_slice %arg3[%add3A_963, %dma_start3A_968] : memref<1280x128xi32, #tpu.memory_space<hbm>> -> memref<8x128xi32, #tpu.memory_space<hbm>>
    %dma_start3A_970 = arith.constant 0 : i32
    %dma_start3A_971 = arith.constant 0 : i32
    %dma_start3A_972 = tpu.memref_slice %arg7[%dma_start3A, %dma_start3A_970, %dma_start3A_971] : memref<2x8x128xi32, #tpu.memory_space<vmem>> -> memref<1x8x128xi32, #tpu.memory_space<vmem>>
    %dma_start3A_973 = tpu.memref_squeeze %dma_start3A_972 : memref<1x8x128xi32, #tpu.memory_space<vmem>> -> memref<8x128xi32, #tpu.memory_space<vmem>>
    %dma_start3A_974 = arith.constant 0 : i32
    %dma_start3A_975 = tpu.memref_slice %arg3[%add3A_963, %dma_start3A_974] : memref<1280x128xi32, #tpu.memory_space<hbm>> -> memref<8x128xi32, #tpu.memory_space<hbm>>
    tpu.enqueue_dma source(%dma_start3A_975 : memref<8x128xi32, #tpu.memory_space<hbm>>) target(%dma_start3A_973 : memref<8x128xi32, #tpu.memory_space<vmem>>) target_semaphore(%arg14 : memref<!tpu.dma_semaphore, #tpu.memory_space<semaphore_mem>>)
    %dma_start3A_976 = arith.constant 0 : i32
    %dma_start3A_977 = arith.constant 0 : i32
    %dma_start3A_978 = arith.constant 0 : i32
    %dma_start3A_979 = tpu.memref_slice %arg8[%dma_start3A_976, %dma_start3A_977, %dma_start3A_978] : memref<2x8x128xi32, #tpu.memory_space<vmem>> -> memref<1x8x128xi32, #tpu.memory_space<vmem>>
    %dma_start3A_980 = tpu.memref_squeeze %dma_start3A_979 : memref<1x8x128xi32, #tpu.memory_space<vmem>> -> memref<8x128xi32, #tpu.memory_space<vmem>>
    %dma_start3A_981 = arith.constant 0 : i32
    %dma_start3A_982 = tpu.memref_slice %arg4[%add3A_963, %dma_start3A_981] : memref<1280x128xi32, #tpu.memory_space<hbm>> -> memref<8x128xi32, #tpu.memory_space<hbm>>
    %dma_start3A_983 = arith.constant 0 : i32
    %dma_start3A_984 = arith.constant 0 : i32
    %dma_start3A_985 = tpu.memref_slice %arg8[%dma_start3A_976, %dma_start3A_983, %dma_start3A_984] : memref<2x8x128xi32, #tpu.memory_space<vmem>> -> memref<1x8x128xi32, #tpu.memory_space<vmem>>
    %dma_start3A_986 = tpu.memref_squeeze %dma_start3A_985 : memref<1x8x128xi32, #tpu.memory_space<vmem>> -> memref<8x128xi32, #tpu.memory_space<vmem>>
    %dma_start3A_987 = arith.constant 0 : i32
    %dma_start3A_988 = tpu.memref_slice %arg4[%add3A_963, %dma_start3A_987] : memref<1280x128xi32, #tpu.memory_space<hbm>> -> memref<8x128xi32, #tpu.memory_space<hbm>>
    tpu.enqueue_dma source(%dma_start3A_988 : memref<8x128xi32, #tpu.memory_space<hbm>>) target(%dma_start3A_986 : memref<8x128xi32, #tpu.memory_space<vmem>>) target_semaphore(%arg14 : memref<!tpu.dma_semaphore, #tpu.memory_space<semaphore_mem>>)
    %mul3A_989 = arith.constant 640 : i32
    %mul3A_990 = arith.muli %arg1, %mul3A_989 : i32
    %add3A_991 = arith.constant 0 : i32
    %add3A_992 = arith.addi %mul3A_990, %add3A_991 : i32
    %dma_start3A_993 = arith.constant 0 : i32
    %dma_start3A_994 = tpu.memref_slice %arg18[%add3A_992, %dma_start3A_993] : memref<10240x128xf32, #tpu.memory_space<vmem_shared>> -> memref<16x128xf32, #tpu.memory_space<vmem_shared>>
    %dma_start3A_995 = arith.constant 0 : i32
    %dma_start3A_996 = tpu.memref_slice %arg18[%add3A_992, %dma_start3A_995] : memref<10240x128xf32, #tpu.memory_space<vmem_shared>> -> memref<16x128xf32, #tpu.memory_space<vmem_shared>>
    tpu.enqueue_dma source(%arg11 : memref<16x128xf32, #tpu.memory_space<vmem>>) target(%dma_start3A_996 : memref<16x128xf32, #tpu.memory_space<vmem_shared>>) target_semaphore(%arg16 : memref<!tpu.dma_semaphore, #tpu.memory_space<semaphore_mem>>)
    %mul3A_997 = arith.constant 640 : i32
    %mul3A_998 = arith.muli %arg1, %mul3A_997 : i32
    %add3A_999 = arith.constant 16 : i32
    %add3A_1000 = arith.addi %mul3A_998, %add3A_999 : i32
    %dma_start3A_1001 = arith.constant 0 : i32
    %dma_start3A_1002 = tpu.memref_slice %arg18[%add3A_1000, %dma_start3A_1001] : memref<10240x128xf32, #tpu.memory_space<vmem_shared>> -> memref<16x128xf32, #tpu.memory_space<vmem_shared>>
    %dma_start3A_1003 = arith.constant 0 : i32
    %dma_start3A_1004 = tpu.memref_slice %arg18[%add3A_1000, %dma_start3A_1003] : memref<10240x128xf32, #tpu.memory_space<vmem_shared>> -> memref<16x128xf32, #tpu.memory_space<vmem_shared>>
    tpu.enqueue_dma source(%arg11 : memref<16x128xf32, #tpu.memory_space<vmem>>) target(%dma_start3A_1004 : memref<16x128xf32, #tpu.memory_space<vmem_shared>>) target_semaphore(%arg16 : memref<!tpu.dma_semaphore, #tpu.memory_space<semaphore_mem>>)
    %mul3A_1005 = arith.constant 640 : i32
    %mul3A_1006 = arith.muli %arg1, %mul3A_1005 : i32
    %add3A_1007 = arith.constant 32 : i32
    %add3A_1008 = arith.addi %mul3A_1006, %add3A_1007 : i32
    %dma_start3A_1009 = arith.constant 0 : i32
    %dma_start3A_1010 = tpu.memref_slice %arg18[%add3A_1008, %dma_start3A_1009] : memref<10240x128xf32, #tpu.memory_space<vmem_shared>> -> memref<16x128xf32, #tpu.memory_space<vmem_shared>>
    %dma_start3A_1011 = arith.constant 0 : i32
    %dma_start3A_1012 = tpu.memref_slice %arg18[%add3A_1008, %dma_start3A_1011] : memref<10240x128xf32, #tpu.memory_space<vmem_shared>> -> memref<16x128xf32, #tpu.memory_space<vmem_shared>>
    tpu.enqueue_dma source(%arg11 : memref<16x128xf32, #tpu.memory_space<vmem>>) target(%dma_start3A_1012 : memref<16x128xf32, #tpu.memory_space<vmem_shared>>) target_semaphore(%arg16 : memref<!tpu.dma_semaphore, #tpu.memory_space<semaphore_mem>>)
    %mul3A_1013 = arith.constant 640 : i32
    %mul3A_1014 = arith.muli %arg1, %mul3A_1013 : i32
    %add3A_1015 = arith.constant 48 : i32
    %add3A_1016 = arith.addi %mul3A_1014, %add3A_1015 : i32
    %dma_start3A_1017 = arith.constant 0 : i32
    %dma_start3A_1018 = tpu.memref_slice %arg18[%add3A_1016, %dma_start3A_1017] : memref<10240x128xf32, #tpu.memory_space<vmem_shared>> -> memref<16x128xf32, #tpu.memory_space<vmem_shared>>
    %dma_start3A_1019 = arith.constant 0 : i32
    %dma_start3A_1020 = tpu.memref_slice %arg18[%add3A_1016, %dma_start3A_1019] : memref<10240x128xf32, #tpu.memory_space<vmem_shared>> -> memref<16x128xf32, #tpu.memory_space<vmem_shared>>
    tpu.enqueue_dma source(%arg11 : memref<16x128xf32, #tpu.memory_space<vmem>>) target(%dma_start3A_1020 : memref<16x128xf32, #tpu.memory_space<vmem_shared>>) target_semaphore(%arg16 : memref<!tpu.dma_semaphore, #tpu.memory_space<semaphore_mem>>)
    %mul3A_1021 = arith.constant 640 : i32
    %mul3A_1022 = arith.muli %arg1, %mul3A_1021 : i32
    %add3A_1023 = arith.constant 64 : i32
    %add3A_1024 = arith.addi %mul3A_1022, %add3A_1023 : i32
    %dma_start3A_1025 = arith.constant 0 : i32
    %dma_start3A_1026 = tpu.memref_slice %arg18[%add3A_1024, %dma_start3A_1025] : memref<10240x128xf32, #tpu.memory_space<vmem_shared>> -> memref<16x128xf32, #tpu.memory_space<vmem_shared>>
    %dma_start3A_1027 = arith.constant 0 : i32
    %dma_start3A_1028 = tpu.memref_slice %arg18[%add3A_1024, %dma_start3A_1027] : memref<10240x128xf32, #tpu.memory_space<vmem_shared>> -> memref<16x128xf32, #tpu.memory_space<vmem_shared>>
    tpu.enqueue_dma source(%arg11 : memref<16x128xf32, #tpu.memory_space<vmem>>) target(%dma_start3A_1028 : memref<16x128xf32, #tpu.memory_space<vmem_shared>>) target_semaphore(%arg16 : memref<!tpu.dma_semaphore, #tpu.memory_space<semaphore_mem>>)
    %mul3A_1029 = arith.constant 640 : i32
    %mul3A_1030 = arith.muli %arg1, %mul3A_1029 : i32
    %add3A_1031 = arith.constant 0 : i32
    %add3A_1032 = arith.addi %mul3A_1030, %add3A_1031 : i32
    %dma_wait3A = arith.constant 0 : i32
    %dma_wait3A_1033 = tpu.memref_slice %arg18[%add3A_1032, %dma_wait3A] : memref<10240x128xf32, #tpu.memory_space<vmem_shared>> -> memref<16x128xf32, #tpu.memory_space<vmem_shared>>
    %dma_wait3A_1034 = arith.constant 0 : i32
    %dma_wait3A_1035 = tpu.memref_slice %arg18[%add3A_1032, %dma_wait3A_1034] : memref<10240x128xf32, #tpu.memory_space<vmem_shared>> -> memref<16x128xf32, #tpu.memory_space<vmem_shared>>
    tpu.wait_dma2 semaphore(%arg16 : memref<!tpu.dma_semaphore, #tpu.memory_space<semaphore_mem>>) src(%arg11 : memref<16x128xf32, #tpu.memory_space<vmem>>) dst(%dma_wait3A_1035 : memref<16x128xf32, #tpu.memory_space<vmem_shared>>)
    %mul3A_1036 = arith.constant 640 : i32
    %mul3A_1037 = arith.muli %arg1, %mul3A_1036 : i32
    %add3A_1038 = arith.constant 16 : i32
    %add3A_1039 = arith.addi %mul3A_1037, %add3A_1038 : i32
    %dma_wait3A_1040 = arith.constant 0 : i32
    %dma_wait3A_1041 = tpu.memref_slice %arg18[%add3A_1039, %dma_wait3A_1040] : memref<10240x128xf32, #tpu.memory_space<vmem_shared>> -> memref<16x128xf32, #tpu.memory_space<vmem_shared>>
    %dma_wait3A_1042 = arith.constant 0 : i32
    %dma_wait3A_1043 = tpu.memref_slice %arg18[%add3A_1039, %dma_wait3A_1042] : memref<10240x128xf32, #tpu.memory_space<vmem_shared>> -> memref<16x128xf32, #tpu.memory_space<vmem_shared>>
    tpu.wait_dma2 semaphore(%arg16 : memref<!tpu.dma_semaphore, #tpu.memory_space<semaphore_mem>>) src(%arg11 : memref<16x128xf32, #tpu.memory_space<vmem>>) dst(%dma_wait3A_1043 : memref<16x128xf32, #tpu.memory_space<vmem_shared>>)
    %mul3A_1044 = arith.constant 640 : i32
    %mul3A_1045 = arith.muli %arg1, %mul3A_1044 : i32
    %add3A_1046 = arith.constant 32 : i32
    %add3A_1047 = arith.addi %mul3A_1045, %add3A_1046 : i32
    %dma_wait3A_1048 = arith.constant 0 : i32
    %dma_wait3A_1049 = tpu.memref_slice %arg18[%add3A_1047, %dma_wait3A_1048] : memref<10240x128xf32, #tpu.memory_space<vmem_shared>> -> memref<16x128xf32, #tpu.memory_space<vmem_shared>>
    %dma_wait3A_1050 = arith.constant 0 : i32
    %dma_wait3A_1051 = tpu.memref_slice %arg18[%add3A_1047, %dma_wait3A_1050] : memref<10240x128xf32, #tpu.memory_space<vmem_shared>> -> memref<16x128xf32, #tpu.memory_space<vmem_shared>>
    tpu.wait_dma2 semaphore(%arg16 : memref<!tpu.dma_semaphore, #tpu.memory_space<semaphore_mem>>) src(%arg11 : memref<16x128xf32, #tpu.memory_space<vmem>>) dst(%dma_wait3A_1051 : memref<16x128xf32, #tpu.memory_space<vmem_shared>>)
    %mul3A_1052 = arith.constant 640 : i32
    %mul3A_1053 = arith.muli %arg1, %mul3A_1052 : i32
    %add3A_1054 = arith.constant 48 : i32
    %add3A_1055 = arith.addi %mul3A_1053, %add3A_1054 : i32
    %dma_wait3A_1056 = arith.constant 0 : i32
    %dma_wait3A_1057 = tpu.memref_slice %arg18[%add3A_1055, %dma_wait3A_1056] : memref<10240x128xf32, #tpu.memory_space<vmem_shared>> -> memref<16x128xf32, #tpu.memory_space<vmem_shared>>
    %dma_wait3A_1058 = arith.constant 0 : i32
    %dma_wait3A_1059 = tpu.memref_slice %arg18[%add3A_1055, %dma_wait3A_1058] : memref<10240x128xf32, #tpu.memory_space<vmem_shared>> -> memref<16x128xf32, #tpu.memory_space<vmem_shared>>
    tpu.wait_dma2 semaphore(%arg16 : memref<!tpu.dma_semaphore, #tpu.memory_space<semaphore_mem>>) src(%arg11 : memref<16x128xf32, #tpu.memory_space<vmem>>) dst(%dma_wait3A_1059 : memref<16x128xf32, #tpu.memory_space<vmem_shared>>)
    %mul3A_1060 = arith.constant 640 : i32
    %mul3A_1061 = arith.muli %arg1, %mul3A_1060 : i32
    %add3A_1062 = arith.constant 64 : i32
    %add3A_1063 = arith.addi %mul3A_1061, %add3A_1062 : i32
    %dma_wait3A_1064 = arith.constant 0 : i32
    %dma_wait3A_1065 = tpu.memref_slice %arg18[%add3A_1063, %dma_wait3A_1064] : memref<10240x128xf32, #tpu.memory_space<vmem_shared>> -> memref<16x128xf32, #tpu.memory_space<vmem_shared>>
    %dma_wait3A_1066 = arith.constant 0 : i32
    %dma_wait3A_1067 = tpu.memref_slice %arg18[%add3A_1063, %dma_wait3A_1066] : memref<10240x128xf32, #tpu.memory_space<vmem_shared>> -> memref<16x128xf32, #tpu.memory_space<vmem_shared>>
    tpu.wait_dma2 semaphore(%arg16 : memref<!tpu.dma_semaphore, #tpu.memory_space<semaphore_mem>>) src(%arg11 : memref<16x128xf32, #tpu.memory_space<vmem>>) dst(%dma_wait3A_1067 : memref<16x128xf32, #tpu.memory_space<vmem_shared>>)
    %mul3A_1068 = arith.constant 640 : i32
    %mul3A_1069 = arith.muli %arg1, %mul3A_1068 : i32
    %add3A_1070 = arith.constant 80 : i32
    %add3A_1071 = arith.addi %mul3A_1069, %add3A_1070 : i32
    %dma_start3A_1072 = arith.constant 0 : i32
    %dma_start3A_1073 = tpu.memref_slice %arg18[%add3A_1071, %dma_start3A_1072] : memref<10240x128xf32, #tpu.memory_space<vmem_shared>> -> memref<16x128xf32, #tpu.memory_space<vmem_shared>>
    %dma_start3A_1074 = arith.constant 0 : i32
    %dma_start3A_1075 = tpu.memref_slice %arg18[%add3A_1071, %dma_start3A_1074] : memref<10240x128xf32, #tpu.memory_space<vmem_shared>> -> memref<16x128xf32, #tpu.memory_space<vmem_shared>>
    tpu.enqueue_dma source(%arg11 : memref<16x128xf32, #tpu.memory_space<vmem>>) target(%dma_start3A_1075 : memref<16x128xf32, #tpu.memory_space<vmem_shared>>) target_semaphore(%arg16 : memref<!tpu.dma_semaphore, #tpu.memory_space<semaphore_mem>>)
    %mul3A_1076 = arith.constant 640 : i32
    %mul3A_1077 = arith.muli %arg1, %mul3A_1076 : i32
    %add3A_1078 = arith.constant 96 : i32
    %add3A_1079 = arith.addi %mul3A_1077, %add3A_1078 : i32
    %dma_start3A_1080 = arith.constant 0 : i32
    %dma_start3A_1081 = tpu.memref_slice %arg18[%add3A_1079, %dma_start3A_1080] : memref<10240x128xf32, #tpu.memory_space<vmem_shared>> -> memref<16x128xf32, #tpu.memory_space<vmem_shared>>
    %dma_start3A_1082 = arith.constant 0 : i32
    %dma_start3A_1083 = tpu.memref_slice %arg18[%add3A_1079, %dma_start3A_1082] : memref<10240x128xf32, #tpu.memory_space<vmem_shared>> -> memref<16x128xf32, #tpu.memory_space<vmem_shared>>
    tpu.enqueue_dma source(%arg11 : memref<16x128xf32, #tpu.memory_space<vmem>>) target(%dma_start3A_1083 : memref<16x128xf32, #tpu.memory_space<vmem_shared>>) target_semaphore(%arg16 : memref<!tpu.dma_semaphore, #tpu.memory_space<semaphore_mem>>)
    %mul3A_1084 = arith.constant 640 : i32
    %mul3A_1085 = arith.muli %arg1, %mul3A_1084 : i32
    %add3A_1086 = arith.constant 112 : i32
    %add3A_1087 = arith.addi %mul3A_1085, %add3A_1086 : i32
    %dma_start3A_1088 = arith.constant 0 : i32
    %dma_start3A_1089 = tpu.memref_slice %arg18[%add3A_1087, %dma_start3A_1088] : memref<10240x128xf32, #tpu.memory_space<vmem_shared>> -> memref<16x128xf32, #tpu.memory_space<vmem_shared>>
    %dma_start3A_1090 = arith.constant 0 : i32
    %dma_start3A_1091 = tpu.memref_slice %arg18[%add3A_1087, %dma_start3A_1090] : memref<10240x128xf32, #tpu.memory_space<vmem_shared>> -> memref<16x128xf32, #tpu.memory_space<vmem_shared>>
    tpu.enqueue_dma source(%arg11 : memref<16x128xf32, #tpu.memory_space<vmem>>) target(%dma_start3A_1091 : memref<16x128xf32, #tpu.memory_space<vmem_shared>>) target_semaphore(%arg16 : memref<!tpu.dma_semaphore, #tpu.memory_space<semaphore_mem>>)
    %mul3A_1092 = arith.constant 640 : i32
    %mul3A_1093 = arith.muli %arg1, %mul3A_1092 : i32
    %add3A_1094 = arith.constant 128 : i32
    %add3A_1095 = arith.addi %mul3A_1093, %add3A_1094 : i32
    %dma_start3A_1096 = arith.constant 0 : i32
    %dma_start3A_1097 = tpu.memref_slice %arg18[%add3A_1095, %dma_start3A_1096] : memref<10240x128xf32, #tpu.memory_space<vmem_shared>> -> memref<16x128xf32, #tpu.memory_space<vmem_shared>>
    %dma_start3A_1098 = arith.constant 0 : i32
    %dma_start3A_1099 = tpu.memref_slice %arg18[%add3A_1095, %dma_start3A_1098] : memref<10240x128xf32, #tpu.memory_space<vmem_shared>> -> memref<16x128xf32, #tpu.memory_space<vmem_shared>>
    tpu.enqueue_dma source(%arg11 : memref<16x128xf32, #tpu.memory_space<vmem>>) target(%dma_start3A_1099 : memref<16x128xf32, #tpu.memory_space<vmem_shared>>) target_semaphore(%arg16 : memref<!tpu.dma_semaphore, #tpu.memory_space<semaphore_mem>>)
    %mul3A_1100 = arith.constant 640 : i32
    %mul3A_1101 = arith.muli %arg1, %mul3A_1100 : i32
    %add3A_1102 = arith.constant 144 : i32
    %add3A_1103 = arith.addi %mul3A_1101, %add3A_1102 : i32
    %dma_start3A_1104 = arith.constant 0 : i32
    %dma_start3A_1105 = tpu.memref_slice %arg18[%add3A_1103, %dma_start3A_1104] : memref<10240x128xf32, #tpu.memory_space<vmem_shared>> -> memref<16x128xf32, #tpu.memory_space<vmem_shared>>
    %dma_start3A_1106 = arith.constant 0 : i32
    %dma_start3A_1107 = tpu.memref_slice %arg18[%add3A_1103, %dma_start3A_1106] : memref<10240x128xf32, #tpu.memory_space<vmem_shared>> -> memref<16x128xf32, #tpu.memory_space<vmem_shared>>
    tpu.enqueue_dma source(%arg11 : memref<16x128xf32, #tpu.memory_space<vmem>>) target(%dma_start3A_1107 : memref<16x128xf32, #tpu.memory_space<vmem_shared>>) target_semaphore(%arg16 : memref<!tpu.dma_semaphore, #tpu.memory_space<semaphore_mem>>)
    %mul3A_1108 = arith.constant 640 : i32
    %mul3A_1109 = arith.muli %arg1, %mul3A_1108 : i32
    %add3A_1110 = arith.constant 80 : i32
    %add3A_1111 = arith.addi %mul3A_1109, %add3A_1110 : i32
    %dma_wait3A_1112 = arith.constant 0 : i32
    %dma_wait3A_1113 = tpu.memref_slice %arg18[%add3A_1111, %dma_wait3A_1112] : memref<10240x128xf32, #tpu.memory_space<vmem_shared>> -> memref<16x128xf32, #tpu.memory_space<vmem_shared>>
    %dma_wait3A_1114 = arith.constant 0 : i32
    %dma_wait3A_1115 = tpu.memref_slice %arg18[%add3A_1111, %dma_wait3A_1114] : memref<10240x128xf32, #tpu.memory_space<vmem_shared>> -> memref<16x128xf32, #tpu.memory_space<vmem_shared>>
    tpu.wait_dma2 semaphore(%arg16 : memref<!tpu.dma_semaphore, #tpu.memory_space<semaphore_mem>>) src(%arg11 : memref<16x128xf32, #tpu.memory_space<vmem>>) dst(%dma_wait3A_1115 : memref<16x128xf32, #tpu.memory_space<vmem_shared>>)
    %mul3A_1116 = arith.constant 640 : i32
    %mul3A_1117 = arith.muli %arg1, %mul3A_1116 : i32
    %add3A_1118 = arith.constant 96 : i32
    %add3A_1119 = arith.addi %mul3A_1117, %add3A_1118 : i32
    %dma_wait3A_1120 = arith.constant 0 : i32
    %dma_wait3A_1121 = tpu.memref_slice %arg18[%add3A_1119, %dma_wait3A_1120] : memref<10240x128xf32, #tpu.memory_space<vmem_shared>> -> memref<16x128xf32, #tpu.memory_space<vmem_shared>>
    %dma_wait3A_1122 = arith.constant 0 : i32
    %dma_wait3A_1123 = tpu.memref_slice %arg18[%add3A_1119, %dma_wait3A_1122] : memref<10240x128xf32, #tpu.memory_space<vmem_shared>> -> memref<16x128xf32, #tpu.memory_space<vmem_shared>>
    tpu.wait_dma2 semaphore(%arg16 : memref<!tpu.dma_semaphore, #tpu.memory_space<semaphore_mem>>) src(%arg11 : memref<16x128xf32, #tpu.memory_space<vmem>>) dst(%dma_wait3A_1123 : memref<16x128xf32, #tpu.memory_space<vmem_shared>>)
    %mul3A_1124 = arith.constant 640 : i32
    %mul3A_1125 = arith.muli %arg1, %mul3A_1124 : i32
    %add3A_1126 = arith.constant 112 : i32
    %add3A_1127 = arith.addi %mul3A_1125, %add3A_1126 : i32
    %dma_wait3A_1128 = arith.constant 0 : i32
    %dma_wait3A_1129 = tpu.memref_slice %arg18[%add3A_1127, %dma_wait3A_1128] : memref<10240x128xf32, #tpu.memory_space<vmem_shared>> -> memref<16x128xf32, #tpu.memory_space<vmem_shared>>
    %dma_wait3A_1130 = arith.constant 0 : i32
    %dma_wait3A_1131 = tpu.memref_slice %arg18[%add3A_1127, %dma_wait3A_1130] : memref<10240x128xf32, #tpu.memory_space<vmem_shared>> -> memref<16x128xf32, #tpu.memory_space<vmem_shared>>
    tpu.wait_dma2 semaphore(%arg16 : memref<!tpu.dma_semaphore, #tpu.memory_space<semaphore_mem>>) src(%arg11 : memref<16x128xf32, #tpu.memory_space<vmem>>) dst(%dma_wait3A_1131 : memref<16x128xf32, #tpu.memory_space<vmem_shared>>)
    %mul3A_1132 = arith.constant 640 : i32
    %mul3A_1133 = arith.muli %arg1, %mul3A_1132 : i32
    %add3A_1134 = arith.constant 128 : i32
    %add3A_1135 = arith.addi %mul3A_1133, %add3A_1134 : i32
    %dma_wait3A_1136 = arith.constant 0 : i32
    %dma_wait3A_1137 = tpu.memref_slice %arg18[%add3A_1135, %dma_wait3A_1136] : memref<10240x128xf32, #tpu.memory_space<vmem_shared>> -> memref<16x128xf32, #tpu.memory_space<vmem_shared>>
    %dma_wait3A_1138 = arith.constant 0 : i32
    %dma_wait3A_1139 = tpu.memref_slice %arg18[%add3A_1135, %dma_wait3A_1138] : memref<10240x128xf32, #tpu.memory_space<vmem_shared>> -> memref<16x128xf32, #tpu.memory_space<vmem_shared>>
    tpu.wait_dma2 semaphore(%arg16 : memref<!tpu.dma_semaphore, #tpu.memory_space<semaphore_mem>>) src(%arg11 : memref<16x128xf32, #tpu.memory_space<vmem>>) dst(%dma_wait3A_1139 : memref<16x128xf32, #tpu.memory_space<vmem_shared>>)
    %mul3A_1140 = arith.constant 640 : i32
    %mul3A_1141 = arith.muli %arg1, %mul3A_1140 : i32
    %add3A_1142 = arith.constant 144 : i32
    %add3A_1143 = arith.addi %mul3A_1141, %add3A_1142 : i32
    %dma_wait3A_1144 = arith.constant 0 : i32
    %dma_wait3A_1145 = tpu.memref_slice %arg18[%add3A_1143, %dma_wait3A_1144] : memref<10240x128xf32, #tpu.memory_space<vmem_shared>> -> memref<16x128xf32, #tpu.memory_space<vmem_shared>>
    %dma_wait3A_1146 = arith.constant 0 : i32
    %dma_wait3A_1147 = tpu.memref_slice %arg18[%add3A_1143, %dma_wait3A_1146] : memref<10240x128xf32, #tpu.memory_space<vmem_shared>> -> memref<16x128xf32, #tpu.memory_space<vmem_shared>>
    tpu.wait_dma2 semaphore(%arg16 : memref<!tpu.dma_semaphore, #tpu.memory_space<semaphore_mem>>) src(%arg11 : memref<16x128xf32, #tpu.memory_space<vmem>>) dst(%dma_wait3A_1147 : memref<16x128xf32, #tpu.memory_space<vmem_shared>>)
    %mul3A_1148 = arith.constant 640 : i32
    %mul3A_1149 = arith.muli %arg1, %mul3A_1148 : i32
    %add3A_1150 = arith.constant 160 : i32
    %add3A_1151 = arith.addi %mul3A_1149, %add3A_1150 : i32
    %dma_start3A_1152 = arith.constant 0 : i32
    %dma_start3A_1153 = tpu.memref_slice %arg18[%add3A_1151, %dma_start3A_1152] : memref<10240x128xf32, #tpu.memory_space<vmem_shared>> -> memref<16x128xf32, #tpu.memory_space<vmem_shared>>
    %dma_start3A_1154 = arith.constant 0 : i32
    %dma_start3A_1155 = tpu.memref_slice %arg18[%add3A_1151, %dma_start3A_1154] : memref<10240x128xf32, #tpu.memory_space<vmem_shared>> -> memref<16x128xf32, #tpu.memory_space<vmem_shared>>
    tpu.enqueue_dma source(%arg11 : memref<16x128xf32, #tpu.memory_space<vmem>>) target(%dma_start3A_1155 : memref<16x128xf32, #tpu.memory_space<vmem_shared>>) target_semaphore(%arg16 : memref<!tpu.dma_semaphore, #tpu.memory_space<semaphore_mem>>)
    %mul3A_1156 = arith.constant 640 : i32
    %mul3A_1157 = arith.muli %arg1, %mul3A_1156 : i32
    %add3A_1158 = arith.constant 176 : i32
    %add3A_1159 = arith.addi %mul3A_1157, %add3A_1158 : i32
    %dma_start3A_1160 = arith.constant 0 : i32
    %dma_start3A_1161 = tpu.memref_slice %arg18[%add3A_1159, %dma_start3A_1160] : memref<10240x128xf32, #tpu.memory_space<vmem_shared>> -> memref<16x128xf32, #tpu.memory_space<vmem_shared>>
    %dma_start3A_1162 = arith.constant 0 : i32
    %dma_start3A_1163 = tpu.memref_slice %arg18[%add3A_1159, %dma_start3A_1162] : memref<10240x128xf32, #tpu.memory_space<vmem_shared>> -> memref<16x128xf32, #tpu.memory_space<vmem_shared>>
    tpu.enqueue_dma source(%arg11 : memref<16x128xf32, #tpu.memory_space<vmem>>) target(%dma_start3A_1163 : memref<16x128xf32, #tpu.memory_space<vmem_shared>>) target_semaphore(%arg16 : memref<!tpu.dma_semaphore, #tpu.memory_space<semaphore_mem>>)
    %mul3A_1164 = arith.constant 640 : i32
    %mul3A_1165 = arith.muli %arg1, %mul3A_1164 : i32
    %add3A_1166 = arith.constant 192 : i32
    %add3A_1167 = arith.addi %mul3A_1165, %add3A_1166 : i32
    %dma_start3A_1168 = arith.constant 0 : i32
    %dma_start3A_1169 = tpu.memref_slice %arg18[%add3A_1167, %dma_start3A_1168] : memref<10240x128xf32, #tpu.memory_space<vmem_shared>> -> memref<16x128xf32, #tpu.memory_space<vmem_shared>>
    %dma_start3A_1170 = arith.constant 0 : i32
    %dma_start3A_1171 = tpu.memref_slice %arg18[%add3A_1167, %dma_start3A_1170] : memref<10240x128xf32, #tpu.memory_space<vmem_shared>> -> memref<16x128xf32, #tpu.memory_space<vmem_shared>>
    tpu.enqueue_dma source(%arg11 : memref<16x128xf32, #tpu.memory_space<vmem>>) target(%dma_start3A_1171 : memref<16x128xf32, #tpu.memory_space<vmem_shared>>) target_semaphore(%arg16 : memref<!tpu.dma_semaphore, #tpu.memory_space<semaphore_mem>>)
    %mul3A_1172 = arith.constant 640 : i32
    %mul3A_1173 = arith.muli %arg1, %mul3A_1172 : i32
    %add3A_1174 = arith.constant 208 : i32
    %add3A_1175 = arith.addi %mul3A_1173, %add3A_1174 : i32
    %dma_start3A_1176 = arith.constant 0 : i32
    %dma_start3A_1177 = tpu.memref_slice %arg18[%add3A_1175, %dma_start3A_1176] : memref<10240x128xf32, #tpu.memory_space<vmem_shared>> -> memref<16x128xf32, #tpu.memory_space<vmem_shared>>
    %dma_start3A_1178 = arith.constant 0 : i32
    %dma_start3A_1179 = tpu.memref_slice %arg18[%add3A_1175, %dma_start3A_1178] : memref<10240x128xf32, #tpu.memory_space<vmem_shared>> -> memref<16x128xf32, #tpu.memory_space<vmem_shared>>
    tpu.enqueue_dma source(%arg11 : memref<16x128xf32, #tpu.memory_space<vmem>>) target(%dma_start3A_1179 : memref<16x128xf32, #tpu.memory_space<vmem_shared>>) target_semaphore(%arg16 : memref<!tpu.dma_semaphore, #tpu.memory_space<semaphore_mem>>)
    %mul3A_1180 = arith.constant 640 : i32
    %mul3A_1181 = arith.muli %arg1, %mul3A_1180 : i32
    %add3A_1182 = arith.constant 224 : i32
    %add3A_1183 = arith.addi %mul3A_1181, %add3A_1182 : i32
    %dma_start3A_1184 = arith.constant 0 : i32
    %dma_start3A_1185 = tpu.memref_slice %arg18[%add3A_1183, %dma_start3A_1184] : memref<10240x128xf32, #tpu.memory_space<vmem_shared>> -> memref<16x128xf32, #tpu.memory_space<vmem_shared>>
    %dma_start3A_1186 = arith.constant 0 : i32
    %dma_start3A_1187 = tpu.memref_slice %arg18[%add3A_1183, %dma_start3A_1186] : memref<10240x128xf32, #tpu.memory_space<vmem_shared>> -> memref<16x128xf32, #tpu.memory_space<vmem_shared>>
    tpu.enqueue_dma source(%arg11 : memref<16x128xf32, #tpu.memory_space<vmem>>) target(%dma_start3A_1187 : memref<16x128xf32, #tpu.memory_space<vmem_shared>>) target_semaphore(%arg16 : memref<!tpu.dma_semaphore, #tpu.memory_space<semaphore_mem>>)
    %mul3A_1188 = arith.constant 640 : i32
    %mul3A_1189 = arith.muli %arg1, %mul3A_1188 : i32
    %add3A_1190 = arith.constant 160 : i32
    %add3A_1191 = arith.addi %mul3A_1189, %add3A_1190 : i32
    %dma_wait3A_1192 = arith.constant 0 : i32
    %dma_wait3A_1193 = tpu.memref_slice %arg18[%add3A_1191, %dma_wait3A_1192] : memref<10240x128xf32, #tpu.memory_space<vmem_shared>> -> memref<16x128xf32, #tpu.memory_space<vmem_shared>>
    %dma_wait3A_1194 = arith.constant 0 : i32
    %dma_wait3A_1195 = tpu.memref_slice %arg18[%add3A_1191, %dma_wait3A_1194] : memref<10240x128xf32, #tpu.memory_space<vmem_shared>> -> memref<16x128xf32, #tpu.memory_space<vmem_shared>>
    tpu.wait_dma2 semaphore(%arg16 : memref<!tpu.dma_semaphore, #tpu.memory_space<semaphore_mem>>) src(%arg11 : memref<16x128xf32, #tpu.memory_space<vmem>>) dst(%dma_wait3A_1195 : memref<16x128xf32, #tpu.memory_space<vmem_shared>>)
    %mul3A_1196 = arith.constant 640 : i32
    %mul3A_1197 = arith.muli %arg1, %mul3A_1196 : i32
    %add3A_1198 = arith.constant 176 : i32
    %add3A_1199 = arith.addi %mul3A_1197, %add3A_1198 : i32
    %dma_wait3A_1200 = arith.constant 0 : i32
    %dma_wait3A_1201 = tpu.memref_slice %arg18[%add3A_1199, %dma_wait3A_1200] : memref<10240x128xf32, #tpu.memory_space<vmem_shared>> -> memref<16x128xf32, #tpu.memory_space<vmem_shared>>
    %dma_wait3A_1202 = arith.constant 0 : i32
    %dma_wait3A_1203 = tpu.memref_slice %arg18[%add3A_1199, %dma_wait3A_1202] : memref<10240x128xf32, #tpu.memory_space<vmem_shared>> -> memref<16x128xf32, #tpu.memory_space<vmem_shared>>
    tpu.wait_dma2 semaphore(%arg16 : memref<!tpu.dma_semaphore, #tpu.memory_space<semaphore_mem>>) src(%arg11 : memref<16x128xf32, #tpu.memory_space<vmem>>) dst(%dma_wait3A_1203 : memref<16x128xf32, #tpu.memory_space<vmem_shared>>)
    %mul3A_1204 = arith.constant 640 : i32
    %mul3A_1205 = arith.muli %arg1, %mul3A_1204 : i32
    %add3A_1206 = arith.constant 192 : i32
    %add3A_1207 = arith.addi %mul3A_1205, %add3A_1206 : i32
    %dma_wait3A_1208 = arith.constant 0 : i32
    %dma_wait3A_1209 = tpu.memref_slice %arg18[%add3A_1207, %dma_wait3A_1208] : memref<10240x128xf32, #tpu.memory_space<vmem_shared>> -> memref<16x128xf32, #tpu.memory_space<vmem_shared>>
    %dma_wait3A_1210 = arith.constant 0 : i32
    %dma_wait3A_1211 = tpu.memref_slice %arg18[%add3A_1207, %dma_wait3A_1210] : memref<10240x128xf32, #tpu.memory_space<vmem_shared>> -> memref<16x128xf32, #tpu.memory_space<vmem_shared>>
    tpu.wait_dma2 semaphore(%arg16 : memref<!tpu.dma_semaphore, #tpu.memory_space<semaphore_mem>>) src(%arg11 : memref<16x128xf32, #tpu.memory_space<vmem>>) dst(%dma_wait3A_1211 : memref<16x128xf32, #tpu.memory_space<vmem_shared>>)
    %mul3A_1212 = arith.constant 640 : i32
    %mul3A_1213 = arith.muli %arg1, %mul3A_1212 : i32
    %add3A_1214 = arith.constant 208 : i32
    %add3A_1215 = arith.addi %mul3A_1213, %add3A_1214 : i32
    %dma_wait3A_1216 = arith.constant 0 : i32
    %dma_wait3A_1217 = tpu.memref_slice %arg18[%add3A_1215, %dma_wait3A_1216] : memref<10240x128xf32, #tpu.memory_space<vmem_shared>> -> memref<16x128xf32, #tpu.memory_space<vmem_shared>>
    %dma_wait3A_1218 = arith.constant 0 : i32
    %dma_wait3A_1219 = tpu.memref_slice %arg18[%add3A_1215, %dma_wait3A_1218] : memref<10240x128xf32, #tpu.memory_space<vmem_shared>> -> memref<16x128xf32, #tpu.memory_space<vmem_shared>>
    tpu.wait_dma2 semaphore(%arg16 : memref<!tpu.dma_semaphore, #tpu.memory_space<semaphore_mem>>) src(%arg11 : memref<16x128xf32, #tpu.memory_space<vmem>>) dst(%dma_wait3A_1219 : memref<16x128xf32, #tpu.memory_space<vmem_shared>>)
    %mul3A_1220 = arith.constant 640 : i32
    %mul3A_1221 = arith.muli %arg1, %mul3A_1220 : i32
    %add3A_1222 = arith.constant 224 : i32
    %add3A_1223 = arith.addi %mul3A_1221, %add3A_1222 : i32
    %dma_wait3A_1224 = arith.constant 0 : i32
    %dma_wait3A_1225 = tpu.memref_slice %arg18[%add3A_1223, %dma_wait3A_1224] : memref<10240x128xf32, #tpu.memory_space<vmem_shared>> -> memref<16x128xf32, #tpu.memory_space<vmem_shared>>
    %dma_wait3A_1226 = arith.constant 0 : i32
    %dma_wait3A_1227 = tpu.memref_slice %arg18[%add3A_1223, %dma_wait3A_1226] : memref<10240x128xf32, #tpu.memory_space<vmem_shared>> -> memref<16x128xf32, #tpu.memory_space<vmem_shared>>
    tpu.wait_dma2 semaphore(%arg16 : memref<!tpu.dma_semaphore, #tpu.memory_space<semaphore_mem>>) src(%arg11 : memref<16x128xf32, #tpu.memory_space<vmem>>) dst(%dma_wait3A_1227 : memref<16x128xf32, #tpu.memory_space<vmem_shared>>)
    %mul3A_1228 = arith.constant 640 : i32
    %mul3A_1229 = arith.muli %arg1, %mul3A_1228 : i32
    %add3A_1230 = arith.constant 240 : i32
    %add3A_1231 = arith.addi %mul3A_1229, %add3A_1230 : i32
    %dma_start3A_1232 = arith.constant 0 : i32
    %dma_start3A_1233 = tpu.memref_slice %arg18[%add3A_1231, %dma_start3A_1232] : memref<10240x128xf32, #tpu.memory_space<vmem_shared>> -> memref<16x128xf32, #tpu.memory_space<vmem_shared>>
    %dma_start3A_1234 = arith.constant 0 : i32
    %dma_start3A_1235 = tpu.memref_slice %arg18[%add3A_1231, %dma_start3A_1234] : memref<10240x128xf32, #tpu.memory_space<vmem_shared>> -> memref<16x128xf32, #tpu.memory_space<vmem_shared>>
    tpu.enqueue_dma source(%arg11 : memref<16x128xf32, #tpu.memory_space<vmem>>) target(%dma_start3A_1235 : memref<16x128xf32, #tpu.memory_space<vmem_shared>>) target_semaphore(%arg16 : memref<!tpu.dma_semaphore, #tpu.memory_space<semaphore_mem>>)
    %mul3A_1236 = arith.constant 640 : i32
    %mul3A_1237 = arith.muli %arg1, %mul3A_1236 : i32
    %add3A_1238 = arith.constant 256 : i32
    %add3A_1239 = arith.addi %mul3A_1237, %add3A_1238 : i32
    %dma_start3A_1240 = arith.constant 0 : i32
    %dma_start3A_1241 = tpu.memref_slice %arg18[%add3A_1239, %dma_start3A_1240] : memref<10240x128xf32, #tpu.memory_space<vmem_shared>> -> memref<16x128xf32, #tpu.memory_space<vmem_shared>>
    %dma_start3A_1242 = arith.constant 0 : i32
    %dma_start3A_1243 = tpu.memref_slice %arg18[%add3A_1239, %dma_start3A_1242] : memref<10240x128xf32, #tpu.memory_space<vmem_shared>> -> memref<16x128xf32, #tpu.memory_space<vmem_shared>>
    tpu.enqueue_dma source(%arg11 : memref<16x128xf32, #tpu.memory_space<vmem>>) target(%dma_start3A_1243 : memref<16x128xf32, #tpu.memory_space<vmem_shared>>) target_semaphore(%arg16 : memref<!tpu.dma_semaphore, #tpu.memory_space<semaphore_mem>>)
    %mul3A_1244 = arith.constant 640 : i32
    %mul3A_1245 = arith.muli %arg1, %mul3A_1244 : i32
    %add3A_1246 = arith.constant 272 : i32
    %add3A_1247 = arith.addi %mul3A_1245, %add3A_1246 : i32
    %dma_start3A_1248 = arith.constant 0 : i32
    %dma_start3A_1249 = tpu.memref_slice %arg18[%add3A_1247, %dma_start3A_1248] : memref<10240x128xf32, #tpu.memory_space<vmem_shared>> -> memref<16x128xf32, #tpu.memory_space<vmem_shared>>
    %dma_start3A_1250 = arith.constant 0 : i32
    %dma_start3A_1251 = tpu.memref_slice %arg18[%add3A_1247, %dma_start3A_1250] : memref<10240x128xf32, #tpu.memory_space<vmem_shared>> -> memref<16x128xf32, #tpu.memory_space<vmem_shared>>
    tpu.enqueue_dma source(%arg11 : memref<16x128xf32, #tpu.memory_space<vmem>>) target(%dma_start3A_1251 : memref<16x128xf32, #tpu.memory_space<vmem_shared>>) target_semaphore(%arg16 : memref<!tpu.dma_semaphore, #tpu.memory_space<semaphore_mem>>)
    %mul3A_1252 = arith.constant 640 : i32
    %mul3A_1253 = arith.muli %arg1, %mul3A_1252 : i32
    %add3A_1254 = arith.constant 288 : i32
    %add3A_1255 = arith.addi %mul3A_1253, %add3A_1254 : i32
    %dma_start3A_1256 = arith.constant 0 : i32
    %dma_start3A_1257 = tpu.memref_slice %arg18[%add3A_1255, %dma_start3A_1256] : memref<10240x128xf32, #tpu.memory_space<vmem_shared>> -> memref<16x128xf32, #tpu.memory_space<vmem_shared>>
    %dma_start3A_1258 = arith.constant 0 : i32
    %dma_start3A_1259 = tpu.memref_slice %arg18[%add3A_1255, %dma_start3A_1258] : memref<10240x128xf32, #tpu.memory_space<vmem_shared>> -> memref<16x128xf32, #tpu.memory_space<vmem_shared>>
    tpu.enqueue_dma source(%arg11 : memref<16x128xf32, #tpu.memory_space<vmem>>) target(%dma_start3A_1259 : memref<16x128xf32, #tpu.memory_space<vmem_shared>>) target_semaphore(%arg16 : memref<!tpu.dma_semaphore, #tpu.memory_space<semaphore_mem>>)
    %mul3A_1260 = arith.constant 640 : i32
    %mul3A_1261 = arith.muli %arg1, %mul3A_1260 : i32
    %add3A_1262 = arith.constant 304 : i32
    %add3A_1263 = arith.addi %mul3A_1261, %add3A_1262 : i32
    %dma_start3A_1264 = arith.constant 0 : i32
    %dma_start3A_1265 = tpu.memref_slice %arg18[%add3A_1263, %dma_start3A_1264] : memref<10240x128xf32, #tpu.memory_space<vmem_shared>> -> memref<16x128xf32, #tpu.memory_space<vmem_shared>>
    %dma_start3A_1266 = arith.constant 0 : i32
    %dma_start3A_1267 = tpu.memref_slice %arg18[%add3A_1263, %dma_start3A_1266] : memref<10240x128xf32, #tpu.memory_space<vmem_shared>> -> memref<16x128xf32, #tpu.memory_space<vmem_shared>>
    tpu.enqueue_dma source(%arg11 : memref<16x128xf32, #tpu.memory_space<vmem>>) target(%dma_start3A_1267 : memref<16x128xf32, #tpu.memory_space<vmem_shared>>) target_semaphore(%arg16 : memref<!tpu.dma_semaphore, #tpu.memory_space<semaphore_mem>>)
    %mul3A_1268 = arith.constant 640 : i32
    %mul3A_1269 = arith.muli %arg1, %mul3A_1268 : i32
    %add3A_1270 = arith.constant 240 : i32
    %add3A_1271 = arith.addi %mul3A_1269, %add3A_1270 : i32
    %dma_wait3A_1272 = arith.constant 0 : i32
    %dma_wait3A_1273 = tpu.memref_slice %arg18[%add3A_1271, %dma_wait3A_1272] : memref<10240x128xf32, #tpu.memory_space<vmem_shared>> -> memref<16x128xf32, #tpu.memory_space<vmem_shared>>
    %dma_wait3A_1274 = arith.constant 0 : i32
    %dma_wait3A_1275 = tpu.memref_slice %arg18[%add3A_1271, %dma_wait3A_1274] : memref<10240x128xf32, #tpu.memory_space<vmem_shared>> -> memref<16x128xf32, #tpu.memory_space<vmem_shared>>
    tpu.wait_dma2 semaphore(%arg16 : memref<!tpu.dma_semaphore, #tpu.memory_space<semaphore_mem>>) src(%arg11 : memref<16x128xf32, #tpu.memory_space<vmem>>) dst(%dma_wait3A_1275 : memref<16x128xf32, #tpu.memory_space<vmem_shared>>)
    %mul3A_1276 = arith.constant 640 : i32
    %mul3A_1277 = arith.muli %arg1, %mul3A_1276 : i32
    %add3A_1278 = arith.constant 256 : i32
    %add3A_1279 = arith.addi %mul3A_1277, %add3A_1278 : i32
    %dma_wait3A_1280 = arith.constant 0 : i32
    %dma_wait3A_1281 = tpu.memref_slice %arg18[%add3A_1279, %dma_wait3A_1280] : memref<10240x128xf32, #tpu.memory_space<vmem_shared>> -> memref<16x128xf32, #tpu.memory_space<vmem_shared>>
    %dma_wait3A_1282 = arith.constant 0 : i32
    %dma_wait3A_1283 = tpu.memref_slice %arg18[%add3A_1279, %dma_wait3A_1282] : memref<10240x128xf32, #tpu.memory_space<vmem_shared>> -> memref<16x128xf32, #tpu.memory_space<vmem_shared>>
    tpu.wait_dma2 semaphore(%arg16 : memref<!tpu.dma_semaphore, #tpu.memory_space<semaphore_mem>>) src(%arg11 : memref<16x128xf32, #tpu.memory_space<vmem>>) dst(%dma_wait3A_1283 : memref<16x128xf32, #tpu.memory_space<vmem_shared>>)
    %mul3A_1284 = arith.constant 640 : i32
    %mul3A_1285 = arith.muli %arg1, %mul3A_1284 : i32
    %add3A_1286 = arith.constant 272 : i32
    %add3A_1287 = arith.addi %mul3A_1285, %add3A_1286 : i32
    %dma_wait3A_1288 = arith.constant 0 : i32
    %dma_wait3A_1289 = tpu.memref_slice %arg18[%add3A_1287, %dma_wait3A_1288] : memref<10240x128xf32, #tpu.memory_space<vmem_shared>> -> memref<16x128xf32, #tpu.memory_space<vmem_shared>>
    %dma_wait3A_1290 = arith.constant 0 : i32
    %dma_wait3A_1291 = tpu.memref_slice %arg18[%add3A_1287, %dma_wait3A_1290] : memref<10240x128xf32, #tpu.memory_space<vmem_shared>> -> memref<16x128xf32, #tpu.memory_space<vmem_shared>>
    tpu.wait_dma2 semaphore(%arg16 : memref<!tpu.dma_semaphore, #tpu.memory_space<semaphore_mem>>) src(%arg11 : memref<16x128xf32, #tpu.memory_space<vmem>>) dst(%dma_wait3A_1291 : memref<16x128xf32, #tpu.memory_space<vmem_shared>>)
    %mul3A_1292 = arith.constant 640 : i32
    %mul3A_1293 = arith.muli %arg1, %mul3A_1292 : i32
    %add3A_1294 = arith.constant 288 : i32
    %add3A_1295 = arith.addi %mul3A_1293, %add3A_1294 : i32
    %dma_wait3A_1296 = arith.constant 0 : i32
    %dma_wait3A_1297 = tpu.memref_slice %arg18[%add3A_1295, %dma_wait3A_1296] : memref<10240x128xf32, #tpu.memory_space<vmem_shared>> -> memref<16x128xf32, #tpu.memory_space<vmem_shared>>
    %dma_wait3A_1298 = arith.constant 0 : i32
    %dma_wait3A_1299 = tpu.memref_slice %arg18[%add3A_1295, %dma_wait3A_1298] : memref<10240x128xf32, #tpu.memory_space<vmem_shared>> -> memref<16x128xf32, #tpu.memory_space<vmem_shared>>
    tpu.wait_dma2 semaphore(%arg16 : memref<!tpu.dma_semaphore, #tpu.memory_space<semaphore_mem>>) src(%arg11 : memref<16x128xf32, #tpu.memory_space<vmem>>) dst(%dma_wait3A_1299 : memref<16x128xf32, #tpu.memory_space<vmem_shared>>)
    %mul3A_1300 = arith.constant 640 : i32
    %mul3A_1301 = arith.muli %arg1, %mul3A_1300 : i32
    %add3A_1302 = arith.constant 304 : i32
    %add3A_1303 = arith.addi %mul3A_1301, %add3A_1302 : i32
    %dma_wait3A_1304 = arith.constant 0 : i32
    %dma_wait3A_1305 = tpu.memref_slice %arg18[%add3A_1303, %dma_wait3A_1304] : memref<10240x128xf32, #tpu.memory_space<vmem_shared>> -> memref<16x128xf32, #tpu.memory_space<vmem_shared>>
    %dma_wait3A_1306 = arith.constant 0 : i32
    %dma_wait3A_1307 = tpu.memref_slice %arg18[%add3A_1303, %dma_wait3A_1306] : memref<10240x128xf32, #tpu.memory_space<vmem_shared>> -> memref<16x128xf32, #tpu.memory_space<vmem_shared>>
    tpu.wait_dma2 semaphore(%arg16 : memref<!tpu.dma_semaphore, #tpu.memory_space<semaphore_mem>>) src(%arg11 : memref<16x128xf32, #tpu.memory_space<vmem>>) dst(%dma_wait3A_1307 : memref<16x128xf32, #tpu.memory_space<vmem_shared>>)
    %mul3A_1308 = arith.constant 640 : i32
    %mul3A_1309 = arith.muli %arg1, %mul3A_1308 : i32
    %add3A_1310 = arith.constant 320 : i32
    %add3A_1311 = arith.addi %mul3A_1309, %add3A_1310 : i32
    %dma_start3A_1312 = arith.constant 0 : i32
    %dma_start3A_1313 = tpu.memref_slice %arg18[%add3A_1311, %dma_start3A_1312] : memref<10240x128xf32, #tpu.memory_space<vmem_shared>> -> memref<16x128xf32, #tpu.memory_space<vmem_shared>>
    %dma_start3A_1314 = arith.constant 0 : i32
    %dma_start3A_1315 = tpu.memref_slice %arg18[%add3A_1311, %dma_start3A_1314] : memref<10240x128xf32, #tpu.memory_space<vmem_shared>> -> memref<16x128xf32, #tpu.memory_space<vmem_shared>>
    tpu.enqueue_dma source(%arg11 : memref<16x128xf32, #tpu.memory_space<vmem>>) target(%dma_start3A_1315 : memref<16x128xf32, #tpu.memory_space<vmem_shared>>) target_semaphore(%arg16 : memref<!tpu.dma_semaphore, #tpu.memory_space<semaphore_mem>>)
    %mul3A_1316 = arith.constant 640 : i32
    %mul3A_1317 = arith.muli %arg1, %mul3A_1316 : i32
    %add3A_1318 = arith.constant 336 : i32
    %add3A_1319 = arith.addi %mul3A_1317, %add3A_1318 : i32
    %dma_start3A_1320 = arith.constant 0 : i32
    %dma_start3A_1321 = tpu.memref_slice %arg18[%add3A_1319, %dma_start3A_1320] : memref<10240x128xf32, #tpu.memory_space<vmem_shared>> -> memref<16x128xf32, #tpu.memory_space<vmem_shared>>
    %dma_start3A_1322 = arith.constant 0 : i32
    %dma_start3A_1323 = tpu.memref_slice %arg18[%add3A_1319, %dma_start3A_1322] : memref<10240x128xf32, #tpu.memory_space<vmem_shared>> -> memref<16x128xf32, #tpu.memory_space<vmem_shared>>
    tpu.enqueue_dma source(%arg11 : memref<16x128xf32, #tpu.memory_space<vmem>>) target(%dma_start3A_1323 : memref<16x128xf32, #tpu.memory_space<vmem_shared>>) target_semaphore(%arg16 : memref<!tpu.dma_semaphore, #tpu.memory_space<semaphore_mem>>)
    %mul3A_1324 = arith.constant 640 : i32
    %mul3A_1325 = arith.muli %arg1, %mul3A_1324 : i32
    %add3A_1326 = arith.constant 352 : i32
    %add3A_1327 = arith.addi %mul3A_1325, %add3A_1326 : i32
    %dma_start3A_1328 = arith.constant 0 : i32
    %dma_start3A_1329 = tpu.memref_slice %arg18[%add3A_1327, %dma_start3A_1328] : memref<10240x128xf32, #tpu.memory_space<vmem_shared>> -> memref<16x128xf32, #tpu.memory_space<vmem_shared>>
    %dma_start3A_1330 = arith.constant 0 : i32
    %dma_start3A_1331 = tpu.memref_slice %arg18[%add3A_1327, %dma_start3A_1330] : memref<10240x128xf32, #tpu.memory_space<vmem_shared>> -> memref<16x128xf32, #tpu.memory_space<vmem_shared>>
    tpu.enqueue_dma source(%arg11 : memref<16x128xf32, #tpu.memory_space<vmem>>) target(%dma_start3A_1331 : memref<16x128xf32, #tpu.memory_space<vmem_shared>>) target_semaphore(%arg16 : memref<!tpu.dma_semaphore, #tpu.memory_space<semaphore_mem>>)
    %mul3A_1332 = arith.constant 640 : i32
    %mul3A_1333 = arith.muli %arg1, %mul3A_1332 : i32
    %add3A_1334 = arith.constant 368 : i32
    %add3A_1335 = arith.addi %mul3A_1333, %add3A_1334 : i32
    %dma_start3A_1336 = arith.constant 0 : i32
    %dma_start3A_1337 = tpu.memref_slice %arg18[%add3A_1335, %dma_start3A_1336] : memref<10240x128xf32, #tpu.memory_space<vmem_shared>> -> memref<16x128xf32, #tpu.memory_space<vmem_shared>>
    %dma_start3A_1338 = arith.constant 0 : i32
    %dma_start3A_1339 = tpu.memref_slice %arg18[%add3A_1335, %dma_start3A_1338] : memref<10240x128xf32, #tpu.memory_space<vmem_shared>> -> memref<16x128xf32, #tpu.memory_space<vmem_shared>>
    tpu.enqueue_dma source(%arg11 : memref<16x128xf32, #tpu.memory_space<vmem>>) target(%dma_start3A_1339 : memref<16x128xf32, #tpu.memory_space<vmem_shared>>) target_semaphore(%arg16 : memref<!tpu.dma_semaphore, #tpu.memory_space<semaphore_mem>>)
    %mul3A_1340 = arith.constant 640 : i32
    %mul3A_1341 = arith.muli %arg1, %mul3A_1340 : i32
    %add3A_1342 = arith.constant 384 : i32
    %add3A_1343 = arith.addi %mul3A_1341, %add3A_1342 : i32
    %dma_start3A_1344 = arith.constant 0 : i32
    %dma_start3A_1345 = tpu.memref_slice %arg18[%add3A_1343, %dma_start3A_1344] : memref<10240x128xf32, #tpu.memory_space<vmem_shared>> -> memref<16x128xf32, #tpu.memory_space<vmem_shared>>
    %dma_start3A_1346 = arith.constant 0 : i32
    %dma_start3A_1347 = tpu.memref_slice %arg18[%add3A_1343, %dma_start3A_1346] : memref<10240x128xf32, #tpu.memory_space<vmem_shared>> -> memref<16x128xf32, #tpu.memory_space<vmem_shared>>
    tpu.enqueue_dma source(%arg11 : memref<16x128xf32, #tpu.memory_space<vmem>>) target(%dma_start3A_1347 : memref<16x128xf32, #tpu.memory_space<vmem_shared>>) target_semaphore(%arg16 : memref<!tpu.dma_semaphore, #tpu.memory_space<semaphore_mem>>)
    %mul3A_1348 = arith.constant 640 : i32
    %mul3A_1349 = arith.muli %arg1, %mul3A_1348 : i32
    %add3A_1350 = arith.constant 320 : i32
    %add3A_1351 = arith.addi %mul3A_1349, %add3A_1350 : i32
    %dma_wait3A_1352 = arith.constant 0 : i32
    %dma_wait3A_1353 = tpu.memref_slice %arg18[%add3A_1351, %dma_wait3A_1352] : memref<10240x128xf32, #tpu.memory_space<vmem_shared>> -> memref<16x128xf32, #tpu.memory_space<vmem_shared>>
    %dma_wait3A_1354 = arith.constant 0 : i32
    %dma_wait3A_1355 = tpu.memref_slice %arg18[%add3A_1351, %dma_wait3A_1354] : memref<10240x128xf32, #tpu.memory_space<vmem_shared>> -> memref<16x128xf32, #tpu.memory_space<vmem_shared>>
    tpu.wait_dma2 semaphore(%arg16 : memref<!tpu.dma_semaphore, #tpu.memory_space<semaphore_mem>>) src(%arg11 : memref<16x128xf32, #tpu.memory_space<vmem>>) dst(%dma_wait3A_1355 : memref<16x128xf32, #tpu.memory_space<vmem_shared>>)
    %mul3A_1356 = arith.constant 640 : i32
    %mul3A_1357 = arith.muli %arg1, %mul3A_1356 : i32
    %add3A_1358 = arith.constant 336 : i32
    %add3A_1359 = arith.addi %mul3A_1357, %add3A_1358 : i32
    %dma_wait3A_1360 = arith.constant 0 : i32
    %dma_wait3A_1361 = tpu.memref_slice %arg18[%add3A_1359, %dma_wait3A_1360] : memref<10240x128xf32, #tpu.memory_space<vmem_shared>> -> memref<16x128xf32, #tpu.memory_space<vmem_shared>>
    %dma_wait3A_1362 = arith.constant 0 : i32
    %dma_wait3A_1363 = tpu.memref_slice %arg18[%add3A_1359, %dma_wait3A_1362] : memref<10240x128xf32, #tpu.memory_space<vmem_shared>> -> memref<16x128xf32, #tpu.memory_space<vmem_shared>>
    tpu.wait_dma2 semaphore(%arg16 : memref<!tpu.dma_semaphore, #tpu.memory_space<semaphore_mem>>) src(%arg11 : memref<16x128xf32, #tpu.memory_space<vmem>>) dst(%dma_wait3A_1363 : memref<16x128xf32, #tpu.memory_space<vmem_shared>>)
    %mul3A_1364 = arith.constant 640 : i32
    %mul3A_1365 = arith.muli %arg1, %mul3A_1364 : i32
    %add3A_1366 = arith.constant 352 : i32
    %add3A_1367 = arith.addi %mul3A_1365, %add3A_1366 : i32
    %dma_wait3A_1368 = arith.constant 0 : i32
    %dma_wait3A_1369 = tpu.memref_slice %arg18[%add3A_1367, %dma_wait3A_1368] : memref<10240x128xf32, #tpu.memory_space<vmem_shared>> -> memref<16x128xf32, #tpu.memory_space<vmem_shared>>
    %dma_wait3A_1370 = arith.constant 0 : i32
    %dma_wait3A_1371 = tpu.memref_slice %arg18[%add3A_1367, %dma_wait3A_1370] : memref<10240x128xf32, #tpu.memory_space<vmem_shared>> -> memref<16x128xf32, #tpu.memory_space<vmem_shared>>
    tpu.wait_dma2 semaphore(%arg16 : memref<!tpu.dma_semaphore, #tpu.memory_space<semaphore_mem>>) src(%arg11 : memref<16x128xf32, #tpu.memory_space<vmem>>) dst(%dma_wait3A_1371 : memref<16x128xf32, #tpu.memory_space<vmem_shared>>)
    %mul3A_1372 = arith.constant 640 : i32
    %mul3A_1373 = arith.muli %arg1, %mul3A_1372 : i32
    %add3A_1374 = arith.constant 368 : i32
    %add3A_1375 = arith.addi %mul3A_1373, %add3A_1374 : i32
    %dma_wait3A_1376 = arith.constant 0 : i32
    %dma_wait3A_1377 = tpu.memref_slice %arg18[%add3A_1375, %dma_wait3A_1376] : memref<10240x128xf32, #tpu.memory_space<vmem_shared>> -> memref<16x128xf32, #tpu.memory_space<vmem_shared>>
    %dma_wait3A_1378 = arith.constant 0 : i32
    %dma_wait3A_1379 = tpu.memref_slice %arg18[%add3A_1375, %dma_wait3A_1378] : memref<10240x128xf32, #tpu.memory_space<vmem_shared>> -> memref<16x128xf32, #tpu.memory_space<vmem_shared>>
    tpu.wait_dma2 semaphore(%arg16 : memref<!tpu.dma_semaphore, #tpu.memory_space<semaphore_mem>>) src(%arg11 : memref<16x128xf32, #tpu.memory_space<vmem>>) dst(%dma_wait3A_1379 : memref<16x128xf32, #tpu.memory_space<vmem_shared>>)
    %mul3A_1380 = arith.constant 640 : i32
    %mul3A_1381 = arith.muli %arg1, %mul3A_1380 : i32
    %add3A_1382 = arith.constant 384 : i32
    %add3A_1383 = arith.addi %mul3A_1381, %add3A_1382 : i32
    %dma_wait3A_1384 = arith.constant 0 : i32
    %dma_wait3A_1385 = tpu.memref_slice %arg18[%add3A_1383, %dma_wait3A_1384] : memref<10240x128xf32, #tpu.memory_space<vmem_shared>> -> memref<16x128xf32, #tpu.memory_space<vmem_shared>>
    %dma_wait3A_1386 = arith.constant 0 : i32
    %dma_wait3A_1387 = tpu.memref_slice %arg18[%add3A_1383, %dma_wait3A_1386] : memref<10240x128xf32, #tpu.memory_space<vmem_shared>> -> memref<16x128xf32, #tpu.memory_space<vmem_shared>>
    tpu.wait_dma2 semaphore(%arg16 : memref<!tpu.dma_semaphore, #tpu.memory_space<semaphore_mem>>) src(%arg11 : memref<16x128xf32, #tpu.memory_space<vmem>>) dst(%dma_wait3A_1387 : memref<16x128xf32, #tpu.memory_space<vmem_shared>>)
    %mul3A_1388 = arith.constant 640 : i32
    %mul3A_1389 = arith.muli %arg1, %mul3A_1388 : i32
    %add3A_1390 = arith.constant 400 : i32
    %add3A_1391 = arith.addi %mul3A_1389, %add3A_1390 : i32
    %dma_start3A_1392 = arith.constant 0 : i32
    %dma_start3A_1393 = tpu.memref_slice %arg18[%add3A_1391, %dma_start3A_1392] : memref<10240x128xf32, #tpu.memory_space<vmem_shared>> -> memref<16x128xf32, #tpu.memory_space<vmem_shared>>
    %dma_start3A_1394 = arith.constant 0 : i32
    %dma_start3A_1395 = tpu.memref_slice %arg18[%add3A_1391, %dma_start3A_1394] : memref<10240x128xf32, #tpu.memory_space<vmem_shared>> -> memref<16x128xf32, #tpu.memory_space<vmem_shared>>
    tpu.enqueue_dma source(%arg11 : memref<16x128xf32, #tpu.memory_space<vmem>>) target(%dma_start3A_1395 : memref<16x128xf32, #tpu.memory_space<vmem_shared>>) target_semaphore(%arg16 : memref<!tpu.dma_semaphore, #tpu.memory_space<semaphore_mem>>)
    %mul3A_1396 = arith.constant 640 : i32
    %mul3A_1397 = arith.muli %arg1, %mul3A_1396 : i32
    %add3A_1398 = arith.constant 416 : i32
    %add3A_1399 = arith.addi %mul3A_1397, %add3A_1398 : i32
    %dma_start3A_1400 = arith.constant 0 : i32
    %dma_start3A_1401 = tpu.memref_slice %arg18[%add3A_1399, %dma_start3A_1400] : memref<10240x128xf32, #tpu.memory_space<vmem_shared>> -> memref<16x128xf32, #tpu.memory_space<vmem_shared>>
    %dma_start3A_1402 = arith.constant 0 : i32
    %dma_start3A_1403 = tpu.memref_slice %arg18[%add3A_1399, %dma_start3A_1402] : memref<10240x128xf32, #tpu.memory_space<vmem_shared>> -> memref<16x128xf32, #tpu.memory_space<vmem_shared>>
    tpu.enqueue_dma source(%arg11 : memref<16x128xf32, #tpu.memory_space<vmem>>) target(%dma_start3A_1403 : memref<16x128xf32, #tpu.memory_space<vmem_shared>>) target_semaphore(%arg16 : memref<!tpu.dma_semaphore, #tpu.memory_space<semaphore_mem>>)
    %mul3A_1404 = arith.constant 640 : i32
    %mul3A_1405 = arith.muli %arg1, %mul3A_1404 : i32
    %add3A_1406 = arith.constant 432 : i32
    %add3A_1407 = arith.addi %mul3A_1405, %add3A_1406 : i32
    %dma_start3A_1408 = arith.constant 0 : i32
    %dma_start3A_1409 = tpu.memref_slice %arg18[%add3A_1407, %dma_start3A_1408] : memref<10240x128xf32, #tpu.memory_space<vmem_shared>> -> memref<16x128xf32, #tpu.memory_space<vmem_shared>>
    %dma_start3A_1410 = arith.constant 0 : i32
    %dma_start3A_1411 = tpu.memref_slice %arg18[%add3A_1407, %dma_start3A_1410] : memref<10240x128xf32, #tpu.memory_space<vmem_shared>> -> memref<16x128xf32, #tpu.memory_space<vmem_shared>>
    tpu.enqueue_dma source(%arg11 : memref<16x128xf32, #tpu.memory_space<vmem>>) target(%dma_start3A_1411 : memref<16x128xf32, #tpu.memory_space<vmem_shared>>) target_semaphore(%arg16 : memref<!tpu.dma_semaphore, #tpu.memory_space<semaphore_mem>>)
    %mul3A_1412 = arith.constant 640 : i32
    %mul3A_1413 = arith.muli %arg1, %mul3A_1412 : i32
    %add3A_1414 = arith.constant 448 : i32
    %add3A_1415 = arith.addi %mul3A_1413, %add3A_1414 : i32
    %dma_start3A_1416 = arith.constant 0 : i32
    %dma_start3A_1417 = tpu.memref_slice %arg18[%add3A_1415, %dma_start3A_1416] : memref<10240x128xf32, #tpu.memory_space<vmem_shared>> -> memref<16x128xf32, #tpu.memory_space<vmem_shared>>
    %dma_start3A_1418 = arith.constant 0 : i32
    %dma_start3A_1419 = tpu.memref_slice %arg18[%add3A_1415, %dma_start3A_1418] : memref<10240x128xf32, #tpu.memory_space<vmem_shared>> -> memref<16x128xf32, #tpu.memory_space<vmem_shared>>
    tpu.enqueue_dma source(%arg11 : memref<16x128xf32, #tpu.memory_space<vmem>>) target(%dma_start3A_1419 : memref<16x128xf32, #tpu.memory_space<vmem_shared>>) target_semaphore(%arg16 : memref<!tpu.dma_semaphore, #tpu.memory_space<semaphore_mem>>)
    %mul3A_1420 = arith.constant 640 : i32
    %mul3A_1421 = arith.muli %arg1, %mul3A_1420 : i32
    %add3A_1422 = arith.constant 464 : i32
    %add3A_1423 = arith.addi %mul3A_1421, %add3A_1422 : i32
    %dma_start3A_1424 = arith.constant 0 : i32
    %dma_start3A_1425 = tpu.memref_slice %arg18[%add3A_1423, %dma_start3A_1424] : memref<10240x128xf32, #tpu.memory_space<vmem_shared>> -> memref<16x128xf32, #tpu.memory_space<vmem_shared>>
    %dma_start3A_1426 = arith.constant 0 : i32
    %dma_start3A_1427 = tpu.memref_slice %arg18[%add3A_1423, %dma_start3A_1426] : memref<10240x128xf32, #tpu.memory_space<vmem_shared>> -> memref<16x128xf32, #tpu.memory_space<vmem_shared>>
    tpu.enqueue_dma source(%arg11 : memref<16x128xf32, #tpu.memory_space<vmem>>) target(%dma_start3A_1427 : memref<16x128xf32, #tpu.memory_space<vmem_shared>>) target_semaphore(%arg16 : memref<!tpu.dma_semaphore, #tpu.memory_space<semaphore_mem>>)
    %mul3A_1428 = arith.constant 640 : i32
    %mul3A_1429 = arith.muli %arg1, %mul3A_1428 : i32
    %add3A_1430 = arith.constant 400 : i32
    %add3A_1431 = arith.addi %mul3A_1429, %add3A_1430 : i32
    %dma_wait3A_1432 = arith.constant 0 : i32
    %dma_wait3A_1433 = tpu.memref_slice %arg18[%add3A_1431, %dma_wait3A_1432] : memref<10240x128xf32, #tpu.memory_space<vmem_shared>> -> memref<16x128xf32, #tpu.memory_space<vmem_shared>>
    %dma_wait3A_1434 = arith.constant 0 : i32
    %dma_wait3A_1435 = tpu.memref_slice %arg18[%add3A_1431, %dma_wait3A_1434] : memref<10240x128xf32, #tpu.memory_space<vmem_shared>> -> memref<16x128xf32, #tpu.memory_space<vmem_shared>>
    tpu.wait_dma2 semaphore(%arg16 : memref<!tpu.dma_semaphore, #tpu.memory_space<semaphore_mem>>) src(%arg11 : memref<16x128xf32, #tpu.memory_space<vmem>>) dst(%dma_wait3A_1435 : memref<16x128xf32, #tpu.memory_space<vmem_shared>>)
    %mul3A_1436 = arith.constant 640 : i32
    %mul3A_1437 = arith.muli %arg1, %mul3A_1436 : i32
    %add3A_1438 = arith.constant 416 : i32
    %add3A_1439 = arith.addi %mul3A_1437, %add3A_1438 : i32
    %dma_wait3A_1440 = arith.constant 0 : i32
    %dma_wait3A_1441 = tpu.memref_slice %arg18[%add3A_1439, %dma_wait3A_1440] : memref<10240x128xf32, #tpu.memory_space<vmem_shared>> -> memref<16x128xf32, #tpu.memory_space<vmem_shared>>
    %dma_wait3A_1442 = arith.constant 0 : i32
    %dma_wait3A_1443 = tpu.memref_slice %arg18[%add3A_1439, %dma_wait3A_1442] : memref<10240x128xf32, #tpu.memory_space<vmem_shared>> -> memref<16x128xf32, #tpu.memory_space<vmem_shared>>
    tpu.wait_dma2 semaphore(%arg16 : memref<!tpu.dma_semaphore, #tpu.memory_space<semaphore_mem>>) src(%arg11 : memref<16x128xf32, #tpu.memory_space<vmem>>) dst(%dma_wait3A_1443 : memref<16x128xf32, #tpu.memory_space<vmem_shared>>)
    %mul3A_1444 = arith.constant 640 : i32
    %mul3A_1445 = arith.muli %arg1, %mul3A_1444 : i32
    %add3A_1446 = arith.constant 432 : i32
    %add3A_1447 = arith.addi %mul3A_1445, %add3A_1446 : i32
    %dma_wait3A_1448 = arith.constant 0 : i32
    %dma_wait3A_1449 = tpu.memref_slice %arg18[%add3A_1447, %dma_wait3A_1448] : memref<10240x128xf32, #tpu.memory_space<vmem_shared>> -> memref<16x128xf32, #tpu.memory_space<vmem_shared>>
    %dma_wait3A_1450 = arith.constant 0 : i32
    %dma_wait3A_1451 = tpu.memref_slice %arg18[%add3A_1447, %dma_wait3A_1450] : memref<10240x128xf32, #tpu.memory_space<vmem_shared>> -> memref<16x128xf32, #tpu.memory_space<vmem_shared>>
    tpu.wait_dma2 semaphore(%arg16 : memref<!tpu.dma_semaphore, #tpu.memory_space<semaphore_mem>>) src(%arg11 : memref<16x128xf32, #tpu.memory_space<vmem>>) dst(%dma_wait3A_1451 : memref<16x128xf32, #tpu.memory_space<vmem_shared>>)
    %mul3A_1452 = arith.constant 640 : i32
    %mul3A_1453 = arith.muli %arg1, %mul3A_1452 : i32
    %add3A_1454 = arith.constant 448 : i32
    %add3A_1455 = arith.addi %mul3A_1453, %add3A_1454 : i32
    %dma_wait3A_1456 = arith.constant 0 : i32
    %dma_wait3A_1457 = tpu.memref_slice %arg18[%add3A_1455, %dma_wait3A_1456] : memref<10240x128xf32, #tpu.memory_space<vmem_shared>> -> memref<16x128xf32, #tpu.memory_space<vmem_shared>>
    %dma_wait3A_1458 = arith.constant 0 : i32
    %dma_wait3A_1459 = tpu.memref_slice %arg18[%add3A_1455, %dma_wait3A_1458] : memref<10240x128xf32, #tpu.memory_space<vmem_shared>> -> memref<16x128xf32, #tpu.memory_space<vmem_shared>>
    tpu.wait_dma2 semaphore(%arg16 : memref<!tpu.dma_semaphore, #tpu.memory_space<semaphore_mem>>) src(%arg11 : memref<16x128xf32, #tpu.memory_space<vmem>>) dst(%dma_wait3A_1459 : memref<16x128xf32, #tpu.memory_space<vmem_shared>>)
    %mul3A_1460 = arith.constant 640 : i32
    %mul3A_1461 = arith.muli %arg1, %mul3A_1460 : i32
    %add3A_1462 = arith.constant 464 : i32
    %add3A_1463 = arith.addi %mul3A_1461, %add3A_1462 : i32
    %dma_wait3A_1464 = arith.constant 0 : i32
    %dma_wait3A_1465 = tpu.memref_slice %arg18[%add3A_1463, %dma_wait3A_1464] : memref<10240x128xf32, #tpu.memory_space<vmem_shared>> -> memref<16x128xf32, #tpu.memory_space<vmem_shared>>
    %dma_wait3A_1466 = arith.constant 0 : i32
    %dma_wait3A_1467 = tpu.memref_slice %arg18[%add3A_1463, %dma_wait3A_1466] : memref<10240x128xf32, #tpu.memory_space<vmem_shared>> -> memref<16x128xf32, #tpu.memory_space<vmem_shared>>
    tpu.wait_dma2 semaphore(%arg16 : memref<!tpu.dma_semaphore, #tpu.memory_space<semaphore_mem>>) src(%arg11 : memref<16x128xf32, #tpu.memory_space<vmem>>) dst(%dma_wait3A_1467 : memref<16x128xf32, #tpu.memory_space<vmem_shared>>)
    %mul3A_1468 = arith.constant 640 : i32
    %mul3A_1469 = arith.muli %arg1, %mul3A_1468 : i32
    %add3A_1470 = arith.constant 480 : i32
    %add3A_1471 = arith.addi %mul3A_1469, %add3A_1470 : i32
    %dma_start3A_1472 = arith.constant 0 : i32
    %dma_start3A_1473 = tpu.memref_slice %arg18[%add3A_1471, %dma_start3A_1472] : memref<10240x128xf32, #tpu.memory_space<vmem_shared>> -> memref<16x128xf32, #tpu.memory_space<vmem_shared>>
    %dma_start3A_1474 = arith.constant 0 : i32
    %dma_start3A_1475 = tpu.memref_slice %arg18[%add3A_1471, %dma_start3A_1474] : memref<10240x128xf32, #tpu.memory_space<vmem_shared>> -> memref<16x128xf32, #tpu.memory_space<vmem_shared>>
    tpu.enqueue_dma source(%arg11 : memref<16x128xf32, #tpu.memory_space<vmem>>) target(%dma_start3A_1475 : memref<16x128xf32, #tpu.memory_space<vmem_shared>>) target_semaphore(%arg16 : memref<!tpu.dma_semaphore, #tpu.memory_space<semaphore_mem>>)
    %mul3A_1476 = arith.constant 640 : i32
    %mul3A_1477 = arith.muli %arg1, %mul3A_1476 : i32
    %add3A_1478 = arith.constant 496 : i32
    %add3A_1479 = arith.addi %mul3A_1477, %add3A_1478 : i32
    %dma_start3A_1480 = arith.constant 0 : i32
    %dma_start3A_1481 = tpu.memref_slice %arg18[%add3A_1479, %dma_start3A_1480] : memref<10240x128xf32, #tpu.memory_space<vmem_shared>> -> memref<16x128xf32, #tpu.memory_space<vmem_shared>>
    %dma_start3A_1482 = arith.constant 0 : i32
    %dma_start3A_1483 = tpu.memref_slice %arg18[%add3A_1479, %dma_start3A_1482] : memref<10240x128xf32, #tpu.memory_space<vmem_shared>> -> memref<16x128xf32, #tpu.memory_space<vmem_shared>>
    tpu.enqueue_dma source(%arg11 : memref<16x128xf32, #tpu.memory_space<vmem>>) target(%dma_start3A_1483 : memref<16x128xf32, #tpu.memory_space<vmem_shared>>) target_semaphore(%arg16 : memref<!tpu.dma_semaphore, #tpu.memory_space<semaphore_mem>>)
    %mul3A_1484 = arith.constant 640 : i32
    %mul3A_1485 = arith.muli %arg1, %mul3A_1484 : i32
    %add3A_1486 = arith.constant 512 : i32
    %add3A_1487 = arith.addi %mul3A_1485, %add3A_1486 : i32
    %dma_start3A_1488 = arith.constant 0 : i32
    %dma_start3A_1489 = tpu.memref_slice %arg18[%add3A_1487, %dma_start3A_1488] : memref<10240x128xf32, #tpu.memory_space<vmem_shared>> -> memref<16x128xf32, #tpu.memory_space<vmem_shared>>
    %dma_start3A_1490 = arith.constant 0 : i32
    %dma_start3A_1491 = tpu.memref_slice %arg18[%add3A_1487, %dma_start3A_1490] : memref<10240x128xf32, #tpu.memory_space<vmem_shared>> -> memref<16x128xf32, #tpu.memory_space<vmem_shared>>
    tpu.enqueue_dma source(%arg11 : memref<16x128xf32, #tpu.memory_space<vmem>>) target(%dma_start3A_1491 : memref<16x128xf32, #tpu.memory_space<vmem_shared>>) target_semaphore(%arg16 : memref<!tpu.dma_semaphore, #tpu.memory_space<semaphore_mem>>)
    %mul3A_1492 = arith.constant 640 : i32
    %mul3A_1493 = arith.muli %arg1, %mul3A_1492 : i32
    %add3A_1494 = arith.constant 528 : i32
    %add3A_1495 = arith.addi %mul3A_1493, %add3A_1494 : i32
    %dma_start3A_1496 = arith.constant 0 : i32
    %dma_start3A_1497 = tpu.memref_slice %arg18[%add3A_1495, %dma_start3A_1496] : memref<10240x128xf32, #tpu.memory_space<vmem_shared>> -> memref<16x128xf32, #tpu.memory_space<vmem_shared>>
    %dma_start3A_1498 = arith.constant 0 : i32
    %dma_start3A_1499 = tpu.memref_slice %arg18[%add3A_1495, %dma_start3A_1498] : memref<10240x128xf32, #tpu.memory_space<vmem_shared>> -> memref<16x128xf32, #tpu.memory_space<vmem_shared>>
    tpu.enqueue_dma source(%arg11 : memref<16x128xf32, #tpu.memory_space<vmem>>) target(%dma_start3A_1499 : memref<16x128xf32, #tpu.memory_space<vmem_shared>>) target_semaphore(%arg16 : memref<!tpu.dma_semaphore, #tpu.memory_space<semaphore_mem>>)
    %mul3A_1500 = arith.constant 640 : i32
    %mul3A_1501 = arith.muli %arg1, %mul3A_1500 : i32
    %add3A_1502 = arith.constant 544 : i32
    %add3A_1503 = arith.addi %mul3A_1501, %add3A_1502 : i32
    %dma_start3A_1504 = arith.constant 0 : i32
    %dma_start3A_1505 = tpu.memref_slice %arg18[%add3A_1503, %dma_start3A_1504] : memref<10240x128xf32, #tpu.memory_space<vmem_shared>> -> memref<16x128xf32, #tpu.memory_space<vmem_shared>>
    %dma_start3A_1506 = arith.constant 0 : i32
    %dma_start3A_1507 = tpu.memref_slice %arg18[%add3A_1503, %dma_start3A_1506] : memref<10240x128xf32, #tpu.memory_space<vmem_shared>> -> memref<16x128xf32, #tpu.memory_space<vmem_shared>>
    tpu.enqueue_dma source(%arg11 : memref<16x128xf32, #tpu.memory_space<vmem>>) target(%dma_start3A_1507 : memref<16x128xf32, #tpu.memory_space<vmem_shared>>) target_semaphore(%arg16 : memref<!tpu.dma_semaphore, #tpu.memory_space<semaphore_mem>>)
    %mul3A_1508 = arith.constant 640 : i32
    %mul3A_1509 = arith.muli %arg1, %mul3A_1508 : i32
    %add3A_1510 = arith.constant 480 : i32
    %add3A_1511 = arith.addi %mul3A_1509, %add3A_1510 : i32
    %dma_wait3A_1512 = arith.constant 0 : i32
    %dma_wait3A_1513 = tpu.memref_slice %arg18[%add3A_1511, %dma_wait3A_1512] : memref<10240x128xf32, #tpu.memory_space<vmem_shared>> -> memref<16x128xf32, #tpu.memory_space<vmem_shared>>
    %dma_wait3A_1514 = arith.constant 0 : i32
    %dma_wait3A_1515 = tpu.memref_slice %arg18[%add3A_1511, %dma_wait3A_1514] : memref<10240x128xf32, #tpu.memory_space<vmem_shared>> -> memref<16x128xf32, #tpu.memory_space<vmem_shared>>
    tpu.wait_dma2 semaphore(%arg16 : memref<!tpu.dma_semaphore, #tpu.memory_space<semaphore_mem>>) src(%arg11 : memref<16x128xf32, #tpu.memory_space<vmem>>) dst(%dma_wait3A_1515 : memref<16x128xf32, #tpu.memory_space<vmem_shared>>)
    %mul3A_1516 = arith.constant 640 : i32
    %mul3A_1517 = arith.muli %arg1, %mul3A_1516 : i32
    %add3A_1518 = arith.constant 496 : i32
    %add3A_1519 = arith.addi %mul3A_1517, %add3A_1518 : i32
    %dma_wait3A_1520 = arith.constant 0 : i32
    %dma_wait3A_1521 = tpu.memref_slice %arg18[%add3A_1519, %dma_wait3A_1520] : memref<10240x128xf32, #tpu.memory_space<vmem_shared>> -> memref<16x128xf32, #tpu.memory_space<vmem_shared>>
    %dma_wait3A_1522 = arith.constant 0 : i32
    %dma_wait3A_1523 = tpu.memref_slice %arg18[%add3A_1519, %dma_wait3A_1522] : memref<10240x128xf32, #tpu.memory_space<vmem_shared>> -> memref<16x128xf32, #tpu.memory_space<vmem_shared>>
    tpu.wait_dma2 semaphore(%arg16 : memref<!tpu.dma_semaphore, #tpu.memory_space<semaphore_mem>>) src(%arg11 : memref<16x128xf32, #tpu.memory_space<vmem>>) dst(%dma_wait3A_1523 : memref<16x128xf32, #tpu.memory_space<vmem_shared>>)
    %mul3A_1524 = arith.constant 640 : i32
    %mul3A_1525 = arith.muli %arg1, %mul3A_1524 : i32
    %add3A_1526 = arith.constant 512 : i32
    %add3A_1527 = arith.addi %mul3A_1525, %add3A_1526 : i32
    %dma_wait3A_1528 = arith.constant 0 : i32
    %dma_wait3A_1529 = tpu.memref_slice %arg18[%add3A_1527, %dma_wait3A_1528] : memref<10240x128xf32, #tpu.memory_space<vmem_shared>> -> memref<16x128xf32, #tpu.memory_space<vmem_shared>>
    %dma_wait3A_1530 = arith.constant 0 : i32
    %dma_wait3A_1531 = tpu.memref_slice %arg18[%add3A_1527, %dma_wait3A_1530] : memref<10240x128xf32, #tpu.memory_space<vmem_shared>> -> memref<16x128xf32, #tpu.memory_space<vmem_shared>>
    tpu.wait_dma2 semaphore(%arg16 : memref<!tpu.dma_semaphore, #tpu.memory_space<semaphore_mem>>) src(%arg11 : memref<16x128xf32, #tpu.memory_space<vmem>>) dst(%dma_wait3A_1531 : memref<16x128xf32, #tpu.memory_space<vmem_shared>>)
    %mul3A_1532 = arith.constant 640 : i32
    %mul3A_1533 = arith.muli %arg1, %mul3A_1532 : i32
    %add3A_1534 = arith.constant 528 : i32
    %add3A_1535 = arith.addi %mul3A_1533, %add3A_1534 : i32
    %dma_wait3A_1536 = arith.constant 0 : i32
    %dma_wait3A_1537 = tpu.memref_slice %arg18[%add3A_1535, %dma_wait3A_1536] : memref<10240x128xf32, #tpu.memory_space<vmem_shared>> -> memref<16x128xf32, #tpu.memory_space<vmem_shared>>
    %dma_wait3A_1538 = arith.constant 0 : i32
    %dma_wait3A_1539 = tpu.memref_slice %arg18[%add3A_1535, %dma_wait3A_1538] : memref<10240x128xf32, #tpu.memory_space<vmem_shared>> -> memref<16x128xf32, #tpu.memory_space<vmem_shared>>
    tpu.wait_dma2 semaphore(%arg16 : memref<!tpu.dma_semaphore, #tpu.memory_space<semaphore_mem>>) src(%arg11 : memref<16x128xf32, #tpu.memory_space<vmem>>) dst(%dma_wait3A_1539 : memref<16x128xf32, #tpu.memory_space<vmem_shared>>)
    %mul3A_1540 = arith.constant 640 : i32
    %mul3A_1541 = arith.muli %arg1, %mul3A_1540 : i32
    %add3A_1542 = arith.constant 544 : i32
    %add3A_1543 = arith.addi %mul3A_1541, %add3A_1542 : i32
    %dma_wait3A_1544 = arith.constant 0 : i32
    %dma_wait3A_1545 = tpu.memref_slice %arg18[%add3A_1543, %dma_wait3A_1544] : memref<10240x128xf32, #tpu.memory_space<vmem_shared>> -> memref<16x128xf32, #tpu.memory_space<vmem_shared>>
    %dma_wait3A_1546 = arith.constant 0 : i32
    %dma_wait3A_1547 = tpu.memref_slice %arg18[%add3A_1543, %dma_wait3A_1546] : memref<10240x128xf32, #tpu.memory_space<vmem_shared>> -> memref<16x128xf32, #tpu.memory_space<vmem_shared>>
    tpu.wait_dma2 semaphore(%arg16 : memref<!tpu.dma_semaphore, #tpu.memory_space<semaphore_mem>>) src(%arg11 : memref<16x128xf32, #tpu.memory_space<vmem>>) dst(%dma_wait3A_1547 : memref<16x128xf32, #tpu.memory_space<vmem_shared>>)
    %mul3A_1548 = arith.constant 640 : i32
    %mul3A_1549 = arith.muli %arg1, %mul3A_1548 : i32
    %add3A_1550 = arith.constant 560 : i32
    %add3A_1551 = arith.addi %mul3A_1549, %add3A_1550 : i32
    %dma_start3A_1552 = arith.constant 0 : i32
    %dma_start3A_1553 = tpu.memref_slice %arg18[%add3A_1551, %dma_start3A_1552] : memref<10240x128xf32, #tpu.memory_space<vmem_shared>> -> memref<16x128xf32, #tpu.memory_space<vmem_shared>>
    %dma_start3A_1554 = arith.constant 0 : i32
    %dma_start3A_1555 = tpu.memref_slice %arg18[%add3A_1551, %dma_start3A_1554] : memref<10240x128xf32, #tpu.memory_space<vmem_shared>> -> memref<16x128xf32, #tpu.memory_space<vmem_shared>>
    tpu.enqueue_dma source(%arg11 : memref<16x128xf32, #tpu.memory_space<vmem>>) target(%dma_start3A_1555 : memref<16x128xf32, #tpu.memory_space<vmem_shared>>) target_semaphore(%arg16 : memref<!tpu.dma_semaphore, #tpu.memory_space<semaphore_mem>>)
    %mul3A_1556 = arith.constant 640 : i32
    %mul3A_1557 = arith.muli %arg1, %mul3A_1556 : i32
    %add3A_1558 = arith.constant 576 : i32
    %add3A_1559 = arith.addi %mul3A_1557, %add3A_1558 : i32
    %dma_start3A_1560 = arith.constant 0 : i32
    %dma_start3A_1561 = tpu.memref_slice %arg18[%add3A_1559, %dma_start3A_1560] : memref<10240x128xf32, #tpu.memory_space<vmem_shared>> -> memref<16x128xf32, #tpu.memory_space<vmem_shared>>
    %dma_start3A_1562 = arith.constant 0 : i32
    %dma_start3A_1563 = tpu.memref_slice %arg18[%add3A_1559, %dma_start3A_1562] : memref<10240x128xf32, #tpu.memory_space<vmem_shared>> -> memref<16x128xf32, #tpu.memory_space<vmem_shared>>
    tpu.enqueue_dma source(%arg11 : memref<16x128xf32, #tpu.memory_space<vmem>>) target(%dma_start3A_1563 : memref<16x128xf32, #tpu.memory_space<vmem_shared>>) target_semaphore(%arg16 : memref<!tpu.dma_semaphore, #tpu.memory_space<semaphore_mem>>)
    %mul3A_1564 = arith.constant 640 : i32
    %mul3A_1565 = arith.muli %arg1, %mul3A_1564 : i32
    %add3A_1566 = arith.constant 592 : i32
    %add3A_1567 = arith.addi %mul3A_1565, %add3A_1566 : i32
    %dma_start3A_1568 = arith.constant 0 : i32
    %dma_start3A_1569 = tpu.memref_slice %arg18[%add3A_1567, %dma_start3A_1568] : memref<10240x128xf32, #tpu.memory_space<vmem_shared>> -> memref<16x128xf32, #tpu.memory_space<vmem_shared>>
    %dma_start3A_1570 = arith.constant 0 : i32
    %dma_start3A_1571 = tpu.memref_slice %arg18[%add3A_1567, %dma_start3A_1570] : memref<10240x128xf32, #tpu.memory_space<vmem_shared>> -> memref<16x128xf32, #tpu.memory_space<vmem_shared>>
    tpu.enqueue_dma source(%arg11 : memref<16x128xf32, #tpu.memory_space<vmem>>) target(%dma_start3A_1571 : memref<16x128xf32, #tpu.memory_space<vmem_shared>>) target_semaphore(%arg16 : memref<!tpu.dma_semaphore, #tpu.memory_space<semaphore_mem>>)
    %mul3A_1572 = arith.constant 640 : i32
    %mul3A_1573 = arith.muli %arg1, %mul3A_1572 : i32
    %add3A_1574 = arith.constant 608 : i32
    %add3A_1575 = arith.addi %mul3A_1573, %add3A_1574 : i32
    %dma_start3A_1576 = arith.constant 0 : i32
    %dma_start3A_1577 = tpu.memref_slice %arg18[%add3A_1575, %dma_start3A_1576] : memref<10240x128xf32, #tpu.memory_space<vmem_shared>> -> memref<16x128xf32, #tpu.memory_space<vmem_shared>>
    %dma_start3A_1578 = arith.constant 0 : i32
    %dma_start3A_1579 = tpu.memref_slice %arg18[%add3A_1575, %dma_start3A_1578] : memref<10240x128xf32, #tpu.memory_space<vmem_shared>> -> memref<16x128xf32, #tpu.memory_space<vmem_shared>>
    tpu.enqueue_dma source(%arg11 : memref<16x128xf32, #tpu.memory_space<vmem>>) target(%dma_start3A_1579 : memref<16x128xf32, #tpu.memory_space<vmem_shared>>) target_semaphore(%arg16 : memref<!tpu.dma_semaphore, #tpu.memory_space<semaphore_mem>>)
    %mul3A_1580 = arith.constant 640 : i32
    %mul3A_1581 = arith.muli %arg1, %mul3A_1580 : i32
    %add3A_1582 = arith.constant 624 : i32
    %add3A_1583 = arith.addi %mul3A_1581, %add3A_1582 : i32
    %dma_start3A_1584 = arith.constant 0 : i32
    %dma_start3A_1585 = tpu.memref_slice %arg18[%add3A_1583, %dma_start3A_1584] : memref<10240x128xf32, #tpu.memory_space<vmem_shared>> -> memref<16x128xf32, #tpu.memory_space<vmem_shared>>
    %dma_start3A_1586 = arith.constant 0 : i32
    %dma_start3A_1587 = tpu.memref_slice %arg18[%add3A_1583, %dma_start3A_1586] : memref<10240x128xf32, #tpu.memory_space<vmem_shared>> -> memref<16x128xf32, #tpu.memory_space<vmem_shared>>
    tpu.enqueue_dma source(%arg11 : memref<16x128xf32, #tpu.memory_space<vmem>>) target(%dma_start3A_1587 : memref<16x128xf32, #tpu.memory_space<vmem_shared>>) target_semaphore(%arg16 : memref<!tpu.dma_semaphore, #tpu.memory_space<semaphore_mem>>)
    %mul3A_1588 = arith.constant 640 : i32
    %mul3A_1589 = arith.muli %arg1, %mul3A_1588 : i32
    %add3A_1590 = arith.constant 560 : i32
    %add3A_1591 = arith.addi %mul3A_1589, %add3A_1590 : i32
    %dma_wait3A_1592 = arith.constant 0 : i32
    %dma_wait3A_1593 = tpu.memref_slice %arg18[%add3A_1591, %dma_wait3A_1592] : memref<10240x128xf32, #tpu.memory_space<vmem_shared>> -> memref<16x128xf32, #tpu.memory_space<vmem_shared>>
    %dma_wait3A_1594 = arith.constant 0 : i32
    %dma_wait3A_1595 = tpu.memref_slice %arg18[%add3A_1591, %dma_wait3A_1594] : memref<10240x128xf32, #tpu.memory_space<vmem_shared>> -> memref<16x128xf32, #tpu.memory_space<vmem_shared>>
    tpu.wait_dma2 semaphore(%arg16 : memref<!tpu.dma_semaphore, #tpu.memory_space<semaphore_mem>>) src(%arg11 : memref<16x128xf32, #tpu.memory_space<vmem>>) dst(%dma_wait3A_1595 : memref<16x128xf32, #tpu.memory_space<vmem_shared>>)
    %mul3A_1596 = arith.constant 640 : i32
    %mul3A_1597 = arith.muli %arg1, %mul3A_1596 : i32
    %add3A_1598 = arith.constant 576 : i32
    %add3A_1599 = arith.addi %mul3A_1597, %add3A_1598 : i32
    %dma_wait3A_1600 = arith.constant 0 : i32
    %dma_wait3A_1601 = tpu.memref_slice %arg18[%add3A_1599, %dma_wait3A_1600] : memref<10240x128xf32, #tpu.memory_space<vmem_shared>> -> memref<16x128xf32, #tpu.memory_space<vmem_shared>>
    %dma_wait3A_1602 = arith.constant 0 : i32
    %dma_wait3A_1603 = tpu.memref_slice %arg18[%add3A_1599, %dma_wait3A_1602] : memref<10240x128xf32, #tpu.memory_space<vmem_shared>> -> memref<16x128xf32, #tpu.memory_space<vmem_shared>>
    tpu.wait_dma2 semaphore(%arg16 : memref<!tpu.dma_semaphore, #tpu.memory_space<semaphore_mem>>) src(%arg11 : memref<16x128xf32, #tpu.memory_space<vmem>>) dst(%dma_wait3A_1603 : memref<16x128xf32, #tpu.memory_space<vmem_shared>>)
    %mul3A_1604 = arith.constant 640 : i32
    %mul3A_1605 = arith.muli %arg1, %mul3A_1604 : i32
    %add3A_1606 = arith.constant 592 : i32
    %add3A_1607 = arith.addi %mul3A_1605, %add3A_1606 : i32
    %dma_wait3A_1608 = arith.constant 0 : i32
    %dma_wait3A_1609 = tpu.memref_slice %arg18[%add3A_1607, %dma_wait3A_1608] : memref<10240x128xf32, #tpu.memory_space<vmem_shared>> -> memref<16x128xf32, #tpu.memory_space<vmem_shared>>
    %dma_wait3A_1610 = arith.constant 0 : i32
    %dma_wait3A_1611 = tpu.memref_slice %arg18[%add3A_1607, %dma_wait3A_1610] : memref<10240x128xf32, #tpu.memory_space<vmem_shared>> -> memref<16x128xf32, #tpu.memory_space<vmem_shared>>
    tpu.wait_dma2 semaphore(%arg16 : memref<!tpu.dma_semaphore, #tpu.memory_space<semaphore_mem>>) src(%arg11 : memref<16x128xf32, #tpu.memory_space<vmem>>) dst(%dma_wait3A_1611 : memref<16x128xf32, #tpu.memory_space<vmem_shared>>)
    %mul3A_1612 = arith.constant 640 : i32
    %mul3A_1613 = arith.muli %arg1, %mul3A_1612 : i32
    %add3A_1614 = arith.constant 608 : i32
    %add3A_1615 = arith.addi %mul3A_1613, %add3A_1614 : i32
    %dma_wait3A_1616 = arith.constant 0 : i32
    %dma_wait3A_1617 = tpu.memref_slice %arg18[%add3A_1615, %dma_wait3A_1616] : memref<10240x128xf32, #tpu.memory_space<vmem_shared>> -> memref<16x128xf32, #tpu.memory_space<vmem_shared>>
    %dma_wait3A_1618 = arith.constant 0 : i32
    %dma_wait3A_1619 = tpu.memref_slice %arg18[%add3A_1615, %dma_wait3A_1618] : memref<10240x128xf32, #tpu.memory_space<vmem_shared>> -> memref<16x128xf32, #tpu.memory_space<vmem_shared>>
    tpu.wait_dma2 semaphore(%arg16 : memref<!tpu.dma_semaphore, #tpu.memory_space<semaphore_mem>>) src(%arg11 : memref<16x128xf32, #tpu.memory_space<vmem>>) dst(%dma_wait3A_1619 : memref<16x128xf32, #tpu.memory_space<vmem_shared>>)
    %mul3A_1620 = arith.constant 640 : i32
    %mul3A_1621 = arith.muli %arg1, %mul3A_1620 : i32
    %add3A_1622 = arith.constant 624 : i32
    %add3A_1623 = arith.addi %mul3A_1621, %add3A_1622 : i32
    %dma_wait3A_1624 = arith.constant 0 : i32
    %dma_wait3A_1625 = tpu.memref_slice %arg18[%add3A_1623, %dma_wait3A_1624] : memref<10240x128xf32, #tpu.memory_space<vmem_shared>> -> memref<16x128xf32, #tpu.memory_space<vmem_shared>>
    %dma_wait3A_1626 = arith.constant 0 : i32
    %dma_wait3A_1627 = tpu.memref_slice %arg18[%add3A_1623, %dma_wait3A_1626] : memref<10240x128xf32, #tpu.memory_space<vmem_shared>> -> memref<16x128xf32, #tpu.memory_space<vmem_shared>>
    tpu.wait_dma2 semaphore(%arg16 : memref<!tpu.dma_semaphore, #tpu.memory_space<semaphore_mem>>) src(%arg11 : memref<16x128xf32, #tpu.memory_space<vmem>>) dst(%dma_wait3A_1627 : memref<16x128xf32, #tpu.memory_space<vmem_shared>>)
    %mul3A_1628 = arith.constant 640 : i32
    %mul3A_1629 = arith.muli %arg1, %mul3A_1628 : i32
    "tpu.region"() ({
      %run_scoped3A = tpu.sem_alloc : memref<!tpu.dma_semaphore, #tpu.memory_space<semaphore_mem>>
      %dma_start3A_2607 = tpu.memref_slice %arg19[%mul3A_1629] : memref<10240xf32, #tpu.memory_space<vmem_shared>> -> memref<640xf32, #tpu.memory_space<vmem_shared>>
      %dma_start3A_2608 = tpu.memref_slice %arg19[%mul3A_1629] : memref<10240xf32, #tpu.memory_space<vmem_shared>> -> memref<640xf32, #tpu.memory_space<vmem_shared>>
      tpu.enqueue_dma source(%arg12 : memref<640xf32, #tpu.memory_space<vmem>>) target(%dma_start3A_2608 : memref<640xf32, #tpu.memory_space<vmem_shared>>) target_semaphore(%run_scoped3A : memref<!tpu.dma_semaphore, #tpu.memory_space<semaphore_mem>>)
      %dma_wait3A_2609 = tpu.memref_slice %arg19[%mul3A_1629] : memref<10240xf32, #tpu.memory_space<vmem_shared>> -> memref<640xf32, #tpu.memory_space<vmem_shared>>
      %dma_wait3A_2610 = tpu.memref_slice %arg19[%mul3A_1629] : memref<10240xf32, #tpu.memory_space<vmem_shared>> -> memref<640xf32, #tpu.memory_space<vmem_shared>>
      tpu.wait_dma2 semaphore(%run_scoped3A : memref<!tpu.dma_semaphore, #tpu.memory_space<semaphore_mem>>) src(%arg12 : memref<640xf32, #tpu.memory_space<vmem>>) dst(%dma_wait3A_2610 : memref<640xf32, #tpu.memory_space<vmem_shared>>)
      tpu.yield
    }) : () -> ()
    %barrier3A = arith.constant 0 : index
    tpu.barrier barrier_id(%barrier3A)
    %mul3A_1630 = arith.constant 80 : i32
    %mul3A_1631 = arith.muli %arg1, %mul3A_1630 : i32
    %add3A_1632 = arith.constant 0 : i32
    %add3A_1633 = arith.addi %mul3A_1631, %add3A_1632 : i32
    %dma_wait3A_1634 = arith.constant 0 : i32
    %dma_wait3A_1635 = arith.constant 0 : i32
    %dma_wait3A_1636 = arith.constant 0 : i32
    %dma_wait3A_1637 = tpu.memref_slice %arg7[%dma_wait3A_1634, %dma_wait3A_1635, %dma_wait3A_1636] : memref<2x8x128xi32, #tpu.memory_space<vmem>> -> memref<1x8x128xi32, #tpu.memory_space<vmem>>
    %dma_wait3A_1638 = tpu.memref_squeeze %dma_wait3A_1637 : memref<1x8x128xi32, #tpu.memory_space<vmem>> -> memref<8x128xi32, #tpu.memory_space<vmem>>
    %dma_wait3A_1639 = arith.constant 0 : i32
    %dma_wait3A_1640 = tpu.memref_slice %arg3[%add3A_1633, %dma_wait3A_1639] : memref<1280x128xi32, #tpu.memory_space<hbm>> -> memref<8x128xi32, #tpu.memory_space<hbm>>
    %dma_wait3A_1641 = arith.constant 0 : i32
    %dma_wait3A_1642 = arith.constant 0 : i32
    %dma_wait3A_1643 = tpu.memref_slice %arg7[%dma_wait3A_1634, %dma_wait3A_1641, %dma_wait3A_1642] : memref<2x8x128xi32, #tpu.memory_space<vmem>> -> memref<1x8x128xi32, #tpu.memory_space<vmem>>
    %dma_wait3A_1644 = tpu.memref_squeeze %dma_wait3A_1643 : memref<1x8x128xi32, #tpu.memory_space<vmem>> -> memref<8x128xi32, #tpu.memory_space<vmem>>
    %dma_wait3A_1645 = arith.constant 0 : i32
    %dma_wait3A_1646 = tpu.memref_slice %arg3[%add3A_1633, %dma_wait3A_1645] : memref<1280x128xi32, #tpu.memory_space<hbm>> -> memref<8x128xi32, #tpu.memory_space<hbm>>
    tpu.wait_dma2 semaphore(%arg14 : memref<!tpu.dma_semaphore, #tpu.memory_space<semaphore_mem>>) src(%dma_wait3A_1646 : memref<8x128xi32, #tpu.memory_space<hbm>>) dst(%dma_wait3A_1644 : memref<8x128xi32, #tpu.memory_space<vmem>>)
    %dma_wait3A_1647 = arith.constant 0 : i32
    %dma_wait3A_1648 = arith.constant 0 : i32
    %dma_wait3A_1649 = arith.constant 0 : i32
    %dma_wait3A_1650 = tpu.memref_slice %arg8[%dma_wait3A_1647, %dma_wait3A_1648, %dma_wait3A_1649] : memref<2x8x128xi32, #tpu.memory_space<vmem>> -> memref<1x8x128xi32, #tpu.memory_space<vmem>>
    %dma_wait3A_1651 = tpu.memref_squeeze %dma_wait3A_1650 : memref<1x8x128xi32, #tpu.memory_space<vmem>> -> memref<8x128xi32, #tpu.memory_space<vmem>>
    %dma_wait3A_1652 = arith.constant 0 : i32
    %dma_wait3A_1653 = tpu.memref_slice %arg4[%add3A_1633, %dma_wait3A_1652] : memref<1280x128xi32, #tpu.memory_space<hbm>> -> memref<8x128xi32, #tpu.memory_space<hbm>>
    %dma_wait3A_1654 = arith.constant 0 : i32
    %dma_wait3A_1655 = arith.constant 0 : i32
    %dma_wait3A_1656 = tpu.memref_slice %arg8[%dma_wait3A_1647, %dma_wait3A_1654, %dma_wait3A_1655] : memref<2x8x128xi32, #tpu.memory_space<vmem>> -> memref<1x8x128xi32, #tpu.memory_space<vmem>>
    %dma_wait3A_1657 = tpu.memref_squeeze %dma_wait3A_1656 : memref<1x8x128xi32, #tpu.memory_space<vmem>> -> memref<8x128xi32, #tpu.memory_space<vmem>>
    %dma_wait3A_1658 = arith.constant 0 : i32
    %dma_wait3A_1659 = tpu.memref_slice %arg4[%add3A_1633, %dma_wait3A_1658] : memref<1280x128xi32, #tpu.memory_space<hbm>> -> memref<8x128xi32, #tpu.memory_space<hbm>>
    tpu.wait_dma2 semaphore(%arg14 : memref<!tpu.dma_semaphore, #tpu.memory_space<semaphore_mem>>) src(%dma_wait3A_1659 : memref<8x128xi32, #tpu.memory_space<hbm>>) dst(%dma_wait3A_1657 : memref<8x128xi32, #tpu.memory_space<vmem>>)
    %mul3A_1660 = arith.constant 80 : i32
    %mul3A_1661 = arith.muli %arg1, %mul3A_1660 : i32
    %add3A_1662 = arith.constant 8 : i32
    %add3A_1663 = arith.addi %mul3A_1661, %add3A_1662 : i32
    %dma_start3A_1664 = arith.constant 1 : i32
    %dma_start3A_1665 = arith.constant 0 : i32
    %dma_start3A_1666 = arith.constant 0 : i32
    %dma_start3A_1667 = tpu.memref_slice %arg7[%dma_start3A_1664, %dma_start3A_1665, %dma_start3A_1666] : memref<2x8x128xi32, #tpu.memory_space<vmem>> -> memref<1x8x128xi32, #tpu.memory_space<vmem>>
    %dma_start3A_1668 = tpu.memref_squeeze %dma_start3A_1667 : memref<1x8x128xi32, #tpu.memory_space<vmem>> -> memref<8x128xi32, #tpu.memory_space<vmem>>
    %dma_start3A_1669 = arith.constant 0 : i32
    %dma_start3A_1670 = tpu.memref_slice %arg3[%add3A_1663, %dma_start3A_1669] : memref<1280x128xi32, #tpu.memory_space<hbm>> -> memref<8x128xi32, #tpu.memory_space<hbm>>
    %dma_start3A_1671 = arith.constant 0 : i32
    %dma_start3A_1672 = arith.constant 0 : i32
    %dma_start3A_1673 = tpu.memref_slice %arg7[%dma_start3A_1664, %dma_start3A_1671, %dma_start3A_1672] : memref<2x8x128xi32, #tpu.memory_space<vmem>> -> memref<1x8x128xi32, #tpu.memory_space<vmem>>
    %dma_start3A_1674 = tpu.memref_squeeze %dma_start3A_1673 : memref<1x8x128xi32, #tpu.memory_space<vmem>> -> memref<8x128xi32, #tpu.memory_space<vmem>>
    %dma_start3A_1675 = arith.constant 0 : i32
    %dma_start3A_1676 = tpu.memref_slice %arg3[%add3A_1663, %dma_start3A_1675] : memref<1280x128xi32, #tpu.memory_space<hbm>> -> memref<8x128xi32, #tpu.memory_space<hbm>>
    tpu.enqueue_dma source(%dma_start3A_1676 : memref<8x128xi32, #tpu.memory_space<hbm>>) target(%dma_start3A_1674 : memref<8x128xi32, #tpu.memory_space<vmem>>) target_semaphore(%arg14 : memref<!tpu.dma_semaphore, #tpu.memory_space<semaphore_mem>>)
    %dma_start3A_1677 = arith.constant 1 : i32
    %dma_start3A_1678 = arith.constant 0 : i32
    %dma_start3A_1679 = arith.constant 0 : i32
    %dma_start3A_1680 = tpu.memref_slice %arg8[%dma_start3A_1677, %dma_start3A_1678, %dma_start3A_1679] : memref<2x8x128xi32, #tpu.memory_space<vmem>> -> memref<1x8x128xi32, #tpu.memory_space<vmem>>
    %dma_start3A_1681 = tpu.memref_squeeze %dma_start3A_1680 : memref<1x8x128xi32, #tpu.memory_space<vmem>> -> memref<8x128xi32, #tpu.memory_space<vmem>>
    %dma_start3A_1682 = arith.constant 0 : i32
    %dma_start3A_1683 = tpu.memref_slice %arg4[%add3A_1663, %dma_start3A_1682] : memref<1280x128xi32, #tpu.memory_space<hbm>> -> memref<8x128xi32, #tpu.memory_space<hbm>>
    %dma_start3A_1684 = arith.constant 0 : i32
    %dma_start3A_1685 = arith.constant 0 : i32
    %dma_start3A_1686 = tpu.memref_slice %arg8[%dma_start3A_1677, %dma_start3A_1684, %dma_start3A_1685] : memref<2x8x128xi32, #tpu.memory_space<vmem>> -> memref<1x8x128xi32, #tpu.memory_space<vmem>>
    %dma_start3A_1687 = tpu.memref_squeeze %dma_start3A_1686 : memref<1x8x128xi32, #tpu.memory_space<vmem>> -> memref<8x128xi32, #tpu.memory_space<vmem>>
    %dma_start3A_1688 = arith.constant 0 : i32
    %dma_start3A_1689 = tpu.memref_slice %arg4[%add3A_1663, %dma_start3A_1688] : memref<1280x128xi32, #tpu.memory_space<hbm>> -> memref<8x128xi32, #tpu.memory_space<hbm>>
    tpu.enqueue_dma source(%dma_start3A_1689 : memref<8x128xi32, #tpu.memory_space<hbm>>) target(%dma_start3A_1687 : memref<8x128xi32, #tpu.memory_space<vmem>>) target_semaphore(%arg14 : memref<!tpu.dma_semaphore, #tpu.memory_space<semaphore_mem>>)
    %scan3A = arith.constant 0 : i32
    %scan3A_1690 = arith.constant 0 : i32
    %scan3A_1691 = arith.constant 64 : i32
    %scan3A_1692 = arith.addi %scan3A_1690, %scan3A_1691 : i32
    %scan3A_1693 = arith.constant 1 : i32
    scf.for %scan3A_2607 = %scan3A_1690 to %scan3A_1692 step %scan3A_1693  : i32 {
      %jit3A = arith.constant 8 : i32
      %div3A = arith.divsi %scan3A_2607, %jit3A : i32
      %sign3A = arith.constant 0 : i32
      %sign3A_2608 = arith.cmpi sgt, %scan3A_2607, %sign3A : i32
      %sign3A_2609 = arith.extui %sign3A_2608 : i1 to i32
      %sign3A_2610 = arith.constant 0 : i32
      %sign3A_2611 = arith.cmpi slt, %scan3A_2607, %sign3A_2610 : i32
      %sign3A_2612 = arith.extui %sign3A_2611 : i1 to i32
      %sign3A_2613 = arith.subi %sign3A_2609, %sign3A_2612 : i32
      %sign3A_2614 = arith.constant 0 : i32
      %sign3A_2615 = arith.cmpi sgt, %jit3A, %sign3A_2614 : i32
      %sign3A_2616 = arith.extui %sign3A_2615 : i1 to i32
      %sign3A_2617 = arith.constant 0 : i32
      %sign3A_2618 = arith.cmpi slt, %jit3A, %sign3A_2617 : i32
      %sign3A_2619 = arith.extui %sign3A_2618 : i1 to i32
      %sign3A_2620 = arith.subi %sign3A_2616, %sign3A_2619 : i32
      %ne3A = arith.cmpi ne, %sign3A_2613, %sign3A_2620 : i32
      %rem3A = arith.remsi %scan3A_2607, %jit3A : i32
      %ne3A_2621 = arith.constant 0 : i32
      %ne3A_2622 = arith.cmpi ne, %rem3A, %ne3A_2621 : i32
      %and3A = arith.andi %ne3A, %ne3A_2622 : i1
      %sub3A = arith.constant 1 : i32
      %sub3A_2623 = arith.subi %div3A, %sub3A : i32
      %select_n3A = arith.select %and3A, %sub3A_2623, %div3A : i32
      %jit3A_2624 = arith.constant 8 : i32
      %eq3A_2625 = arith.constant 0 : i32
      %eq3A_2626 = arith.cmpi eq, %jit3A_2624, %eq3A_2625 : i32
      %jit3A_2627 = arith.constant 1 : i32
      %select_n3A_2628 = arith.select %eq3A_2626, %jit3A_2627, %jit3A_2624 : i32
      %rem3A_2629 = arith.remsi %scan3A_2607, %select_n3A_2628 : i32
      %ne3A_2630 = arith.constant 0 : i32
      %ne3A_2631 = arith.cmpi ne, %rem3A_2629, %ne3A_2630 : i32
      %lt3A = arith.constant 0 : i32
      %lt3A_2632 = arith.cmpi slt, %rem3A_2629, %lt3A : i32
      %lt3A_2633 = arith.constant 0 : i32
      %lt3A_2634 = arith.cmpi slt, %select_n3A_2628, %lt3A_2633 : i32
      %ne3A_2635 = arith.xori %lt3A_2632, %lt3A_2634 : i1
      %and3A_2636 = arith.andi %ne3A_2635, %ne3A_2631 : i1
      %add3A_2637 = arith.addi %rem3A_2629, %select_n3A_2628 : i32
      %select_n3A_2638 = arith.select %and3A_2636, %add3A_2637, %rem3A_2629 : i32
      %mul3A_2639 = arith.constant 16 : i32
      %mul3A_2640 = arith.muli %select_n3A_2638, %mul3A_2639 : i32
      %get3A = arith.constant 0 : i32
      %get3A_2641 = arith.index_cast %get3A : i32 to index
      %get3A_2642 = arith.index_cast %select_n3A : i32 to index
      %get3A_2643 = arith.index_cast %mul3A_2640 : i32 to index
      %get3A_2644 = tpu.vector_load %arg7[%get3A_2641, %get3A_2642, %get3A_2643] {strides = array<i32>} : memref<2x8x128xi32, #tpu.memory_space<vmem>>, vector<1x1x16xi32>,
      %get3A_2645 = vector.shape_cast %get3A_2644 : vector<1x1x16xi32> to vector<16xi32>
      %mul3A_2646 = arith.constant 2 : i32
      %mul3A_2647 = vector.broadcast %mul3A_2646 : i32 to vector<16xi32>
      %mul3A_2648 = arith.muli %get3A_2645, %mul3A_2647 : vector<16xi32>
      %add3A_2649 = vector.broadcast %arg0 : i32 to vector<16xi32>
      %add3A_2650 = arith.addi %mul3A_2648, %add3A_2649 : vector<16xi32>
      %swap3A_2651 = arith.constant 0 : i32
      %swap3A_2652 = arith.index_cast %swap3A_2651 : i32 to index
      %swap3A_2653 = arith.index_cast %select_n3A : i32 to index
      %swap3A_2654 = arith.index_cast %mul3A_2640 : i32 to index
      %swap3A_2655 = tpu.vector_load %arg7[%swap3A_2652, %swap3A_2653, %swap3A_2654] {strides = array<i32>} : memref<2x8x128xi32, #tpu.memory_space<vmem>>, vector<1x1x16xi32>,
      %swap3A_2656 = vector.shape_cast %swap3A_2655 : vector<1x1x16xi32> to vector<16xi32>
      %swap3A_2657 = vector.shape_cast %add3A_2650 : vector<16xi32> to vector<1x1x16xi32>
      tpu.vector_store %arg7[%swap3A_2652, %swap3A_2653, %swap3A_2654], %swap3A_2657 {strides = array<i32>} : memref<2x8x128xi32, #tpu.memory_space<vmem>>, vector<1x1x16xi32>,
    }
    %scan3A_1694 = arith.constant 64 : i32
    %eq3A = arith.constant 0 : i32
    %eq3A_1695 = arith.cmpi eq, %arg0, %eq3A : i32
    %dma_start3A_1696 = arith.constant 0 : i32
    %dma_start3A_1697 = arith.constant 0 : i32
    %dma_start3A_1698 = arith.constant 0 : i32
    %dma_start3A_1699 = arith.constant 0 : i32
    %dma_start3A_1700 = arith.constant 0 : i32
    %dma_start3A_1701 = tpu.memref_slice %arg9[%dma_start3A_1698, %dma_start3A_1699, %dma_start3A_1700] : memref<2x128x128xf32, #tpu.memory_space<vmem>> -> memref<1x128x128xf32, #tpu.memory_space<vmem>>
    %dma_start3A_1702 = tpu.memref_squeeze %dma_start3A_1701 : memref<1x128x128xf32, #tpu.memory_space<vmem>> -> memref<128x128xf32, #tpu.memory_space<vmem>>
    %dma_start3A_1703 = arith.constant 0 : i32
    %dma_start3A_1704 = tpu.memref_slice %arg7[%dma_start3A_1696, %dma_start3A_1697, %dma_start3A_1703] : memref<2x8x128xi32, #tpu.memory_space<vmem>> -> memref<1x1x128xi32, #tpu.memory_space<vmem>>
    %dma_start3A_1705 = tpu.memref_squeeze %dma_start3A_1704 : memref<1x1x128xi32, #tpu.memory_space<vmem>> -> memref<128xi32, #tpu.memory_space<vmem>>
    %dma_start3A_1706 = arith.constant 0 : i32
    %dma_start3A_1707 = arith.constant 0 : i32
    %dma_start3A_1708 = tpu.memref_slice %arg2[%dma_start3A_1706, %dma_start3A_1707] : memref<20000x128xf32, #tpu.memory_space<hbm>> -> memref<20000x128xf32, #tpu.memory_space<hbm>>
    tpu.enqueue_indirect_dma source(%dma_start3A_1708 : memref<20000x128xf32, #tpu.memory_space<hbm>>) target(%dma_start3A_1702 : memref<128x128xf32, #tpu.memory_space<vmem>>) offsets(%dma_start3A_1705 : memref<128xi32, #tpu.memory_space<vmem>>) semaphore(%arg13 : memref<!tpu.dma_semaphore, #tpu.memory_space<semaphore_mem>>)
    %scan3A_1709 = arith.constant 0 : i32
    %scan3A_1710 = arith.constant 0 : i32
    %scan3A_1711 = arith.constant 8 : i32
    %scan3A_1712 = arith.addi %scan3A_1710, %scan3A_1711 : i32
    %scan3A_1713 = arith.constant 1 : i32
    scf.for %scan3A_2607 = %scan3A_1710 to %scan3A_1712 step %scan3A_1713  : i32 {
      %jit3A = arith.constant 2 : i32
      %eq3A_2608 = arith.constant 0 : i32
      %eq3A_2609 = arith.cmpi eq, %jit3A, %eq3A_2608 : i32
      %jit3A_2610 = arith.constant 1 : i32
      %select_n3A = arith.select %eq3A_2609, %jit3A_2610, %jit3A : i32
      %rem3A = arith.remsi %scan3A_2607, %select_n3A : i32
      %ne3A = arith.constant 0 : i32
      %ne3A_2611 = arith.cmpi ne, %rem3A, %ne3A : i32
      %lt3A = arith.constant 0 : i32
      %lt3A_2612 = arith.cmpi slt, %rem3A, %lt3A : i32
      %lt3A_2613 = arith.constant 0 : i32
      %lt3A_2614 = arith.cmpi slt, %select_n3A, %lt3A_2613 : i32
      %ne3A_2615 = arith.xori %lt3A_2612, %lt3A_2614 : i1
      %and3A = arith.andi %ne3A_2615, %ne3A_2611 : i1
      %add3A_2616 = arith.addi %rem3A, %select_n3A : i32
      %select_n3A_2617 = arith.select %and3A, %add3A_2616, %rem3A : i32
      %dma_wait3A_2618 = arith.constant 0 : i32
      %dma_wait3A_2619 = arith.constant 0 : i32
      %dma_wait3A_2620 = arith.constant 0 : i32
      %dma_wait3A_2621 = tpu.memref_slice %arg9[%select_n3A_2617, %dma_wait3A_2619, %dma_wait3A_2620] : memref<2x128x128xf32, #tpu.memory_space<vmem>> -> memref<1x128x128xf32, #tpu.memory_space<vmem>>
      %dma_wait3A_2622 = tpu.memref_squeeze %dma_wait3A_2621 : memref<1x128x128xf32, #tpu.memory_space<vmem>> -> memref<128x128xf32, #tpu.memory_space<vmem>>
      %dma_wait3A_2623 = arith.constant 0 : i32
      %dma_wait3A_2624 = tpu.memref_slice %arg7[%dma_wait3A_2618, %scan3A_2607, %dma_wait3A_2623] : memref<2x8x128xi32, #tpu.memory_space<vmem>> -> memref<1x1x128xi32, #tpu.memory_space<vmem>>
      %dma_wait3A_2625 = tpu.memref_squeeze %dma_wait3A_2624 : memref<1x1x128xi32, #tpu.memory_space<vmem>> -> memref<128xi32, #tpu.memory_space<vmem>>
      %dma_wait3A_2626 = arith.constant 0 : i32
      %dma_wait3A_2627 = arith.constant 0 : i32
      %dma_wait3A_2628 = tpu.memref_slice %arg2[%dma_wait3A_2626, %dma_wait3A_2627] : memref<20000x128xf32, #tpu.memory_space<hbm>> -> memref<20000x128xf32, #tpu.memory_space<hbm>>
      tpu.wait_indirect_dma semaphore(%arg13 : memref<!tpu.dma_semaphore, #tpu.memory_space<semaphore_mem>>) src(%dma_wait3A_2628 : memref<20000x128xf32, #tpu.memory_space<hbm>>) dst(%dma_wait3A_2622 : memref<128x128xf32, #tpu.memory_space<vmem>>)
      %dma_start3A_2629 = arith.constant 0 : i32
      %dma_start3A_2630 = arith.constant 0 : i32
      %dma_start3A_2631 = arith.constant 0 : i32
      %dma_start3A_2632 = tpu.memref_slice %arg9[%select_n3A_2617, %dma_start3A_2630, %dma_start3A_2631] : memref<2x128x128xf32, #tpu.memory_space<vmem>> -> memref<1x128x128xf32, #tpu.memory_space<vmem>>
      %dma_start3A_2633 = tpu.memref_squeeze %dma_start3A_2632 : memref<1x128x128xf32, #tpu.memory_space<vmem>> -> memref<128x128xf32, #tpu.memory_space<vmem>>
      %dma_start3A_2634 = arith.constant 0 : i32
      %dma_start3A_2635 = tpu.memref_slice %arg8[%dma_start3A_2629, %scan3A_2607, %dma_start3A_2634] : memref<2x8x128xi32, #tpu.memory_space<vmem>> -> memref<1x1x128xi32, #tpu.memory_space<vmem>>
      %dma_start3A_2636 = tpu.memref_squeeze %dma_start3A_2635 : memref<1x1x128xi32, #tpu.memory_space<vmem>> -> memref<128xi32, #tpu.memory_space<vmem>>
      %dma_start3A_2637 = arith.constant 0 : i32
      %dma_start3A_2638 = arith.constant 0 : i32
      %dma_start3A_2639 = tpu.memref_slice %arg18[%dma_start3A_2637, %dma_start3A_2638] : memref<10240x128xf32, #tpu.memory_space<vmem_shared>> -> memref<10240x128xf32, #tpu.memory_space<vmem_shared>>
      tpu.enqueue_indirect_dma source(%dma_start3A_2633 : memref<128x128xf32, #tpu.memory_space<vmem>>) target(%dma_start3A_2639 : memref<10240x128xf32, #tpu.memory_space<vmem_shared>>) offsets(%dma_start3A_2636 : memref<128xi32, #tpu.memory_space<vmem>>) semaphore(%arg15 : memref<!tpu.dma_semaphore, #tpu.memory_space<semaphore_mem>>) {add = true}
      %ge3A = arith.constant 1 : i32
      %ge3A_2640 = arith.cmpi sge, %scan3A_2607, %ge3A : i32
      %convert_element_type3A = arith.extui %ge3A_2640 : i1 to i32
      %cond3A = arith.constant 0 : i32
      %cond3A_2641 = arith.cmpi ne, %convert_element_type3A, %cond3A : i32
      scf.if %cond3A_2641 {
        %sub3A = arith.constant 1 : i32
        %sub3A_2652 = arith.subi %sub3A, %select_n3A_2617 : i32
        %sub3A_2653 = arith.constant 1 : i32
        %sub3A_2654 = arith.subi %scan3A_2607, %sub3A_2653 : i32
        %dma_wait3A_2655 = arith.constant 0 : i32
        %dma_wait3A_2656 = arith.constant 0 : i32
        %dma_wait3A_2657 = arith.constant 0 : i32
        %dma_wait3A_2658 = tpu.memref_slice %arg9[%sub3A_2652, %dma_wait3A_2656, %dma_wait3A_2657] : memref<2x128x128xf32, #tpu.memory_space<vmem>> -> memref<1x128x128xf32, #tpu.memory_space<vmem>>
        %dma_wait3A_2659 = tpu.memref_squeeze %dma_wait3A_2658 : memref<1x128x128xf32, #tpu.memory_space<vmem>> -> memref<128x128xf32, #tpu.memory_space<vmem>>
        %dma_wait3A_2660 = arith.constant 0 : i32
        %dma_wait3A_2661 = tpu.memref_slice %arg8[%dma_wait3A_2655, %sub3A_2654, %dma_wait3A_2660] : memref<2x8x128xi32, #tpu.memory_space<vmem>> -> memref<1x1x128xi32, #tpu.memory_space<vmem>>
        %dma_wait3A_2662 = tpu.memref_squeeze %dma_wait3A_2661 : memref<1x1x128xi32, #tpu.memory_space<vmem>> -> memref<128xi32, #tpu.memory_space<vmem>>
        %dma_wait3A_2663 = arith.constant 0 : i32
        %dma_wait3A_2664 = arith.constant 0 : i32
        %dma_wait3A_2665 = tpu.memref_slice %arg18[%dma_wait3A_2663, %dma_wait3A_2664] : memref<10240x128xf32, #tpu.memory_space<vmem_shared>> -> memref<10240x128xf32, #tpu.memory_space<vmem_shared>>
        tpu.wait_indirect_dma semaphore(%arg15 : memref<!tpu.dma_semaphore, #tpu.memory_space<semaphore_mem>>) src(%dma_wait3A_2659 : memref<128x128xf32, #tpu.memory_space<vmem>>) dst(%dma_wait3A_2665 : memref<10240x128xf32, #tpu.memory_space<vmem_shared>>)
      } else {
      }
      %add3A_2642 = arith.constant 1 : i32
      %add3A_2643 = arith.addi %scan3A_2607, %add3A_2642 : i32
      %lt3A_2644 = arith.constant 8 : i32
      %lt3A_2645 = arith.cmpi slt, %add3A_2643, %lt3A_2644 : i32
      %convert_element_type3A_2646 = arith.extui %lt3A_2645 : i1 to i32
      %cond3A_2647 = arith.constant 0 : i32
      %cond3A_2648 = arith.cmpi ne, %convert_element_type3A_2646, %cond3A_2647 : i32
      scf.if %cond3A_2648 {
        %add3A_2652 = arith.constant 1 : i32
        %add3A_2653 = arith.addi %scan3A_2607, %add3A_2652 : i32
        %sub3A = arith.constant 1 : i32
        %sub3A_2654 = arith.subi %sub3A, %select_n3A_2617 : i32
        %dma_start3A_2655 = arith.constant 0 : i32
        %dma_start3A_2656 = arith.constant 0 : i32
        %dma_start3A_2657 = arith.constant 0 : i32
        %dma_start3A_2658 = tpu.memref_slice %arg9[%sub3A_2654, %dma_start3A_2656, %dma_start3A_2657] : memref<2x128x128xf32, #tpu.memory_space<vmem>> -> memref<1x128x128xf32, #tpu.memory_space<vmem>>
        %dma_start3A_2659 = tpu.memref_squeeze %dma_start3A_2658 : memref<1x128x128xf32, #tpu.memory_space<vmem>> -> memref<128x128xf32, #tpu.memory_space<vmem>>
        %dma_start3A_2660 = arith.constant 0 : i32
        %dma_start3A_2661 = tpu.memref_slice %arg7[%dma_start3A_2655, %add3A_2653, %dma_start3A_2660] : memref<2x8x128xi32, #tpu.memory_space<vmem>> -> memref<1x1x128xi32, #tpu.memory_space<vmem>>
        %dma_start3A_2662 = tpu.memref_squeeze %dma_start3A_2661 : memref<1x1x128xi32, #tpu.memory_space<vmem>> -> memref<128xi32, #tpu.memory_space<vmem>>
        %dma_start3A_2663 = arith.constant 0 : i32
        %dma_start3A_2664 = arith.constant 0 : i32
        %dma_start3A_2665 = tpu.memref_slice %arg2[%dma_start3A_2663, %dma_start3A_2664] : memref<20000x128xf32, #tpu.memory_space<hbm>> -> memref<20000x128xf32, #tpu.memory_space<hbm>>
        tpu.enqueue_indirect_dma source(%dma_start3A_2665 : memref<20000x128xf32, #tpu.memory_space<hbm>>) target(%dma_start3A_2659 : memref<128x128xf32, #tpu.memory_space<vmem>>) offsets(%dma_start3A_2662 : memref<128xi32, #tpu.memory_space<vmem>>) semaphore(%arg13 : memref<!tpu.dma_semaphore, #tpu.memory_space<semaphore_mem>>)
      } else {
      }
      %convert_element_type3A_2649 = arith.extui %eq3A_1695 : i1 to i32
      %cond3A_2650 = arith.constant 0 : i32
      %cond3A_2651 = arith.cmpi ne, %convert_element_type3A_2649, %cond3A_2650 : i32
      scf.if %cond3A_2651 {
        %run_scoped3A = arith.constant 0 : i32
        "tpu.region"() ({
          %run_scoped3A_2652 = tpu.sem_alloc : memref<!tpu.dma_semaphore, #tpu.memory_space<semaphore_mem>>
          %dma_start3A_2653 = arith.constant 0 : i32
          %dma_start3A_2654 = tpu.memref_slice %arg8[%run_scoped3A, %scan3A_2607, %dma_start3A_2653] : memref<2x8x128xi32, #tpu.memory_space<vmem>> -> memref<1x1x128xi32, #tpu.memory_space<vmem>>
          %dma_start3A_2655 = tpu.memref_squeeze %dma_start3A_2654 : memref<1x1x128xi32, #tpu.memory_space<vmem>> -> memref<128xi32, #tpu.memory_space<vmem>>
          %dma_start3A_2656 = arith.constant 0 : i32
          %dma_start3A_2657 = tpu.memref_slice %arg19[%dma_start3A_2656] : memref<10240xf32, #tpu.memory_space<vmem_shared>> -> memref<10240xf32, #tpu.memory_space<vmem_shared>>
          tpu.enqueue_indirect_dma source(%arg10 : memref<128xf32, #tpu.memory_space<vmem>>) target(%dma_start3A_2657 : memref<10240xf32, #tpu.memory_space<vmem_shared>>) offsets(%dma_start3A_2655 : memref<128xi32, #tpu.memory_space<vmem>>) semaphore(%run_scoped3A_2652 : memref<!tpu.dma_semaphore, #tpu.memory_space<semaphore_mem>>) {add = true}
          %dma_wait3A_2658 = arith.constant 0 : i32
          %dma_wait3A_2659 = tpu.memref_slice %arg8[%run_scoped3A, %scan3A_2607, %dma_wait3A_2658] : memref<2x8x128xi32, #tpu.memory_space<vmem>> -> memref<1x1x128xi32, #tpu.memory_space<vmem>>
          %dma_wait3A_2660 = tpu.memref_squeeze %dma_wait3A_2659 : memref<1x1x128xi32, #tpu.memory_space<vmem>> -> memref<128xi32, #tpu.memory_space<vmem>>
          %dma_wait3A_2661 = arith.constant 0 : i32
          %dma_wait3A_2662 = tpu.memref_slice %arg19[%dma_wait3A_2661] : memref<10240xf32, #tpu.memory_space<vmem_shared>> -> memref<10240xf32, #tpu.memory_space<vmem_shared>>
          tpu.wait_indirect_dma semaphore(%run_scoped3A_2652 : memref<!tpu.dma_semaphore, #tpu.memory_space<semaphore_mem>>) src(%arg10 : memref<128xf32, #tpu.memory_space<vmem>>) dst(%dma_wait3A_2662 : memref<10240xf32, #tpu.memory_space<vmem_shared>>)
          tpu.yield
        }) : () -> ()
      } else {
      }
    }
    %scan3A_1714 = arith.constant 8 : i32
    %dma_wait3A_1715 = arith.constant 1 : i32
    %dma_wait3A_1716 = arith.constant 0 : i32
    %dma_wait3A_1717 = arith.constant 7 : i32
    %dma_wait3A_1718 = arith.constant 0 : i32
    %dma_wait3A_1719 = arith.constant 0 : i32
    %dma_wait3A_1720 = tpu.memref_slice %arg9[%dma_wait3A_1715, %dma_wait3A_1718, %dma_wait3A_1719] : memref<2x128x128xf32, #tpu.memory_space<vmem>> -> memref<1x128x128xf32, #tpu.memory_space<vmem>>
    %dma_wait3A_1721 = tpu.memref_squeeze %dma_wait3A_1720 : memref<1x128x128xf32, #tpu.memory_space<vmem>> -> memref<128x128xf32, #tpu.memory_space<vmem>>
    %dma_wait3A_1722 = arith.constant 0 : i32
    %dma_wait3A_1723 = tpu.memref_slice %arg8[%dma_wait3A_1716, %dma_wait3A_1717, %dma_wait3A_1722] : memref<2x8x128xi32, #tpu.memory_space<vmem>> -> memref<1x1x128xi32, #tpu.memory_space<vmem>>
    %dma_wait3A_1724 = tpu.memref_squeeze %dma_wait3A_1723 : memref<1x1x128xi32, #tpu.memory_space<vmem>> -> memref<128xi32, #tpu.memory_space<vmem>>
    %dma_wait3A_1725 = arith.constant 0 : i32
    %dma_wait3A_1726 = arith.constant 0 : i32
    %dma_wait3A_1727 = tpu.memref_slice %arg18[%dma_wait3A_1725, %dma_wait3A_1726] : memref<10240x128xf32, #tpu.memory_space<vmem_shared>> -> memref<10240x128xf32, #tpu.memory_space<vmem_shared>>
    tpu.wait_indirect_dma semaphore(%arg15 : memref<!tpu.dma_semaphore, #tpu.memory_space<semaphore_mem>>) src(%dma_wait3A_1721 : memref<128x128xf32, #tpu.memory_space<vmem>>) dst(%dma_wait3A_1727 : memref<10240x128xf32, #tpu.memory_space<vmem_shared>>)
    %mul3A_1728 = arith.constant 80 : i32
    %mul3A_1729 = arith.muli %arg1, %mul3A_1728 : i32
    %add3A_1730 = arith.constant 8 : i32
    %add3A_1731 = arith.addi %mul3A_1729, %add3A_1730 : i32
    %dma_wait3A_1732 = arith.constant 1 : i32
    %dma_wait3A_1733 = arith.constant 0 : i32
    %dma_wait3A_1734 = arith.constant 0 : i32
    %dma_wait3A_1735 = tpu.memref_slice %arg7[%dma_wait3A_1732, %dma_wait3A_1733, %dma_wait3A_1734] : memref<2x8x128xi32, #tpu.memory_space<vmem>> -> memref<1x8x128xi32, #tpu.memory_space<vmem>>
    %dma_wait3A_1736 = tpu.memref_squeeze %dma_wait3A_1735 : memref<1x8x128xi32, #tpu.memory_space<vmem>> -> memref<8x128xi32, #tpu.memory_space<vmem>>
    %dma_wait3A_1737 = arith.constant 0 : i32
    %dma_wait3A_1738 = tpu.memref_slice %arg3[%add3A_1731, %dma_wait3A_1737] : memref<1280x128xi32, #tpu.memory_space<hbm>> -> memref<8x128xi32, #tpu.memory_space<hbm>>
    %dma_wait3A_1739 = arith.constant 0 : i32
    %dma_wait3A_1740 = arith.constant 0 : i32
    %dma_wait3A_1741 = tpu.memref_slice %arg7[%dma_wait3A_1732, %dma_wait3A_1739, %dma_wait3A_1740] : memref<2x8x128xi32, #tpu.memory_space<vmem>> -> memref<1x8x128xi32, #tpu.memory_space<vmem>>
    %dma_wait3A_1742 = tpu.memref_squeeze %dma_wait3A_1741 : memref<1x8x128xi32, #tpu.memory_space<vmem>> -> memref<8x128xi32, #tpu.memory_space<vmem>>
    %dma_wait3A_1743 = arith.constant 0 : i32
    %dma_wait3A_1744 = tpu.memref_slice %arg3[%add3A_1731, %dma_wait3A_1743] : memref<1280x128xi32, #tpu.memory_space<hbm>> -> memref<8x128xi32, #tpu.memory_space<hbm>>
    tpu.wait_dma2 semaphore(%arg14 : memref<!tpu.dma_semaphore, #tpu.memory_space<semaphore_mem>>) src(%dma_wait3A_1744 : memref<8x128xi32, #tpu.memory_space<hbm>>) dst(%dma_wait3A_1742 : memref<8x128xi32, #tpu.memory_space<vmem>>)
    %dma_wait3A_1745 = arith.constant 1 : i32
    %dma_wait3A_1746 = arith.constant 0 : i32
    %dma_wait3A_1747 = arith.constant 0 : i32
    %dma_wait3A_1748 = tpu.memref_slice %arg8[%dma_wait3A_1745, %dma_wait3A_1746, %dma_wait3A_1747] : memref<2x8x128xi32, #tpu.memory_space<vmem>> -> memref<1x8x128xi32, #tpu.memory_space<vmem>>
    %dma_wait3A_1749 = tpu.memref_squeeze %dma_wait3A_1748 : memref<1x8x128xi32, #tpu.memory_space<vmem>> -> memref<8x128xi32, #tpu.memory_space<vmem>>
    %dma_wait3A_1750 = arith.constant 0 : i32
    %dma_wait3A_1751 = tpu.memref_slice %arg4[%add3A_1731, %dma_wait3A_1750] : memref<1280x128xi32, #tpu.memory_space<hbm>> -> memref<8x128xi32, #tpu.memory_space<hbm>>
    %dma_wait3A_1752 = arith.constant 0 : i32
    %dma_wait3A_1753 = arith.constant 0 : i32
    %dma_wait3A_1754 = tpu.memref_slice %arg8[%dma_wait3A_1745, %dma_wait3A_1752, %dma_wait3A_1753] : memref<2x8x128xi32, #tpu.memory_space<vmem>> -> memref<1x8x128xi32, #tpu.memory_space<vmem>>
    %dma_wait3A_1755 = tpu.memref_squeeze %dma_wait3A_1754 : memref<1x8x128xi32, #tpu.memory_space<vmem>> -> memref<8x128xi32, #tpu.memory_space<vmem>>
    %dma_wait3A_1756 = arith.constant 0 : i32
    %dma_wait3A_1757 = tpu.memref_slice %arg4[%add3A_1731, %dma_wait3A_1756] : memref<1280x128xi32, #tpu.memory_space<hbm>> -> memref<8x128xi32, #tpu.memory_space<hbm>>
    tpu.wait_dma2 semaphore(%arg14 : memref<!tpu.dma_semaphore, #tpu.memory_space<semaphore_mem>>) src(%dma_wait3A_1757 : memref<8x128xi32, #tpu.memory_space<hbm>>) dst(%dma_wait3A_1755 : memref<8x128xi32, #tpu.memory_space<vmem>>)
    %mul3A_1758 = arith.constant 80 : i32
    %mul3A_1759 = arith.muli %arg1, %mul3A_1758 : i32
    %add3A_1760 = arith.constant 16 : i32
    %add3A_1761 = arith.addi %mul3A_1759, %add3A_1760 : i32
    %dma_start3A_1762 = arith.constant 0 : i32
    %dma_start3A_1763 = arith.constant 0 : i32
    %dma_start3A_1764 = arith.constant 0 : i32
    %dma_start3A_1765 = tpu.memref_slice %arg7[%dma_start3A_1762, %dma_start3A_1763, %dma_start3A_1764] : memref<2x8x128xi32, #tpu.memory_space<vmem>> -> memref<1x8x128xi32, #tpu.memory_space<vmem>>
    %dma_start3A_1766 = tpu.memref_squeeze %dma_start3A_1765 : memref<1x8x128xi32, #tpu.memory_space<vmem>> -> memref<8x128xi32, #tpu.memory_space<vmem>>
    %dma_start3A_1767 = arith.constant 0 : i32
    %dma_start3A_1768 = tpu.memref_slice %arg3[%add3A_1761, %dma_start3A_1767] : memref<1280x128xi32, #tpu.memory_space<hbm>> -> memref<8x128xi32, #tpu.memory_space<hbm>>
    %dma_start3A_1769 = arith.constant 0 : i32
    %dma_start3A_1770 = arith.constant 0 : i32
    %dma_start3A_1771 = tpu.memref_slice %arg7[%dma_start3A_1762, %dma_start3A_1769, %dma_start3A_1770] : memref<2x8x128xi32, #tpu.memory_space<vmem>> -> memref<1x8x128xi32, #tpu.memory_space<vmem>>
    %dma_start3A_1772 = tpu.memref_squeeze %dma_start3A_1771 : memref<1x8x128xi32, #tpu.memory_space<vmem>> -> memref<8x128xi32, #tpu.memory_space<vmem>>
    %dma_start3A_1773 = arith.constant 0 : i32
    %dma_start3A_1774 = tpu.memref_slice %arg3[%add3A_1761, %dma_start3A_1773] : memref<1280x128xi32, #tpu.memory_space<hbm>> -> memref<8x128xi32, #tpu.memory_space<hbm>>
    tpu.enqueue_dma source(%dma_start3A_1774 : memref<8x128xi32, #tpu.memory_space<hbm>>) target(%dma_start3A_1772 : memref<8x128xi32, #tpu.memory_space<vmem>>) target_semaphore(%arg14 : memref<!tpu.dma_semaphore, #tpu.memory_space<semaphore_mem>>)
    %dma_start3A_1775 = arith.constant 0 : i32
    %dma_start3A_1776 = arith.constant 0 : i32
    %dma_start3A_1777 = arith.constant 0 : i32
    %dma_start3A_1778 = tpu.memref_slice %arg8[%dma_start3A_1775, %dma_start3A_1776, %dma_start3A_1777] : memref<2x8x128xi32, #tpu.memory_space<vmem>> -> memref<1x8x128xi32, #tpu.memory_space<vmem>>
    %dma_start3A_1779 = tpu.memref_squeeze %dma_start3A_1778 : memref<1x8x128xi32, #tpu.memory_space<vmem>> -> memref<8x128xi32, #tpu.memory_space<vmem>>
    %dma_start3A_1780 = arith.constant 0 : i32
    %dma_start3A_1781 = tpu.memref_slice %arg4[%add3A_1761, %dma_start3A_1780] : memref<1280x128xi32, #tpu.memory_space<hbm>> -> memref<8x128xi32, #tpu.memory_space<hbm>>
    %dma_start3A_1782 = arith.constant 0 : i32
    %dma_start3A_1783 = arith.constant 0 : i32
    %dma_start3A_1784 = tpu.memref_slice %arg8[%dma_start3A_1775, %dma_start3A_1782, %dma_start3A_1783] : memref<2x8x128xi32, #tpu.memory_space<vmem>> -> memref<1x8x128xi32, #tpu.memory_space<vmem>>
    %dma_start3A_1785 = tpu.memref_squeeze %dma_start3A_1784 : memref<1x8x128xi32, #tpu.memory_space<vmem>> -> memref<8x128xi32, #tpu.memory_space<vmem>>
    %dma_start3A_1786 = arith.constant 0 : i32
    %dma_start3A_1787 = tpu.memref_slice %arg4[%add3A_1761, %dma_start3A_1786] : memref<1280x128xi32, #tpu.memory_space<hbm>> -> memref<8x128xi32, #tpu.memory_space<hbm>>
    tpu.enqueue_dma source(%dma_start3A_1787 : memref<8x128xi32, #tpu.memory_space<hbm>>) target(%dma_start3A_1785 : memref<8x128xi32, #tpu.memory_space<vmem>>) target_semaphore(%arg14 : memref<!tpu.dma_semaphore, #tpu.memory_space<semaphore_mem>>)
    %scan3A_1788 = arith.constant 0 : i32
    %scan3A_1789 = arith.constant 0 : i32
    %scan3A_1790 = arith.constant 64 : i32
    %scan3A_1791 = arith.addi %scan3A_1789, %scan3A_1790 : i32
    %scan3A_1792 = arith.constant 1 : i32
    scf.for %scan3A_2607 = %scan3A_1789 to %scan3A_1791 step %scan3A_1792  : i32 {
      %jit3A = arith.constant 8 : i32
      %div3A = arith.divsi %scan3A_2607, %jit3A : i32
      %sign3A = arith.constant 0 : i32
      %sign3A_2608 = arith.cmpi sgt, %scan3A_2607, %sign3A : i32
      %sign3A_2609 = arith.extui %sign3A_2608 : i1 to i32
      %sign3A_2610 = arith.constant 0 : i32
      %sign3A_2611 = arith.cmpi slt, %scan3A_2607, %sign3A_2610 : i32
      %sign3A_2612 = arith.extui %sign3A_2611 : i1 to i32
      %sign3A_2613 = arith.subi %sign3A_2609, %sign3A_2612 : i32
      %sign3A_2614 = arith.constant 0 : i32
      %sign3A_2615 = arith.cmpi sgt, %jit3A, %sign3A_2614 : i32
      %sign3A_2616 = arith.extui %sign3A_2615 : i1 to i32
      %sign3A_2617 = arith.constant 0 : i32
      %sign3A_2618 = arith.cmpi slt, %jit3A, %sign3A_2617 : i32
      %sign3A_2619 = arith.extui %sign3A_2618 : i1 to i32
      %sign3A_2620 = arith.subi %sign3A_2616, %sign3A_2619 : i32
      %ne3A = arith.cmpi ne, %sign3A_2613, %sign3A_2620 : i32
      %rem3A = arith.remsi %scan3A_2607, %jit3A : i32
      %ne3A_2621 = arith.constant 0 : i32
      %ne3A_2622 = arith.cmpi ne, %rem3A, %ne3A_2621 : i32
      %and3A = arith.andi %ne3A, %ne3A_2622 : i1
      %sub3A = arith.constant 1 : i32
      %sub3A_2623 = arith.subi %div3A, %sub3A : i32
      %select_n3A = arith.select %and3A, %sub3A_2623, %div3A : i32
      %jit3A_2624 = arith.constant 8 : i32
      %eq3A_2625 = arith.constant 0 : i32
      %eq3A_2626 = arith.cmpi eq, %jit3A_2624, %eq3A_2625 : i32
      %jit3A_2627 = arith.constant 1 : i32
      %select_n3A_2628 = arith.select %eq3A_2626, %jit3A_2627, %jit3A_2624 : i32
      %rem3A_2629 = arith.remsi %scan3A_2607, %select_n3A_2628 : i32
      %ne3A_2630 = arith.constant 0 : i32
      %ne3A_2631 = arith.cmpi ne, %rem3A_2629, %ne3A_2630 : i32
      %lt3A = arith.constant 0 : i32
      %lt3A_2632 = arith.cmpi slt, %rem3A_2629, %lt3A : i32
      %lt3A_2633 = arith.constant 0 : i32
      %lt3A_2634 = arith.cmpi slt, %select_n3A_2628, %lt3A_2633 : i32
      %ne3A_2635 = arith.xori %lt3A_2632, %lt3A_2634 : i1
      %and3A_2636 = arith.andi %ne3A_2635, %ne3A_2631 : i1
      %add3A_2637 = arith.addi %rem3A_2629, %select_n3A_2628 : i32
      %select_n3A_2638 = arith.select %and3A_2636, %add3A_2637, %rem3A_2629 : i32
      %mul3A_2639 = arith.constant 16 : i32
      %mul3A_2640 = arith.muli %select_n3A_2638, %mul3A_2639 : i32
      %get3A = arith.constant 1 : i32
      %get3A_2641 = arith.index_cast %get3A : i32 to index
      %get3A_2642 = arith.index_cast %select_n3A : i32 to index
      %get3A_2643 = arith.index_cast %mul3A_2640 : i32 to index
      %get3A_2644 = tpu.vector_load %arg7[%get3A_2641, %get3A_2642, %get3A_2643] {strides = array<i32>} : memref<2x8x128xi32, #tpu.memory_space<vmem>>, vector<1x1x16xi32>,
      %get3A_2645 = vector.shape_cast %get3A_2644 : vector<1x1x16xi32> to vector<16xi32>
      %mul3A_2646 = arith.constant 2 : i32
      %mul3A_2647 = vector.broadcast %mul3A_2646 : i32 to vector<16xi32>
      %mul3A_2648 = arith.muli %get3A_2645, %mul3A_2647 : vector<16xi32>
      %add3A_2649 = vector.broadcast %arg0 : i32 to vector<16xi32>
      %add3A_2650 = arith.addi %mul3A_2648, %add3A_2649 : vector<16xi32>
      %swap3A_2651 = arith.constant 1 : i32
      %swap3A_2652 = arith.index_cast %swap3A_2651 : i32 to index
      %swap3A_2653 = arith.index_cast %select_n3A : i32 to index
      %swap3A_2654 = arith.index_cast %mul3A_2640 : i32 to index
      %swap3A_2655 = tpu.vector_load %arg7[%swap3A_2652, %swap3A_2653, %swap3A_2654] {strides = array<i32>} : memref<2x8x128xi32, #tpu.memory_space<vmem>>, vector<1x1x16xi32>,
      %swap3A_2656 = vector.shape_cast %swap3A_2655 : vector<1x1x16xi32> to vector<16xi32>
      %swap3A_2657 = vector.shape_cast %add3A_2650 : vector<16xi32> to vector<1x1x16xi32>
      tpu.vector_store %arg7[%swap3A_2652, %swap3A_2653, %swap3A_2654], %swap3A_2657 {strides = array<i32>} : memref<2x8x128xi32, #tpu.memory_space<vmem>>, vector<1x1x16xi32>,
    }
    %scan3A_1793 = arith.constant 64 : i32
    %eq3A_1794 = arith.constant 0 : i32
    %eq3A_1795 = arith.cmpi eq, %arg0, %eq3A_1794 : i32
    %dma_start3A_1796 = arith.constant 1 : i32
    %dma_start3A_1797 = arith.constant 0 : i32
    %dma_start3A_1798 = arith.constant 0 : i32
    %dma_start3A_1799 = arith.constant 0 : i32
    %dma_start3A_1800 = arith.constant 0 : i32
    %dma_start3A_1801 = tpu.memref_slice %arg9[%dma_start3A_1798, %dma_start3A_1799, %dma_start3A_1800] : memref<2x128x128xf32, #tpu.memory_space<vmem>> -> memref<1x128x128xf32, #tpu.memory_space<vmem>>
    %dma_start3A_1802 = tpu.memref_squeeze %dma_start3A_1801 : memref<1x128x128xf32, #tpu.memory_space<vmem>> -> memref<128x128xf32, #tpu.memory_space<vmem>>
    %dma_start3A_1803 = arith.constant 0 : i32
    %dma_start3A_1804 = tpu.memref_slice %arg7[%dma_start3A_1796, %dma_start3A_1797, %dma_start3A_1803] : memref<2x8x128xi32, #tpu.memory_space<vmem>> -> memref<1x1x128xi32, #tpu.memory_space<vmem>>
    %dma_start3A_1805 = tpu.memref_squeeze %dma_start3A_1804 : memref<1x1x128xi32, #tpu.memory_space<vmem>> -> memref<128xi32, #tpu.memory_space<vmem>>
    %dma_start3A_1806 = arith.constant 0 : i32
    %dma_start3A_1807 = arith.constant 0 : i32
    %dma_start3A_1808 = tpu.memref_slice %arg2[%dma_start3A_1806, %dma_start3A_1807] : memref<20000x128xf32, #tpu.memory_space<hbm>> -> memref<20000x128xf32, #tpu.memory_space<hbm>>
    tpu.enqueue_indirect_dma source(%dma_start3A_1808 : memref<20000x128xf32, #tpu.memory_space<hbm>>) target(%dma_start3A_1802 : memref<128x128xf32, #tpu.memory_space<vmem>>) offsets(%dma_start3A_1805 : memref<128xi32, #tpu.memory_space<vmem>>) semaphore(%arg13 : memref<!tpu.dma_semaphore, #tpu.memory_space<semaphore_mem>>)
    %scan3A_1809 = arith.constant 0 : i32
    %scan3A_1810 = arith.constant 0 : i32
    %scan3A_1811 = arith.constant 8 : i32
    %scan3A_1812 = arith.addi %scan3A_1810, %scan3A_1811 : i32
    %scan3A_1813 = arith.constant 1 : i32
    scf.for %scan3A_2607 = %scan3A_1810 to %scan3A_1812 step %scan3A_1813  : i32 {
      %jit3A = arith.constant 2 : i32
      %eq3A_2608 = arith.constant 0 : i32
      %eq3A_2609 = arith.cmpi eq, %jit3A, %eq3A_2608 : i32
      %jit3A_2610 = arith.constant 1 : i32
      %select_n3A = arith.select %eq3A_2609, %jit3A_2610, %jit3A : i32
      %rem3A = arith.remsi %scan3A_2607, %select_n3A : i32
      %ne3A = arith.constant 0 : i32
      %ne3A_2611 = arith.cmpi ne, %rem3A, %ne3A : i32
      %lt3A = arith.constant 0 : i32
      %lt3A_2612 = arith.cmpi slt, %rem3A, %lt3A : i32
      %lt3A_2613 = arith.constant 0 : i32
      %lt3A_2614 = arith.cmpi slt, %select_n3A, %lt3A_2613 : i32
      %ne3A_2615 = arith.xori %lt3A_2612, %lt3A_2614 : i1
      %and3A = arith.andi %ne3A_2615, %ne3A_2611 : i1
      %add3A_2616 = arith.addi %rem3A, %select_n3A : i32
      %select_n3A_2617 = arith.select %and3A, %add3A_2616, %rem3A : i32
      %dma_wait3A_2618 = arith.constant 1 : i32
      %dma_wait3A_2619 = arith.constant 0 : i32
      %dma_wait3A_2620 = arith.constant 0 : i32
      %dma_wait3A_2621 = tpu.memref_slice %arg9[%select_n3A_2617, %dma_wait3A_2619, %dma_wait3A_2620] : memref<2x128x128xf32, #tpu.memory_space<vmem>> -> memref<1x128x128xf32, #tpu.memory_space<vmem>>
      %dma_wait3A_2622 = tpu.memref_squeeze %dma_wait3A_2621 : memref<1x128x128xf32, #tpu.memory_space<vmem>> -> memref<128x128xf32, #tpu.memory_space<vmem>>
      %dma_wait3A_2623 = arith.constant 0 : i32
      %dma_wait3A_2624 = tpu.memref_slice %arg7[%dma_wait3A_2618, %scan3A_2607, %dma_wait3A_2623] : memref<2x8x128xi32, #tpu.memory_space<vmem>> -> memref<1x1x128xi32, #tpu.memory_space<vmem>>
      %dma_wait3A_2625 = tpu.memref_squeeze %dma_wait3A_2624 : memref<1x1x128xi32, #tpu.memory_space<vmem>> -> memref<128xi32, #tpu.memory_space<vmem>>
      %dma_wait3A_2626 = arith.constant 0 : i32
      %dma_wait3A_2627 = arith.constant 0 : i32
      %dma_wait3A_2628 = tpu.memref_slice %arg2[%dma_wait3A_2626, %dma_wait3A_2627] : memref<20000x128xf32, #tpu.memory_space<hbm>> -> memref<20000x128xf32, #tpu.memory_space<hbm>>
      tpu.wait_indirect_dma semaphore(%arg13 : memref<!tpu.dma_semaphore, #tpu.memory_space<semaphore_mem>>) src(%dma_wait3A_2628 : memref<20000x128xf32, #tpu.memory_space<hbm>>) dst(%dma_wait3A_2622 : memref<128x128xf32, #tpu.memory_space<vmem>>)
      %dma_start3A_2629 = arith.constant 1 : i32
      %dma_start3A_2630 = arith.constant 0 : i32
      %dma_start3A_2631 = arith.constant 0 : i32
      %dma_start3A_2632 = tpu.memref_slice %arg9[%select_n3A_2617, %dma_start3A_2630, %dma_start3A_2631] : memref<2x128x128xf32, #tpu.memory_space<vmem>> -> memref<1x128x128xf32, #tpu.memory_space<vmem>>
      %dma_start3A_2633 = tpu.memref_squeeze %dma_start3A_2632 : memref<1x128x128xf32, #tpu.memory_space<vmem>> -> memref<128x128xf32, #tpu.memory_space<vmem>>
      %dma_start3A_2634 = arith.constant 0 : i32
      %dma_start3A_2635 = tpu.memref_slice %arg8[%dma_start3A_2629, %scan3A_2607, %dma_start3A_2634] : memref<2x8x128xi32, #tpu.memory_space<vmem>> -> memref<1x1x128xi32, #tpu.memory_space<vmem>>
      %dma_start3A_2636 = tpu.memref_squeeze %dma_start3A_2635 : memref<1x1x128xi32, #tpu.memory_space<vmem>> -> memref<128xi32, #tpu.memory_space<vmem>>
      %dma_start3A_2637 = arith.constant 0 : i32
      %dma_start3A_2638 = arith.constant 0 : i32
      %dma_start3A_2639 = tpu.memref_slice %arg18[%dma_start3A_2637, %dma_start3A_2638] : memref<10240x128xf32, #tpu.memory_space<vmem_shared>> -> memref<10240x128xf32, #tpu.memory_space<vmem_shared>>
      tpu.enqueue_indirect_dma source(%dma_start3A_2633 : memref<128x128xf32, #tpu.memory_space<vmem>>) target(%dma_start3A_2639 : memref<10240x128xf32, #tpu.memory_space<vmem_shared>>) offsets(%dma_start3A_2636 : memref<128xi32, #tpu.memory_space<vmem>>) semaphore(%arg15 : memref<!tpu.dma_semaphore, #tpu.memory_space<semaphore_mem>>) {add = true}
      %ge3A = arith.constant 1 : i32
      %ge3A_2640 = arith.cmpi sge, %scan3A_2607, %ge3A : i32
      %convert_element_type3A = arith.extui %ge3A_2640 : i1 to i32
      %cond3A = arith.constant 0 : i32
      %cond3A_2641 = arith.cmpi ne, %convert_element_type3A, %cond3A : i32
      scf.if %cond3A_2641 {
        %sub3A = arith.constant 1 : i32
        %sub3A_2652 = arith.subi %sub3A, %select_n3A_2617 : i32
        %sub3A_2653 = arith.constant 1 : i32
        %sub3A_2654 = arith.subi %scan3A_2607, %sub3A_2653 : i32
        %dma_wait3A_2655 = arith.constant 1 : i32
        %dma_wait3A_2656 = arith.constant 0 : i32
        %dma_wait3A_2657 = arith.constant 0 : i32
        %dma_wait3A_2658 = tpu.memref_slice %arg9[%sub3A_2652, %dma_wait3A_2656, %dma_wait3A_2657] : memref<2x128x128xf32, #tpu.memory_space<vmem>> -> memref<1x128x128xf32, #tpu.memory_space<vmem>>
        %dma_wait3A_2659 = tpu.memref_squeeze %dma_wait3A_2658 : memref<1x128x128xf32, #tpu.memory_space<vmem>> -> memref<128x128xf32, #tpu.memory_space<vmem>>
        %dma_wait3A_2660 = arith.constant 0 : i32
        %dma_wait3A_2661 = tpu.memref_slice %arg8[%dma_wait3A_2655, %sub3A_2654, %dma_wait3A_2660] : memref<2x8x128xi32, #tpu.memory_space<vmem>> -> memref<1x1x128xi32, #tpu.memory_space<vmem>>
        %dma_wait3A_2662 = tpu.memref_squeeze %dma_wait3A_2661 : memref<1x1x128xi32, #tpu.memory_space<vmem>> -> memref<128xi32, #tpu.memory_space<vmem>>
        %dma_wait3A_2663 = arith.constant 0 : i32
        %dma_wait3A_2664 = arith.constant 0 : i32
        %dma_wait3A_2665 = tpu.memref_slice %arg18[%dma_wait3A_2663, %dma_wait3A_2664] : memref<10240x128xf32, #tpu.memory_space<vmem_shared>> -> memref<10240x128xf32, #tpu.memory_space<vmem_shared>>
        tpu.wait_indirect_dma semaphore(%arg15 : memref<!tpu.dma_semaphore, #tpu.memory_space<semaphore_mem>>) src(%dma_wait3A_2659 : memref<128x128xf32, #tpu.memory_space<vmem>>) dst(%dma_wait3A_2665 : memref<10240x128xf32, #tpu.memory_space<vmem_shared>>)
      } else {
      }
      %add3A_2642 = arith.constant 1 : i32
      %add3A_2643 = arith.addi %scan3A_2607, %add3A_2642 : i32
      %lt3A_2644 = arith.constant 8 : i32
      %lt3A_2645 = arith.cmpi slt, %add3A_2643, %lt3A_2644 : i32
      %convert_element_type3A_2646 = arith.extui %lt3A_2645 : i1 to i32
      %cond3A_2647 = arith.constant 0 : i32
      %cond3A_2648 = arith.cmpi ne, %convert_element_type3A_2646, %cond3A_2647 : i32
      scf.if %cond3A_2648 {
        %add3A_2652 = arith.constant 1 : i32
        %add3A_2653 = arith.addi %scan3A_2607, %add3A_2652 : i32
        %sub3A = arith.constant 1 : i32
        %sub3A_2654 = arith.subi %sub3A, %select_n3A_2617 : i32
        %dma_start3A_2655 = arith.constant 1 : i32
        %dma_start3A_2656 = arith.constant 0 : i32
        %dma_start3A_2657 = arith.constant 0 : i32
        %dma_start3A_2658 = tpu.memref_slice %arg9[%sub3A_2654, %dma_start3A_2656, %dma_start3A_2657] : memref<2x128x128xf32, #tpu.memory_space<vmem>> -> memref<1x128x128xf32, #tpu.memory_space<vmem>>
        %dma_start3A_2659 = tpu.memref_squeeze %dma_start3A_2658 : memref<1x128x128xf32, #tpu.memory_space<vmem>> -> memref<128x128xf32, #tpu.memory_space<vmem>>
        %dma_start3A_2660 = arith.constant 0 : i32
        %dma_start3A_2661 = tpu.memref_slice %arg7[%dma_start3A_2655, %add3A_2653, %dma_start3A_2660] : memref<2x8x128xi32, #tpu.memory_space<vmem>> -> memref<1x1x128xi32, #tpu.memory_space<vmem>>
        %dma_start3A_2662 = tpu.memref_squeeze %dma_start3A_2661 : memref<1x1x128xi32, #tpu.memory_space<vmem>> -> memref<128xi32, #tpu.memory_space<vmem>>
        %dma_start3A_2663 = arith.constant 0 : i32
        %dma_start3A_2664 = arith.constant 0 : i32
        %dma_start3A_2665 = tpu.memref_slice %arg2[%dma_start3A_2663, %dma_start3A_2664] : memref<20000x128xf32, #tpu.memory_space<hbm>> -> memref<20000x128xf32, #tpu.memory_space<hbm>>
        tpu.enqueue_indirect_dma source(%dma_start3A_2665 : memref<20000x128xf32, #tpu.memory_space<hbm>>) target(%dma_start3A_2659 : memref<128x128xf32, #tpu.memory_space<vmem>>) offsets(%dma_start3A_2662 : memref<128xi32, #tpu.memory_space<vmem>>) semaphore(%arg13 : memref<!tpu.dma_semaphore, #tpu.memory_space<semaphore_mem>>)
      } else {
      }
      %convert_element_type3A_2649 = arith.extui %eq3A_1795 : i1 to i32
      %cond3A_2650 = arith.constant 0 : i32
      %cond3A_2651 = arith.cmpi ne, %convert_element_type3A_2649, %cond3A_2650 : i32
      scf.if %cond3A_2651 {
        %run_scoped3A = arith.constant 1 : i32
        "tpu.region"() ({
          %run_scoped3A_2652 = tpu.sem_alloc : memref<!tpu.dma_semaphore, #tpu.memory_space<semaphore_mem>>
          %dma_start3A_2653 = arith.constant 0 : i32
          %dma_start3A_2654 = tpu.memref_slice %arg8[%run_scoped3A, %scan3A_2607, %dma_start3A_2653] : memref<2x8x128xi32, #tpu.memory_space<vmem>> -> memref<1x1x128xi32, #tpu.memory_space<vmem>>
          %dma_start3A_2655 = tpu.memref_squeeze %dma_start3A_2654 : memref<1x1x128xi32, #tpu.memory_space<vmem>> -> memref<128xi32, #tpu.memory_space<vmem>>
          %dma_start3A_2656 = arith.constant 0 : i32
          %dma_start3A_2657 = tpu.memref_slice %arg19[%dma_start3A_2656] : memref<10240xf32, #tpu.memory_space<vmem_shared>> -> memref<10240xf32, #tpu.memory_space<vmem_shared>>
          tpu.enqueue_indirect_dma source(%arg10 : memref<128xf32, #tpu.memory_space<vmem>>) target(%dma_start3A_2657 : memref<10240xf32, #tpu.memory_space<vmem_shared>>) offsets(%dma_start3A_2655 : memref<128xi32, #tpu.memory_space<vmem>>) semaphore(%run_scoped3A_2652 : memref<!tpu.dma_semaphore, #tpu.memory_space<semaphore_mem>>) {add = true}
          %dma_wait3A_2658 = arith.constant 0 : i32
          %dma_wait3A_2659 = tpu.memref_slice %arg8[%run_scoped3A, %scan3A_2607, %dma_wait3A_2658] : memref<2x8x128xi32, #tpu.memory_space<vmem>> -> memref<1x1x128xi32, #tpu.memory_space<vmem>>
          %dma_wait3A_2660 = tpu.memref_squeeze %dma_wait3A_2659 : memref<1x1x128xi32, #tpu.memory_space<vmem>> -> memref<128xi32, #tpu.memory_space<vmem>>
          %dma_wait3A_2661 = arith.constant 0 : i32
          %dma_wait3A_2662 = tpu.memref_slice %arg19[%dma_wait3A_2661] : memref<10240xf32, #tpu.memory_space<vmem_shared>> -> memref<10240xf32, #tpu.memory_space<vmem_shared>>
          tpu.wait_indirect_dma semaphore(%run_scoped3A_2652 : memref<!tpu.dma_semaphore, #tpu.memory_space<semaphore_mem>>) src(%arg10 : memref<128xf32, #tpu.memory_space<vmem>>) dst(%dma_wait3A_2662 : memref<10240xf32, #tpu.memory_space<vmem_shared>>)
          tpu.yield
        }) : () -> ()
      } else {
      }
    }
    %scan3A_1814 = arith.constant 8 : i32
    %dma_wait3A_1815 = arith.constant 1 : i32
    %dma_wait3A_1816 = arith.constant 1 : i32
    %dma_wait3A_1817 = arith.constant 7 : i32
    %dma_wait3A_1818 = arith.constant 0 : i32
    %dma_wait3A_1819 = arith.constant 0 : i32
    %dma_wait3A_1820 = tpu.memref_slice %arg9[%dma_wait3A_1815, %dma_wait3A_1818, %dma_wait3A_1819] : memref<2x128x128xf32, #tpu.memory_space<vmem>> -> memref<1x128x128xf32, #tpu.memory_space<vmem>>
    %dma_wait3A_1821 = tpu.memref_squeeze %dma_wait3A_1820 : memref<1x128x128xf32, #tpu.memory_space<vmem>> -> memref<128x128xf32, #tpu.memory_space<vmem>>
    %dma_wait3A_1822 = arith.constant 0 : i32
    %dma_wait3A_1823 = tpu.memref_slice %arg8[%dma_wait3A_1816, %dma_wait3A_1817, %dma_wait3A_1822] : memref<2x8x128xi32, #tpu.memory_space<vmem>> -> memref<1x1x128xi32, #tpu.memory_space<vmem>>
    %dma_wait3A_1824 = tpu.memref_squeeze %dma_wait3A_1823 : memref<1x1x128xi32, #tpu.memory_space<vmem>> -> memref<128xi32, #tpu.memory_space<vmem>>
    %dma_wait3A_1825 = arith.constant 0 : i32
    %dma_wait3A_1826 = arith.constant 0 : i32
    %dma_wait3A_1827 = tpu.memref_slice %arg18[%dma_wait3A_1825, %dma_wait3A_1826] : memref<10240x128xf32, #tpu.memory_space<vmem_shared>> -> memref<10240x128xf32, #tpu.memory_space<vmem_shared>>
    tpu.wait_indirect_dma semaphore(%arg15 : memref<!tpu.dma_semaphore, #tpu.memory_space<semaphore_mem>>) src(%dma_wait3A_1821 : memref<128x128xf32, #tpu.memory_space<vmem>>) dst(%dma_wait3A_1827 : memref<10240x128xf32, #tpu.memory_space<vmem_shared>>)
    %mul3A_1828 = arith.constant 80 : i32
    %mul3A_1829 = arith.muli %arg1, %mul3A_1828 : i32
    %add3A_1830 = arith.constant 16 : i32
    %add3A_1831 = arith.addi %mul3A_1829, %add3A_1830 : i32
    %dma_wait3A_1832 = arith.constant 0 : i32
    %dma_wait3A_1833 = arith.constant 0 : i32
    %dma_wait3A_1834 = arith.constant 0 : i32
    %dma_wait3A_1835 = tpu.memref_slice %arg7[%dma_wait3A_1832, %dma_wait3A_1833, %dma_wait3A_1834] : memref<2x8x128xi32, #tpu.memory_space<vmem>> -> memref<1x8x128xi32, #tpu.memory_space<vmem>>
    %dma_wait3A_1836 = tpu.memref_squeeze %dma_wait3A_1835 : memref<1x8x128xi32, #tpu.memory_space<vmem>> -> memref<8x128xi32, #tpu.memory_space<vmem>>
    %dma_wait3A_1837 = arith.constant 0 : i32
    %dma_wait3A_1838 = tpu.memref_slice %arg3[%add3A_1831, %dma_wait3A_1837] : memref<1280x128xi32, #tpu.memory_space<hbm>> -> memref<8x128xi32, #tpu.memory_space<hbm>>
    %dma_wait3A_1839 = arith.constant 0 : i32
    %dma_wait3A_1840 = arith.constant 0 : i32
    %dma_wait3A_1841 = tpu.memref_slice %arg7[%dma_wait3A_1832, %dma_wait3A_1839, %dma_wait3A_1840] : memref<2x8x128xi32, #tpu.memory_space<vmem>> -> memref<1x8x128xi32, #tpu.memory_space<vmem>>
    %dma_wait3A_1842 = tpu.memref_squeeze %dma_wait3A_1841 : memref<1x8x128xi32, #tpu.memory_space<vmem>> -> memref<8x128xi32, #tpu.memory_space<vmem>>
    %dma_wait3A_1843 = arith.constant 0 : i32
    %dma_wait3A_1844 = tpu.memref_slice %arg3[%add3A_1831, %dma_wait3A_1843] : memref<1280x128xi32, #tpu.memory_space<hbm>> -> memref<8x128xi32, #tpu.memory_space<hbm>>
    tpu.wait_dma2 semaphore(%arg14 : memref<!tpu.dma_semaphore, #tpu.memory_space<semaphore_mem>>) src(%dma_wait3A_1844 : memref<8x128xi32, #tpu.memory_space<hbm>>) dst(%dma_wait3A_1842 : memref<8x128xi32, #tpu.memory_space<vmem>>)
    %dma_wait3A_1845 = arith.constant 0 : i32
    %dma_wait3A_1846 = arith.constant 0 : i32
    %dma_wait3A_1847 = arith.constant 0 : i32
    %dma_wait3A_1848 = tpu.memref_slice %arg8[%dma_wait3A_1845, %dma_wait3A_1846, %dma_wait3A_1847] : memref<2x8x128xi32, #tpu.memory_space<vmem>> -> memref<1x8x128xi32, #tpu.memory_space<vmem>>
    %dma_wait3A_1849 = tpu.memref_squeeze %dma_wait3A_1848 : memref<1x8x128xi32, #tpu.memory_space<vmem>> -> memref<8x128xi32, #tpu.memory_space<vmem>>
    %dma_wait3A_1850 = arith.constant 0 : i32
    %dma_wait3A_1851 = tpu.memref_slice %arg4[%add3A_1831, %dma_wait3A_1850] : memref<1280x128xi32, #tpu.memory_space<hbm>> -> memref<8x128xi32, #tpu.memory_space<hbm>>
    %dma_wait3A_1852 = arith.constant 0 : i32
    %dma_wait3A_1853 = arith.constant 0 : i32
    %dma_wait3A_1854 = tpu.memref_slice %arg8[%dma_wait3A_1845, %dma_wait3A_1852, %dma_wait3A_1853] : memref<2x8x128xi32, #tpu.memory_space<vmem>> -> memref<1x8x128xi32, #tpu.memory_space<vmem>>
    %dma_wait3A_1855 = tpu.memref_squeeze %dma_wait3A_1854 : memref<1x8x128xi32, #tpu.memory_space<vmem>> -> memref<8x128xi32, #tpu.memory_space<vmem>>
    %dma_wait3A_1856 = arith.constant 0 : i32
    %dma_wait3A_1857 = tpu.memref_slice %arg4[%add3A_1831, %dma_wait3A_1856] : memref<1280x128xi32, #tpu.memory_space<hbm>> -> memref<8x128xi32, #tpu.memory_space<hbm>>
    tpu.wait_dma2 semaphore(%arg14 : memref<!tpu.dma_semaphore, #tpu.memory_space<semaphore_mem>>) src(%dma_wait3A_1857 : memref<8x128xi32, #tpu.memory_space<hbm>>) dst(%dma_wait3A_1855 : memref<8x128xi32, #tpu.memory_space<vmem>>)
    %mul3A_1858 = arith.constant 80 : i32
    %mul3A_1859 = arith.muli %arg1, %mul3A_1858 : i32
    %add3A_1860 = arith.constant 24 : i32
    %add3A_1861 = arith.addi %mul3A_1859, %add3A_1860 : i32
    %dma_start3A_1862 = arith.constant 1 : i32
    %dma_start3A_1863 = arith.constant 0 : i32
    %dma_start3A_1864 = arith.constant 0 : i32
    %dma_start3A_1865 = tpu.memref_slice %arg7[%dma_start3A_1862, %dma_start3A_1863, %dma_start3A_1864] : memref<2x8x128xi32, #tpu.memory_space<vmem>> -> memref<1x8x128xi32, #tpu.memory_space<vmem>>
    %dma_start3A_1866 = tpu.memref_squeeze %dma_start3A_1865 : memref<1x8x128xi32, #tpu.memory_space<vmem>> -> memref<8x128xi32, #tpu.memory_space<vmem>>
    %dma_start3A_1867 = arith.constant 0 : i32
    %dma_start3A_1868 = tpu.memref_slice %arg3[%add3A_1861, %dma_start3A_1867] : memref<1280x128xi32, #tpu.memory_space<hbm>> -> memref<8x128xi32, #tpu.memory_space<hbm>>
    %dma_start3A_1869 = arith.constant 0 : i32
    %dma_start3A_1870 = arith.constant 0 : i32
    %dma_start3A_1871 = tpu.memref_slice %arg7[%dma_start3A_1862, %dma_start3A_1869, %dma_start3A_1870] : memref<2x8x128xi32, #tpu.memory_space<vmem>> -> memref<1x8x128xi32, #tpu.memory_space<vmem>>
    %dma_start3A_1872 = tpu.memref_squeeze %dma_start3A_1871 : memref<1x8x128xi32, #tpu.memory_space<vmem>> -> memref<8x128xi32, #tpu.memory_space<vmem>>
    %dma_start3A_1873 = arith.constant 0 : i32
    %dma_start3A_1874 = tpu.memref_slice %arg3[%add3A_1861, %dma_start3A_1873] : memref<1280x128xi32, #tpu.memory_space<hbm>> -> memref<8x128xi32, #tpu.memory_space<hbm>>
    tpu.enqueue_dma source(%dma_start3A_1874 : memref<8x128xi32, #tpu.memory_space<hbm>>) target(%dma_start3A_1872 : memref<8x128xi32, #tpu.memory_space<vmem>>) target_semaphore(%arg14 : memref<!tpu.dma_semaphore, #tpu.memory_space<semaphore_mem>>)
    %dma_start3A_1875 = arith.constant 1 : i32
    %dma_start3A_1876 = arith.constant 0 : i32
    %dma_start3A_1877 = arith.constant 0 : i32
    %dma_start3A_1878 = tpu.memref_slice %arg8[%dma_start3A_1875, %dma_start3A_1876, %dma_start3A_1877] : memref<2x8x128xi32, #tpu.memory_space<vmem>> -> memref<1x8x128xi32, #tpu.memory_space<vmem>>
    %dma_start3A_1879 = tpu.memref_squeeze %dma_start3A_1878 : memref<1x8x128xi32, #tpu.memory_space<vmem>> -> memref<8x128xi32, #tpu.memory_space<vmem>>
    %dma_start3A_1880 = arith.constant 0 : i32
    %dma_start3A_1881 = tpu.memref_slice %arg4[%add3A_1861, %dma_start3A_1880] : memref<1280x128xi32, #tpu.memory_space<hbm>> -> memref<8x128xi32, #tpu.memory_space<hbm>>
    %dma_start3A_1882 = arith.constant 0 : i32
    %dma_start3A_1883 = arith.constant 0 : i32
    %dma_start3A_1884 = tpu.memref_slice %arg8[%dma_start3A_1875, %dma_start3A_1882, %dma_start3A_1883] : memref<2x8x128xi32, #tpu.memory_space<vmem>> -> memref<1x8x128xi32, #tpu.memory_space<vmem>>
    %dma_start3A_1885 = tpu.memref_squeeze %dma_start3A_1884 : memref<1x8x128xi32, #tpu.memory_space<vmem>> -> memref<8x128xi32, #tpu.memory_space<vmem>>
    %dma_start3A_1886 = arith.constant 0 : i32
    %dma_start3A_1887 = tpu.memref_slice %arg4[%add3A_1861, %dma_start3A_1886] : memref<1280x128xi32, #tpu.memory_space<hbm>> -> memref<8x128xi32, #tpu.memory_space<hbm>>
    tpu.enqueue_dma source(%dma_start3A_1887 : memref<8x128xi32, #tpu.memory_space<hbm>>) target(%dma_start3A_1885 : memref<8x128xi32, #tpu.memory_space<vmem>>) target_semaphore(%arg14 : memref<!tpu.dma_semaphore, #tpu.memory_space<semaphore_mem>>)
    %scan3A_1888 = arith.constant 0 : i32
    %scan3A_1889 = arith.constant 0 : i32
    %scan3A_1890 = arith.constant 64 : i32
    %scan3A_1891 = arith.addi %scan3A_1889, %scan3A_1890 : i32
    %scan3A_1892 = arith.constant 1 : i32
    scf.for %scan3A_2607 = %scan3A_1889 to %scan3A_1891 step %scan3A_1892  : i32 {
      %jit3A = arith.constant 8 : i32
      %div3A = arith.divsi %scan3A_2607, %jit3A : i32
      %sign3A = arith.constant 0 : i32
      %sign3A_2608 = arith.cmpi sgt, %scan3A_2607, %sign3A : i32
      %sign3A_2609 = arith.extui %sign3A_2608 : i1 to i32
      %sign3A_2610 = arith.constant 0 : i32
      %sign3A_2611 = arith.cmpi slt, %scan3A_2607, %sign3A_2610 : i32
      %sign3A_2612 = arith.extui %sign3A_2611 : i1 to i32
      %sign3A_2613 = arith.subi %sign3A_2609, %sign3A_2612 : i32
      %sign3A_2614 = arith.constant 0 : i32
      %sign3A_2615 = arith.cmpi sgt, %jit3A, %sign3A_2614 : i32
      %sign3A_2616 = arith.extui %sign3A_2615 : i1 to i32
      %sign3A_2617 = arith.constant 0 : i32
      %sign3A_2618 = arith.cmpi slt, %jit3A, %sign3A_2617 : i32
      %sign3A_2619 = arith.extui %sign3A_2618 : i1 to i32
      %sign3A_2620 = arith.subi %sign3A_2616, %sign3A_2619 : i32
      %ne3A = arith.cmpi ne, %sign3A_2613, %sign3A_2620 : i32
      %rem3A = arith.remsi %scan3A_2607, %jit3A : i32
      %ne3A_2621 = arith.constant 0 : i32
      %ne3A_2622 = arith.cmpi ne, %rem3A, %ne3A_2621 : i32
      %and3A = arith.andi %ne3A, %ne3A_2622 : i1
      %sub3A = arith.constant 1 : i32
      %sub3A_2623 = arith.subi %div3A, %sub3A : i32
      %select_n3A = arith.select %and3A, %sub3A_2623, %div3A : i32
      %jit3A_2624 = arith.constant 8 : i32
      %eq3A_2625 = arith.constant 0 : i32
      %eq3A_2626 = arith.cmpi eq, %jit3A_2624, %eq3A_2625 : i32
      %jit3A_2627 = arith.constant 1 : i32
      %select_n3A_2628 = arith.select %eq3A_2626, %jit3A_2627, %jit3A_2624 : i32
      %rem3A_2629 = arith.remsi %scan3A_2607, %select_n3A_2628 : i32
      %ne3A_2630 = arith.constant 0 : i32
      %ne3A_2631 = arith.cmpi ne, %rem3A_2629, %ne3A_2630 : i32
      %lt3A = arith.constant 0 : i32
      %lt3A_2632 = arith.cmpi slt, %rem3A_2629, %lt3A : i32
      %lt3A_2633 = arith.constant 0 : i32
      %lt3A_2634 = arith.cmpi slt, %select_n3A_2628, %lt3A_2633 : i32
      %ne3A_2635 = arith.xori %lt3A_2632, %lt3A_2634 : i1
      %and3A_2636 = arith.andi %ne3A_2635, %ne3A_2631 : i1
      %add3A_2637 = arith.addi %rem3A_2629, %select_n3A_2628 : i32
      %select_n3A_2638 = arith.select %and3A_2636, %add3A_2637, %rem3A_2629 : i32
      %mul3A_2639 = arith.constant 16 : i32
      %mul3A_2640 = arith.muli %select_n3A_2638, %mul3A_2639 : i32
      %get3A = arith.constant 0 : i32
      %get3A_2641 = arith.index_cast %get3A : i32 to index
      %get3A_2642 = arith.index_cast %select_n3A : i32 to index
      %get3A_2643 = arith.index_cast %mul3A_2640 : i32 to index
      %get3A_2644 = tpu.vector_load %arg7[%get3A_2641, %get3A_2642, %get3A_2643] {strides = array<i32>} : memref<2x8x128xi32, #tpu.memory_space<vmem>>, vector<1x1x16xi32>,
      %get3A_2645 = vector.shape_cast %get3A_2644 : vector<1x1x16xi32> to vector<16xi32>
      %mul3A_2646 = arith.constant 2 : i32
      %mul3A_2647 = vector.broadcast %mul3A_2646 : i32 to vector<16xi32>
      %mul3A_2648 = arith.muli %get3A_2645, %mul3A_2647 : vector<16xi32>
      %add3A_2649 = vector.broadcast %arg0 : i32 to vector<16xi32>
      %add3A_2650 = arith.addi %mul3A_2648, %add3A_2649 : vector<16xi32>
      %swap3A_2651 = arith.constant 0 : i32
      %swap3A_2652 = arith.index_cast %swap3A_2651 : i32 to index
      %swap3A_2653 = arith.index_cast %select_n3A : i32 to index
      %swap3A_2654 = arith.index_cast %mul3A_2640 : i32 to index
      %swap3A_2655 = tpu.vector_load %arg7[%swap3A_2652, %swap3A_2653, %swap3A_2654] {strides = array<i32>} : memref<2x8x128xi32, #tpu.memory_space<vmem>>, vector<1x1x16xi32>,
      %swap3A_2656 = vector.shape_cast %swap3A_2655 : vector<1x1x16xi32> to vector<16xi32>
      %swap3A_2657 = vector.shape_cast %add3A_2650 : vector<16xi32> to vector<1x1x16xi32>
      tpu.vector_store %arg7[%swap3A_2652, %swap3A_2653, %swap3A_2654], %swap3A_2657 {strides = array<i32>} : memref<2x8x128xi32, #tpu.memory_space<vmem>>, vector<1x1x16xi32>,
    }
    %scan3A_1893 = arith.constant 64 : i32
    %eq3A_1894 = arith.constant 0 : i32
    %eq3A_1895 = arith.cmpi eq, %arg0, %eq3A_1894 : i32
    %dma_start3A_1896 = arith.constant 0 : i32
    %dma_start3A_1897 = arith.constant 0 : i32
    %dma_start3A_1898 = arith.constant 0 : i32
    %dma_start3A_1899 = arith.constant 0 : i32
    %dma_start3A_1900 = arith.constant 0 : i32
    %dma_start3A_1901 = tpu.memref_slice %arg9[%dma_start3A_1898, %dma_start3A_1899, %dma_start3A_1900] : memref<2x128x128xf32, #tpu.memory_space<vmem>> -> memref<1x128x128xf32, #tpu.memory_space<vmem>>
    %dma_start3A_1902 = tpu.memref_squeeze %dma_start3A_1901 : memref<1x128x128xf32, #tpu.memory_space<vmem>> -> memref<128x128xf32, #tpu.memory_space<vmem>>
    %dma_start3A_1903 = arith.constant 0 : i32
    %dma_start3A_1904 = tpu.memref_slice %arg7[%dma_start3A_1896, %dma_start3A_1897, %dma_start3A_1903] : memref<2x8x128xi32, #tpu.memory_space<vmem>> -> memref<1x1x128xi32, #tpu.memory_space<vmem>>
    %dma_start3A_1905 = tpu.memref_squeeze %dma_start3A_1904 : memref<1x1x128xi32, #tpu.memory_space<vmem>> -> memref<128xi32, #tpu.memory_space<vmem>>
    %dma_start3A_1906 = arith.constant 0 : i32
    %dma_start3A_1907 = arith.constant 0 : i32
    %dma_start3A_1908 = tpu.memref_slice %arg2[%dma_start3A_1906, %dma_start3A_1907] : memref<20000x128xf32, #tpu.memory_space<hbm>> -> memref<20000x128xf32, #tpu.memory_space<hbm>>
    tpu.enqueue_indirect_dma source(%dma_start3A_1908 : memref<20000x128xf32, #tpu.memory_space<hbm>>) target(%dma_start3A_1902 : memref<128x128xf32, #tpu.memory_space<vmem>>) offsets(%dma_start3A_1905 : memref<128xi32, #tpu.memory_space<vmem>>) semaphore(%arg13 : memref<!tpu.dma_semaphore, #tpu.memory_space<semaphore_mem>>)
    %scan3A_1909 = arith.constant 0 : i32
    %scan3A_1910 = arith.constant 0 : i32
    %scan3A_1911 = arith.constant 8 : i32
    %scan3A_1912 = arith.addi %scan3A_1910, %scan3A_1911 : i32
    %scan3A_1913 = arith.constant 1 : i32
    scf.for %scan3A_2607 = %scan3A_1910 to %scan3A_1912 step %scan3A_1913  : i32 {
      %jit3A = arith.constant 2 : i32
      %eq3A_2608 = arith.constant 0 : i32
      %eq3A_2609 = arith.cmpi eq, %jit3A, %eq3A_2608 : i32
      %jit3A_2610 = arith.constant 1 : i32
      %select_n3A = arith.select %eq3A_2609, %jit3A_2610, %jit3A : i32
      %rem3A = arith.remsi %scan3A_2607, %select_n3A : i32
      %ne3A = arith.constant 0 : i32
      %ne3A_2611 = arith.cmpi ne, %rem3A, %ne3A : i32
      %lt3A = arith.constant 0 : i32
      %lt3A_2612 = arith.cmpi slt, %rem3A, %lt3A : i32
      %lt3A_2613 = arith.constant 0 : i32
      %lt3A_2614 = arith.cmpi slt, %select_n3A, %lt3A_2613 : i32
      %ne3A_2615 = arith.xori %lt3A_2612, %lt3A_2614 : i1
      %and3A = arith.andi %ne3A_2615, %ne3A_2611 : i1
      %add3A_2616 = arith.addi %rem3A, %select_n3A : i32
      %select_n3A_2617 = arith.select %and3A, %add3A_2616, %rem3A : i32
      %dma_wait3A_2618 = arith.constant 0 : i32
      %dma_wait3A_2619 = arith.constant 0 : i32
      %dma_wait3A_2620 = arith.constant 0 : i32
      %dma_wait3A_2621 = tpu.memref_slice %arg9[%select_n3A_2617, %dma_wait3A_2619, %dma_wait3A_2620] : memref<2x128x128xf32, #tpu.memory_space<vmem>> -> memref<1x128x128xf32, #tpu.memory_space<vmem>>
      %dma_wait3A_2622 = tpu.memref_squeeze %dma_wait3A_2621 : memref<1x128x128xf32, #tpu.memory_space<vmem>> -> memref<128x128xf32, #tpu.memory_space<vmem>>
      %dma_wait3A_2623 = arith.constant 0 : i32
      %dma_wait3A_2624 = tpu.memref_slice %arg7[%dma_wait3A_2618, %scan3A_2607, %dma_wait3A_2623] : memref<2x8x128xi32, #tpu.memory_space<vmem>> -> memref<1x1x128xi32, #tpu.memory_space<vmem>>
      %dma_wait3A_2625 = tpu.memref_squeeze %dma_wait3A_2624 : memref<1x1x128xi32, #tpu.memory_space<vmem>> -> memref<128xi32, #tpu.memory_space<vmem>>
      %dma_wait3A_2626 = arith.constant 0 : i32
      %dma_wait3A_2627 = arith.constant 0 : i32
      %dma_wait3A_2628 = tpu.memref_slice %arg2[%dma_wait3A_2626, %dma_wait3A_2627] : memref<20000x128xf32, #tpu.memory_space<hbm>> -> memref<20000x128xf32, #tpu.memory_space<hbm>>
      tpu.wait_indirect_dma semaphore(%arg13 : memref<!tpu.dma_semaphore, #tpu.memory_space<semaphore_mem>>) src(%dma_wait3A_2628 : memref<20000x128xf32, #tpu.memory_space<hbm>>) dst(%dma_wait3A_2622 : memref<128x128xf32, #tpu.memory_space<vmem>>)
      %dma_start3A_2629 = arith.constant 0 : i32
      %dma_start3A_2630 = arith.constant 0 : i32
      %dma_start3A_2631 = arith.constant 0 : i32
      %dma_start3A_2632 = tpu.memref_slice %arg9[%select_n3A_2617, %dma_start3A_2630, %dma_start3A_2631] : memref<2x128x128xf32, #tpu.memory_space<vmem>> -> memref<1x128x128xf32, #tpu.memory_space<vmem>>
      %dma_start3A_2633 = tpu.memref_squeeze %dma_start3A_2632 : memref<1x128x128xf32, #tpu.memory_space<vmem>> -> memref<128x128xf32, #tpu.memory_space<vmem>>
      %dma_start3A_2634 = arith.constant 0 : i32
      %dma_start3A_2635 = tpu.memref_slice %arg8[%dma_start3A_2629, %scan3A_2607, %dma_start3A_2634] : memref<2x8x128xi32, #tpu.memory_space<vmem>> -> memref<1x1x128xi32, #tpu.memory_space<vmem>>
      %dma_start3A_2636 = tpu.memref_squeeze %dma_start3A_2635 : memref<1x1x128xi32, #tpu.memory_space<vmem>> -> memref<128xi32, #tpu.memory_space<vmem>>
      %dma_start3A_2637 = arith.constant 0 : i32
      %dma_start3A_2638 = arith.constant 0 : i32
      %dma_start3A_2639 = tpu.memref_slice %arg18[%dma_start3A_2637, %dma_start3A_2638] : memref<10240x128xf32, #tpu.memory_space<vmem_shared>> -> memref<10240x128xf32, #tpu.memory_space<vmem_shared>>
      tpu.enqueue_indirect_dma source(%dma_start3A_2633 : memref<128x128xf32, #tpu.memory_space<vmem>>) target(%dma_start3A_2639 : memref<10240x128xf32, #tpu.memory_space<vmem_shared>>) offsets(%dma_start3A_2636 : memref<128xi32, #tpu.memory_space<vmem>>) semaphore(%arg15 : memref<!tpu.dma_semaphore, #tpu.memory_space<semaphore_mem>>) {add = true}
      %ge3A = arith.constant 1 : i32
      %ge3A_2640 = arith.cmpi sge, %scan3A_2607, %ge3A : i32
      %convert_element_type3A = arith.extui %ge3A_2640 : i1 to i32
      %cond3A = arith.constant 0 : i32
      %cond3A_2641 = arith.cmpi ne, %convert_element_type3A, %cond3A : i32
      scf.if %cond3A_2641 {
        %sub3A = arith.constant 1 : i32
        %sub3A_2652 = arith.subi %sub3A, %select_n3A_2617 : i32
        %sub3A_2653 = arith.constant 1 : i32
        %sub3A_2654 = arith.subi %scan3A_2607, %sub3A_2653 : i32
        %dma_wait3A_2655 = arith.constant 0 : i32
        %dma_wait3A_2656 = arith.constant 0 : i32
        %dma_wait3A_2657 = arith.constant 0 : i32
        %dma_wait3A_2658 = tpu.memref_slice %arg9[%sub3A_2652, %dma_wait3A_2656, %dma_wait3A_2657] : memref<2x128x128xf32, #tpu.memory_space<vmem>> -> memref<1x128x128xf32, #tpu.memory_space<vmem>>
        %dma_wait3A_2659 = tpu.memref_squeeze %dma_wait3A_2658 : memref<1x128x128xf32, #tpu.memory_space<vmem>> -> memref<128x128xf32, #tpu.memory_space<vmem>>
        %dma_wait3A_2660 = arith.constant 0 : i32
        %dma_wait3A_2661 = tpu.memref_slice %arg8[%dma_wait3A_2655, %sub3A_2654, %dma_wait3A_2660] : memref<2x8x128xi32, #tpu.memory_space<vmem>> -> memref<1x1x128xi32, #tpu.memory_space<vmem>>
        %dma_wait3A_2662 = tpu.memref_squeeze %dma_wait3A_2661 : memref<1x1x128xi32, #tpu.memory_space<vmem>> -> memref<128xi32, #tpu.memory_space<vmem>>
        %dma_wait3A_2663 = arith.constant 0 : i32
        %dma_wait3A_2664 = arith.constant 0 : i32
        %dma_wait3A_2665 = tpu.memref_slice %arg18[%dma_wait3A_2663, %dma_wait3A_2664] : memref<10240x128xf32, #tpu.memory_space<vmem_shared>> -> memref<10240x128xf32, #tpu.memory_space<vmem_shared>>
        tpu.wait_indirect_dma semaphore(%arg15 : memref<!tpu.dma_semaphore, #tpu.memory_space<semaphore_mem>>) src(%dma_wait3A_2659 : memref<128x128xf32, #tpu.memory_space<vmem>>) dst(%dma_wait3A_2665 : memref<10240x128xf32, #tpu.memory_space<vmem_shared>>)
      } else {
      }
      %add3A_2642 = arith.constant 1 : i32
      %add3A_2643 = arith.addi %scan3A_2607, %add3A_2642 : i32
      %lt3A_2644 = arith.constant 8 : i32
      %lt3A_2645 = arith.cmpi slt, %add3A_2643, %lt3A_2644 : i32
      %convert_element_type3A_2646 = arith.extui %lt3A_2645 : i1 to i32
      %cond3A_2647 = arith.constant 0 : i32
      %cond3A_2648 = arith.cmpi ne, %convert_element_type3A_2646, %cond3A_2647 : i32
      scf.if %cond3A_2648 {
        %add3A_2652 = arith.constant 1 : i32
        %add3A_2653 = arith.addi %scan3A_2607, %add3A_2652 : i32
        %sub3A = arith.constant 1 : i32
        %sub3A_2654 = arith.subi %sub3A, %select_n3A_2617 : i32
        %dma_start3A_2655 = arith.constant 0 : i32
        %dma_start3A_2656 = arith.constant 0 : i32
        %dma_start3A_2657 = arith.constant 0 : i32
        %dma_start3A_2658 = tpu.memref_slice %arg9[%sub3A_2654, %dma_start3A_2656, %dma_start3A_2657] : memref<2x128x128xf32, #tpu.memory_space<vmem>> -> memref<1x128x128xf32, #tpu.memory_space<vmem>>
        %dma_start3A_2659 = tpu.memref_squeeze %dma_start3A_2658 : memref<1x128x128xf32, #tpu.memory_space<vmem>> -> memref<128x128xf32, #tpu.memory_space<vmem>>
        %dma_start3A_2660 = arith.constant 0 : i32
        %dma_start3A_2661 = tpu.memref_slice %arg7[%dma_start3A_2655, %add3A_2653, %dma_start3A_2660] : memref<2x8x128xi32, #tpu.memory_space<vmem>> -> memref<1x1x128xi32, #tpu.memory_space<vmem>>
        %dma_start3A_2662 = tpu.memref_squeeze %dma_start3A_2661 : memref<1x1x128xi32, #tpu.memory_space<vmem>> -> memref<128xi32, #tpu.memory_space<vmem>>
        %dma_start3A_2663 = arith.constant 0 : i32
        %dma_start3A_2664 = arith.constant 0 : i32
        %dma_start3A_2665 = tpu.memref_slice %arg2[%dma_start3A_2663, %dma_start3A_2664] : memref<20000x128xf32, #tpu.memory_space<hbm>> -> memref<20000x128xf32, #tpu.memory_space<hbm>>
        tpu.enqueue_indirect_dma source(%dma_start3A_2665 : memref<20000x128xf32, #tpu.memory_space<hbm>>) target(%dma_start3A_2659 : memref<128x128xf32, #tpu.memory_space<vmem>>) offsets(%dma_start3A_2662 : memref<128xi32, #tpu.memory_space<vmem>>) semaphore(%arg13 : memref<!tpu.dma_semaphore, #tpu.memory_space<semaphore_mem>>)
      } else {
      }
      %convert_element_type3A_2649 = arith.extui %eq3A_1895 : i1 to i32
      %cond3A_2650 = arith.constant 0 : i32
      %cond3A_2651 = arith.cmpi ne, %convert_element_type3A_2649, %cond3A_2650 : i32
      scf.if %cond3A_2651 {
        %run_scoped3A = arith.constant 0 : i32
        "tpu.region"() ({
          %run_scoped3A_2652 = tpu.sem_alloc : memref<!tpu.dma_semaphore, #tpu.memory_space<semaphore_mem>>
          %dma_start3A_2653 = arith.constant 0 : i32
          %dma_start3A_2654 = tpu.memref_slice %arg8[%run_scoped3A, %scan3A_2607, %dma_start3A_2653] : memref<2x8x128xi32, #tpu.memory_space<vmem>> -> memref<1x1x128xi32, #tpu.memory_space<vmem>>
          %dma_start3A_2655 = tpu.memref_squeeze %dma_start3A_2654 : memref<1x1x128xi32, #tpu.memory_space<vmem>> -> memref<128xi32, #tpu.memory_space<vmem>>
          %dma_start3A_2656 = arith.constant 0 : i32
          %dma_start3A_2657 = tpu.memref_slice %arg19[%dma_start3A_2656] : memref<10240xf32, #tpu.memory_space<vmem_shared>> -> memref<10240xf32, #tpu.memory_space<vmem_shared>>
          tpu.enqueue_indirect_dma source(%arg10 : memref<128xf32, #tpu.memory_space<vmem>>) target(%dma_start3A_2657 : memref<10240xf32, #tpu.memory_space<vmem_shared>>) offsets(%dma_start3A_2655 : memref<128xi32, #tpu.memory_space<vmem>>) semaphore(%run_scoped3A_2652 : memref<!tpu.dma_semaphore, #tpu.memory_space<semaphore_mem>>) {add = true}
          %dma_wait3A_2658 = arith.constant 0 : i32
          %dma_wait3A_2659 = tpu.memref_slice %arg8[%run_scoped3A, %scan3A_2607, %dma_wait3A_2658] : memref<2x8x128xi32, #tpu.memory_space<vmem>> -> memref<1x1x128xi32, #tpu.memory_space<vmem>>
          %dma_wait3A_2660 = tpu.memref_squeeze %dma_wait3A_2659 : memref<1x1x128xi32, #tpu.memory_space<vmem>> -> memref<128xi32, #tpu.memory_space<vmem>>
          %dma_wait3A_2661 = arith.constant 0 : i32
          %dma_wait3A_2662 = tpu.memref_slice %arg19[%dma_wait3A_2661] : memref<10240xf32, #tpu.memory_space<vmem_shared>> -> memref<10240xf32, #tpu.memory_space<vmem_shared>>
          tpu.wait_indirect_dma semaphore(%run_scoped3A_2652 : memref<!tpu.dma_semaphore, #tpu.memory_space<semaphore_mem>>) src(%arg10 : memref<128xf32, #tpu.memory_space<vmem>>) dst(%dma_wait3A_2662 : memref<10240xf32, #tpu.memory_space<vmem_shared>>)
          tpu.yield
        }) : () -> ()
      } else {
      }
    }
    %scan3A_1914 = arith.constant 8 : i32
    %dma_wait3A_1915 = arith.constant 1 : i32
    %dma_wait3A_1916 = arith.constant 0 : i32
    %dma_wait3A_1917 = arith.constant 7 : i32
    %dma_wait3A_1918 = arith.constant 0 : i32
    %dma_wait3A_1919 = arith.constant 0 : i32
    %dma_wait3A_1920 = tpu.memref_slice %arg9[%dma_wait3A_1915, %dma_wait3A_1918, %dma_wait3A_1919] : memref<2x128x128xf32, #tpu.memory_space<vmem>> -> memref<1x128x128xf32, #tpu.memory_space<vmem>>
    %dma_wait3A_1921 = tpu.memref_squeeze %dma_wait3A_1920 : memref<1x128x128xf32, #tpu.memory_space<vmem>> -> memref<128x128xf32, #tpu.memory_space<vmem>>
    %dma_wait3A_1922 = arith.constant 0 : i32
    %dma_wait3A_1923 = tpu.memref_slice %arg8[%dma_wait3A_1916, %dma_wait3A_1917, %dma_wait3A_1922] : memref<2x8x128xi32, #tpu.memory_space<vmem>> -> memref<1x1x128xi32, #tpu.memory_space<vmem>>
    %dma_wait3A_1924 = tpu.memref_squeeze %dma_wait3A_1923 : memref<1x1x128xi32, #tpu.memory_space<vmem>> -> memref<128xi32, #tpu.memory_space<vmem>>
    %dma_wait3A_1925 = arith.constant 0 : i32
    %dma_wait3A_1926 = arith.constant 0 : i32
    %dma_wait3A_1927 = tpu.memref_slice %arg18[%dma_wait3A_1925, %dma_wait3A_1926] : memref<10240x128xf32, #tpu.memory_space<vmem_shared>> -> memref<10240x128xf32, #tpu.memory_space<vmem_shared>>
    tpu.wait_indirect_dma semaphore(%arg15 : memref<!tpu.dma_semaphore, #tpu.memory_space<semaphore_mem>>) src(%dma_wait3A_1921 : memref<128x128xf32, #tpu.memory_space<vmem>>) dst(%dma_wait3A_1927 : memref<10240x128xf32, #tpu.memory_space<vmem_shared>>)
    %mul3A_1928 = arith.constant 80 : i32
    %mul3A_1929 = arith.muli %arg1, %mul3A_1928 : i32
    %add3A_1930 = arith.constant 24 : i32
    %add3A_1931 = arith.addi %mul3A_1929, %add3A_1930 : i32
    %dma_wait3A_1932 = arith.constant 1 : i32
    %dma_wait3A_1933 = arith.constant 0 : i32
    %dma_wait3A_1934 = arith.constant 0 : i32
    %dma_wait3A_1935 = tpu.memref_slice %arg7[%dma_wait3A_1932, %dma_wait3A_1933, %dma_wait3A_1934] : memref<2x8x128xi32, #tpu.memory_space<vmem>> -> memref<1x8x128xi32, #tpu.memory_space<vmem>>
    %dma_wait3A_1936 = tpu.memref_squeeze %dma_wait3A_1935 : memref<1x8x128xi32, #tpu.memory_space<vmem>> -> memref<8x128xi32, #tpu.memory_space<vmem>>
    %dma_wait3A_1937 = arith.constant 0 : i32
    %dma_wait3A_1938 = tpu.memref_slice %arg3[%add3A_1931, %dma_wait3A_1937] : memref<1280x128xi32, #tpu.memory_space<hbm>> -> memref<8x128xi32, #tpu.memory_space<hbm>>
    %dma_wait3A_1939 = arith.constant 0 : i32
    %dma_wait3A_1940 = arith.constant 0 : i32
    %dma_wait3A_1941 = tpu.memref_slice %arg7[%dma_wait3A_1932, %dma_wait3A_1939, %dma_wait3A_1940] : memref<2x8x128xi32, #tpu.memory_space<vmem>> -> memref<1x8x128xi32, #tpu.memory_space<vmem>>
    %dma_wait3A_1942 = tpu.memref_squeeze %dma_wait3A_1941 : memref<1x8x128xi32, #tpu.memory_space<vmem>> -> memref<8x128xi32, #tpu.memory_space<vmem>>
    %dma_wait3A_1943 = arith.constant 0 : i32
    %dma_wait3A_1944 = tpu.memref_slice %arg3[%add3A_1931, %dma_wait3A_1943] : memref<1280x128xi32, #tpu.memory_space<hbm>> -> memref<8x128xi32, #tpu.memory_space<hbm>>
    tpu.wait_dma2 semaphore(%arg14 : memref<!tpu.dma_semaphore, #tpu.memory_space<semaphore_mem>>) src(%dma_wait3A_1944 : memref<8x128xi32, #tpu.memory_space<hbm>>) dst(%dma_wait3A_1942 : memref<8x128xi32, #tpu.memory_space<vmem>>)
    %dma_wait3A_1945 = arith.constant 1 : i32
    %dma_wait3A_1946 = arith.constant 0 : i32
    %dma_wait3A_1947 = arith.constant 0 : i32
    %dma_wait3A_1948 = tpu.memref_slice %arg8[%dma_wait3A_1945, %dma_wait3A_1946, %dma_wait3A_1947] : memref<2x8x128xi32, #tpu.memory_space<vmem>> -> memref<1x8x128xi32, #tpu.memory_space<vmem>>
    %dma_wait3A_1949 = tpu.memref_squeeze %dma_wait3A_1948 : memref<1x8x128xi32, #tpu.memory_space<vmem>> -> memref<8x128xi32, #tpu.memory_space<vmem>>
    %dma_wait3A_1950 = arith.constant 0 : i32
    %dma_wait3A_1951 = tpu.memref_slice %arg4[%add3A_1931, %dma_wait3A_1950] : memref<1280x128xi32, #tpu.memory_space<hbm>> -> memref<8x128xi32, #tpu.memory_space<hbm>>
    %dma_wait3A_1952 = arith.constant 0 : i32
    %dma_wait3A_1953 = arith.constant 0 : i32
    %dma_wait3A_1954 = tpu.memref_slice %arg8[%dma_wait3A_1945, %dma_wait3A_1952, %dma_wait3A_1953] : memref<2x8x128xi32, #tpu.memory_space<vmem>> -> memref<1x8x128xi32, #tpu.memory_space<vmem>>
    %dma_wait3A_1955 = tpu.memref_squeeze %dma_wait3A_1954 : memref<1x8x128xi32, #tpu.memory_space<vmem>> -> memref<8x128xi32, #tpu.memory_space<vmem>>
    %dma_wait3A_1956 = arith.constant 0 : i32
    %dma_wait3A_1957 = tpu.memref_slice %arg4[%add3A_1931, %dma_wait3A_1956] : memref<1280x128xi32, #tpu.memory_space<hbm>> -> memref<8x128xi32, #tpu.memory_space<hbm>>
    tpu.wait_dma2 semaphore(%arg14 : memref<!tpu.dma_semaphore, #tpu.memory_space<semaphore_mem>>) src(%dma_wait3A_1957 : memref<8x128xi32, #tpu.memory_space<hbm>>) dst(%dma_wait3A_1955 : memref<8x128xi32, #tpu.memory_space<vmem>>)
    %mul3A_1958 = arith.constant 80 : i32
    %mul3A_1959 = arith.muli %arg1, %mul3A_1958 : i32
    %add3A_1960 = arith.constant 32 : i32
    %add3A_1961 = arith.addi %mul3A_1959, %add3A_1960 : i32
    %dma_start3A_1962 = arith.constant 0 : i32
    %dma_start3A_1963 = arith.constant 0 : i32
    %dma_start3A_1964 = arith.constant 0 : i32
    %dma_start3A_1965 = tpu.memref_slice %arg7[%dma_start3A_1962, %dma_start3A_1963, %dma_start3A_1964] : memref<2x8x128xi32, #tpu.memory_space<vmem>> -> memref<1x8x128xi32, #tpu.memory_space<vmem>>
    %dma_start3A_1966 = tpu.memref_squeeze %dma_start3A_1965 : memref<1x8x128xi32, #tpu.memory_space<vmem>> -> memref<8x128xi32, #tpu.memory_space<vmem>>
    %dma_start3A_1967 = arith.constant 0 : i32
    %dma_start3A_1968 = tpu.memref_slice %arg3[%add3A_1961, %dma_start3A_1967] : memref<1280x128xi32, #tpu.memory_space<hbm>> -> memref<8x128xi32, #tpu.memory_space<hbm>>
    %dma_start3A_1969 = arith.constant 0 : i32
    %dma_start3A_1970 = arith.constant 0 : i32
    %dma_start3A_1971 = tpu.memref_slice %arg7[%dma_start3A_1962, %dma_start3A_1969, %dma_start3A_1970] : memref<2x8x128xi32, #tpu.memory_space<vmem>> -> memref<1x8x128xi32, #tpu.memory_space<vmem>>
    %dma_start3A_1972 = tpu.memref_squeeze %dma_start3A_1971 : memref<1x8x128xi32, #tpu.memory_space<vmem>> -> memref<8x128xi32, #tpu.memory_space<vmem>>
    %dma_start3A_1973 = arith.constant 0 : i32
    %dma_start3A_1974 = tpu.memref_slice %arg3[%add3A_1961, %dma_start3A_1973] : memref<1280x128xi32, #tpu.memory_space<hbm>> -> memref<8x128xi32, #tpu.memory_space<hbm>>
    tpu.enqueue_dma source(%dma_start3A_1974 : memref<8x128xi32, #tpu.memory_space<hbm>>) target(%dma_start3A_1972 : memref<8x128xi32, #tpu.memory_space<vmem>>) target_semaphore(%arg14 : memref<!tpu.dma_semaphore, #tpu.memory_space<semaphore_mem>>)
    %dma_start3A_1975 = arith.constant 0 : i32
    %dma_start3A_1976 = arith.constant 0 : i32
    %dma_start3A_1977 = arith.constant 0 : i32
    %dma_start3A_1978 = tpu.memref_slice %arg8[%dma_start3A_1975, %dma_start3A_1976, %dma_start3A_1977] : memref<2x8x128xi32, #tpu.memory_space<vmem>> -> memref<1x8x128xi32, #tpu.memory_space<vmem>>
    %dma_start3A_1979 = tpu.memref_squeeze %dma_start3A_1978 : memref<1x8x128xi32, #tpu.memory_space<vmem>> -> memref<8x128xi32, #tpu.memory_space<vmem>>
    %dma_start3A_1980 = arith.constant 0 : i32
    %dma_start3A_1981 = tpu.memref_slice %arg4[%add3A_1961, %dma_start3A_1980] : memref<1280x128xi32, #tpu.memory_space<hbm>> -> memref<8x128xi32, #tpu.memory_space<hbm>>
    %dma_start3A_1982 = arith.constant 0 : i32
    %dma_start3A_1983 = arith.constant 0 : i32
    %dma_start3A_1984 = tpu.memref_slice %arg8[%dma_start3A_1975, %dma_start3A_1982, %dma_start3A_1983] : memref<2x8x128xi32, #tpu.memory_space<vmem>> -> memref<1x8x128xi32, #tpu.memory_space<vmem>>
    %dma_start3A_1985 = tpu.memref_squeeze %dma_start3A_1984 : memref<1x8x128xi32, #tpu.memory_space<vmem>> -> memref<8x128xi32, #tpu.memory_space<vmem>>
    %dma_start3A_1986 = arith.constant 0 : i32
    %dma_start3A_1987 = tpu.memref_slice %arg4[%add3A_1961, %dma_start3A_1986] : memref<1280x128xi32, #tpu.memory_space<hbm>> -> memref<8x128xi32, #tpu.memory_space<hbm>>
    tpu.enqueue_dma source(%dma_start3A_1987 : memref<8x128xi32, #tpu.memory_space<hbm>>) target(%dma_start3A_1985 : memref<8x128xi32, #tpu.memory_space<vmem>>) target_semaphore(%arg14 : memref<!tpu.dma_semaphore, #tpu.memory_space<semaphore_mem>>)
    %scan3A_1988 = arith.constant 0 : i32
    %scan3A_1989 = arith.constant 0 : i32
    %scan3A_1990 = arith.constant 64 : i32
    %scan3A_1991 = arith.addi %scan3A_1989, %scan3A_1990 : i32
    %scan3A_1992 = arith.constant 1 : i32
    scf.for %scan3A_2607 = %scan3A_1989 to %scan3A_1991 step %scan3A_1992  : i32 {
      %jit3A = arith.constant 8 : i32
      %div3A = arith.divsi %scan3A_2607, %jit3A : i32
      %sign3A = arith.constant 0 : i32
      %sign3A_2608 = arith.cmpi sgt, %scan3A_2607, %sign3A : i32
      %sign3A_2609 = arith.extui %sign3A_2608 : i1 to i32
      %sign3A_2610 = arith.constant 0 : i32
      %sign3A_2611 = arith.cmpi slt, %scan3A_2607, %sign3A_2610 : i32
      %sign3A_2612 = arith.extui %sign3A_2611 : i1 to i32
      %sign3A_2613 = arith.subi %sign3A_2609, %sign3A_2612 : i32
      %sign3A_2614 = arith.constant 0 : i32
      %sign3A_2615 = arith.cmpi sgt, %jit3A, %sign3A_2614 : i32
      %sign3A_2616 = arith.extui %sign3A_2615 : i1 to i32
      %sign3A_2617 = arith.constant 0 : i32
      %sign3A_2618 = arith.cmpi slt, %jit3A, %sign3A_2617 : i32
      %sign3A_2619 = arith.extui %sign3A_2618 : i1 to i32
      %sign3A_2620 = arith.subi %sign3A_2616, %sign3A_2619 : i32
      %ne3A = arith.cmpi ne, %sign3A_2613, %sign3A_2620 : i32
      %rem3A = arith.remsi %scan3A_2607, %jit3A : i32
      %ne3A_2621 = arith.constant 0 : i32
      %ne3A_2622 = arith.cmpi ne, %rem3A, %ne3A_2621 : i32
      %and3A = arith.andi %ne3A, %ne3A_2622 : i1
      %sub3A = arith.constant 1 : i32
      %sub3A_2623 = arith.subi %div3A, %sub3A : i32
      %select_n3A = arith.select %and3A, %sub3A_2623, %div3A : i32
      %jit3A_2624 = arith.constant 8 : i32
      %eq3A_2625 = arith.constant 0 : i32
      %eq3A_2626 = arith.cmpi eq, %jit3A_2624, %eq3A_2625 : i32
      %jit3A_2627 = arith.constant 1 : i32
      %select_n3A_2628 = arith.select %eq3A_2626, %jit3A_2627, %jit3A_2624 : i32
      %rem3A_2629 = arith.remsi %scan3A_2607, %select_n3A_2628 : i32
      %ne3A_2630 = arith.constant 0 : i32
      %ne3A_2631 = arith.cmpi ne, %rem3A_2629, %ne3A_2630 : i32
      %lt3A = arith.constant 0 : i32
      %lt3A_2632 = arith.cmpi slt, %rem3A_2629, %lt3A : i32
      %lt3A_2633 = arith.constant 0 : i32
      %lt3A_2634 = arith.cmpi slt, %select_n3A_2628, %lt3A_2633 : i32
      %ne3A_2635 = arith.xori %lt3A_2632, %lt3A_2634 : i1
      %and3A_2636 = arith.andi %ne3A_2635, %ne3A_2631 : i1
      %add3A_2637 = arith.addi %rem3A_2629, %select_n3A_2628 : i32
      %select_n3A_2638 = arith.select %and3A_2636, %add3A_2637, %rem3A_2629 : i32
      %mul3A_2639 = arith.constant 16 : i32
      %mul3A_2640 = arith.muli %select_n3A_2638, %mul3A_2639 : i32
      %get3A = arith.constant 1 : i32
      %get3A_2641 = arith.index_cast %get3A : i32 to index
      %get3A_2642 = arith.index_cast %select_n3A : i32 to index
      %get3A_2643 = arith.index_cast %mul3A_2640 : i32 to index
      %get3A_2644 = tpu.vector_load %arg7[%get3A_2641, %get3A_2642, %get3A_2643] {strides = array<i32>} : memref<2x8x128xi32, #tpu.memory_space<vmem>>, vector<1x1x16xi32>,
      %get3A_2645 = vector.shape_cast %get3A_2644 : vector<1x1x16xi32> to vector<16xi32>
      %mul3A_2646 = arith.constant 2 : i32
      %mul3A_2647 = vector.broadcast %mul3A_2646 : i32 to vector<16xi32>
      %mul3A_2648 = arith.muli %get3A_2645, %mul3A_2647 : vector<16xi32>
      %add3A_2649 = vector.broadcast %arg0 : i32 to vector<16xi32>
      %add3A_2650 = arith.addi %mul3A_2648, %add3A_2649 : vector<16xi32>
      %swap3A_2651 = arith.constant 1 : i32
      %swap3A_2652 = arith.index_cast %swap3A_2651 : i32 to index
      %swap3A_2653 = arith.index_cast %select_n3A : i32 to index
      %swap3A_2654 = arith.index_cast %mul3A_2640 : i32 to index
      %swap3A_2655 = tpu.vector_load %arg7[%swap3A_2652, %swap3A_2653, %swap3A_2654] {strides = array<i32>} : memref<2x8x128xi32, #tpu.memory_space<vmem>>, vector<1x1x16xi32>,
      %swap3A_2656 = vector.shape_cast %swap3A_2655 : vector<1x1x16xi32> to vector<16xi32>
      %swap3A_2657 = vector.shape_cast %add3A_2650 : vector<16xi32> to vector<1x1x16xi32>
      tpu.vector_store %arg7[%swap3A_2652, %swap3A_2653, %swap3A_2654], %swap3A_2657 {strides = array<i32>} : memref<2x8x128xi32, #tpu.memory_space<vmem>>, vector<1x1x16xi32>,
    }
    %scan3A_1993 = arith.constant 64 : i32
    %eq3A_1994 = arith.constant 0 : i32
    %eq3A_1995 = arith.cmpi eq, %arg0, %eq3A_1994 : i32
    %dma_start3A_1996 = arith.constant 1 : i32
    %dma_start3A_1997 = arith.constant 0 : i32
    %dma_start3A_1998 = arith.constant 0 : i32
    %dma_start3A_1999 = arith.constant 0 : i32
    %dma_start3A_2000 = arith.constant 0 : i32
    %dma_start3A_2001 = tpu.memref_slice %arg9[%dma_start3A_1998, %dma_start3A_1999, %dma_start3A_2000] : memref<2x128x128xf32, #tpu.memory_space<vmem>> -> memref<1x128x128xf32, #tpu.memory_space<vmem>>
    %dma_start3A_2002 = tpu.memref_squeeze %dma_start3A_2001 : memref<1x128x128xf32, #tpu.memory_space<vmem>> -> memref<128x128xf32, #tpu.memory_space<vmem>>
    %dma_start3A_2003 = arith.constant 0 : i32
    %dma_start3A_2004 = tpu.memref_slice %arg7[%dma_start3A_1996, %dma_start3A_1997, %dma_start3A_2003] : memref<2x8x128xi32, #tpu.memory_space<vmem>> -> memref<1x1x128xi32, #tpu.memory_space<vmem>>
    %dma_start3A_2005 = tpu.memref_squeeze %dma_start3A_2004 : memref<1x1x128xi32, #tpu.memory_space<vmem>> -> memref<128xi32, #tpu.memory_space<vmem>>
    %dma_start3A_2006 = arith.constant 0 : i32
    %dma_start3A_2007 = arith.constant 0 : i32
    %dma_start3A_2008 = tpu.memref_slice %arg2[%dma_start3A_2006, %dma_start3A_2007] : memref<20000x128xf32, #tpu.memory_space<hbm>> -> memref<20000x128xf32, #tpu.memory_space<hbm>>
    tpu.enqueue_indirect_dma source(%dma_start3A_2008 : memref<20000x128xf32, #tpu.memory_space<hbm>>) target(%dma_start3A_2002 : memref<128x128xf32, #tpu.memory_space<vmem>>) offsets(%dma_start3A_2005 : memref<128xi32, #tpu.memory_space<vmem>>) semaphore(%arg13 : memref<!tpu.dma_semaphore, #tpu.memory_space<semaphore_mem>>)
    %scan3A_2009 = arith.constant 0 : i32
    %scan3A_2010 = arith.constant 0 : i32
    %scan3A_2011 = arith.constant 8 : i32
    %scan3A_2012 = arith.addi %scan3A_2010, %scan3A_2011 : i32
    %scan3A_2013 = arith.constant 1 : i32
    scf.for %scan3A_2607 = %scan3A_2010 to %scan3A_2012 step %scan3A_2013  : i32 {
      %jit3A = arith.constant 2 : i32
      %eq3A_2608 = arith.constant 0 : i32
      %eq3A_2609 = arith.cmpi eq, %jit3A, %eq3A_2608 : i32
      %jit3A_2610 = arith.constant 1 : i32
      %select_n3A = arith.select %eq3A_2609, %jit3A_2610, %jit3A : i32
      %rem3A = arith.remsi %scan3A_2607, %select_n3A : i32
      %ne3A = arith.constant 0 : i32
      %ne3A_2611 = arith.cmpi ne, %rem3A, %ne3A : i32
      %lt3A = arith.constant 0 : i32
      %lt3A_2612 = arith.cmpi slt, %rem3A, %lt3A : i32
      %lt3A_2613 = arith.constant 0 : i32
      %lt3A_2614 = arith.cmpi slt, %select_n3A, %lt3A_2613 : i32
      %ne3A_2615 = arith.xori %lt3A_2612, %lt3A_2614 : i1
      %and3A = arith.andi %ne3A_2615, %ne3A_2611 : i1
      %add3A_2616 = arith.addi %rem3A, %select_n3A : i32
      %select_n3A_2617 = arith.select %and3A, %add3A_2616, %rem3A : i32
      %dma_wait3A_2618 = arith.constant 1 : i32
      %dma_wait3A_2619 = arith.constant 0 : i32
      %dma_wait3A_2620 = arith.constant 0 : i32
      %dma_wait3A_2621 = tpu.memref_slice %arg9[%select_n3A_2617, %dma_wait3A_2619, %dma_wait3A_2620] : memref<2x128x128xf32, #tpu.memory_space<vmem>> -> memref<1x128x128xf32, #tpu.memory_space<vmem>>
      %dma_wait3A_2622 = tpu.memref_squeeze %dma_wait3A_2621 : memref<1x128x128xf32, #tpu.memory_space<vmem>> -> memref<128x128xf32, #tpu.memory_space<vmem>>
      %dma_wait3A_2623 = arith.constant 0 : i32
      %dma_wait3A_2624 = tpu.memref_slice %arg7[%dma_wait3A_2618, %scan3A_2607, %dma_wait3A_2623] : memref<2x8x128xi32, #tpu.memory_space<vmem>> -> memref<1x1x128xi32, #tpu.memory_space<vmem>>
      %dma_wait3A_2625 = tpu.memref_squeeze %dma_wait3A_2624 : memref<1x1x128xi32, #tpu.memory_space<vmem>> -> memref<128xi32, #tpu.memory_space<vmem>>
      %dma_wait3A_2626 = arith.constant 0 : i32
      %dma_wait3A_2627 = arith.constant 0 : i32
      %dma_wait3A_2628 = tpu.memref_slice %arg2[%dma_wait3A_2626, %dma_wait3A_2627] : memref<20000x128xf32, #tpu.memory_space<hbm>> -> memref<20000x128xf32, #tpu.memory_space<hbm>>
      tpu.wait_indirect_dma semaphore(%arg13 : memref<!tpu.dma_semaphore, #tpu.memory_space<semaphore_mem>>) src(%dma_wait3A_2628 : memref<20000x128xf32, #tpu.memory_space<hbm>>) dst(%dma_wait3A_2622 : memref<128x128xf32, #tpu.memory_space<vmem>>)
      %dma_start3A_2629 = arith.constant 1 : i32
      %dma_start3A_2630 = arith.constant 0 : i32
      %dma_start3A_2631 = arith.constant 0 : i32
      %dma_start3A_2632 = tpu.memref_slice %arg9[%select_n3A_2617, %dma_start3A_2630, %dma_start3A_2631] : memref<2x128x128xf32, #tpu.memory_space<vmem>> -> memref<1x128x128xf32, #tpu.memory_space<vmem>>
      %dma_start3A_2633 = tpu.memref_squeeze %dma_start3A_2632 : memref<1x128x128xf32, #tpu.memory_space<vmem>> -> memref<128x128xf32, #tpu.memory_space<vmem>>
      %dma_start3A_2634 = arith.constant 0 : i32
      %dma_start3A_2635 = tpu.memref_slice %arg8[%dma_start3A_2629, %scan3A_2607, %dma_start3A_2634] : memref<2x8x128xi32, #tpu.memory_space<vmem>> -> memref<1x1x128xi32, #tpu.memory_space<vmem>>
      %dma_start3A_2636 = tpu.memref_squeeze %dma_start3A_2635 : memref<1x1x128xi32, #tpu.memory_space<vmem>> -> memref<128xi32, #tpu.memory_space<vmem>>
      %dma_start3A_2637 = arith.constant 0 : i32
      %dma_start3A_2638 = arith.constant 0 : i32
      %dma_start3A_2639 = tpu.memref_slice %arg18[%dma_start3A_2637, %dma_start3A_2638] : memref<10240x128xf32, #tpu.memory_space<vmem_shared>> -> memref<10240x128xf32, #tpu.memory_space<vmem_shared>>
      tpu.enqueue_indirect_dma source(%dma_start3A_2633 : memref<128x128xf32, #tpu.memory_space<vmem>>) target(%dma_start3A_2639 : memref<10240x128xf32, #tpu.memory_space<vmem_shared>>) offsets(%dma_start3A_2636 : memref<128xi32, #tpu.memory_space<vmem>>) semaphore(%arg15 : memref<!tpu.dma_semaphore, #tpu.memory_space<semaphore_mem>>) {add = true}
      %ge3A = arith.constant 1 : i32
      %ge3A_2640 = arith.cmpi sge, %scan3A_2607, %ge3A : i32
      %convert_element_type3A = arith.extui %ge3A_2640 : i1 to i32
      %cond3A = arith.constant 0 : i32
      %cond3A_2641 = arith.cmpi ne, %convert_element_type3A, %cond3A : i32
      scf.if %cond3A_2641 {
        %sub3A = arith.constant 1 : i32
        %sub3A_2652 = arith.subi %sub3A, %select_n3A_2617 : i32
        %sub3A_2653 = arith.constant 1 : i32
        %sub3A_2654 = arith.subi %scan3A_2607, %sub3A_2653 : i32
        %dma_wait3A_2655 = arith.constant 1 : i32
        %dma_wait3A_2656 = arith.constant 0 : i32
        %dma_wait3A_2657 = arith.constant 0 : i32
        %dma_wait3A_2658 = tpu.memref_slice %arg9[%sub3A_2652, %dma_wait3A_2656, %dma_wait3A_2657] : memref<2x128x128xf32, #tpu.memory_space<vmem>> -> memref<1x128x128xf32, #tpu.memory_space<vmem>>
        %dma_wait3A_2659 = tpu.memref_squeeze %dma_wait3A_2658 : memref<1x128x128xf32, #tpu.memory_space<vmem>> -> memref<128x128xf32, #tpu.memory_space<vmem>>
        %dma_wait3A_2660 = arith.constant 0 : i32
        %dma_wait3A_2661 = tpu.memref_slice %arg8[%dma_wait3A_2655, %sub3A_2654, %dma_wait3A_2660] : memref<2x8x128xi32, #tpu.memory_space<vmem>> -> memref<1x1x128xi32, #tpu.memory_space<vmem>>
        %dma_wait3A_2662 = tpu.memref_squeeze %dma_wait3A_2661 : memref<1x1x128xi32, #tpu.memory_space<vmem>> -> memref<128xi32, #tpu.memory_space<vmem>>
        %dma_wait3A_2663 = arith.constant 0 : i32
        %dma_wait3A_2664 = arith.constant 0 : i32
        %dma_wait3A_2665 = tpu.memref_slice %arg18[%dma_wait3A_2663, %dma_wait3A_2664] : memref<10240x128xf32, #tpu.memory_space<vmem_shared>> -> memref<10240x128xf32, #tpu.memory_space<vmem_shared>>
        tpu.wait_indirect_dma semaphore(%arg15 : memref<!tpu.dma_semaphore, #tpu.memory_space<semaphore_mem>>) src(%dma_wait3A_2659 : memref<128x128xf32, #tpu.memory_space<vmem>>) dst(%dma_wait3A_2665 : memref<10240x128xf32, #tpu.memory_space<vmem_shared>>)
      } else {
      }
      %add3A_2642 = arith.constant 1 : i32
      %add3A_2643 = arith.addi %scan3A_2607, %add3A_2642 : i32
      %lt3A_2644 = arith.constant 8 : i32
      %lt3A_2645 = arith.cmpi slt, %add3A_2643, %lt3A_2644 : i32
      %convert_element_type3A_2646 = arith.extui %lt3A_2645 : i1 to i32
      %cond3A_2647 = arith.constant 0 : i32
      %cond3A_2648 = arith.cmpi ne, %convert_element_type3A_2646, %cond3A_2647 : i32
      scf.if %cond3A_2648 {
        %add3A_2652 = arith.constant 1 : i32
        %add3A_2653 = arith.addi %scan3A_2607, %add3A_2652 : i32
        %sub3A = arith.constant 1 : i32
        %sub3A_2654 = arith.subi %sub3A, %select_n3A_2617 : i32
        %dma_start3A_2655 = arith.constant 1 : i32
        %dma_start3A_2656 = arith.constant 0 : i32
        %dma_start3A_2657 = arith.constant 0 : i32
        %dma_start3A_2658 = tpu.memref_slice %arg9[%sub3A_2654, %dma_start3A_2656, %dma_start3A_2657] : memref<2x128x128xf32, #tpu.memory_space<vmem>> -> memref<1x128x128xf32, #tpu.memory_space<vmem>>
        %dma_start3A_2659 = tpu.memref_squeeze %dma_start3A_2658 : memref<1x128x128xf32, #tpu.memory_space<vmem>> -> memref<128x128xf32, #tpu.memory_space<vmem>>
        %dma_start3A_2660 = arith.constant 0 : i32
        %dma_start3A_2661 = tpu.memref_slice %arg7[%dma_start3A_2655, %add3A_2653, %dma_start3A_2660] : memref<2x8x128xi32, #tpu.memory_space<vmem>> -> memref<1x1x128xi32, #tpu.memory_space<vmem>>
        %dma_start3A_2662 = tpu.memref_squeeze %dma_start3A_2661 : memref<1x1x128xi32, #tpu.memory_space<vmem>> -> memref<128xi32, #tpu.memory_space<vmem>>
        %dma_start3A_2663 = arith.constant 0 : i32
        %dma_start3A_2664 = arith.constant 0 : i32
        %dma_start3A_2665 = tpu.memref_slice %arg2[%dma_start3A_2663, %dma_start3A_2664] : memref<20000x128xf32, #tpu.memory_space<hbm>> -> memref<20000x128xf32, #tpu.memory_space<hbm>>
        tpu.enqueue_indirect_dma source(%dma_start3A_2665 : memref<20000x128xf32, #tpu.memory_space<hbm>>) target(%dma_start3A_2659 : memref<128x128xf32, #tpu.memory_space<vmem>>) offsets(%dma_start3A_2662 : memref<128xi32, #tpu.memory_space<vmem>>) semaphore(%arg13 : memref<!tpu.dma_semaphore, #tpu.memory_space<semaphore_mem>>)
      } else {
      }
      %convert_element_type3A_2649 = arith.extui %eq3A_1995 : i1 to i32
      %cond3A_2650 = arith.constant 0 : i32
      %cond3A_2651 = arith.cmpi ne, %convert_element_type3A_2649, %cond3A_2650 : i32
      scf.if %cond3A_2651 {
        %run_scoped3A = arith.constant 1 : i32
        "tpu.region"() ({
          %run_scoped3A_2652 = tpu.sem_alloc : memref<!tpu.dma_semaphore, #tpu.memory_space<semaphore_mem>>
          %dma_start3A_2653 = arith.constant 0 : i32
          %dma_start3A_2654 = tpu.memref_slice %arg8[%run_scoped3A, %scan3A_2607, %dma_start3A_2653] : memref<2x8x128xi32, #tpu.memory_space<vmem>> -> memref<1x1x128xi32, #tpu.memory_space<vmem>>
          %dma_start3A_2655 = tpu.memref_squeeze %dma_start3A_2654 : memref<1x1x128xi32, #tpu.memory_space<vmem>> -> memref<128xi32, #tpu.memory_space<vmem>>
          %dma_start3A_2656 = arith.constant 0 : i32
          %dma_start3A_2657 = tpu.memref_slice %arg19[%dma_start3A_2656] : memref<10240xf32, #tpu.memory_space<vmem_shared>> -> memref<10240xf32, #tpu.memory_space<vmem_shared>>
          tpu.enqueue_indirect_dma source(%arg10 : memref<128xf32, #tpu.memory_space<vmem>>) target(%dma_start3A_2657 : memref<10240xf32, #tpu.memory_space<vmem_shared>>) offsets(%dma_start3A_2655 : memref<128xi32, #tpu.memory_space<vmem>>) semaphore(%run_scoped3A_2652 : memref<!tpu.dma_semaphore, #tpu.memory_space<semaphore_mem>>) {add = true}
          %dma_wait3A_2658 = arith.constant 0 : i32
          %dma_wait3A_2659 = tpu.memref_slice %arg8[%run_scoped3A, %scan3A_2607, %dma_wait3A_2658] : memref<2x8x128xi32, #tpu.memory_space<vmem>> -> memref<1x1x128xi32, #tpu.memory_space<vmem>>
          %dma_wait3A_2660 = tpu.memref_squeeze %dma_wait3A_2659 : memref<1x1x128xi32, #tpu.memory_space<vmem>> -> memref<128xi32, #tpu.memory_space<vmem>>
          %dma_wait3A_2661 = arith.constant 0 : i32
          %dma_wait3A_2662 = tpu.memref_slice %arg19[%dma_wait3A_2661] : memref<10240xf32, #tpu.memory_space<vmem_shared>> -> memref<10240xf32, #tpu.memory_space<vmem_shared>>
          tpu.wait_indirect_dma semaphore(%run_scoped3A_2652 : memref<!tpu.dma_semaphore, #tpu.memory_space<semaphore_mem>>) src(%arg10 : memref<128xf32, #tpu.memory_space<vmem>>) dst(%dma_wait3A_2662 : memref<10240xf32, #tpu.memory_space<vmem_shared>>)
          tpu.yield
        }) : () -> ()
      } else {
      }
    }
    %scan3A_2014 = arith.constant 8 : i32
    %dma_wait3A_2015 = arith.constant 1 : i32
    %dma_wait3A_2016 = arith.constant 1 : i32
    %dma_wait3A_2017 = arith.constant 7 : i32
    %dma_wait3A_2018 = arith.constant 0 : i32
    %dma_wait3A_2019 = arith.constant 0 : i32
    %dma_wait3A_2020 = tpu.memref_slice %arg9[%dma_wait3A_2015, %dma_wait3A_2018, %dma_wait3A_2019] : memref<2x128x128xf32, #tpu.memory_space<vmem>> -> memref<1x128x128xf32, #tpu.memory_space<vmem>>
    %dma_wait3A_2021 = tpu.memref_squeeze %dma_wait3A_2020 : memref<1x128x128xf32, #tpu.memory_space<vmem>> -> memref<128x128xf32, #tpu.memory_space<vmem>>
    %dma_wait3A_2022 = arith.constant 0 : i32
    %dma_wait3A_2023 = tpu.memref_slice %arg8[%dma_wait3A_2016, %dma_wait3A_2017, %dma_wait3A_2022] : memref<2x8x128xi32, #tpu.memory_space<vmem>> -> memref<1x1x128xi32, #tpu.memory_space<vmem>>
    %dma_wait3A_2024 = tpu.memref_squeeze %dma_wait3A_2023 : memref<1x1x128xi32, #tpu.memory_space<vmem>> -> memref<128xi32, #tpu.memory_space<vmem>>
    %dma_wait3A_2025 = arith.constant 0 : i32
    %dma_wait3A_2026 = arith.constant 0 : i32
    %dma_wait3A_2027 = tpu.memref_slice %arg18[%dma_wait3A_2025, %dma_wait3A_2026] : memref<10240x128xf32, #tpu.memory_space<vmem_shared>> -> memref<10240x128xf32, #tpu.memory_space<vmem_shared>>
    tpu.wait_indirect_dma semaphore(%arg15 : memref<!tpu.dma_semaphore, #tpu.memory_space<semaphore_mem>>) src(%dma_wait3A_2021 : memref<128x128xf32, #tpu.memory_space<vmem>>) dst(%dma_wait3A_2027 : memref<10240x128xf32, #tpu.memory_space<vmem_shared>>)
    %mul3A_2028 = arith.constant 80 : i32
    %mul3A_2029 = arith.muli %arg1, %mul3A_2028 : i32
    %add3A_2030 = arith.constant 32 : i32
    %add3A_2031 = arith.addi %mul3A_2029, %add3A_2030 : i32
    %dma_wait3A_2032 = arith.constant 0 : i32
    %dma_wait3A_2033 = arith.constant 0 : i32
    %dma_wait3A_2034 = arith.constant 0 : i32
    %dma_wait3A_2035 = tpu.memref_slice %arg7[%dma_wait3A_2032, %dma_wait3A_2033, %dma_wait3A_2034] : memref<2x8x128xi32, #tpu.memory_space<vmem>> -> memref<1x8x128xi32, #tpu.memory_space<vmem>>
    %dma_wait3A_2036 = tpu.memref_squeeze %dma_wait3A_2035 : memref<1x8x128xi32, #tpu.memory_space<vmem>> -> memref<8x128xi32, #tpu.memory_space<vmem>>
    %dma_wait3A_2037 = arith.constant 0 : i32
    %dma_wait3A_2038 = tpu.memref_slice %arg3[%add3A_2031, %dma_wait3A_2037] : memref<1280x128xi32, #tpu.memory_space<hbm>> -> memref<8x128xi32, #tpu.memory_space<hbm>>
    %dma_wait3A_2039 = arith.constant 0 : i32
    %dma_wait3A_2040 = arith.constant 0 : i32
    %dma_wait3A_2041 = tpu.memref_slice %arg7[%dma_wait3A_2032, %dma_wait3A_2039, %dma_wait3A_2040] : memref<2x8x128xi32, #tpu.memory_space<vmem>> -> memref<1x8x128xi32, #tpu.memory_space<vmem>>
    %dma_wait3A_2042 = tpu.memref_squeeze %dma_wait3A_2041 : memref<1x8x128xi32, #tpu.memory_space<vmem>> -> memref<8x128xi32, #tpu.memory_space<vmem>>
    %dma_wait3A_2043 = arith.constant 0 : i32
    %dma_wait3A_2044 = tpu.memref_slice %arg3[%add3A_2031, %dma_wait3A_2043] : memref<1280x128xi32, #tpu.memory_space<hbm>> -> memref<8x128xi32, #tpu.memory_space<hbm>>
    tpu.wait_dma2 semaphore(%arg14 : memref<!tpu.dma_semaphore, #tpu.memory_space<semaphore_mem>>) src(%dma_wait3A_2044 : memref<8x128xi32, #tpu.memory_space<hbm>>) dst(%dma_wait3A_2042 : memref<8x128xi32, #tpu.memory_space<vmem>>)
    %dma_wait3A_2045 = arith.constant 0 : i32
    %dma_wait3A_2046 = arith.constant 0 : i32
    %dma_wait3A_2047 = arith.constant 0 : i32
    %dma_wait3A_2048 = tpu.memref_slice %arg8[%dma_wait3A_2045, %dma_wait3A_2046, %dma_wait3A_2047] : memref<2x8x128xi32, #tpu.memory_space<vmem>> -> memref<1x8x128xi32, #tpu.memory_space<vmem>>
    %dma_wait3A_2049 = tpu.memref_squeeze %dma_wait3A_2048 : memref<1x8x128xi32, #tpu.memory_space<vmem>> -> memref<8x128xi32, #tpu.memory_space<vmem>>
    %dma_wait3A_2050 = arith.constant 0 : i32
    %dma_wait3A_2051 = tpu.memref_slice %arg4[%add3A_2031, %dma_wait3A_2050] : memref<1280x128xi32, #tpu.memory_space<hbm>> -> memref<8x128xi32, #tpu.memory_space<hbm>>
    %dma_wait3A_2052 = arith.constant 0 : i32
    %dma_wait3A_2053 = arith.constant 0 : i32
    %dma_wait3A_2054 = tpu.memref_slice %arg8[%dma_wait3A_2045, %dma_wait3A_2052, %dma_wait3A_2053] : memref<2x8x128xi32, #tpu.memory_space<vmem>> -> memref<1x8x128xi32, #tpu.memory_space<vmem>>
    %dma_wait3A_2055 = tpu.memref_squeeze %dma_wait3A_2054 : memref<1x8x128xi32, #tpu.memory_space<vmem>> -> memref<8x128xi32, #tpu.memory_space<vmem>>
    %dma_wait3A_2056 = arith.constant 0 : i32
    %dma_wait3A_2057 = tpu.memref_slice %arg4[%add3A_2031, %dma_wait3A_2056] : memref<1280x128xi32, #tpu.memory_space<hbm>> -> memref<8x128xi32, #tpu.memory_space<hbm>>
    tpu.wait_dma2 semaphore(%arg14 : memref<!tpu.dma_semaphore, #tpu.memory_space<semaphore_mem>>) src(%dma_wait3A_2057 : memref<8x128xi32, #tpu.memory_space<hbm>>) dst(%dma_wait3A_2055 : memref<8x128xi32, #tpu.memory_space<vmem>>)
    %mul3A_2058 = arith.constant 80 : i32
    %mul3A_2059 = arith.muli %arg1, %mul3A_2058 : i32
    %add3A_2060 = arith.constant 40 : i32
    %add3A_2061 = arith.addi %mul3A_2059, %add3A_2060 : i32
    %dma_start3A_2062 = arith.constant 1 : i32
    %dma_start3A_2063 = arith.constant 0 : i32
    %dma_start3A_2064 = arith.constant 0 : i32
    %dma_start3A_2065 = tpu.memref_slice %arg7[%dma_start3A_2062, %dma_start3A_2063, %dma_start3A_2064] : memref<2x8x128xi32, #tpu.memory_space<vmem>> -> memref<1x8x128xi32, #tpu.memory_space<vmem>>
    %dma_start3A_2066 = tpu.memref_squeeze %dma_start3A_2065 : memref<1x8x128xi32, #tpu.memory_space<vmem>> -> memref<8x128xi32, #tpu.memory_space<vmem>>
    %dma_start3A_2067 = arith.constant 0 : i32
    %dma_start3A_2068 = tpu.memref_slice %arg3[%add3A_2061, %dma_start3A_2067] : memref<1280x128xi32, #tpu.memory_space<hbm>> -> memref<8x128xi32, #tpu.memory_space<hbm>>
    %dma_start3A_2069 = arith.constant 0 : i32
    %dma_start3A_2070 = arith.constant 0 : i32
    %dma_start3A_2071 = tpu.memref_slice %arg7[%dma_start3A_2062, %dma_start3A_2069, %dma_start3A_2070] : memref<2x8x128xi32, #tpu.memory_space<vmem>> -> memref<1x8x128xi32, #tpu.memory_space<vmem>>
    %dma_start3A_2072 = tpu.memref_squeeze %dma_start3A_2071 : memref<1x8x128xi32, #tpu.memory_space<vmem>> -> memref<8x128xi32, #tpu.memory_space<vmem>>
    %dma_start3A_2073 = arith.constant 0 : i32
    %dma_start3A_2074 = tpu.memref_slice %arg3[%add3A_2061, %dma_start3A_2073] : memref<1280x128xi32, #tpu.memory_space<hbm>> -> memref<8x128xi32, #tpu.memory_space<hbm>>
    tpu.enqueue_dma source(%dma_start3A_2074 : memref<8x128xi32, #tpu.memory_space<hbm>>) target(%dma_start3A_2072 : memref<8x128xi32, #tpu.memory_space<vmem>>) target_semaphore(%arg14 : memref<!tpu.dma_semaphore, #tpu.memory_space<semaphore_mem>>)
    %dma_start3A_2075 = arith.constant 1 : i32
    %dma_start3A_2076 = arith.constant 0 : i32
    %dma_start3A_2077 = arith.constant 0 : i32
    %dma_start3A_2078 = tpu.memref_slice %arg8[%dma_start3A_2075, %dma_start3A_2076, %dma_start3A_2077] : memref<2x8x128xi32, #tpu.memory_space<vmem>> -> memref<1x8x128xi32, #tpu.memory_space<vmem>>
    %dma_start3A_2079 = tpu.memref_squeeze %dma_start3A_2078 : memref<1x8x128xi32, #tpu.memory_space<vmem>> -> memref<8x128xi32, #tpu.memory_space<vmem>>
    %dma_start3A_2080 = arith.constant 0 : i32
    %dma_start3A_2081 = tpu.memref_slice %arg4[%add3A_2061, %dma_start3A_2080] : memref<1280x128xi32, #tpu.memory_space<hbm>> -> memref<8x128xi32, #tpu.memory_space<hbm>>
    %dma_start3A_2082 = arith.constant 0 : i32
    %dma_start3A_2083 = arith.constant 0 : i32
    %dma_start3A_2084 = tpu.memref_slice %arg8[%dma_start3A_2075, %dma_start3A_2082, %dma_start3A_2083] : memref<2x8x128xi32, #tpu.memory_space<vmem>> -> memref<1x8x128xi32, #tpu.memory_space<vmem>>
    %dma_start3A_2085 = tpu.memref_squeeze %dma_start3A_2084 : memref<1x8x128xi32, #tpu.memory_space<vmem>> -> memref<8x128xi32, #tpu.memory_space<vmem>>
    %dma_start3A_2086 = arith.constant 0 : i32
    %dma_start3A_2087 = tpu.memref_slice %arg4[%add3A_2061, %dma_start3A_2086] : memref<1280x128xi32, #tpu.memory_space<hbm>> -> memref<8x128xi32, #tpu.memory_space<hbm>>
    tpu.enqueue_dma source(%dma_start3A_2087 : memref<8x128xi32, #tpu.memory_space<hbm>>) target(%dma_start3A_2085 : memref<8x128xi32, #tpu.memory_space<vmem>>) target_semaphore(%arg14 : memref<!tpu.dma_semaphore, #tpu.memory_space<semaphore_mem>>)
    %scan3A_2088 = arith.constant 0 : i32
    %scan3A_2089 = arith.constant 0 : i32
    %scan3A_2090 = arith.constant 64 : i32
    %scan3A_2091 = arith.addi %scan3A_2089, %scan3A_2090 : i32
    %scan3A_2092 = arith.constant 1 : i32
    scf.for %scan3A_2607 = %scan3A_2089 to %scan3A_2091 step %scan3A_2092  : i32 {
      %jit3A = arith.constant 8 : i32
      %div3A = arith.divsi %scan3A_2607, %jit3A : i32
      %sign3A = arith.constant 0 : i32
      %sign3A_2608 = arith.cmpi sgt, %scan3A_2607, %sign3A : i32
      %sign3A_2609 = arith.extui %sign3A_2608 : i1 to i32
      %sign3A_2610 = arith.constant 0 : i32
      %sign3A_2611 = arith.cmpi slt, %scan3A_2607, %sign3A_2610 : i32
      %sign3A_2612 = arith.extui %sign3A_2611 : i1 to i32
      %sign3A_2613 = arith.subi %sign3A_2609, %sign3A_2612 : i32
      %sign3A_2614 = arith.constant 0 : i32
      %sign3A_2615 = arith.cmpi sgt, %jit3A, %sign3A_2614 : i32
      %sign3A_2616 = arith.extui %sign3A_2615 : i1 to i32
      %sign3A_2617 = arith.constant 0 : i32
      %sign3A_2618 = arith.cmpi slt, %jit3A, %sign3A_2617 : i32
      %sign3A_2619 = arith.extui %sign3A_2618 : i1 to i32
      %sign3A_2620 = arith.subi %sign3A_2616, %sign3A_2619 : i32
      %ne3A = arith.cmpi ne, %sign3A_2613, %sign3A_2620 : i32
      %rem3A = arith.remsi %scan3A_2607, %jit3A : i32
      %ne3A_2621 = arith.constant 0 : i32
      %ne3A_2622 = arith.cmpi ne, %rem3A, %ne3A_2621 : i32
      %and3A = arith.andi %ne3A, %ne3A_2622 : i1
      %sub3A = arith.constant 1 : i32
      %sub3A_2623 = arith.subi %div3A, %sub3A : i32
      %select_n3A = arith.select %and3A, %sub3A_2623, %div3A : i32
      %jit3A_2624 = arith.constant 8 : i32
      %eq3A_2625 = arith.constant 0 : i32
      %eq3A_2626 = arith.cmpi eq, %jit3A_2624, %eq3A_2625 : i32
      %jit3A_2627 = arith.constant 1 : i32
      %select_n3A_2628 = arith.select %eq3A_2626, %jit3A_2627, %jit3A_2624 : i32
      %rem3A_2629 = arith.remsi %scan3A_2607, %select_n3A_2628 : i32
      %ne3A_2630 = arith.constant 0 : i32
      %ne3A_2631 = arith.cmpi ne, %rem3A_2629, %ne3A_2630 : i32
      %lt3A = arith.constant 0 : i32
      %lt3A_2632 = arith.cmpi slt, %rem3A_2629, %lt3A : i32
      %lt3A_2633 = arith.constant 0 : i32
      %lt3A_2634 = arith.cmpi slt, %select_n3A_2628, %lt3A_2633 : i32
      %ne3A_2635 = arith.xori %lt3A_2632, %lt3A_2634 : i1
      %and3A_2636 = arith.andi %ne3A_2635, %ne3A_2631 : i1
      %add3A_2637 = arith.addi %rem3A_2629, %select_n3A_2628 : i32
      %select_n3A_2638 = arith.select %and3A_2636, %add3A_2637, %rem3A_2629 : i32
      %mul3A_2639 = arith.constant 16 : i32
      %mul3A_2640 = arith.muli %select_n3A_2638, %mul3A_2639 : i32
      %get3A = arith.constant 0 : i32
      %get3A_2641 = arith.index_cast %get3A : i32 to index
      %get3A_2642 = arith.index_cast %select_n3A : i32 to index
      %get3A_2643 = arith.index_cast %mul3A_2640 : i32 to index
      %get3A_2644 = tpu.vector_load %arg7[%get3A_2641, %get3A_2642, %get3A_2643] {strides = array<i32>} : memref<2x8x128xi32, #tpu.memory_space<vmem>>, vector<1x1x16xi32>,
      %get3A_2645 = vector.shape_cast %get3A_2644 : vector<1x1x16xi32> to vector<16xi32>
      %mul3A_2646 = arith.constant 2 : i32
      %mul3A_2647 = vector.broadcast %mul3A_2646 : i32 to vector<16xi32>
      %mul3A_2648 = arith.muli %get3A_2645, %mul3A_2647 : vector<16xi32>
      %add3A_2649 = vector.broadcast %arg0 : i32 to vector<16xi32>
      %add3A_2650 = arith.addi %mul3A_2648, %add3A_2649 : vector<16xi32>
      %swap3A_2651 = arith.constant 0 : i32
      %swap3A_2652 = arith.index_cast %swap3A_2651 : i32 to index
      %swap3A_2653 = arith.index_cast %select_n3A : i32 to index
      %swap3A_2654 = arith.index_cast %mul3A_2640 : i32 to index
      %swap3A_2655 = tpu.vector_load %arg7[%swap3A_2652, %swap3A_2653, %swap3A_2654] {strides = array<i32>} : memref<2x8x128xi32, #tpu.memory_space<vmem>>, vector<1x1x16xi32>,
      %swap3A_2656 = vector.shape_cast %swap3A_2655 : vector<1x1x16xi32> to vector<16xi32>
      %swap3A_2657 = vector.shape_cast %add3A_2650 : vector<16xi32> to vector<1x1x16xi32>
      tpu.vector_store %arg7[%swap3A_2652, %swap3A_2653, %swap3A_2654], %swap3A_2657 {strides = array<i32>} : memref<2x8x128xi32, #tpu.memory_space<vmem>>, vector<1x1x16xi32>,
    }
    %scan3A_2093 = arith.constant 64 : i32
    %eq3A_2094 = arith.constant 0 : i32
    %eq3A_2095 = arith.cmpi eq, %arg0, %eq3A_2094 : i32
    %dma_start3A_2096 = arith.constant 0 : i32
    %dma_start3A_2097 = arith.constant 0 : i32
    %dma_start3A_2098 = arith.constant 0 : i32
    %dma_start3A_2099 = arith.constant 0 : i32
    %dma_start3A_2100 = arith.constant 0 : i32
    %dma_start3A_2101 = tpu.memref_slice %arg9[%dma_start3A_2098, %dma_start3A_2099, %dma_start3A_2100] : memref<2x128x128xf32, #tpu.memory_space<vmem>> -> memref<1x128x128xf32, #tpu.memory_space<vmem>>
    %dma_start3A_2102 = tpu.memref_squeeze %dma_start3A_2101 : memref<1x128x128xf32, #tpu.memory_space<vmem>> -> memref<128x128xf32, #tpu.memory_space<vmem>>
    %dma_start3A_2103 = arith.constant 0 : i32
    %dma_start3A_2104 = tpu.memref_slice %arg7[%dma_start3A_2096, %dma_start3A_2097, %dma_start3A_2103] : memref<2x8x128xi32, #tpu.memory_space<vmem>> -> memref<1x1x128xi32, #tpu.memory_space<vmem>>
    %dma_start3A_2105 = tpu.memref_squeeze %dma_start3A_2104 : memref<1x1x128xi32, #tpu.memory_space<vmem>> -> memref<128xi32, #tpu.memory_space<vmem>>
    %dma_start3A_2106 = arith.constant 0 : i32
    %dma_start3A_2107 = arith.constant 0 : i32
    %dma_start3A_2108 = tpu.memref_slice %arg2[%dma_start3A_2106, %dma_start3A_2107] : memref<20000x128xf32, #tpu.memory_space<hbm>> -> memref<20000x128xf32, #tpu.memory_space<hbm>>
    tpu.enqueue_indirect_dma source(%dma_start3A_2108 : memref<20000x128xf32, #tpu.memory_space<hbm>>) target(%dma_start3A_2102 : memref<128x128xf32, #tpu.memory_space<vmem>>) offsets(%dma_start3A_2105 : memref<128xi32, #tpu.memory_space<vmem>>) semaphore(%arg13 : memref<!tpu.dma_semaphore, #tpu.memory_space<semaphore_mem>>)
    %scan3A_2109 = arith.constant 0 : i32
    %scan3A_2110 = arith.constant 0 : i32
    %scan3A_2111 = arith.constant 8 : i32
    %scan3A_2112 = arith.addi %scan3A_2110, %scan3A_2111 : i32
    %scan3A_2113 = arith.constant 1 : i32
    scf.for %scan3A_2607 = %scan3A_2110 to %scan3A_2112 step %scan3A_2113  : i32 {
      %jit3A = arith.constant 2 : i32
      %eq3A_2608 = arith.constant 0 : i32
      %eq3A_2609 = arith.cmpi eq, %jit3A, %eq3A_2608 : i32
      %jit3A_2610 = arith.constant 1 : i32
      %select_n3A = arith.select %eq3A_2609, %jit3A_2610, %jit3A : i32
      %rem3A = arith.remsi %scan3A_2607, %select_n3A : i32
      %ne3A = arith.constant 0 : i32
      %ne3A_2611 = arith.cmpi ne, %rem3A, %ne3A : i32
      %lt3A = arith.constant 0 : i32
      %lt3A_2612 = arith.cmpi slt, %rem3A, %lt3A : i32
      %lt3A_2613 = arith.constant 0 : i32
      %lt3A_2614 = arith.cmpi slt, %select_n3A, %lt3A_2613 : i32
      %ne3A_2615 = arith.xori %lt3A_2612, %lt3A_2614 : i1
      %and3A = arith.andi %ne3A_2615, %ne3A_2611 : i1
      %add3A_2616 = arith.addi %rem3A, %select_n3A : i32
      %select_n3A_2617 = arith.select %and3A, %add3A_2616, %rem3A : i32
      %dma_wait3A_2618 = arith.constant 0 : i32
      %dma_wait3A_2619 = arith.constant 0 : i32
      %dma_wait3A_2620 = arith.constant 0 : i32
      %dma_wait3A_2621 = tpu.memref_slice %arg9[%select_n3A_2617, %dma_wait3A_2619, %dma_wait3A_2620] : memref<2x128x128xf32, #tpu.memory_space<vmem>> -> memref<1x128x128xf32, #tpu.memory_space<vmem>>
      %dma_wait3A_2622 = tpu.memref_squeeze %dma_wait3A_2621 : memref<1x128x128xf32, #tpu.memory_space<vmem>> -> memref<128x128xf32, #tpu.memory_space<vmem>>
      %dma_wait3A_2623 = arith.constant 0 : i32
      %dma_wait3A_2624 = tpu.memref_slice %arg7[%dma_wait3A_2618, %scan3A_2607, %dma_wait3A_2623] : memref<2x8x128xi32, #tpu.memory_space<vmem>> -> memref<1x1x128xi32, #tpu.memory_space<vmem>>
      %dma_wait3A_2625 = tpu.memref_squeeze %dma_wait3A_2624 : memref<1x1x128xi32, #tpu.memory_space<vmem>> -> memref<128xi32, #tpu.memory_space<vmem>>
      %dma_wait3A_2626 = arith.constant 0 : i32
      %dma_wait3A_2627 = arith.constant 0 : i32
      %dma_wait3A_2628 = tpu.memref_slice %arg2[%dma_wait3A_2626, %dma_wait3A_2627] : memref<20000x128xf32, #tpu.memory_space<hbm>> -> memref<20000x128xf32, #tpu.memory_space<hbm>>
      tpu.wait_indirect_dma semaphore(%arg13 : memref<!tpu.dma_semaphore, #tpu.memory_space<semaphore_mem>>) src(%dma_wait3A_2628 : memref<20000x128xf32, #tpu.memory_space<hbm>>) dst(%dma_wait3A_2622 : memref<128x128xf32, #tpu.memory_space<vmem>>)
      %dma_start3A_2629 = arith.constant 0 : i32
      %dma_start3A_2630 = arith.constant 0 : i32
      %dma_start3A_2631 = arith.constant 0 : i32
      %dma_start3A_2632 = tpu.memref_slice %arg9[%select_n3A_2617, %dma_start3A_2630, %dma_start3A_2631] : memref<2x128x128xf32, #tpu.memory_space<vmem>> -> memref<1x128x128xf32, #tpu.memory_space<vmem>>
      %dma_start3A_2633 = tpu.memref_squeeze %dma_start3A_2632 : memref<1x128x128xf32, #tpu.memory_space<vmem>> -> memref<128x128xf32, #tpu.memory_space<vmem>>
      %dma_start3A_2634 = arith.constant 0 : i32
      %dma_start3A_2635 = tpu.memref_slice %arg8[%dma_start3A_2629, %scan3A_2607, %dma_start3A_2634] : memref<2x8x128xi32, #tpu.memory_space<vmem>> -> memref<1x1x128xi32, #tpu.memory_space<vmem>>
      %dma_start3A_2636 = tpu.memref_squeeze %dma_start3A_2635 : memref<1x1x128xi32, #tpu.memory_space<vmem>> -> memref<128xi32, #tpu.memory_space<vmem>>
      %dma_start3A_2637 = arith.constant 0 : i32
      %dma_start3A_2638 = arith.constant 0 : i32
      %dma_start3A_2639 = tpu.memref_slice %arg18[%dma_start3A_2637, %dma_start3A_2638] : memref<10240x128xf32, #tpu.memory_space<vmem_shared>> -> memref<10240x128xf32, #tpu.memory_space<vmem_shared>>
      tpu.enqueue_indirect_dma source(%dma_start3A_2633 : memref<128x128xf32, #tpu.memory_space<vmem>>) target(%dma_start3A_2639 : memref<10240x128xf32, #tpu.memory_space<vmem_shared>>) offsets(%dma_start3A_2636 : memref<128xi32, #tpu.memory_space<vmem>>) semaphore(%arg15 : memref<!tpu.dma_semaphore, #tpu.memory_space<semaphore_mem>>) {add = true}
      %ge3A = arith.constant 1 : i32
      %ge3A_2640 = arith.cmpi sge, %scan3A_2607, %ge3A : i32
      %convert_element_type3A = arith.extui %ge3A_2640 : i1 to i32
      %cond3A = arith.constant 0 : i32
      %cond3A_2641 = arith.cmpi ne, %convert_element_type3A, %cond3A : i32
      scf.if %cond3A_2641 {
        %sub3A = arith.constant 1 : i32
        %sub3A_2652 = arith.subi %sub3A, %select_n3A_2617 : i32
        %sub3A_2653 = arith.constant 1 : i32
        %sub3A_2654 = arith.subi %scan3A_2607, %sub3A_2653 : i32
        %dma_wait3A_2655 = arith.constant 0 : i32
        %dma_wait3A_2656 = arith.constant 0 : i32
        %dma_wait3A_2657 = arith.constant 0 : i32
        %dma_wait3A_2658 = tpu.memref_slice %arg9[%sub3A_2652, %dma_wait3A_2656, %dma_wait3A_2657] : memref<2x128x128xf32, #tpu.memory_space<vmem>> -> memref<1x128x128xf32, #tpu.memory_space<vmem>>
        %dma_wait3A_2659 = tpu.memref_squeeze %dma_wait3A_2658 : memref<1x128x128xf32, #tpu.memory_space<vmem>> -> memref<128x128xf32, #tpu.memory_space<vmem>>
        %dma_wait3A_2660 = arith.constant 0 : i32
        %dma_wait3A_2661 = tpu.memref_slice %arg8[%dma_wait3A_2655, %sub3A_2654, %dma_wait3A_2660] : memref<2x8x128xi32, #tpu.memory_space<vmem>> -> memref<1x1x128xi32, #tpu.memory_space<vmem>>
        %dma_wait3A_2662 = tpu.memref_squeeze %dma_wait3A_2661 : memref<1x1x128xi32, #tpu.memory_space<vmem>> -> memref<128xi32, #tpu.memory_space<vmem>>
        %dma_wait3A_2663 = arith.constant 0 : i32
        %dma_wait3A_2664 = arith.constant 0 : i32
        %dma_wait3A_2665 = tpu.memref_slice %arg18[%dma_wait3A_2663, %dma_wait3A_2664] : memref<10240x128xf32, #tpu.memory_space<vmem_shared>> -> memref<10240x128xf32, #tpu.memory_space<vmem_shared>>
        tpu.wait_indirect_dma semaphore(%arg15 : memref<!tpu.dma_semaphore, #tpu.memory_space<semaphore_mem>>) src(%dma_wait3A_2659 : memref<128x128xf32, #tpu.memory_space<vmem>>) dst(%dma_wait3A_2665 : memref<10240x128xf32, #tpu.memory_space<vmem_shared>>)
      } else {
      }
      %add3A_2642 = arith.constant 1 : i32
      %add3A_2643 = arith.addi %scan3A_2607, %add3A_2642 : i32
      %lt3A_2644 = arith.constant 8 : i32
      %lt3A_2645 = arith.cmpi slt, %add3A_2643, %lt3A_2644 : i32
      %convert_element_type3A_2646 = arith.extui %lt3A_2645 : i1 to i32
      %cond3A_2647 = arith.constant 0 : i32
      %cond3A_2648 = arith.cmpi ne, %convert_element_type3A_2646, %cond3A_2647 : i32
      scf.if %cond3A_2648 {
        %add3A_2652 = arith.constant 1 : i32
        %add3A_2653 = arith.addi %scan3A_2607, %add3A_2652 : i32
        %sub3A = arith.constant 1 : i32
        %sub3A_2654 = arith.subi %sub3A, %select_n3A_2617 : i32
        %dma_start3A_2655 = arith.constant 0 : i32
        %dma_start3A_2656 = arith.constant 0 : i32
        %dma_start3A_2657 = arith.constant 0 : i32
        %dma_start3A_2658 = tpu.memref_slice %arg9[%sub3A_2654, %dma_start3A_2656, %dma_start3A_2657] : memref<2x128x128xf32, #tpu.memory_space<vmem>> -> memref<1x128x128xf32, #tpu.memory_space<vmem>>
        %dma_start3A_2659 = tpu.memref_squeeze %dma_start3A_2658 : memref<1x128x128xf32, #tpu.memory_space<vmem>> -> memref<128x128xf32, #tpu.memory_space<vmem>>
        %dma_start3A_2660 = arith.constant 0 : i32
        %dma_start3A_2661 = tpu.memref_slice %arg7[%dma_start3A_2655, %add3A_2653, %dma_start3A_2660] : memref<2x8x128xi32, #tpu.memory_space<vmem>> -> memref<1x1x128xi32, #tpu.memory_space<vmem>>
        %dma_start3A_2662 = tpu.memref_squeeze %dma_start3A_2661 : memref<1x1x128xi32, #tpu.memory_space<vmem>> -> memref<128xi32, #tpu.memory_space<vmem>>
        %dma_start3A_2663 = arith.constant 0 : i32
        %dma_start3A_2664 = arith.constant 0 : i32
        %dma_start3A_2665 = tpu.memref_slice %arg2[%dma_start3A_2663, %dma_start3A_2664] : memref<20000x128xf32, #tpu.memory_space<hbm>> -> memref<20000x128xf32, #tpu.memory_space<hbm>>
        tpu.enqueue_indirect_dma source(%dma_start3A_2665 : memref<20000x128xf32, #tpu.memory_space<hbm>>) target(%dma_start3A_2659 : memref<128x128xf32, #tpu.memory_space<vmem>>) offsets(%dma_start3A_2662 : memref<128xi32, #tpu.memory_space<vmem>>) semaphore(%arg13 : memref<!tpu.dma_semaphore, #tpu.memory_space<semaphore_mem>>)
      } else {
      }
      %convert_element_type3A_2649 = arith.extui %eq3A_2095 : i1 to i32
      %cond3A_2650 = arith.constant 0 : i32
      %cond3A_2651 = arith.cmpi ne, %convert_element_type3A_2649, %cond3A_2650 : i32
      scf.if %cond3A_2651 {
        %run_scoped3A = arith.constant 0 : i32
        "tpu.region"() ({
          %run_scoped3A_2652 = tpu.sem_alloc : memref<!tpu.dma_semaphore, #tpu.memory_space<semaphore_mem>>
          %dma_start3A_2653 = arith.constant 0 : i32
          %dma_start3A_2654 = tpu.memref_slice %arg8[%run_scoped3A, %scan3A_2607, %dma_start3A_2653] : memref<2x8x128xi32, #tpu.memory_space<vmem>> -> memref<1x1x128xi32, #tpu.memory_space<vmem>>
          %dma_start3A_2655 = tpu.memref_squeeze %dma_start3A_2654 : memref<1x1x128xi32, #tpu.memory_space<vmem>> -> memref<128xi32, #tpu.memory_space<vmem>>
          %dma_start3A_2656 = arith.constant 0 : i32
          %dma_start3A_2657 = tpu.memref_slice %arg19[%dma_start3A_2656] : memref<10240xf32, #tpu.memory_space<vmem_shared>> -> memref<10240xf32, #tpu.memory_space<vmem_shared>>
          tpu.enqueue_indirect_dma source(%arg10 : memref<128xf32, #tpu.memory_space<vmem>>) target(%dma_start3A_2657 : memref<10240xf32, #tpu.memory_space<vmem_shared>>) offsets(%dma_start3A_2655 : memref<128xi32, #tpu.memory_space<vmem>>) semaphore(%run_scoped3A_2652 : memref<!tpu.dma_semaphore, #tpu.memory_space<semaphore_mem>>) {add = true}
          %dma_wait3A_2658 = arith.constant 0 : i32
          %dma_wait3A_2659 = tpu.memref_slice %arg8[%run_scoped3A, %scan3A_2607, %dma_wait3A_2658] : memref<2x8x128xi32, #tpu.memory_space<vmem>> -> memref<1x1x128xi32, #tpu.memory_space<vmem>>
          %dma_wait3A_2660 = tpu.memref_squeeze %dma_wait3A_2659 : memref<1x1x128xi32, #tpu.memory_space<vmem>> -> memref<128xi32, #tpu.memory_space<vmem>>
          %dma_wait3A_2661 = arith.constant 0 : i32
          %dma_wait3A_2662 = tpu.memref_slice %arg19[%dma_wait3A_2661] : memref<10240xf32, #tpu.memory_space<vmem_shared>> -> memref<10240xf32, #tpu.memory_space<vmem_shared>>
          tpu.wait_indirect_dma semaphore(%run_scoped3A_2652 : memref<!tpu.dma_semaphore, #tpu.memory_space<semaphore_mem>>) src(%arg10 : memref<128xf32, #tpu.memory_space<vmem>>) dst(%dma_wait3A_2662 : memref<10240xf32, #tpu.memory_space<vmem_shared>>)
          tpu.yield
        }) : () -> ()
      } else {
      }
    }
    %scan3A_2114 = arith.constant 8 : i32
    %dma_wait3A_2115 = arith.constant 1 : i32
    %dma_wait3A_2116 = arith.constant 0 : i32
    %dma_wait3A_2117 = arith.constant 7 : i32
    %dma_wait3A_2118 = arith.constant 0 : i32
    %dma_wait3A_2119 = arith.constant 0 : i32
    %dma_wait3A_2120 = tpu.memref_slice %arg9[%dma_wait3A_2115, %dma_wait3A_2118, %dma_wait3A_2119] : memref<2x128x128xf32, #tpu.memory_space<vmem>> -> memref<1x128x128xf32, #tpu.memory_space<vmem>>
    %dma_wait3A_2121 = tpu.memref_squeeze %dma_wait3A_2120 : memref<1x128x128xf32, #tpu.memory_space<vmem>> -> memref<128x128xf32, #tpu.memory_space<vmem>>
    %dma_wait3A_2122 = arith.constant 0 : i32
    %dma_wait3A_2123 = tpu.memref_slice %arg8[%dma_wait3A_2116, %dma_wait3A_2117, %dma_wait3A_2122] : memref<2x8x128xi32, #tpu.memory_space<vmem>> -> memref<1x1x128xi32, #tpu.memory_space<vmem>>
    %dma_wait3A_2124 = tpu.memref_squeeze %dma_wait3A_2123 : memref<1x1x128xi32, #tpu.memory_space<vmem>> -> memref<128xi32, #tpu.memory_space<vmem>>
    %dma_wait3A_2125 = arith.constant 0 : i32
    %dma_wait3A_2126 = arith.constant 0 : i32
    %dma_wait3A_2127 = tpu.memref_slice %arg18[%dma_wait3A_2125, %dma_wait3A_2126] : memref<10240x128xf32, #tpu.memory_space<vmem_shared>> -> memref<10240x128xf32, #tpu.memory_space<vmem_shared>>
    tpu.wait_indirect_dma semaphore(%arg15 : memref<!tpu.dma_semaphore, #tpu.memory_space<semaphore_mem>>) src(%dma_wait3A_2121 : memref<128x128xf32, #tpu.memory_space<vmem>>) dst(%dma_wait3A_2127 : memref<10240x128xf32, #tpu.memory_space<vmem_shared>>)
    %mul3A_2128 = arith.constant 80 : i32
    %mul3A_2129 = arith.muli %arg1, %mul3A_2128 : i32
    %add3A_2130 = arith.constant 40 : i32
    %add3A_2131 = arith.addi %mul3A_2129, %add3A_2130 : i32
    %dma_wait3A_2132 = arith.constant 1 : i32
    %dma_wait3A_2133 = arith.constant 0 : i32
    %dma_wait3A_2134 = arith.constant 0 : i32
    %dma_wait3A_2135 = tpu.memref_slice %arg7[%dma_wait3A_2132, %dma_wait3A_2133, %dma_wait3A_2134] : memref<2x8x128xi32, #tpu.memory_space<vmem>> -> memref<1x8x128xi32, #tpu.memory_space<vmem>>
    %dma_wait3A_2136 = tpu.memref_squeeze %dma_wait3A_2135 : memref<1x8x128xi32, #tpu.memory_space<vmem>> -> memref<8x128xi32, #tpu.memory_space<vmem>>
    %dma_wait3A_2137 = arith.constant 0 : i32
    %dma_wait3A_2138 = tpu.memref_slice %arg3[%add3A_2131, %dma_wait3A_2137] : memref<1280x128xi32, #tpu.memory_space<hbm>> -> memref<8x128xi32, #tpu.memory_space<hbm>>
    %dma_wait3A_2139 = arith.constant 0 : i32
    %dma_wait3A_2140 = arith.constant 0 : i32
    %dma_wait3A_2141 = tpu.memref_slice %arg7[%dma_wait3A_2132, %dma_wait3A_2139, %dma_wait3A_2140] : memref<2x8x128xi32, #tpu.memory_space<vmem>> -> memref<1x8x128xi32, #tpu.memory_space<vmem>>
    %dma_wait3A_2142 = tpu.memref_squeeze %dma_wait3A_2141 : memref<1x8x128xi32, #tpu.memory_space<vmem>> -> memref<8x128xi32, #tpu.memory_space<vmem>>
    %dma_wait3A_2143 = arith.constant 0 : i32
    %dma_wait3A_2144 = tpu.memref_slice %arg3[%add3A_2131, %dma_wait3A_2143] : memref<1280x128xi32, #tpu.memory_space<hbm>> -> memref<8x128xi32, #tpu.memory_space<hbm>>
    tpu.wait_dma2 semaphore(%arg14 : memref<!tpu.dma_semaphore, #tpu.memory_space<semaphore_mem>>) src(%dma_wait3A_2144 : memref<8x128xi32, #tpu.memory_space<hbm>>) dst(%dma_wait3A_2142 : memref<8x128xi32, #tpu.memory_space<vmem>>)
    %dma_wait3A_2145 = arith.constant 1 : i32
    %dma_wait3A_2146 = arith.constant 0 : i32
    %dma_wait3A_2147 = arith.constant 0 : i32
    %dma_wait3A_2148 = tpu.memref_slice %arg8[%dma_wait3A_2145, %dma_wait3A_2146, %dma_wait3A_2147] : memref<2x8x128xi32, #tpu.memory_space<vmem>> -> memref<1x8x128xi32, #tpu.memory_space<vmem>>
    %dma_wait3A_2149 = tpu.memref_squeeze %dma_wait3A_2148 : memref<1x8x128xi32, #tpu.memory_space<vmem>> -> memref<8x128xi32, #tpu.memory_space<vmem>>
    %dma_wait3A_2150 = arith.constant 0 : i32
    %dma_wait3A_2151 = tpu.memref_slice %arg4[%add3A_2131, %dma_wait3A_2150] : memref<1280x128xi32, #tpu.memory_space<hbm>> -> memref<8x128xi32, #tpu.memory_space<hbm>>
    %dma_wait3A_2152 = arith.constant 0 : i32
    %dma_wait3A_2153 = arith.constant 0 : i32
    %dma_wait3A_2154 = tpu.memref_slice %arg8[%dma_wait3A_2145, %dma_wait3A_2152, %dma_wait3A_2153] : memref<2x8x128xi32, #tpu.memory_space<vmem>> -> memref<1x8x128xi32, #tpu.memory_space<vmem>>
    %dma_wait3A_2155 = tpu.memref_squeeze %dma_wait3A_2154 : memref<1x8x128xi32, #tpu.memory_space<vmem>> -> memref<8x128xi32, #tpu.memory_space<vmem>>
    %dma_wait3A_2156 = arith.constant 0 : i32
    %dma_wait3A_2157 = tpu.memref_slice %arg4[%add3A_2131, %dma_wait3A_2156] : memref<1280x128xi32, #tpu.memory_space<hbm>> -> memref<8x128xi32, #tpu.memory_space<hbm>>
    tpu.wait_dma2 semaphore(%arg14 : memref<!tpu.dma_semaphore, #tpu.memory_space<semaphore_mem>>) src(%dma_wait3A_2157 : memref<8x128xi32, #tpu.memory_space<hbm>>) dst(%dma_wait3A_2155 : memref<8x128xi32, #tpu.memory_space<vmem>>)
    %mul3A_2158 = arith.constant 80 : i32
    %mul3A_2159 = arith.muli %arg1, %mul3A_2158 : i32
    %add3A_2160 = arith.constant 48 : i32
    %add3A_2161 = arith.addi %mul3A_2159, %add3A_2160 : i32
    %dma_start3A_2162 = arith.constant 0 : i32
    %dma_start3A_2163 = arith.constant 0 : i32
    %dma_start3A_2164 = arith.constant 0 : i32
    %dma_start3A_2165 = tpu.memref_slice %arg7[%dma_start3A_2162, %dma_start3A_2163, %dma_start3A_2164] : memref<2x8x128xi32, #tpu.memory_space<vmem>> -> memref<1x8x128xi32, #tpu.memory_space<vmem>>
    %dma_start3A_2166 = tpu.memref_squeeze %dma_start3A_2165 : memref<1x8x128xi32, #tpu.memory_space<vmem>> -> memref<8x128xi32, #tpu.memory_space<vmem>>
    %dma_start3A_2167 = arith.constant 0 : i32
    %dma_start3A_2168 = tpu.memref_slice %arg3[%add3A_2161, %dma_start3A_2167] : memref<1280x128xi32, #tpu.memory_space<hbm>> -> memref<8x128xi32, #tpu.memory_space<hbm>>
    %dma_start3A_2169 = arith.constant 0 : i32
    %dma_start3A_2170 = arith.constant 0 : i32
    %dma_start3A_2171 = tpu.memref_slice %arg7[%dma_start3A_2162, %dma_start3A_2169, %dma_start3A_2170] : memref<2x8x128xi32, #tpu.memory_space<vmem>> -> memref<1x8x128xi32, #tpu.memory_space<vmem>>
    %dma_start3A_2172 = tpu.memref_squeeze %dma_start3A_2171 : memref<1x8x128xi32, #tpu.memory_space<vmem>> -> memref<8x128xi32, #tpu.memory_space<vmem>>
    %dma_start3A_2173 = arith.constant 0 : i32
    %dma_start3A_2174 = tpu.memref_slice %arg3[%add3A_2161, %dma_start3A_2173] : memref<1280x128xi32, #tpu.memory_space<hbm>> -> memref<8x128xi32, #tpu.memory_space<hbm>>
    tpu.enqueue_dma source(%dma_start3A_2174 : memref<8x128xi32, #tpu.memory_space<hbm>>) target(%dma_start3A_2172 : memref<8x128xi32, #tpu.memory_space<vmem>>) target_semaphore(%arg14 : memref<!tpu.dma_semaphore, #tpu.memory_space<semaphore_mem>>)
    %dma_start3A_2175 = arith.constant 0 : i32
    %dma_start3A_2176 = arith.constant 0 : i32
    %dma_start3A_2177 = arith.constant 0 : i32
    %dma_start3A_2178 = tpu.memref_slice %arg8[%dma_start3A_2175, %dma_start3A_2176, %dma_start3A_2177] : memref<2x8x128xi32, #tpu.memory_space<vmem>> -> memref<1x8x128xi32, #tpu.memory_space<vmem>>
    %dma_start3A_2179 = tpu.memref_squeeze %dma_start3A_2178 : memref<1x8x128xi32, #tpu.memory_space<vmem>> -> memref<8x128xi32, #tpu.memory_space<vmem>>
    %dma_start3A_2180 = arith.constant 0 : i32
    %dma_start3A_2181 = tpu.memref_slice %arg4[%add3A_2161, %dma_start3A_2180] : memref<1280x128xi32, #tpu.memory_space<hbm>> -> memref<8x128xi32, #tpu.memory_space<hbm>>
    %dma_start3A_2182 = arith.constant 0 : i32
    %dma_start3A_2183 = arith.constant 0 : i32
    %dma_start3A_2184 = tpu.memref_slice %arg8[%dma_start3A_2175, %dma_start3A_2182, %dma_start3A_2183] : memref<2x8x128xi32, #tpu.memory_space<vmem>> -> memref<1x8x128xi32, #tpu.memory_space<vmem>>
    %dma_start3A_2185 = tpu.memref_squeeze %dma_start3A_2184 : memref<1x8x128xi32, #tpu.memory_space<vmem>> -> memref<8x128xi32, #tpu.memory_space<vmem>>
    %dma_start3A_2186 = arith.constant 0 : i32
    %dma_start3A_2187 = tpu.memref_slice %arg4[%add3A_2161, %dma_start3A_2186] : memref<1280x128xi32, #tpu.memory_space<hbm>> -> memref<8x128xi32, #tpu.memory_space<hbm>>
    tpu.enqueue_dma source(%dma_start3A_2187 : memref<8x128xi32, #tpu.memory_space<hbm>>) target(%dma_start3A_2185 : memref<8x128xi32, #tpu.memory_space<vmem>>) target_semaphore(%arg14 : memref<!tpu.dma_semaphore, #tpu.memory_space<semaphore_mem>>)
    %scan3A_2188 = arith.constant 0 : i32
    %scan3A_2189 = arith.constant 0 : i32
    %scan3A_2190 = arith.constant 64 : i32
    %scan3A_2191 = arith.addi %scan3A_2189, %scan3A_2190 : i32
    %scan3A_2192 = arith.constant 1 : i32
    scf.for %scan3A_2607 = %scan3A_2189 to %scan3A_2191 step %scan3A_2192  : i32 {
      %jit3A = arith.constant 8 : i32
      %div3A = arith.divsi %scan3A_2607, %jit3A : i32
      %sign3A = arith.constant 0 : i32
      %sign3A_2608 = arith.cmpi sgt, %scan3A_2607, %sign3A : i32
      %sign3A_2609 = arith.extui %sign3A_2608 : i1 to i32
      %sign3A_2610 = arith.constant 0 : i32
      %sign3A_2611 = arith.cmpi slt, %scan3A_2607, %sign3A_2610 : i32
      %sign3A_2612 = arith.extui %sign3A_2611 : i1 to i32
      %sign3A_2613 = arith.subi %sign3A_2609, %sign3A_2612 : i32
      %sign3A_2614 = arith.constant 0 : i32
      %sign3A_2615 = arith.cmpi sgt, %jit3A, %sign3A_2614 : i32
      %sign3A_2616 = arith.extui %sign3A_2615 : i1 to i32
      %sign3A_2617 = arith.constant 0 : i32
      %sign3A_2618 = arith.cmpi slt, %jit3A, %sign3A_2617 : i32
      %sign3A_2619 = arith.extui %sign3A_2618 : i1 to i32
      %sign3A_2620 = arith.subi %sign3A_2616, %sign3A_2619 : i32
      %ne3A = arith.cmpi ne, %sign3A_2613, %sign3A_2620 : i32
      %rem3A = arith.remsi %scan3A_2607, %jit3A : i32
      %ne3A_2621 = arith.constant 0 : i32
      %ne3A_2622 = arith.cmpi ne, %rem3A, %ne3A_2621 : i32
      %and3A = arith.andi %ne3A, %ne3A_2622 : i1
      %sub3A = arith.constant 1 : i32
      %sub3A_2623 = arith.subi %div3A, %sub3A : i32
      %select_n3A = arith.select %and3A, %sub3A_2623, %div3A : i32
      %jit3A_2624 = arith.constant 8 : i32
      %eq3A_2625 = arith.constant 0 : i32
      %eq3A_2626 = arith.cmpi eq, %jit3A_2624, %eq3A_2625 : i32
      %jit3A_2627 = arith.constant 1 : i32
      %select_n3A_2628 = arith.select %eq3A_2626, %jit3A_2627, %jit3A_2624 : i32
      %rem3A_2629 = arith.remsi %scan3A_2607, %select_n3A_2628 : i32
      %ne3A_2630 = arith.constant 0 : i32
      %ne3A_2631 = arith.cmpi ne, %rem3A_2629, %ne3A_2630 : i32
      %lt3A = arith.constant 0 : i32
      %lt3A_2632 = arith.cmpi slt, %rem3A_2629, %lt3A : i32
      %lt3A_2633 = arith.constant 0 : i32
      %lt3A_2634 = arith.cmpi slt, %select_n3A_2628, %lt3A_2633 : i32
      %ne3A_2635 = arith.xori %lt3A_2632, %lt3A_2634 : i1
      %and3A_2636 = arith.andi %ne3A_2635, %ne3A_2631 : i1
      %add3A_2637 = arith.addi %rem3A_2629, %select_n3A_2628 : i32
      %select_n3A_2638 = arith.select %and3A_2636, %add3A_2637, %rem3A_2629 : i32
      %mul3A_2639 = arith.constant 16 : i32
      %mul3A_2640 = arith.muli %select_n3A_2638, %mul3A_2639 : i32
      %get3A = arith.constant 1 : i32
      %get3A_2641 = arith.index_cast %get3A : i32 to index
      %get3A_2642 = arith.index_cast %select_n3A : i32 to index
      %get3A_2643 = arith.index_cast %mul3A_2640 : i32 to index
      %get3A_2644 = tpu.vector_load %arg7[%get3A_2641, %get3A_2642, %get3A_2643] {strides = array<i32>} : memref<2x8x128xi32, #tpu.memory_space<vmem>>, vector<1x1x16xi32>,
      %get3A_2645 = vector.shape_cast %get3A_2644 : vector<1x1x16xi32> to vector<16xi32>
      %mul3A_2646 = arith.constant 2 : i32
      %mul3A_2647 = vector.broadcast %mul3A_2646 : i32 to vector<16xi32>
      %mul3A_2648 = arith.muli %get3A_2645, %mul3A_2647 : vector<16xi32>
      %add3A_2649 = vector.broadcast %arg0 : i32 to vector<16xi32>
      %add3A_2650 = arith.addi %mul3A_2648, %add3A_2649 : vector<16xi32>
      %swap3A_2651 = arith.constant 1 : i32
      %swap3A_2652 = arith.index_cast %swap3A_2651 : i32 to index
      %swap3A_2653 = arith.index_cast %select_n3A : i32 to index
      %swap3A_2654 = arith.index_cast %mul3A_2640 : i32 to index
      %swap3A_2655 = tpu.vector_load %arg7[%swap3A_2652, %swap3A_2653, %swap3A_2654] {strides = array<i32>} : memref<2x8x128xi32, #tpu.memory_space<vmem>>, vector<1x1x16xi32>,
      %swap3A_2656 = vector.shape_cast %swap3A_2655 : vector<1x1x16xi32> to vector<16xi32>
      %swap3A_2657 = vector.shape_cast %add3A_2650 : vector<16xi32> to vector<1x1x16xi32>
      tpu.vector_store %arg7[%swap3A_2652, %swap3A_2653, %swap3A_2654], %swap3A_2657 {strides = array<i32>} : memref<2x8x128xi32, #tpu.memory_space<vmem>>, vector<1x1x16xi32>,
    }
    %scan3A_2193 = arith.constant 64 : i32
    %eq3A_2194 = arith.constant 1 : i32
    %eq3A_2195 = arith.cmpi eq, %arg0, %eq3A_2194 : i32
    %dma_start3A_2196 = arith.constant 1 : i32
    %dma_start3A_2197 = arith.constant 0 : i32
    %dma_start3A_2198 = arith.constant 0 : i32
    %dma_start3A_2199 = arith.constant 0 : i32
    %dma_start3A_2200 = arith.constant 0 : i32
    %dma_start3A_2201 = tpu.memref_slice %arg9[%dma_start3A_2198, %dma_start3A_2199, %dma_start3A_2200] : memref<2x128x128xf32, #tpu.memory_space<vmem>> -> memref<1x128x128xf32, #tpu.memory_space<vmem>>
    %dma_start3A_2202 = tpu.memref_squeeze %dma_start3A_2201 : memref<1x128x128xf32, #tpu.memory_space<vmem>> -> memref<128x128xf32, #tpu.memory_space<vmem>>
    %dma_start3A_2203 = arith.constant 0 : i32
    %dma_start3A_2204 = tpu.memref_slice %arg7[%dma_start3A_2196, %dma_start3A_2197, %dma_start3A_2203] : memref<2x8x128xi32, #tpu.memory_space<vmem>> -> memref<1x1x128xi32, #tpu.memory_space<vmem>>
    %dma_start3A_2205 = tpu.memref_squeeze %dma_start3A_2204 : memref<1x1x128xi32, #tpu.memory_space<vmem>> -> memref<128xi32, #tpu.memory_space<vmem>>
    %dma_start3A_2206 = arith.constant 0 : i32
    %dma_start3A_2207 = arith.constant 0 : i32
    %dma_start3A_2208 = tpu.memref_slice %arg2[%dma_start3A_2206, %dma_start3A_2207] : memref<20000x128xf32, #tpu.memory_space<hbm>> -> memref<20000x128xf32, #tpu.memory_space<hbm>>
    tpu.enqueue_indirect_dma source(%dma_start3A_2208 : memref<20000x128xf32, #tpu.memory_space<hbm>>) target(%dma_start3A_2202 : memref<128x128xf32, #tpu.memory_space<vmem>>) offsets(%dma_start3A_2205 : memref<128xi32, #tpu.memory_space<vmem>>) semaphore(%arg13 : memref<!tpu.dma_semaphore, #tpu.memory_space<semaphore_mem>>)
    %scan3A_2209 = arith.constant 0 : i32
    %scan3A_2210 = arith.constant 0 : i32
    %scan3A_2211 = arith.constant 8 : i32
    %scan3A_2212 = arith.addi %scan3A_2210, %scan3A_2211 : i32
    %scan3A_2213 = arith.constant 1 : i32
    scf.for %scan3A_2607 = %scan3A_2210 to %scan3A_2212 step %scan3A_2213  : i32 {
      %jit3A = arith.constant 2 : i32
      %eq3A_2608 = arith.constant 0 : i32
      %eq3A_2609 = arith.cmpi eq, %jit3A, %eq3A_2608 : i32
      %jit3A_2610 = arith.constant 1 : i32
      %select_n3A = arith.select %eq3A_2609, %jit3A_2610, %jit3A : i32
      %rem3A = arith.remsi %scan3A_2607, %select_n3A : i32
      %ne3A = arith.constant 0 : i32
      %ne3A_2611 = arith.cmpi ne, %rem3A, %ne3A : i32
      %lt3A = arith.constant 0 : i32
      %lt3A_2612 = arith.cmpi slt, %rem3A, %lt3A : i32
      %lt3A_2613 = arith.constant 0 : i32
      %lt3A_2614 = arith.cmpi slt, %select_n3A, %lt3A_2613 : i32
      %ne3A_2615 = arith.xori %lt3A_2612, %lt3A_2614 : i1
      %and3A = arith.andi %ne3A_2615, %ne3A_2611 : i1
      %add3A_2616 = arith.addi %rem3A, %select_n3A : i32
      %select_n3A_2617 = arith.select %and3A, %add3A_2616, %rem3A : i32
      %dma_wait3A_2618 = arith.constant 1 : i32
      %dma_wait3A_2619 = arith.constant 0 : i32
      %dma_wait3A_2620 = arith.constant 0 : i32
      %dma_wait3A_2621 = tpu.memref_slice %arg9[%select_n3A_2617, %dma_wait3A_2619, %dma_wait3A_2620] : memref<2x128x128xf32, #tpu.memory_space<vmem>> -> memref<1x128x128xf32, #tpu.memory_space<vmem>>
      %dma_wait3A_2622 = tpu.memref_squeeze %dma_wait3A_2621 : memref<1x128x128xf32, #tpu.memory_space<vmem>> -> memref<128x128xf32, #tpu.memory_space<vmem>>
      %dma_wait3A_2623 = arith.constant 0 : i32
      %dma_wait3A_2624 = tpu.memref_slice %arg7[%dma_wait3A_2618, %scan3A_2607, %dma_wait3A_2623] : memref<2x8x128xi32, #tpu.memory_space<vmem>> -> memref<1x1x128xi32, #tpu.memory_space<vmem>>
      %dma_wait3A_2625 = tpu.memref_squeeze %dma_wait3A_2624 : memref<1x1x128xi32, #tpu.memory_space<vmem>> -> memref<128xi32, #tpu.memory_space<vmem>>
      %dma_wait3A_2626 = arith.constant 0 : i32
      %dma_wait3A_2627 = arith.constant 0 : i32
      %dma_wait3A_2628 = tpu.memref_slice %arg2[%dma_wait3A_2626, %dma_wait3A_2627] : memref<20000x128xf32, #tpu.memory_space<hbm>> -> memref<20000x128xf32, #tpu.memory_space<hbm>>
      tpu.wait_indirect_dma semaphore(%arg13 : memref<!tpu.dma_semaphore, #tpu.memory_space<semaphore_mem>>) src(%dma_wait3A_2628 : memref<20000x128xf32, #tpu.memory_space<hbm>>) dst(%dma_wait3A_2622 : memref<128x128xf32, #tpu.memory_space<vmem>>)
      %dma_start3A_2629 = arith.constant 1 : i32
      %dma_start3A_2630 = arith.constant 0 : i32
      %dma_start3A_2631 = arith.constant 0 : i32
      %dma_start3A_2632 = tpu.memref_slice %arg9[%select_n3A_2617, %dma_start3A_2630, %dma_start3A_2631] : memref<2x128x128xf32, #tpu.memory_space<vmem>> -> memref<1x128x128xf32, #tpu.memory_space<vmem>>
      %dma_start3A_2633 = tpu.memref_squeeze %dma_start3A_2632 : memref<1x128x128xf32, #tpu.memory_space<vmem>> -> memref<128x128xf32, #tpu.memory_space<vmem>>
      %dma_start3A_2634 = arith.constant 0 : i32
      %dma_start3A_2635 = tpu.memref_slice %arg8[%dma_start3A_2629, %scan3A_2607, %dma_start3A_2634] : memref<2x8x128xi32, #tpu.memory_space<vmem>> -> memref<1x1x128xi32, #tpu.memory_space<vmem>>
      %dma_start3A_2636 = tpu.memref_squeeze %dma_start3A_2635 : memref<1x1x128xi32, #tpu.memory_space<vmem>> -> memref<128xi32, #tpu.memory_space<vmem>>
      %dma_start3A_2637 = arith.constant 0 : i32
      %dma_start3A_2638 = arith.constant 0 : i32
      %dma_start3A_2639 = tpu.memref_slice %arg18[%dma_start3A_2637, %dma_start3A_2638] : memref<10240x128xf32, #tpu.memory_space<vmem_shared>> -> memref<10240x128xf32, #tpu.memory_space<vmem_shared>>
      tpu.enqueue_indirect_dma source(%dma_start3A_2633 : memref<128x128xf32, #tpu.memory_space<vmem>>) target(%dma_start3A_2639 : memref<10240x128xf32, #tpu.memory_space<vmem_shared>>) offsets(%dma_start3A_2636 : memref<128xi32, #tpu.memory_space<vmem>>) semaphore(%arg15 : memref<!tpu.dma_semaphore, #tpu.memory_space<semaphore_mem>>) {add = true}
      %ge3A = arith.constant 1 : i32
      %ge3A_2640 = arith.cmpi sge, %scan3A_2607, %ge3A : i32
      %convert_element_type3A = arith.extui %ge3A_2640 : i1 to i32
      %cond3A = arith.constant 0 : i32
      %cond3A_2641 = arith.cmpi ne, %convert_element_type3A, %cond3A : i32
      scf.if %cond3A_2641 {
        %sub3A = arith.constant 1 : i32
        %sub3A_2652 = arith.subi %sub3A, %select_n3A_2617 : i32
        %sub3A_2653 = arith.constant 1 : i32
        %sub3A_2654 = arith.subi %scan3A_2607, %sub3A_2653 : i32
        %dma_wait3A_2655 = arith.constant 1 : i32
        %dma_wait3A_2656 = arith.constant 0 : i32
        %dma_wait3A_2657 = arith.constant 0 : i32
        %dma_wait3A_2658 = tpu.memref_slice %arg9[%sub3A_2652, %dma_wait3A_2656, %dma_wait3A_2657] : memref<2x128x128xf32, #tpu.memory_space<vmem>> -> memref<1x128x128xf32, #tpu.memory_space<vmem>>
        %dma_wait3A_2659 = tpu.memref_squeeze %dma_wait3A_2658 : memref<1x128x128xf32, #tpu.memory_space<vmem>> -> memref<128x128xf32, #tpu.memory_space<vmem>>
        %dma_wait3A_2660 = arith.constant 0 : i32
        %dma_wait3A_2661 = tpu.memref_slice %arg8[%dma_wait3A_2655, %sub3A_2654, %dma_wait3A_2660] : memref<2x8x128xi32, #tpu.memory_space<vmem>> -> memref<1x1x128xi32, #tpu.memory_space<vmem>>
        %dma_wait3A_2662 = tpu.memref_squeeze %dma_wait3A_2661 : memref<1x1x128xi32, #tpu.memory_space<vmem>> -> memref<128xi32, #tpu.memory_space<vmem>>
        %dma_wait3A_2663 = arith.constant 0 : i32
        %dma_wait3A_2664 = arith.constant 0 : i32
        %dma_wait3A_2665 = tpu.memref_slice %arg18[%dma_wait3A_2663, %dma_wait3A_2664] : memref<10240x128xf32, #tpu.memory_space<vmem_shared>> -> memref<10240x128xf32, #tpu.memory_space<vmem_shared>>
        tpu.wait_indirect_dma semaphore(%arg15 : memref<!tpu.dma_semaphore, #tpu.memory_space<semaphore_mem>>) src(%dma_wait3A_2659 : memref<128x128xf32, #tpu.memory_space<vmem>>) dst(%dma_wait3A_2665 : memref<10240x128xf32, #tpu.memory_space<vmem_shared>>)
      } else {
      }
      %add3A_2642 = arith.constant 1 : i32
      %add3A_2643 = arith.addi %scan3A_2607, %add3A_2642 : i32
      %lt3A_2644 = arith.constant 8 : i32
      %lt3A_2645 = arith.cmpi slt, %add3A_2643, %lt3A_2644 : i32
      %convert_element_type3A_2646 = arith.extui %lt3A_2645 : i1 to i32
      %cond3A_2647 = arith.constant 0 : i32
      %cond3A_2648 = arith.cmpi ne, %convert_element_type3A_2646, %cond3A_2647 : i32
      scf.if %cond3A_2648 {
        %add3A_2652 = arith.constant 1 : i32
        %add3A_2653 = arith.addi %scan3A_2607, %add3A_2652 : i32
        %sub3A = arith.constant 1 : i32
        %sub3A_2654 = arith.subi %sub3A, %select_n3A_2617 : i32
        %dma_start3A_2655 = arith.constant 1 : i32
        %dma_start3A_2656 = arith.constant 0 : i32
        %dma_start3A_2657 = arith.constant 0 : i32
        %dma_start3A_2658 = tpu.memref_slice %arg9[%sub3A_2654, %dma_start3A_2656, %dma_start3A_2657] : memref<2x128x128xf32, #tpu.memory_space<vmem>> -> memref<1x128x128xf32, #tpu.memory_space<vmem>>
        %dma_start3A_2659 = tpu.memref_squeeze %dma_start3A_2658 : memref<1x128x128xf32, #tpu.memory_space<vmem>> -> memref<128x128xf32, #tpu.memory_space<vmem>>
        %dma_start3A_2660 = arith.constant 0 : i32
        %dma_start3A_2661 = tpu.memref_slice %arg7[%dma_start3A_2655, %add3A_2653, %dma_start3A_2660] : memref<2x8x128xi32, #tpu.memory_space<vmem>> -> memref<1x1x128xi32, #tpu.memory_space<vmem>>
        %dma_start3A_2662 = tpu.memref_squeeze %dma_start3A_2661 : memref<1x1x128xi32, #tpu.memory_space<vmem>> -> memref<128xi32, #tpu.memory_space<vmem>>
        %dma_start3A_2663 = arith.constant 0 : i32
        %dma_start3A_2664 = arith.constant 0 : i32
        %dma_start3A_2665 = tpu.memref_slice %arg2[%dma_start3A_2663, %dma_start3A_2664] : memref<20000x128xf32, #tpu.memory_space<hbm>> -> memref<20000x128xf32, #tpu.memory_space<hbm>>
        tpu.enqueue_indirect_dma source(%dma_start3A_2665 : memref<20000x128xf32, #tpu.memory_space<hbm>>) target(%dma_start3A_2659 : memref<128x128xf32, #tpu.memory_space<vmem>>) offsets(%dma_start3A_2662 : memref<128xi32, #tpu.memory_space<vmem>>) semaphore(%arg13 : memref<!tpu.dma_semaphore, #tpu.memory_space<semaphore_mem>>)
      } else {
      }
      %convert_element_type3A_2649 = arith.extui %eq3A_2195 : i1 to i32
      %cond3A_2650 = arith.constant 0 : i32
      %cond3A_2651 = arith.cmpi ne, %convert_element_type3A_2649, %cond3A_2650 : i32
      scf.if %cond3A_2651 {
        %run_scoped3A = arith.constant 1 : i32
        "tpu.region"() ({
          %run_scoped3A_2652 = tpu.sem_alloc : memref<!tpu.dma_semaphore, #tpu.memory_space<semaphore_mem>>
          %dma_start3A_2653 = arith.constant 0 : i32
          %dma_start3A_2654 = tpu.memref_slice %arg8[%run_scoped3A, %scan3A_2607, %dma_start3A_2653] : memref<2x8x128xi32, #tpu.memory_space<vmem>> -> memref<1x1x128xi32, #tpu.memory_space<vmem>>
          %dma_start3A_2655 = tpu.memref_squeeze %dma_start3A_2654 : memref<1x1x128xi32, #tpu.memory_space<vmem>> -> memref<128xi32, #tpu.memory_space<vmem>>
          %dma_start3A_2656 = arith.constant 0 : i32
          %dma_start3A_2657 = tpu.memref_slice %arg19[%dma_start3A_2656] : memref<10240xf32, #tpu.memory_space<vmem_shared>> -> memref<10240xf32, #tpu.memory_space<vmem_shared>>
          tpu.enqueue_indirect_dma source(%arg10 : memref<128xf32, #tpu.memory_space<vmem>>) target(%dma_start3A_2657 : memref<10240xf32, #tpu.memory_space<vmem_shared>>) offsets(%dma_start3A_2655 : memref<128xi32, #tpu.memory_space<vmem>>) semaphore(%run_scoped3A_2652 : memref<!tpu.dma_semaphore, #tpu.memory_space<semaphore_mem>>) {add = true}
          %dma_wait3A_2658 = arith.constant 0 : i32
          %dma_wait3A_2659 = tpu.memref_slice %arg8[%run_scoped3A, %scan3A_2607, %dma_wait3A_2658] : memref<2x8x128xi32, #tpu.memory_space<vmem>> -> memref<1x1x128xi32, #tpu.memory_space<vmem>>
          %dma_wait3A_2660 = tpu.memref_squeeze %dma_wait3A_2659 : memref<1x1x128xi32, #tpu.memory_space<vmem>> -> memref<128xi32, #tpu.memory_space<vmem>>
          %dma_wait3A_2661 = arith.constant 0 : i32
          %dma_wait3A_2662 = tpu.memref_slice %arg19[%dma_wait3A_2661] : memref<10240xf32, #tpu.memory_space<vmem_shared>> -> memref<10240xf32, #tpu.memory_space<vmem_shared>>
          tpu.wait_indirect_dma semaphore(%run_scoped3A_2652 : memref<!tpu.dma_semaphore, #tpu.memory_space<semaphore_mem>>) src(%arg10 : memref<128xf32, #tpu.memory_space<vmem>>) dst(%dma_wait3A_2662 : memref<10240xf32, #tpu.memory_space<vmem_shared>>)
          tpu.yield
        }) : () -> ()
      } else {
      }
    }
    %scan3A_2214 = arith.constant 8 : i32
    %dma_wait3A_2215 = arith.constant 1 : i32
    %dma_wait3A_2216 = arith.constant 1 : i32
    %dma_wait3A_2217 = arith.constant 7 : i32
    %dma_wait3A_2218 = arith.constant 0 : i32
    %dma_wait3A_2219 = arith.constant 0 : i32
    %dma_wait3A_2220 = tpu.memref_slice %arg9[%dma_wait3A_2215, %dma_wait3A_2218, %dma_wait3A_2219] : memref<2x128x128xf32, #tpu.memory_space<vmem>> -> memref<1x128x128xf32, #tpu.memory_space<vmem>>
    %dma_wait3A_2221 = tpu.memref_squeeze %dma_wait3A_2220 : memref<1x128x128xf32, #tpu.memory_space<vmem>> -> memref<128x128xf32, #tpu.memory_space<vmem>>
    %dma_wait3A_2222 = arith.constant 0 : i32
    %dma_wait3A_2223 = tpu.memref_slice %arg8[%dma_wait3A_2216, %dma_wait3A_2217, %dma_wait3A_2222] : memref<2x8x128xi32, #tpu.memory_space<vmem>> -> memref<1x1x128xi32, #tpu.memory_space<vmem>>
    %dma_wait3A_2224 = tpu.memref_squeeze %dma_wait3A_2223 : memref<1x1x128xi32, #tpu.memory_space<vmem>> -> memref<128xi32, #tpu.memory_space<vmem>>
    %dma_wait3A_2225 = arith.constant 0 : i32
    %dma_wait3A_2226 = arith.constant 0 : i32
    %dma_wait3A_2227 = tpu.memref_slice %arg18[%dma_wait3A_2225, %dma_wait3A_2226] : memref<10240x128xf32, #tpu.memory_space<vmem_shared>> -> memref<10240x128xf32, #tpu.memory_space<vmem_shared>>
    tpu.wait_indirect_dma semaphore(%arg15 : memref<!tpu.dma_semaphore, #tpu.memory_space<semaphore_mem>>) src(%dma_wait3A_2221 : memref<128x128xf32, #tpu.memory_space<vmem>>) dst(%dma_wait3A_2227 : memref<10240x128xf32, #tpu.memory_space<vmem_shared>>)
    %mul3A_2228 = arith.constant 80 : i32
    %mul3A_2229 = arith.muli %arg1, %mul3A_2228 : i32
    %add3A_2230 = arith.constant 48 : i32
    %add3A_2231 = arith.addi %mul3A_2229, %add3A_2230 : i32
    %dma_wait3A_2232 = arith.constant 0 : i32
    %dma_wait3A_2233 = arith.constant 0 : i32
    %dma_wait3A_2234 = arith.constant 0 : i32
    %dma_wait3A_2235 = tpu.memref_slice %arg7[%dma_wait3A_2232, %dma_wait3A_2233, %dma_wait3A_2234] : memref<2x8x128xi32, #tpu.memory_space<vmem>> -> memref<1x8x128xi32, #tpu.memory_space<vmem>>
    %dma_wait3A_2236 = tpu.memref_squeeze %dma_wait3A_2235 : memref<1x8x128xi32, #tpu.memory_space<vmem>> -> memref<8x128xi32, #tpu.memory_space<vmem>>
    %dma_wait3A_2237 = arith.constant 0 : i32
    %dma_wait3A_2238 = tpu.memref_slice %arg3[%add3A_2231, %dma_wait3A_2237] : memref<1280x128xi32, #tpu.memory_space<hbm>> -> memref<8x128xi32, #tpu.memory_space<hbm>>
    %dma_wait3A_2239 = arith.constant 0 : i32
    %dma_wait3A_2240 = arith.constant 0 : i32
    %dma_wait3A_2241 = tpu.memref_slice %arg7[%dma_wait3A_2232, %dma_wait3A_2239, %dma_wait3A_2240] : memref<2x8x128xi32, #tpu.memory_space<vmem>> -> memref<1x8x128xi32, #tpu.memory_space<vmem>>
    %dma_wait3A_2242 = tpu.memref_squeeze %dma_wait3A_2241 : memref<1x8x128xi32, #tpu.memory_space<vmem>> -> memref<8x128xi32, #tpu.memory_space<vmem>>
    %dma_wait3A_2243 = arith.constant 0 : i32
    %dma_wait3A_2244 = tpu.memref_slice %arg3[%add3A_2231, %dma_wait3A_2243] : memref<1280x128xi32, #tpu.memory_space<hbm>> -> memref<8x128xi32, #tpu.memory_space<hbm>>
    tpu.wait_dma2 semaphore(%arg14 : memref<!tpu.dma_semaphore, #tpu.memory_space<semaphore_mem>>) src(%dma_wait3A_2244 : memref<8x128xi32, #tpu.memory_space<hbm>>) dst(%dma_wait3A_2242 : memref<8x128xi32, #tpu.memory_space<vmem>>)
    %dma_wait3A_2245 = arith.constant 0 : i32
    %dma_wait3A_2246 = arith.constant 0 : i32
    %dma_wait3A_2247 = arith.constant 0 : i32
    %dma_wait3A_2248 = tpu.memref_slice %arg8[%dma_wait3A_2245, %dma_wait3A_2246, %dma_wait3A_2247] : memref<2x8x128xi32, #tpu.memory_space<vmem>> -> memref<1x8x128xi32, #tpu.memory_space<vmem>>
    %dma_wait3A_2249 = tpu.memref_squeeze %dma_wait3A_2248 : memref<1x8x128xi32, #tpu.memory_space<vmem>> -> memref<8x128xi32, #tpu.memory_space<vmem>>
    %dma_wait3A_2250 = arith.constant 0 : i32
    %dma_wait3A_2251 = tpu.memref_slice %arg4[%add3A_2231, %dma_wait3A_2250] : memref<1280x128xi32, #tpu.memory_space<hbm>> -> memref<8x128xi32, #tpu.memory_space<hbm>>
    %dma_wait3A_2252 = arith.constant 0 : i32
    %dma_wait3A_2253 = arith.constant 0 : i32
    %dma_wait3A_2254 = tpu.memref_slice %arg8[%dma_wait3A_2245, %dma_wait3A_2252, %dma_wait3A_2253] : memref<2x8x128xi32, #tpu.memory_space<vmem>> -> memref<1x8x128xi32, #tpu.memory_space<vmem>>
    %dma_wait3A_2255 = tpu.memref_squeeze %dma_wait3A_2254 : memref<1x8x128xi32, #tpu.memory_space<vmem>> -> memref<8x128xi32, #tpu.memory_space<vmem>>
    %dma_wait3A_2256 = arith.constant 0 : i32
    %dma_wait3A_2257 = tpu.memref_slice %arg4[%add3A_2231, %dma_wait3A_2256] : memref<1280x128xi32, #tpu.memory_space<hbm>> -> memref<8x128xi32, #tpu.memory_space<hbm>>
    tpu.wait_dma2 semaphore(%arg14 : memref<!tpu.dma_semaphore, #tpu.memory_space<semaphore_mem>>) src(%dma_wait3A_2257 : memref<8x128xi32, #tpu.memory_space<hbm>>) dst(%dma_wait3A_2255 : memref<8x128xi32, #tpu.memory_space<vmem>>)
    %mul3A_2258 = arith.constant 80 : i32
    %mul3A_2259 = arith.muli %arg1, %mul3A_2258 : i32
    %add3A_2260 = arith.constant 56 : i32
    %add3A_2261 = arith.addi %mul3A_2259, %add3A_2260 : i32
    %dma_start3A_2262 = arith.constant 1 : i32
    %dma_start3A_2263 = arith.constant 0 : i32
    %dma_start3A_2264 = arith.constant 0 : i32
    %dma_start3A_2265 = tpu.memref_slice %arg7[%dma_start3A_2262, %dma_start3A_2263, %dma_start3A_2264] : memref<2x8x128xi32, #tpu.memory_space<vmem>> -> memref<1x8x128xi32, #tpu.memory_space<vmem>>
    %dma_start3A_2266 = tpu.memref_squeeze %dma_start3A_2265 : memref<1x8x128xi32, #tpu.memory_space<vmem>> -> memref<8x128xi32, #tpu.memory_space<vmem>>
    %dma_start3A_2267 = arith.constant 0 : i32
    %dma_start3A_2268 = tpu.memref_slice %arg3[%add3A_2261, %dma_start3A_2267] : memref<1280x128xi32, #tpu.memory_space<hbm>> -> memref<8x128xi32, #tpu.memory_space<hbm>>
    %dma_start3A_2269 = arith.constant 0 : i32
    %dma_start3A_2270 = arith.constant 0 : i32
    %dma_start3A_2271 = tpu.memref_slice %arg7[%dma_start3A_2262, %dma_start3A_2269, %dma_start3A_2270] : memref<2x8x128xi32, #tpu.memory_space<vmem>> -> memref<1x8x128xi32, #tpu.memory_space<vmem>>
    %dma_start3A_2272 = tpu.memref_squeeze %dma_start3A_2271 : memref<1x8x128xi32, #tpu.memory_space<vmem>> -> memref<8x128xi32, #tpu.memory_space<vmem>>
    %dma_start3A_2273 = arith.constant 0 : i32
    %dma_start3A_2274 = tpu.memref_slice %arg3[%add3A_2261, %dma_start3A_2273] : memref<1280x128xi32, #tpu.memory_space<hbm>> -> memref<8x128xi32, #tpu.memory_space<hbm>>
    tpu.enqueue_dma source(%dma_start3A_2274 : memref<8x128xi32, #tpu.memory_space<hbm>>) target(%dma_start3A_2272 : memref<8x128xi32, #tpu.memory_space<vmem>>) target_semaphore(%arg14 : memref<!tpu.dma_semaphore, #tpu.memory_space<semaphore_mem>>)
    %dma_start3A_2275 = arith.constant 1 : i32
    %dma_start3A_2276 = arith.constant 0 : i32
    %dma_start3A_2277 = arith.constant 0 : i32
    %dma_start3A_2278 = tpu.memref_slice %arg8[%dma_start3A_2275, %dma_start3A_2276, %dma_start3A_2277] : memref<2x8x128xi32, #tpu.memory_space<vmem>> -> memref<1x8x128xi32, #tpu.memory_space<vmem>>
    %dma_start3A_2279 = tpu.memref_squeeze %dma_start3A_2278 : memref<1x8x128xi32, #tpu.memory_space<vmem>> -> memref<8x128xi32, #tpu.memory_space<vmem>>
    %dma_start3A_2280 = arith.constant 0 : i32
    %dma_start3A_2281 = tpu.memref_slice %arg4[%add3A_2261, %dma_start3A_2280] : memref<1280x128xi32, #tpu.memory_space<hbm>> -> memref<8x128xi32, #tpu.memory_space<hbm>>
    %dma_start3A_2282 = arith.constant 0 : i32
    %dma_start3A_2283 = arith.constant 0 : i32
    %dma_start3A_2284 = tpu.memref_slice %arg8[%dma_start3A_2275, %dma_start3A_2282, %dma_start3A_2283] : memref<2x8x128xi32, #tpu.memory_space<vmem>> -> memref<1x8x128xi32, #tpu.memory_space<vmem>>
    %dma_start3A_2285 = tpu.memref_squeeze %dma_start3A_2284 : memref<1x8x128xi32, #tpu.memory_space<vmem>> -> memref<8x128xi32, #tpu.memory_space<vmem>>
    %dma_start3A_2286 = arith.constant 0 : i32
    %dma_start3A_2287 = tpu.memref_slice %arg4[%add3A_2261, %dma_start3A_2286] : memref<1280x128xi32, #tpu.memory_space<hbm>> -> memref<8x128xi32, #tpu.memory_space<hbm>>
    tpu.enqueue_dma source(%dma_start3A_2287 : memref<8x128xi32, #tpu.memory_space<hbm>>) target(%dma_start3A_2285 : memref<8x128xi32, #tpu.memory_space<vmem>>) target_semaphore(%arg14 : memref<!tpu.dma_semaphore, #tpu.memory_space<semaphore_mem>>)
    %scan3A_2288 = arith.constant 0 : i32
    %scan3A_2289 = arith.constant 0 : i32
    %scan3A_2290 = arith.constant 64 : i32
    %scan3A_2291 = arith.addi %scan3A_2289, %scan3A_2290 : i32
    %scan3A_2292 = arith.constant 1 : i32
    scf.for %scan3A_2607 = %scan3A_2289 to %scan3A_2291 step %scan3A_2292  : i32 {
      %jit3A = arith.constant 8 : i32
      %div3A = arith.divsi %scan3A_2607, %jit3A : i32
      %sign3A = arith.constant 0 : i32
      %sign3A_2608 = arith.cmpi sgt, %scan3A_2607, %sign3A : i32
      %sign3A_2609 = arith.extui %sign3A_2608 : i1 to i32
      %sign3A_2610 = arith.constant 0 : i32
      %sign3A_2611 = arith.cmpi slt, %scan3A_2607, %sign3A_2610 : i32
      %sign3A_2612 = arith.extui %sign3A_2611 : i1 to i32
      %sign3A_2613 = arith.subi %sign3A_2609, %sign3A_2612 : i32
      %sign3A_2614 = arith.constant 0 : i32
      %sign3A_2615 = arith.cmpi sgt, %jit3A, %sign3A_2614 : i32
      %sign3A_2616 = arith.extui %sign3A_2615 : i1 to i32
      %sign3A_2617 = arith.constant 0 : i32
      %sign3A_2618 = arith.cmpi slt, %jit3A, %sign3A_2617 : i32
      %sign3A_2619 = arith.extui %sign3A_2618 : i1 to i32
      %sign3A_2620 = arith.subi %sign3A_2616, %sign3A_2619 : i32
      %ne3A = arith.cmpi ne, %sign3A_2613, %sign3A_2620 : i32
      %rem3A = arith.remsi %scan3A_2607, %jit3A : i32
      %ne3A_2621 = arith.constant 0 : i32
      %ne3A_2622 = arith.cmpi ne, %rem3A, %ne3A_2621 : i32
      %and3A = arith.andi %ne3A, %ne3A_2622 : i1
      %sub3A = arith.constant 1 : i32
      %sub3A_2623 = arith.subi %div3A, %sub3A : i32
      %select_n3A = arith.select %and3A, %sub3A_2623, %div3A : i32
      %jit3A_2624 = arith.constant 8 : i32
      %eq3A_2625 = arith.constant 0 : i32
      %eq3A_2626 = arith.cmpi eq, %jit3A_2624, %eq3A_2625 : i32
      %jit3A_2627 = arith.constant 1 : i32
      %select_n3A_2628 = arith.select %eq3A_2626, %jit3A_2627, %jit3A_2624 : i32
      %rem3A_2629 = arith.remsi %scan3A_2607, %select_n3A_2628 : i32
      %ne3A_2630 = arith.constant 0 : i32
      %ne3A_2631 = arith.cmpi ne, %rem3A_2629, %ne3A_2630 : i32
      %lt3A = arith.constant 0 : i32
      %lt3A_2632 = arith.cmpi slt, %rem3A_2629, %lt3A : i32
      %lt3A_2633 = arith.constant 0 : i32
      %lt3A_2634 = arith.cmpi slt, %select_n3A_2628, %lt3A_2633 : i32
      %ne3A_2635 = arith.xori %lt3A_2632, %lt3A_2634 : i1
      %and3A_2636 = arith.andi %ne3A_2635, %ne3A_2631 : i1
      %add3A_2637 = arith.addi %rem3A_2629, %select_n3A_2628 : i32
      %select_n3A_2638 = arith.select %and3A_2636, %add3A_2637, %rem3A_2629 : i32
      %mul3A_2639 = arith.constant 16 : i32
      %mul3A_2640 = arith.muli %select_n3A_2638, %mul3A_2639 : i32
      %get3A = arith.constant 0 : i32
      %get3A_2641 = arith.index_cast %get3A : i32 to index
      %get3A_2642 = arith.index_cast %select_n3A : i32 to index
      %get3A_2643 = arith.index_cast %mul3A_2640 : i32 to index
      %get3A_2644 = tpu.vector_load %arg7[%get3A_2641, %get3A_2642, %get3A_2643] {strides = array<i32>} : memref<2x8x128xi32, #tpu.memory_space<vmem>>, vector<1x1x16xi32>,
      %get3A_2645 = vector.shape_cast %get3A_2644 : vector<1x1x16xi32> to vector<16xi32>
      %mul3A_2646 = arith.constant 2 : i32
      %mul3A_2647 = vector.broadcast %mul3A_2646 : i32 to vector<16xi32>
      %mul3A_2648 = arith.muli %get3A_2645, %mul3A_2647 : vector<16xi32>
      %add3A_2649 = vector.broadcast %arg0 : i32 to vector<16xi32>
      %add3A_2650 = arith.addi %mul3A_2648, %add3A_2649 : vector<16xi32>
      %swap3A_2651 = arith.constant 0 : i32
      %swap3A_2652 = arith.index_cast %swap3A_2651 : i32 to index
      %swap3A_2653 = arith.index_cast %select_n3A : i32 to index
      %swap3A_2654 = arith.index_cast %mul3A_2640 : i32 to index
      %swap3A_2655 = tpu.vector_load %arg7[%swap3A_2652, %swap3A_2653, %swap3A_2654] {strides = array<i32>} : memref<2x8x128xi32, #tpu.memory_space<vmem>>, vector<1x1x16xi32>,
      %swap3A_2656 = vector.shape_cast %swap3A_2655 : vector<1x1x16xi32> to vector<16xi32>
      %swap3A_2657 = vector.shape_cast %add3A_2650 : vector<16xi32> to vector<1x1x16xi32>
      tpu.vector_store %arg7[%swap3A_2652, %swap3A_2653, %swap3A_2654], %swap3A_2657 {strides = array<i32>} : memref<2x8x128xi32, #tpu.memory_space<vmem>>, vector<1x1x16xi32>,
    }
    %scan3A_2293 = arith.constant 64 : i32
    %eq3A_2294 = arith.constant 1 : i32
    %eq3A_2295 = arith.cmpi eq, %arg0, %eq3A_2294 : i32
    %dma_start3A_2296 = arith.constant 0 : i32
    %dma_start3A_2297 = arith.constant 0 : i32
    %dma_start3A_2298 = arith.constant 0 : i32
    %dma_start3A_2299 = arith.constant 0 : i32
    %dma_start3A_2300 = arith.constant 0 : i32
    %dma_start3A_2301 = tpu.memref_slice %arg9[%dma_start3A_2298, %dma_start3A_2299, %dma_start3A_2300] : memref<2x128x128xf32, #tpu.memory_space<vmem>> -> memref<1x128x128xf32, #tpu.memory_space<vmem>>
    %dma_start3A_2302 = tpu.memref_squeeze %dma_start3A_2301 : memref<1x128x128xf32, #tpu.memory_space<vmem>> -> memref<128x128xf32, #tpu.memory_space<vmem>>
    %dma_start3A_2303 = arith.constant 0 : i32
    %dma_start3A_2304 = tpu.memref_slice %arg7[%dma_start3A_2296, %dma_start3A_2297, %dma_start3A_2303] : memref<2x8x128xi32, #tpu.memory_space<vmem>> -> memref<1x1x128xi32, #tpu.memory_space<vmem>>
    %dma_start3A_2305 = tpu.memref_squeeze %dma_start3A_2304 : memref<1x1x128xi32, #tpu.memory_space<vmem>> -> memref<128xi32, #tpu.memory_space<vmem>>
    %dma_start3A_2306 = arith.constant 0 : i32
    %dma_start3A_2307 = arith.constant 0 : i32
    %dma_start3A_2308 = tpu.memref_slice %arg2[%dma_start3A_2306, %dma_start3A_2307] : memref<20000x128xf32, #tpu.memory_space<hbm>> -> memref<20000x128xf32, #tpu.memory_space<hbm>>
    tpu.enqueue_indirect_dma source(%dma_start3A_2308 : memref<20000x128xf32, #tpu.memory_space<hbm>>) target(%dma_start3A_2302 : memref<128x128xf32, #tpu.memory_space<vmem>>) offsets(%dma_start3A_2305 : memref<128xi32, #tpu.memory_space<vmem>>) semaphore(%arg13 : memref<!tpu.dma_semaphore, #tpu.memory_space<semaphore_mem>>)
    %scan3A_2309 = arith.constant 0 : i32
    %scan3A_2310 = arith.constant 0 : i32
    %scan3A_2311 = arith.constant 8 : i32
    %scan3A_2312 = arith.addi %scan3A_2310, %scan3A_2311 : i32
    %scan3A_2313 = arith.constant 1 : i32
    scf.for %scan3A_2607 = %scan3A_2310 to %scan3A_2312 step %scan3A_2313  : i32 {
      %jit3A = arith.constant 2 : i32
      %eq3A_2608 = arith.constant 0 : i32
      %eq3A_2609 = arith.cmpi eq, %jit3A, %eq3A_2608 : i32
      %jit3A_2610 = arith.constant 1 : i32
      %select_n3A = arith.select %eq3A_2609, %jit3A_2610, %jit3A : i32
      %rem3A = arith.remsi %scan3A_2607, %select_n3A : i32
      %ne3A = arith.constant 0 : i32
      %ne3A_2611 = arith.cmpi ne, %rem3A, %ne3A : i32
      %lt3A = arith.constant 0 : i32
      %lt3A_2612 = arith.cmpi slt, %rem3A, %lt3A : i32
      %lt3A_2613 = arith.constant 0 : i32
      %lt3A_2614 = arith.cmpi slt, %select_n3A, %lt3A_2613 : i32
      %ne3A_2615 = arith.xori %lt3A_2612, %lt3A_2614 : i1
      %and3A = arith.andi %ne3A_2615, %ne3A_2611 : i1
      %add3A_2616 = arith.addi %rem3A, %select_n3A : i32
      %select_n3A_2617 = arith.select %and3A, %add3A_2616, %rem3A : i32
      %dma_wait3A_2618 = arith.constant 0 : i32
      %dma_wait3A_2619 = arith.constant 0 : i32
      %dma_wait3A_2620 = arith.constant 0 : i32
      %dma_wait3A_2621 = tpu.memref_slice %arg9[%select_n3A_2617, %dma_wait3A_2619, %dma_wait3A_2620] : memref<2x128x128xf32, #tpu.memory_space<vmem>> -> memref<1x128x128xf32, #tpu.memory_space<vmem>>
      %dma_wait3A_2622 = tpu.memref_squeeze %dma_wait3A_2621 : memref<1x128x128xf32, #tpu.memory_space<vmem>> -> memref<128x128xf32, #tpu.memory_space<vmem>>
      %dma_wait3A_2623 = arith.constant 0 : i32
      %dma_wait3A_2624 = tpu.memref_slice %arg7[%dma_wait3A_2618, %scan3A_2607, %dma_wait3A_2623] : memref<2x8x128xi32, #tpu.memory_space<vmem>> -> memref<1x1x128xi32, #tpu.memory_space<vmem>>
      %dma_wait3A_2625 = tpu.memref_squeeze %dma_wait3A_2624 : memref<1x1x128xi32, #tpu.memory_space<vmem>> -> memref<128xi32, #tpu.memory_space<vmem>>
      %dma_wait3A_2626 = arith.constant 0 : i32
      %dma_wait3A_2627 = arith.constant 0 : i32
      %dma_wait3A_2628 = tpu.memref_slice %arg2[%dma_wait3A_2626, %dma_wait3A_2627] : memref<20000x128xf32, #tpu.memory_space<hbm>> -> memref<20000x128xf32, #tpu.memory_space<hbm>>
      tpu.wait_indirect_dma semaphore(%arg13 : memref<!tpu.dma_semaphore, #tpu.memory_space<semaphore_mem>>) src(%dma_wait3A_2628 : memref<20000x128xf32, #tpu.memory_space<hbm>>) dst(%dma_wait3A_2622 : memref<128x128xf32, #tpu.memory_space<vmem>>)
      %dma_start3A_2629 = arith.constant 0 : i32
      %dma_start3A_2630 = arith.constant 0 : i32
      %dma_start3A_2631 = arith.constant 0 : i32
      %dma_start3A_2632 = tpu.memref_slice %arg9[%select_n3A_2617, %dma_start3A_2630, %dma_start3A_2631] : memref<2x128x128xf32, #tpu.memory_space<vmem>> -> memref<1x128x128xf32, #tpu.memory_space<vmem>>
      %dma_start3A_2633 = tpu.memref_squeeze %dma_start3A_2632 : memref<1x128x128xf32, #tpu.memory_space<vmem>> -> memref<128x128xf32, #tpu.memory_space<vmem>>
      %dma_start3A_2634 = arith.constant 0 : i32
      %dma_start3A_2635 = tpu.memref_slice %arg8[%dma_start3A_2629, %scan3A_2607, %dma_start3A_2634] : memref<2x8x128xi32, #tpu.memory_space<vmem>> -> memref<1x1x128xi32, #tpu.memory_space<vmem>>
      %dma_start3A_2636 = tpu.memref_squeeze %dma_start3A_2635 : memref<1x1x128xi32, #tpu.memory_space<vmem>> -> memref<128xi32, #tpu.memory_space<vmem>>
      %dma_start3A_2637 = arith.constant 0 : i32
      %dma_start3A_2638 = arith.constant 0 : i32
      %dma_start3A_2639 = tpu.memref_slice %arg18[%dma_start3A_2637, %dma_start3A_2638] : memref<10240x128xf32, #tpu.memory_space<vmem_shared>> -> memref<10240x128xf32, #tpu.memory_space<vmem_shared>>
      tpu.enqueue_indirect_dma source(%dma_start3A_2633 : memref<128x128xf32, #tpu.memory_space<vmem>>) target(%dma_start3A_2639 : memref<10240x128xf32, #tpu.memory_space<vmem_shared>>) offsets(%dma_start3A_2636 : memref<128xi32, #tpu.memory_space<vmem>>) semaphore(%arg15 : memref<!tpu.dma_semaphore, #tpu.memory_space<semaphore_mem>>) {add = true}
      %ge3A = arith.constant 1 : i32
      %ge3A_2640 = arith.cmpi sge, %scan3A_2607, %ge3A : i32
      %convert_element_type3A = arith.extui %ge3A_2640 : i1 to i32
      %cond3A = arith.constant 0 : i32
      %cond3A_2641 = arith.cmpi ne, %convert_element_type3A, %cond3A : i32
      scf.if %cond3A_2641 {
        %sub3A = arith.constant 1 : i32
        %sub3A_2652 = arith.subi %sub3A, %select_n3A_2617 : i32
        %sub3A_2653 = arith.constant 1 : i32
        %sub3A_2654 = arith.subi %scan3A_2607, %sub3A_2653 : i32
        %dma_wait3A_2655 = arith.constant 0 : i32
        %dma_wait3A_2656 = arith.constant 0 : i32
        %dma_wait3A_2657 = arith.constant 0 : i32
        %dma_wait3A_2658 = tpu.memref_slice %arg9[%sub3A_2652, %dma_wait3A_2656, %dma_wait3A_2657] : memref<2x128x128xf32, #tpu.memory_space<vmem>> -> memref<1x128x128xf32, #tpu.memory_space<vmem>>
        %dma_wait3A_2659 = tpu.memref_squeeze %dma_wait3A_2658 : memref<1x128x128xf32, #tpu.memory_space<vmem>> -> memref<128x128xf32, #tpu.memory_space<vmem>>
        %dma_wait3A_2660 = arith.constant 0 : i32
        %dma_wait3A_2661 = tpu.memref_slice %arg8[%dma_wait3A_2655, %sub3A_2654, %dma_wait3A_2660] : memref<2x8x128xi32, #tpu.memory_space<vmem>> -> memref<1x1x128xi32, #tpu.memory_space<vmem>>
        %dma_wait3A_2662 = tpu.memref_squeeze %dma_wait3A_2661 : memref<1x1x128xi32, #tpu.memory_space<vmem>> -> memref<128xi32, #tpu.memory_space<vmem>>
        %dma_wait3A_2663 = arith.constant 0 : i32
        %dma_wait3A_2664 = arith.constant 0 : i32
        %dma_wait3A_2665 = tpu.memref_slice %arg18[%dma_wait3A_2663, %dma_wait3A_2664] : memref<10240x128xf32, #tpu.memory_space<vmem_shared>> -> memref<10240x128xf32, #tpu.memory_space<vmem_shared>>
        tpu.wait_indirect_dma semaphore(%arg15 : memref<!tpu.dma_semaphore, #tpu.memory_space<semaphore_mem>>) src(%dma_wait3A_2659 : memref<128x128xf32, #tpu.memory_space<vmem>>) dst(%dma_wait3A_2665 : memref<10240x128xf32, #tpu.memory_space<vmem_shared>>)
      } else {
      }
      %add3A_2642 = arith.constant 1 : i32
      %add3A_2643 = arith.addi %scan3A_2607, %add3A_2642 : i32
      %lt3A_2644 = arith.constant 8 : i32
      %lt3A_2645 = arith.cmpi slt, %add3A_2643, %lt3A_2644 : i32
      %convert_element_type3A_2646 = arith.extui %lt3A_2645 : i1 to i32
      %cond3A_2647 = arith.constant 0 : i32
      %cond3A_2648 = arith.cmpi ne, %convert_element_type3A_2646, %cond3A_2647 : i32
      scf.if %cond3A_2648 {
        %add3A_2652 = arith.constant 1 : i32
        %add3A_2653 = arith.addi %scan3A_2607, %add3A_2652 : i32
        %sub3A = arith.constant 1 : i32
        %sub3A_2654 = arith.subi %sub3A, %select_n3A_2617 : i32
        %dma_start3A_2655 = arith.constant 0 : i32
        %dma_start3A_2656 = arith.constant 0 : i32
        %dma_start3A_2657 = arith.constant 0 : i32
        %dma_start3A_2658 = tpu.memref_slice %arg9[%sub3A_2654, %dma_start3A_2656, %dma_start3A_2657] : memref<2x128x128xf32, #tpu.memory_space<vmem>> -> memref<1x128x128xf32, #tpu.memory_space<vmem>>
        %dma_start3A_2659 = tpu.memref_squeeze %dma_start3A_2658 : memref<1x128x128xf32, #tpu.memory_space<vmem>> -> memref<128x128xf32, #tpu.memory_space<vmem>>
        %dma_start3A_2660 = arith.constant 0 : i32
        %dma_start3A_2661 = tpu.memref_slice %arg7[%dma_start3A_2655, %add3A_2653, %dma_start3A_2660] : memref<2x8x128xi32, #tpu.memory_space<vmem>> -> memref<1x1x128xi32, #tpu.memory_space<vmem>>
        %dma_start3A_2662 = tpu.memref_squeeze %dma_start3A_2661 : memref<1x1x128xi32, #tpu.memory_space<vmem>> -> memref<128xi32, #tpu.memory_space<vmem>>
        %dma_start3A_2663 = arith.constant 0 : i32
        %dma_start3A_2664 = arith.constant 0 : i32
        %dma_start3A_2665 = tpu.memref_slice %arg2[%dma_start3A_2663, %dma_start3A_2664] : memref<20000x128xf32, #tpu.memory_space<hbm>> -> memref<20000x128xf32, #tpu.memory_space<hbm>>
        tpu.enqueue_indirect_dma source(%dma_start3A_2665 : memref<20000x128xf32, #tpu.memory_space<hbm>>) target(%dma_start3A_2659 : memref<128x128xf32, #tpu.memory_space<vmem>>) offsets(%dma_start3A_2662 : memref<128xi32, #tpu.memory_space<vmem>>) semaphore(%arg13 : memref<!tpu.dma_semaphore, #tpu.memory_space<semaphore_mem>>)
      } else {
      }
      %convert_element_type3A_2649 = arith.extui %eq3A_2295 : i1 to i32
      %cond3A_2650 = arith.constant 0 : i32
      %cond3A_2651 = arith.cmpi ne, %convert_element_type3A_2649, %cond3A_2650 : i32
      scf.if %cond3A_2651 {
        %run_scoped3A = arith.constant 0 : i32
        "tpu.region"() ({
          %run_scoped3A_2652 = tpu.sem_alloc : memref<!tpu.dma_semaphore, #tpu.memory_space<semaphore_mem>>
          %dma_start3A_2653 = arith.constant 0 : i32
          %dma_start3A_2654 = tpu.memref_slice %arg8[%run_scoped3A, %scan3A_2607, %dma_start3A_2653] : memref<2x8x128xi32, #tpu.memory_space<vmem>> -> memref<1x1x128xi32, #tpu.memory_space<vmem>>
          %dma_start3A_2655 = tpu.memref_squeeze %dma_start3A_2654 : memref<1x1x128xi32, #tpu.memory_space<vmem>> -> memref<128xi32, #tpu.memory_space<vmem>>
          %dma_start3A_2656 = arith.constant 0 : i32
          %dma_start3A_2657 = tpu.memref_slice %arg19[%dma_start3A_2656] : memref<10240xf32, #tpu.memory_space<vmem_shared>> -> memref<10240xf32, #tpu.memory_space<vmem_shared>>
          tpu.enqueue_indirect_dma source(%arg10 : memref<128xf32, #tpu.memory_space<vmem>>) target(%dma_start3A_2657 : memref<10240xf32, #tpu.memory_space<vmem_shared>>) offsets(%dma_start3A_2655 : memref<128xi32, #tpu.memory_space<vmem>>) semaphore(%run_scoped3A_2652 : memref<!tpu.dma_semaphore, #tpu.memory_space<semaphore_mem>>) {add = true}
          %dma_wait3A_2658 = arith.constant 0 : i32
          %dma_wait3A_2659 = tpu.memref_slice %arg8[%run_scoped3A, %scan3A_2607, %dma_wait3A_2658] : memref<2x8x128xi32, #tpu.memory_space<vmem>> -> memref<1x1x128xi32, #tpu.memory_space<vmem>>
          %dma_wait3A_2660 = tpu.memref_squeeze %dma_wait3A_2659 : memref<1x1x128xi32, #tpu.memory_space<vmem>> -> memref<128xi32, #tpu.memory_space<vmem>>
          %dma_wait3A_2661 = arith.constant 0 : i32
          %dma_wait3A_2662 = tpu.memref_slice %arg19[%dma_wait3A_2661] : memref<10240xf32, #tpu.memory_space<vmem_shared>> -> memref<10240xf32, #tpu.memory_space<vmem_shared>>
          tpu.wait_indirect_dma semaphore(%run_scoped3A_2652 : memref<!tpu.dma_semaphore, #tpu.memory_space<semaphore_mem>>) src(%arg10 : memref<128xf32, #tpu.memory_space<vmem>>) dst(%dma_wait3A_2662 : memref<10240xf32, #tpu.memory_space<vmem_shared>>)
          tpu.yield
        }) : () -> ()
      } else {
      }
    }
    %scan3A_2314 = arith.constant 8 : i32
    %dma_wait3A_2315 = arith.constant 1 : i32
    %dma_wait3A_2316 = arith.constant 0 : i32
    %dma_wait3A_2317 = arith.constant 7 : i32
    %dma_wait3A_2318 = arith.constant 0 : i32
    %dma_wait3A_2319 = arith.constant 0 : i32
    %dma_wait3A_2320 = tpu.memref_slice %arg9[%dma_wait3A_2315, %dma_wait3A_2318, %dma_wait3A_2319] : memref<2x128x128xf32, #tpu.memory_space<vmem>> -> memref<1x128x128xf32, #tpu.memory_space<vmem>>
    %dma_wait3A_2321 = tpu.memref_squeeze %dma_wait3A_2320 : memref<1x128x128xf32, #tpu.memory_space<vmem>> -> memref<128x128xf32, #tpu.memory_space<vmem>>
    %dma_wait3A_2322 = arith.constant 0 : i32
    %dma_wait3A_2323 = tpu.memref_slice %arg8[%dma_wait3A_2316, %dma_wait3A_2317, %dma_wait3A_2322] : memref<2x8x128xi32, #tpu.memory_space<vmem>> -> memref<1x1x128xi32, #tpu.memory_space<vmem>>
    %dma_wait3A_2324 = tpu.memref_squeeze %dma_wait3A_2323 : memref<1x1x128xi32, #tpu.memory_space<vmem>> -> memref<128xi32, #tpu.memory_space<vmem>>
    %dma_wait3A_2325 = arith.constant 0 : i32
    %dma_wait3A_2326 = arith.constant 0 : i32
    %dma_wait3A_2327 = tpu.memref_slice %arg18[%dma_wait3A_2325, %dma_wait3A_2326] : memref<10240x128xf32, #tpu.memory_space<vmem_shared>> -> memref<10240x128xf32, #tpu.memory_space<vmem_shared>>
    tpu.wait_indirect_dma semaphore(%arg15 : memref<!tpu.dma_semaphore, #tpu.memory_space<semaphore_mem>>) src(%dma_wait3A_2321 : memref<128x128xf32, #tpu.memory_space<vmem>>) dst(%dma_wait3A_2327 : memref<10240x128xf32, #tpu.memory_space<vmem_shared>>)
    %mul3A_2328 = arith.constant 80 : i32
    %mul3A_2329 = arith.muli %arg1, %mul3A_2328 : i32
    %add3A_2330 = arith.constant 56 : i32
    %add3A_2331 = arith.addi %mul3A_2329, %add3A_2330 : i32
    %dma_wait3A_2332 = arith.constant 1 : i32
    %dma_wait3A_2333 = arith.constant 0 : i32
    %dma_wait3A_2334 = arith.constant 0 : i32
    %dma_wait3A_2335 = tpu.memref_slice %arg7[%dma_wait3A_2332, %dma_wait3A_2333, %dma_wait3A_2334] : memref<2x8x128xi32, #tpu.memory_space<vmem>> -> memref<1x8x128xi32, #tpu.memory_space<vmem>>
    %dma_wait3A_2336 = tpu.memref_squeeze %dma_wait3A_2335 : memref<1x8x128xi32, #tpu.memory_space<vmem>> -> memref<8x128xi32, #tpu.memory_space<vmem>>
    %dma_wait3A_2337 = arith.constant 0 : i32
    %dma_wait3A_2338 = tpu.memref_slice %arg3[%add3A_2331, %dma_wait3A_2337] : memref<1280x128xi32, #tpu.memory_space<hbm>> -> memref<8x128xi32, #tpu.memory_space<hbm>>
    %dma_wait3A_2339 = arith.constant 0 : i32
    %dma_wait3A_2340 = arith.constant 0 : i32
    %dma_wait3A_2341 = tpu.memref_slice %arg7[%dma_wait3A_2332, %dma_wait3A_2339, %dma_wait3A_2340] : memref<2x8x128xi32, #tpu.memory_space<vmem>> -> memref<1x8x128xi32, #tpu.memory_space<vmem>>
    %dma_wait3A_2342 = tpu.memref_squeeze %dma_wait3A_2341 : memref<1x8x128xi32, #tpu.memory_space<vmem>> -> memref<8x128xi32, #tpu.memory_space<vmem>>
    %dma_wait3A_2343 = arith.constant 0 : i32
    %dma_wait3A_2344 = tpu.memref_slice %arg3[%add3A_2331, %dma_wait3A_2343] : memref<1280x128xi32, #tpu.memory_space<hbm>> -> memref<8x128xi32, #tpu.memory_space<hbm>>
    tpu.wait_dma2 semaphore(%arg14 : memref<!tpu.dma_semaphore, #tpu.memory_space<semaphore_mem>>) src(%dma_wait3A_2344 : memref<8x128xi32, #tpu.memory_space<hbm>>) dst(%dma_wait3A_2342 : memref<8x128xi32, #tpu.memory_space<vmem>>)
    %dma_wait3A_2345 = arith.constant 1 : i32
    %dma_wait3A_2346 = arith.constant 0 : i32
    %dma_wait3A_2347 = arith.constant 0 : i32
    %dma_wait3A_2348 = tpu.memref_slice %arg8[%dma_wait3A_2345, %dma_wait3A_2346, %dma_wait3A_2347] : memref<2x8x128xi32, #tpu.memory_space<vmem>> -> memref<1x8x128xi32, #tpu.memory_space<vmem>>
    %dma_wait3A_2349 = tpu.memref_squeeze %dma_wait3A_2348 : memref<1x8x128xi32, #tpu.memory_space<vmem>> -> memref<8x128xi32, #tpu.memory_space<vmem>>
    %dma_wait3A_2350 = arith.constant 0 : i32
    %dma_wait3A_2351 = tpu.memref_slice %arg4[%add3A_2331, %dma_wait3A_2350] : memref<1280x128xi32, #tpu.memory_space<hbm>> -> memref<8x128xi32, #tpu.memory_space<hbm>>
    %dma_wait3A_2352 = arith.constant 0 : i32
    %dma_wait3A_2353 = arith.constant 0 : i32
    %dma_wait3A_2354 = tpu.memref_slice %arg8[%dma_wait3A_2345, %dma_wait3A_2352, %dma_wait3A_2353] : memref<2x8x128xi32, #tpu.memory_space<vmem>> -> memref<1x8x128xi32, #tpu.memory_space<vmem>>
    %dma_wait3A_2355 = tpu.memref_squeeze %dma_wait3A_2354 : memref<1x8x128xi32, #tpu.memory_space<vmem>> -> memref<8x128xi32, #tpu.memory_space<vmem>>
    %dma_wait3A_2356 = arith.constant 0 : i32
    %dma_wait3A_2357 = tpu.memref_slice %arg4[%add3A_2331, %dma_wait3A_2356] : memref<1280x128xi32, #tpu.memory_space<hbm>> -> memref<8x128xi32, #tpu.memory_space<hbm>>
    tpu.wait_dma2 semaphore(%arg14 : memref<!tpu.dma_semaphore, #tpu.memory_space<semaphore_mem>>) src(%dma_wait3A_2357 : memref<8x128xi32, #tpu.memory_space<hbm>>) dst(%dma_wait3A_2355 : memref<8x128xi32, #tpu.memory_space<vmem>>)
    %mul3A_2358 = arith.constant 80 : i32
    %mul3A_2359 = arith.muli %arg1, %mul3A_2358 : i32
    %add3A_2360 = arith.constant 64 : i32
    %add3A_2361 = arith.addi %mul3A_2359, %add3A_2360 : i32
    %dma_start3A_2362 = arith.constant 0 : i32
    %dma_start3A_2363 = arith.constant 0 : i32
    %dma_start3A_2364 = arith.constant 0 : i32
    %dma_start3A_2365 = tpu.memref_slice %arg7[%dma_start3A_2362, %dma_start3A_2363, %dma_start3A_2364] : memref<2x8x128xi32, #tpu.memory_space<vmem>> -> memref<1x8x128xi32, #tpu.memory_space<vmem>>
    %dma_start3A_2366 = tpu.memref_squeeze %dma_start3A_2365 : memref<1x8x128xi32, #tpu.memory_space<vmem>> -> memref<8x128xi32, #tpu.memory_space<vmem>>
    %dma_start3A_2367 = arith.constant 0 : i32
    %dma_start3A_2368 = tpu.memref_slice %arg3[%add3A_2361, %dma_start3A_2367] : memref<1280x128xi32, #tpu.memory_space<hbm>> -> memref<8x128xi32, #tpu.memory_space<hbm>>
    %dma_start3A_2369 = arith.constant 0 : i32
    %dma_start3A_2370 = arith.constant 0 : i32
    %dma_start3A_2371 = tpu.memref_slice %arg7[%dma_start3A_2362, %dma_start3A_2369, %dma_start3A_2370] : memref<2x8x128xi32, #tpu.memory_space<vmem>> -> memref<1x8x128xi32, #tpu.memory_space<vmem>>
    %dma_start3A_2372 = tpu.memref_squeeze %dma_start3A_2371 : memref<1x8x128xi32, #tpu.memory_space<vmem>> -> memref<8x128xi32, #tpu.memory_space<vmem>>
    %dma_start3A_2373 = arith.constant 0 : i32
    %dma_start3A_2374 = tpu.memref_slice %arg3[%add3A_2361, %dma_start3A_2373] : memref<1280x128xi32, #tpu.memory_space<hbm>> -> memref<8x128xi32, #tpu.memory_space<hbm>>
    tpu.enqueue_dma source(%dma_start3A_2374 : memref<8x128xi32, #tpu.memory_space<hbm>>) target(%dma_start3A_2372 : memref<8x128xi32, #tpu.memory_space<vmem>>) target_semaphore(%arg14 : memref<!tpu.dma_semaphore, #tpu.memory_space<semaphore_mem>>)
    %dma_start3A_2375 = arith.constant 0 : i32
    %dma_start3A_2376 = arith.constant 0 : i32
    %dma_start3A_2377 = arith.constant 0 : i32
    %dma_start3A_2378 = tpu.memref_slice %arg8[%dma_start3A_2375, %dma_start3A_2376, %dma_start3A_2377] : memref<2x8x128xi32, #tpu.memory_space<vmem>> -> memref<1x8x128xi32, #tpu.memory_space<vmem>>
    %dma_start3A_2379 = tpu.memref_squeeze %dma_start3A_2378 : memref<1x8x128xi32, #tpu.memory_space<vmem>> -> memref<8x128xi32, #tpu.memory_space<vmem>>
    %dma_start3A_2380 = arith.constant 0 : i32
    %dma_start3A_2381 = tpu.memref_slice %arg4[%add3A_2361, %dma_start3A_2380] : memref<1280x128xi32, #tpu.memory_space<hbm>> -> memref<8x128xi32, #tpu.memory_space<hbm>>
    %dma_start3A_2382 = arith.constant 0 : i32
    %dma_start3A_2383 = arith.constant 0 : i32
    %dma_start3A_2384 = tpu.memref_slice %arg8[%dma_start3A_2375, %dma_start3A_2382, %dma_start3A_2383] : memref<2x8x128xi32, #tpu.memory_space<vmem>> -> memref<1x8x128xi32, #tpu.memory_space<vmem>>
    %dma_start3A_2385 = tpu.memref_squeeze %dma_start3A_2384 : memref<1x8x128xi32, #tpu.memory_space<vmem>> -> memref<8x128xi32, #tpu.memory_space<vmem>>
    %dma_start3A_2386 = arith.constant 0 : i32
    %dma_start3A_2387 = tpu.memref_slice %arg4[%add3A_2361, %dma_start3A_2386] : memref<1280x128xi32, #tpu.memory_space<hbm>> -> memref<8x128xi32, #tpu.memory_space<hbm>>
    tpu.enqueue_dma source(%dma_start3A_2387 : memref<8x128xi32, #tpu.memory_space<hbm>>) target(%dma_start3A_2385 : memref<8x128xi32, #tpu.memory_space<vmem>>) target_semaphore(%arg14 : memref<!tpu.dma_semaphore, #tpu.memory_space<semaphore_mem>>)
    %scan3A_2388 = arith.constant 0 : i32
    %scan3A_2389 = arith.constant 0 : i32
    %scan3A_2390 = arith.constant 64 : i32
    %scan3A_2391 = arith.addi %scan3A_2389, %scan3A_2390 : i32
    %scan3A_2392 = arith.constant 1 : i32
    scf.for %scan3A_2607 = %scan3A_2389 to %scan3A_2391 step %scan3A_2392  : i32 {
      %jit3A = arith.constant 8 : i32
      %div3A = arith.divsi %scan3A_2607, %jit3A : i32
      %sign3A = arith.constant 0 : i32
      %sign3A_2608 = arith.cmpi sgt, %scan3A_2607, %sign3A : i32
      %sign3A_2609 = arith.extui %sign3A_2608 : i1 to i32
      %sign3A_2610 = arith.constant 0 : i32
      %sign3A_2611 = arith.cmpi slt, %scan3A_2607, %sign3A_2610 : i32
      %sign3A_2612 = arith.extui %sign3A_2611 : i1 to i32
      %sign3A_2613 = arith.subi %sign3A_2609, %sign3A_2612 : i32
      %sign3A_2614 = arith.constant 0 : i32
      %sign3A_2615 = arith.cmpi sgt, %jit3A, %sign3A_2614 : i32
      %sign3A_2616 = arith.extui %sign3A_2615 : i1 to i32
      %sign3A_2617 = arith.constant 0 : i32
      %sign3A_2618 = arith.cmpi slt, %jit3A, %sign3A_2617 : i32
      %sign3A_2619 = arith.extui %sign3A_2618 : i1 to i32
      %sign3A_2620 = arith.subi %sign3A_2616, %sign3A_2619 : i32
      %ne3A = arith.cmpi ne, %sign3A_2613, %sign3A_2620 : i32
      %rem3A = arith.remsi %scan3A_2607, %jit3A : i32
      %ne3A_2621 = arith.constant 0 : i32
      %ne3A_2622 = arith.cmpi ne, %rem3A, %ne3A_2621 : i32
      %and3A = arith.andi %ne3A, %ne3A_2622 : i1
      %sub3A = arith.constant 1 : i32
      %sub3A_2623 = arith.subi %div3A, %sub3A : i32
      %select_n3A = arith.select %and3A, %sub3A_2623, %div3A : i32
      %jit3A_2624 = arith.constant 8 : i32
      %eq3A_2625 = arith.constant 0 : i32
      %eq3A_2626 = arith.cmpi eq, %jit3A_2624, %eq3A_2625 : i32
      %jit3A_2627 = arith.constant 1 : i32
      %select_n3A_2628 = arith.select %eq3A_2626, %jit3A_2627, %jit3A_2624 : i32
      %rem3A_2629 = arith.remsi %scan3A_2607, %select_n3A_2628 : i32
      %ne3A_2630 = arith.constant 0 : i32
      %ne3A_2631 = arith.cmpi ne, %rem3A_2629, %ne3A_2630 : i32
      %lt3A = arith.constant 0 : i32
      %lt3A_2632 = arith.cmpi slt, %rem3A_2629, %lt3A : i32
      %lt3A_2633 = arith.constant 0 : i32
      %lt3A_2634 = arith.cmpi slt, %select_n3A_2628, %lt3A_2633 : i32
      %ne3A_2635 = arith.xori %lt3A_2632, %lt3A_2634 : i1
      %and3A_2636 = arith.andi %ne3A_2635, %ne3A_2631 : i1
      %add3A_2637 = arith.addi %rem3A_2629, %select_n3A_2628 : i32
      %select_n3A_2638 = arith.select %and3A_2636, %add3A_2637, %rem3A_2629 : i32
      %mul3A_2639 = arith.constant 16 : i32
      %mul3A_2640 = arith.muli %select_n3A_2638, %mul3A_2639 : i32
      %get3A = arith.constant 1 : i32
      %get3A_2641 = arith.index_cast %get3A : i32 to index
      %get3A_2642 = arith.index_cast %select_n3A : i32 to index
      %get3A_2643 = arith.index_cast %mul3A_2640 : i32 to index
      %get3A_2644 = tpu.vector_load %arg7[%get3A_2641, %get3A_2642, %get3A_2643] {strides = array<i32>} : memref<2x8x128xi32, #tpu.memory_space<vmem>>, vector<1x1x16xi32>,
      %get3A_2645 = vector.shape_cast %get3A_2644 : vector<1x1x16xi32> to vector<16xi32>
      %mul3A_2646 = arith.constant 2 : i32
      %mul3A_2647 = vector.broadcast %mul3A_2646 : i32 to vector<16xi32>
      %mul3A_2648 = arith.muli %get3A_2645, %mul3A_2647 : vector<16xi32>
      %add3A_2649 = vector.broadcast %arg0 : i32 to vector<16xi32>
      %add3A_2650 = arith.addi %mul3A_2648, %add3A_2649 : vector<16xi32>
      %swap3A_2651 = arith.constant 1 : i32
      %swap3A_2652 = arith.index_cast %swap3A_2651 : i32 to index
      %swap3A_2653 = arith.index_cast %select_n3A : i32 to index
      %swap3A_2654 = arith.index_cast %mul3A_2640 : i32 to index
      %swap3A_2655 = tpu.vector_load %arg7[%swap3A_2652, %swap3A_2653, %swap3A_2654] {strides = array<i32>} : memref<2x8x128xi32, #tpu.memory_space<vmem>>, vector<1x1x16xi32>,
      %swap3A_2656 = vector.shape_cast %swap3A_2655 : vector<1x1x16xi32> to vector<16xi32>
      %swap3A_2657 = vector.shape_cast %add3A_2650 : vector<16xi32> to vector<1x1x16xi32>
      tpu.vector_store %arg7[%swap3A_2652, %swap3A_2653, %swap3A_2654], %swap3A_2657 {strides = array<i32>} : memref<2x8x128xi32, #tpu.memory_space<vmem>>, vector<1x1x16xi32>,
    }
    %scan3A_2393 = arith.constant 64 : i32
    %eq3A_2394 = arith.constant 1 : i32
    %eq3A_2395 = arith.cmpi eq, %arg0, %eq3A_2394 : i32
    %dma_start3A_2396 = arith.constant 1 : i32
    %dma_start3A_2397 = arith.constant 0 : i32
    %dma_start3A_2398 = arith.constant 0 : i32
    %dma_start3A_2399 = arith.constant 0 : i32
    %dma_start3A_2400 = arith.constant 0 : i32
    %dma_start3A_2401 = tpu.memref_slice %arg9[%dma_start3A_2398, %dma_start3A_2399, %dma_start3A_2400] : memref<2x128x128xf32, #tpu.memory_space<vmem>> -> memref<1x128x128xf32, #tpu.memory_space<vmem>>
    %dma_start3A_2402 = tpu.memref_squeeze %dma_start3A_2401 : memref<1x128x128xf32, #tpu.memory_space<vmem>> -> memref<128x128xf32, #tpu.memory_space<vmem>>
    %dma_start3A_2403 = arith.constant 0 : i32
    %dma_start3A_2404 = tpu.memref_slice %arg7[%dma_start3A_2396, %dma_start3A_2397, %dma_start3A_2403] : memref<2x8x128xi32, #tpu.memory_space<vmem>> -> memref<1x1x128xi32, #tpu.memory_space<vmem>>
    %dma_start3A_2405 = tpu.memref_squeeze %dma_start3A_2404 : memref<1x1x128xi32, #tpu.memory_space<vmem>> -> memref<128xi32, #tpu.memory_space<vmem>>
    %dma_start3A_2406 = arith.constant 0 : i32
    %dma_start3A_2407 = arith.constant 0 : i32
    %dma_start3A_2408 = tpu.memref_slice %arg2[%dma_start3A_2406, %dma_start3A_2407] : memref<20000x128xf32, #tpu.memory_space<hbm>> -> memref<20000x128xf32, #tpu.memory_space<hbm>>
    tpu.enqueue_indirect_dma source(%dma_start3A_2408 : memref<20000x128xf32, #tpu.memory_space<hbm>>) target(%dma_start3A_2402 : memref<128x128xf32, #tpu.memory_space<vmem>>) offsets(%dma_start3A_2405 : memref<128xi32, #tpu.memory_space<vmem>>) semaphore(%arg13 : memref<!tpu.dma_semaphore, #tpu.memory_space<semaphore_mem>>)
    %scan3A_2409 = arith.constant 0 : i32
    %scan3A_2410 = arith.constant 0 : i32
    %scan3A_2411 = arith.constant 8 : i32
    %scan3A_2412 = arith.addi %scan3A_2410, %scan3A_2411 : i32
    %scan3A_2413 = arith.constant 1 : i32
    scf.for %scan3A_2607 = %scan3A_2410 to %scan3A_2412 step %scan3A_2413  : i32 {
      %jit3A = arith.constant 2 : i32
      %eq3A_2608 = arith.constant 0 : i32
      %eq3A_2609 = arith.cmpi eq, %jit3A, %eq3A_2608 : i32
      %jit3A_2610 = arith.constant 1 : i32
      %select_n3A = arith.select %eq3A_2609, %jit3A_2610, %jit3A : i32
      %rem3A = arith.remsi %scan3A_2607, %select_n3A : i32
      %ne3A = arith.constant 0 : i32
      %ne3A_2611 = arith.cmpi ne, %rem3A, %ne3A : i32
      %lt3A = arith.constant 0 : i32
      %lt3A_2612 = arith.cmpi slt, %rem3A, %lt3A : i32
      %lt3A_2613 = arith.constant 0 : i32
      %lt3A_2614 = arith.cmpi slt, %select_n3A, %lt3A_2613 : i32
      %ne3A_2615 = arith.xori %lt3A_2612, %lt3A_2614 : i1
      %and3A = arith.andi %ne3A_2615, %ne3A_2611 : i1
      %add3A_2616 = arith.addi %rem3A, %select_n3A : i32
      %select_n3A_2617 = arith.select %and3A, %add3A_2616, %rem3A : i32
      %dma_wait3A_2618 = arith.constant 1 : i32
      %dma_wait3A_2619 = arith.constant 0 : i32
      %dma_wait3A_2620 = arith.constant 0 : i32
      %dma_wait3A_2621 = tpu.memref_slice %arg9[%select_n3A_2617, %dma_wait3A_2619, %dma_wait3A_2620] : memref<2x128x128xf32, #tpu.memory_space<vmem>> -> memref<1x128x128xf32, #tpu.memory_space<vmem>>
      %dma_wait3A_2622 = tpu.memref_squeeze %dma_wait3A_2621 : memref<1x128x128xf32, #tpu.memory_space<vmem>> -> memref<128x128xf32, #tpu.memory_space<vmem>>
      %dma_wait3A_2623 = arith.constant 0 : i32
      %dma_wait3A_2624 = tpu.memref_slice %arg7[%dma_wait3A_2618, %scan3A_2607, %dma_wait3A_2623] : memref<2x8x128xi32, #tpu.memory_space<vmem>> -> memref<1x1x128xi32, #tpu.memory_space<vmem>>
      %dma_wait3A_2625 = tpu.memref_squeeze %dma_wait3A_2624 : memref<1x1x128xi32, #tpu.memory_space<vmem>> -> memref<128xi32, #tpu.memory_space<vmem>>
      %dma_wait3A_2626 = arith.constant 0 : i32
      %dma_wait3A_2627 = arith.constant 0 : i32
      %dma_wait3A_2628 = tpu.memref_slice %arg2[%dma_wait3A_2626, %dma_wait3A_2627] : memref<20000x128xf32, #tpu.memory_space<hbm>> -> memref<20000x128xf32, #tpu.memory_space<hbm>>
      tpu.wait_indirect_dma semaphore(%arg13 : memref<!tpu.dma_semaphore, #tpu.memory_space<semaphore_mem>>) src(%dma_wait3A_2628 : memref<20000x128xf32, #tpu.memory_space<hbm>>) dst(%dma_wait3A_2622 : memref<128x128xf32, #tpu.memory_space<vmem>>)
      %dma_start3A_2629 = arith.constant 1 : i32
      %dma_start3A_2630 = arith.constant 0 : i32
      %dma_start3A_2631 = arith.constant 0 : i32
      %dma_start3A_2632 = tpu.memref_slice %arg9[%select_n3A_2617, %dma_start3A_2630, %dma_start3A_2631] : memref<2x128x128xf32, #tpu.memory_space<vmem>> -> memref<1x128x128xf32, #tpu.memory_space<vmem>>
      %dma_start3A_2633 = tpu.memref_squeeze %dma_start3A_2632 : memref<1x128x128xf32, #tpu.memory_space<vmem>> -> memref<128x128xf32, #tpu.memory_space<vmem>>
      %dma_start3A_2634 = arith.constant 0 : i32
      %dma_start3A_2635 = tpu.memref_slice %arg8[%dma_start3A_2629, %scan3A_2607, %dma_start3A_2634] : memref<2x8x128xi32, #tpu.memory_space<vmem>> -> memref<1x1x128xi32, #tpu.memory_space<vmem>>
      %dma_start3A_2636 = tpu.memref_squeeze %dma_start3A_2635 : memref<1x1x128xi32, #tpu.memory_space<vmem>> -> memref<128xi32, #tpu.memory_space<vmem>>
      %dma_start3A_2637 = arith.constant 0 : i32
      %dma_start3A_2638 = arith.constant 0 : i32
      %dma_start3A_2639 = tpu.memref_slice %arg18[%dma_start3A_2637, %dma_start3A_2638] : memref<10240x128xf32, #tpu.memory_space<vmem_shared>> -> memref<10240x128xf32, #tpu.memory_space<vmem_shared>>
      tpu.enqueue_indirect_dma source(%dma_start3A_2633 : memref<128x128xf32, #tpu.memory_space<vmem>>) target(%dma_start3A_2639 : memref<10240x128xf32, #tpu.memory_space<vmem_shared>>) offsets(%dma_start3A_2636 : memref<128xi32, #tpu.memory_space<vmem>>) semaphore(%arg15 : memref<!tpu.dma_semaphore, #tpu.memory_space<semaphore_mem>>) {add = true}
      %ge3A = arith.constant 1 : i32
      %ge3A_2640 = arith.cmpi sge, %scan3A_2607, %ge3A : i32
      %convert_element_type3A = arith.extui %ge3A_2640 : i1 to i32
      %cond3A = arith.constant 0 : i32
      %cond3A_2641 = arith.cmpi ne, %convert_element_type3A, %cond3A : i32
      scf.if %cond3A_2641 {
        %sub3A = arith.constant 1 : i32
        %sub3A_2652 = arith.subi %sub3A, %select_n3A_2617 : i32
        %sub3A_2653 = arith.constant 1 : i32
        %sub3A_2654 = arith.subi %scan3A_2607, %sub3A_2653 : i32
        %dma_wait3A_2655 = arith.constant 1 : i32
        %dma_wait3A_2656 = arith.constant 0 : i32
        %dma_wait3A_2657 = arith.constant 0 : i32
        %dma_wait3A_2658 = tpu.memref_slice %arg9[%sub3A_2652, %dma_wait3A_2656, %dma_wait3A_2657] : memref<2x128x128xf32, #tpu.memory_space<vmem>> -> memref<1x128x128xf32, #tpu.memory_space<vmem>>
        %dma_wait3A_2659 = tpu.memref_squeeze %dma_wait3A_2658 : memref<1x128x128xf32, #tpu.memory_space<vmem>> -> memref<128x128xf32, #tpu.memory_space<vmem>>
        %dma_wait3A_2660 = arith.constant 0 : i32
        %dma_wait3A_2661 = tpu.memref_slice %arg8[%dma_wait3A_2655, %sub3A_2654, %dma_wait3A_2660] : memref<2x8x128xi32, #tpu.memory_space<vmem>> -> memref<1x1x128xi32, #tpu.memory_space<vmem>>
        %dma_wait3A_2662 = tpu.memref_squeeze %dma_wait3A_2661 : memref<1x1x128xi32, #tpu.memory_space<vmem>> -> memref<128xi32, #tpu.memory_space<vmem>>
        %dma_wait3A_2663 = arith.constant 0 : i32
        %dma_wait3A_2664 = arith.constant 0 : i32
        %dma_wait3A_2665 = tpu.memref_slice %arg18[%dma_wait3A_2663, %dma_wait3A_2664] : memref<10240x128xf32, #tpu.memory_space<vmem_shared>> -> memref<10240x128xf32, #tpu.memory_space<vmem_shared>>
        tpu.wait_indirect_dma semaphore(%arg15 : memref<!tpu.dma_semaphore, #tpu.memory_space<semaphore_mem>>) src(%dma_wait3A_2659 : memref<128x128xf32, #tpu.memory_space<vmem>>) dst(%dma_wait3A_2665 : memref<10240x128xf32, #tpu.memory_space<vmem_shared>>)
      } else {
      }
      %add3A_2642 = arith.constant 1 : i32
      %add3A_2643 = arith.addi %scan3A_2607, %add3A_2642 : i32
      %lt3A_2644 = arith.constant 8 : i32
      %lt3A_2645 = arith.cmpi slt, %add3A_2643, %lt3A_2644 : i32
      %convert_element_type3A_2646 = arith.extui %lt3A_2645 : i1 to i32
      %cond3A_2647 = arith.constant 0 : i32
      %cond3A_2648 = arith.cmpi ne, %convert_element_type3A_2646, %cond3A_2647 : i32
      scf.if %cond3A_2648 {
        %add3A_2652 = arith.constant 1 : i32
        %add3A_2653 = arith.addi %scan3A_2607, %add3A_2652 : i32
        %sub3A = arith.constant 1 : i32
        %sub3A_2654 = arith.subi %sub3A, %select_n3A_2617 : i32
        %dma_start3A_2655 = arith.constant 1 : i32
        %dma_start3A_2656 = arith.constant 0 : i32
        %dma_start3A_2657 = arith.constant 0 : i32
        %dma_start3A_2658 = tpu.memref_slice %arg9[%sub3A_2654, %dma_start3A_2656, %dma_start3A_2657] : memref<2x128x128xf32, #tpu.memory_space<vmem>> -> memref<1x128x128xf32, #tpu.memory_space<vmem>>
        %dma_start3A_2659 = tpu.memref_squeeze %dma_start3A_2658 : memref<1x128x128xf32, #tpu.memory_space<vmem>> -> memref<128x128xf32, #tpu.memory_space<vmem>>
        %dma_start3A_2660 = arith.constant 0 : i32
        %dma_start3A_2661 = tpu.memref_slice %arg7[%dma_start3A_2655, %add3A_2653, %dma_start3A_2660] : memref<2x8x128xi32, #tpu.memory_space<vmem>> -> memref<1x1x128xi32, #tpu.memory_space<vmem>>
        %dma_start3A_2662 = tpu.memref_squeeze %dma_start3A_2661 : memref<1x1x128xi32, #tpu.memory_space<vmem>> -> memref<128xi32, #tpu.memory_space<vmem>>
        %dma_start3A_2663 = arith.constant 0 : i32
        %dma_start3A_2664 = arith.constant 0 : i32
        %dma_start3A_2665 = tpu.memref_slice %arg2[%dma_start3A_2663, %dma_start3A_2664] : memref<20000x128xf32, #tpu.memory_space<hbm>> -> memref<20000x128xf32, #tpu.memory_space<hbm>>
        tpu.enqueue_indirect_dma source(%dma_start3A_2665 : memref<20000x128xf32, #tpu.memory_space<hbm>>) target(%dma_start3A_2659 : memref<128x128xf32, #tpu.memory_space<vmem>>) offsets(%dma_start3A_2662 : memref<128xi32, #tpu.memory_space<vmem>>) semaphore(%arg13 : memref<!tpu.dma_semaphore, #tpu.memory_space<semaphore_mem>>)
      } else {
      }
      %convert_element_type3A_2649 = arith.extui %eq3A_2395 : i1 to i32
      %cond3A_2650 = arith.constant 0 : i32
      %cond3A_2651 = arith.cmpi ne, %convert_element_type3A_2649, %cond3A_2650 : i32
      scf.if %cond3A_2651 {
        %run_scoped3A = arith.constant 1 : i32
        "tpu.region"() ({
          %run_scoped3A_2652 = tpu.sem_alloc : memref<!tpu.dma_semaphore, #tpu.memory_space<semaphore_mem>>
          %dma_start3A_2653 = arith.constant 0 : i32
          %dma_start3A_2654 = tpu.memref_slice %arg8[%run_scoped3A, %scan3A_2607, %dma_start3A_2653] : memref<2x8x128xi32, #tpu.memory_space<vmem>> -> memref<1x1x128xi32, #tpu.memory_space<vmem>>
          %dma_start3A_2655 = tpu.memref_squeeze %dma_start3A_2654 : memref<1x1x128xi32, #tpu.memory_space<vmem>> -> memref<128xi32, #tpu.memory_space<vmem>>
          %dma_start3A_2656 = arith.constant 0 : i32
          %dma_start3A_2657 = tpu.memref_slice %arg19[%dma_start3A_2656] : memref<10240xf32, #tpu.memory_space<vmem_shared>> -> memref<10240xf32, #tpu.memory_space<vmem_shared>>
          tpu.enqueue_indirect_dma source(%arg10 : memref<128xf32, #tpu.memory_space<vmem>>) target(%dma_start3A_2657 : memref<10240xf32, #tpu.memory_space<vmem_shared>>) offsets(%dma_start3A_2655 : memref<128xi32, #tpu.memory_space<vmem>>) semaphore(%run_scoped3A_2652 : memref<!tpu.dma_semaphore, #tpu.memory_space<semaphore_mem>>) {add = true}
          %dma_wait3A_2658 = arith.constant 0 : i32
          %dma_wait3A_2659 = tpu.memref_slice %arg8[%run_scoped3A, %scan3A_2607, %dma_wait3A_2658] : memref<2x8x128xi32, #tpu.memory_space<vmem>> -> memref<1x1x128xi32, #tpu.memory_space<vmem>>
          %dma_wait3A_2660 = tpu.memref_squeeze %dma_wait3A_2659 : memref<1x1x128xi32, #tpu.memory_space<vmem>> -> memref<128xi32, #tpu.memory_space<vmem>>
          %dma_wait3A_2661 = arith.constant 0 : i32
          %dma_wait3A_2662 = tpu.memref_slice %arg19[%dma_wait3A_2661] : memref<10240xf32, #tpu.memory_space<vmem_shared>> -> memref<10240xf32, #tpu.memory_space<vmem_shared>>
          tpu.wait_indirect_dma semaphore(%run_scoped3A_2652 : memref<!tpu.dma_semaphore, #tpu.memory_space<semaphore_mem>>) src(%arg10 : memref<128xf32, #tpu.memory_space<vmem>>) dst(%dma_wait3A_2662 : memref<10240xf32, #tpu.memory_space<vmem_shared>>)
          tpu.yield
        }) : () -> ()
      } else {
      }
    }
    %scan3A_2414 = arith.constant 8 : i32
    %dma_wait3A_2415 = arith.constant 1 : i32
    %dma_wait3A_2416 = arith.constant 1 : i32
    %dma_wait3A_2417 = arith.constant 7 : i32
    %dma_wait3A_2418 = arith.constant 0 : i32
    %dma_wait3A_2419 = arith.constant 0 : i32
    %dma_wait3A_2420 = tpu.memref_slice %arg9[%dma_wait3A_2415, %dma_wait3A_2418, %dma_wait3A_2419] : memref<2x128x128xf32, #tpu.memory_space<vmem>> -> memref<1x128x128xf32, #tpu.memory_space<vmem>>
    %dma_wait3A_2421 = tpu.memref_squeeze %dma_wait3A_2420 : memref<1x128x128xf32, #tpu.memory_space<vmem>> -> memref<128x128xf32, #tpu.memory_space<vmem>>
    %dma_wait3A_2422 = arith.constant 0 : i32
    %dma_wait3A_2423 = tpu.memref_slice %arg8[%dma_wait3A_2416, %dma_wait3A_2417, %dma_wait3A_2422] : memref<2x8x128xi32, #tpu.memory_space<vmem>> -> memref<1x1x128xi32, #tpu.memory_space<vmem>>
    %dma_wait3A_2424 = tpu.memref_squeeze %dma_wait3A_2423 : memref<1x1x128xi32, #tpu.memory_space<vmem>> -> memref<128xi32, #tpu.memory_space<vmem>>
    %dma_wait3A_2425 = arith.constant 0 : i32
    %dma_wait3A_2426 = arith.constant 0 : i32
    %dma_wait3A_2427 = tpu.memref_slice %arg18[%dma_wait3A_2425, %dma_wait3A_2426] : memref<10240x128xf32, #tpu.memory_space<vmem_shared>> -> memref<10240x128xf32, #tpu.memory_space<vmem_shared>>
    tpu.wait_indirect_dma semaphore(%arg15 : memref<!tpu.dma_semaphore, #tpu.memory_space<semaphore_mem>>) src(%dma_wait3A_2421 : memref<128x128xf32, #tpu.memory_space<vmem>>) dst(%dma_wait3A_2427 : memref<10240x128xf32, #tpu.memory_space<vmem_shared>>)
    %mul3A_2428 = arith.constant 80 : i32
    %mul3A_2429 = arith.muli %arg1, %mul3A_2428 : i32
    %add3A_2430 = arith.constant 64 : i32
    %add3A_2431 = arith.addi %mul3A_2429, %add3A_2430 : i32
    %dma_wait3A_2432 = arith.constant 0 : i32
    %dma_wait3A_2433 = arith.constant 0 : i32
    %dma_wait3A_2434 = arith.constant 0 : i32
    %dma_wait3A_2435 = tpu.memref_slice %arg7[%dma_wait3A_2432, %dma_wait3A_2433, %dma_wait3A_2434] : memref<2x8x128xi32, #tpu.memory_space<vmem>> -> memref<1x8x128xi32, #tpu.memory_space<vmem>>
    %dma_wait3A_2436 = tpu.memref_squeeze %dma_wait3A_2435 : memref<1x8x128xi32, #tpu.memory_space<vmem>> -> memref<8x128xi32, #tpu.memory_space<vmem>>
    %dma_wait3A_2437 = arith.constant 0 : i32
    %dma_wait3A_2438 = tpu.memref_slice %arg3[%add3A_2431, %dma_wait3A_2437] : memref<1280x128xi32, #tpu.memory_space<hbm>> -> memref<8x128xi32, #tpu.memory_space<hbm>>
    %dma_wait3A_2439 = arith.constant 0 : i32
    %dma_wait3A_2440 = arith.constant 0 : i32
    %dma_wait3A_2441 = tpu.memref_slice %arg7[%dma_wait3A_2432, %dma_wait3A_2439, %dma_wait3A_2440] : memref<2x8x128xi32, #tpu.memory_space<vmem>> -> memref<1x8x128xi32, #tpu.memory_space<vmem>>
    %dma_wait3A_2442 = tpu.memref_squeeze %dma_wait3A_2441 : memref<1x8x128xi32, #tpu.memory_space<vmem>> -> memref<8x128xi32, #tpu.memory_space<vmem>>
    %dma_wait3A_2443 = arith.constant 0 : i32
    %dma_wait3A_2444 = tpu.memref_slice %arg3[%add3A_2431, %dma_wait3A_2443] : memref<1280x128xi32, #tpu.memory_space<hbm>> -> memref<8x128xi32, #tpu.memory_space<hbm>>
    tpu.wait_dma2 semaphore(%arg14 : memref<!tpu.dma_semaphore, #tpu.memory_space<semaphore_mem>>) src(%dma_wait3A_2444 : memref<8x128xi32, #tpu.memory_space<hbm>>) dst(%dma_wait3A_2442 : memref<8x128xi32, #tpu.memory_space<vmem>>)
    %dma_wait3A_2445 = arith.constant 0 : i32
    %dma_wait3A_2446 = arith.constant 0 : i32
    %dma_wait3A_2447 = arith.constant 0 : i32
    %dma_wait3A_2448 = tpu.memref_slice %arg8[%dma_wait3A_2445, %dma_wait3A_2446, %dma_wait3A_2447] : memref<2x8x128xi32, #tpu.memory_space<vmem>> -> memref<1x8x128xi32, #tpu.memory_space<vmem>>
    %dma_wait3A_2449 = tpu.memref_squeeze %dma_wait3A_2448 : memref<1x8x128xi32, #tpu.memory_space<vmem>> -> memref<8x128xi32, #tpu.memory_space<vmem>>
    %dma_wait3A_2450 = arith.constant 0 : i32
    %dma_wait3A_2451 = tpu.memref_slice %arg4[%add3A_2431, %dma_wait3A_2450] : memref<1280x128xi32, #tpu.memory_space<hbm>> -> memref<8x128xi32, #tpu.memory_space<hbm>>
    %dma_wait3A_2452 = arith.constant 0 : i32
    %dma_wait3A_2453 = arith.constant 0 : i32
    %dma_wait3A_2454 = tpu.memref_slice %arg8[%dma_wait3A_2445, %dma_wait3A_2452, %dma_wait3A_2453] : memref<2x8x128xi32, #tpu.memory_space<vmem>> -> memref<1x8x128xi32, #tpu.memory_space<vmem>>
    %dma_wait3A_2455 = tpu.memref_squeeze %dma_wait3A_2454 : memref<1x8x128xi32, #tpu.memory_space<vmem>> -> memref<8x128xi32, #tpu.memory_space<vmem>>
    %dma_wait3A_2456 = arith.constant 0 : i32
    %dma_wait3A_2457 = tpu.memref_slice %arg4[%add3A_2431, %dma_wait3A_2456] : memref<1280x128xi32, #tpu.memory_space<hbm>> -> memref<8x128xi32, #tpu.memory_space<hbm>>
    tpu.wait_dma2 semaphore(%arg14 : memref<!tpu.dma_semaphore, #tpu.memory_space<semaphore_mem>>) src(%dma_wait3A_2457 : memref<8x128xi32, #tpu.memory_space<hbm>>) dst(%dma_wait3A_2455 : memref<8x128xi32, #tpu.memory_space<vmem>>)
    %mul3A_2458 = arith.constant 80 : i32
    %mul3A_2459 = arith.muli %arg1, %mul3A_2458 : i32
    %add3A_2460 = arith.constant 72 : i32
    %add3A_2461 = arith.addi %mul3A_2459, %add3A_2460 : i32
    %dma_start3A_2462 = arith.constant 1 : i32
    %dma_start3A_2463 = arith.constant 0 : i32
    %dma_start3A_2464 = arith.constant 0 : i32
    %dma_start3A_2465 = tpu.memref_slice %arg7[%dma_start3A_2462, %dma_start3A_2463, %dma_start3A_2464] : memref<2x8x128xi32, #tpu.memory_space<vmem>> -> memref<1x8x128xi32, #tpu.memory_space<vmem>>
    %dma_start3A_2466 = tpu.memref_squeeze %dma_start3A_2465 : memref<1x8x128xi32, #tpu.memory_space<vmem>> -> memref<8x128xi32, #tpu.memory_space<vmem>>
    %dma_start3A_2467 = arith.constant 0 : i32
    %dma_start3A_2468 = tpu.memref_slice %arg3[%add3A_2461, %dma_start3A_2467] : memref<1280x128xi32, #tpu.memory_space<hbm>> -> memref<8x128xi32, #tpu.memory_space<hbm>>
    %dma_start3A_2469 = arith.constant 0 : i32
    %dma_start3A_2470 = arith.constant 0 : i32
    %dma_start3A_2471 = tpu.memref_slice %arg7[%dma_start3A_2462, %dma_start3A_2469, %dma_start3A_2470] : memref<2x8x128xi32, #tpu.memory_space<vmem>> -> memref<1x8x128xi32, #tpu.memory_space<vmem>>
    %dma_start3A_2472 = tpu.memref_squeeze %dma_start3A_2471 : memref<1x8x128xi32, #tpu.memory_space<vmem>> -> memref<8x128xi32, #tpu.memory_space<vmem>>
    %dma_start3A_2473 = arith.constant 0 : i32
    %dma_start3A_2474 = tpu.memref_slice %arg3[%add3A_2461, %dma_start3A_2473] : memref<1280x128xi32, #tpu.memory_space<hbm>> -> memref<8x128xi32, #tpu.memory_space<hbm>>
    tpu.enqueue_dma source(%dma_start3A_2474 : memref<8x128xi32, #tpu.memory_space<hbm>>) target(%dma_start3A_2472 : memref<8x128xi32, #tpu.memory_space<vmem>>) target_semaphore(%arg14 : memref<!tpu.dma_semaphore, #tpu.memory_space<semaphore_mem>>)
    %dma_start3A_2475 = arith.constant 1 : i32
    %dma_start3A_2476 = arith.constant 0 : i32
    %dma_start3A_2477 = arith.constant 0 : i32
    %dma_start3A_2478 = tpu.memref_slice %arg8[%dma_start3A_2475, %dma_start3A_2476, %dma_start3A_2477] : memref<2x8x128xi32, #tpu.memory_space<vmem>> -> memref<1x8x128xi32, #tpu.memory_space<vmem>>
    %dma_start3A_2479 = tpu.memref_squeeze %dma_start3A_2478 : memref<1x8x128xi32, #tpu.memory_space<vmem>> -> memref<8x128xi32, #tpu.memory_space<vmem>>
    %dma_start3A_2480 = arith.constant 0 : i32
    %dma_start3A_2481 = tpu.memref_slice %arg4[%add3A_2461, %dma_start3A_2480] : memref<1280x128xi32, #tpu.memory_space<hbm>> -> memref<8x128xi32, #tpu.memory_space<hbm>>
    %dma_start3A_2482 = arith.constant 0 : i32
    %dma_start3A_2483 = arith.constant 0 : i32
    %dma_start3A_2484 = tpu.memref_slice %arg8[%dma_start3A_2475, %dma_start3A_2482, %dma_start3A_2483] : memref<2x8x128xi32, #tpu.memory_space<vmem>> -> memref<1x8x128xi32, #tpu.memory_space<vmem>>
    %dma_start3A_2485 = tpu.memref_squeeze %dma_start3A_2484 : memref<1x8x128xi32, #tpu.memory_space<vmem>> -> memref<8x128xi32, #tpu.memory_space<vmem>>
    %dma_start3A_2486 = arith.constant 0 : i32
    %dma_start3A_2487 = tpu.memref_slice %arg4[%add3A_2461, %dma_start3A_2486] : memref<1280x128xi32, #tpu.memory_space<hbm>> -> memref<8x128xi32, #tpu.memory_space<hbm>>
    tpu.enqueue_dma source(%dma_start3A_2487 : memref<8x128xi32, #tpu.memory_space<hbm>>) target(%dma_start3A_2485 : memref<8x128xi32, #tpu.memory_space<vmem>>) target_semaphore(%arg14 : memref<!tpu.dma_semaphore, #tpu.memory_space<semaphore_mem>>)
    %scan3A_2488 = arith.constant 0 : i32
    %scan3A_2489 = arith.constant 0 : i32
    %scan3A_2490 = arith.constant 64 : i32
    %scan3A_2491 = arith.addi %scan3A_2489, %scan3A_2490 : i32
    %scan3A_2492 = arith.constant 1 : i32
    scf.for %scan3A_2607 = %scan3A_2489 to %scan3A_2491 step %scan3A_2492  : i32 {
      %jit3A = arith.constant 8 : i32
      %div3A = arith.divsi %scan3A_2607, %jit3A : i32
      %sign3A = arith.constant 0 : i32
      %sign3A_2608 = arith.cmpi sgt, %scan3A_2607, %sign3A : i32
      %sign3A_2609 = arith.extui %sign3A_2608 : i1 to i32
      %sign3A_2610 = arith.constant 0 : i32
      %sign3A_2611 = arith.cmpi slt, %scan3A_2607, %sign3A_2610 : i32
      %sign3A_2612 = arith.extui %sign3A_2611 : i1 to i32
      %sign3A_2613 = arith.subi %sign3A_2609, %sign3A_2612 : i32
      %sign3A_2614 = arith.constant 0 : i32
      %sign3A_2615 = arith.cmpi sgt, %jit3A, %sign3A_2614 : i32
      %sign3A_2616 = arith.extui %sign3A_2615 : i1 to i32
      %sign3A_2617 = arith.constant 0 : i32
      %sign3A_2618 = arith.cmpi slt, %jit3A, %sign3A_2617 : i32
      %sign3A_2619 = arith.extui %sign3A_2618 : i1 to i32
      %sign3A_2620 = arith.subi %sign3A_2616, %sign3A_2619 : i32
      %ne3A = arith.cmpi ne, %sign3A_2613, %sign3A_2620 : i32
      %rem3A = arith.remsi %scan3A_2607, %jit3A : i32
      %ne3A_2621 = arith.constant 0 : i32
      %ne3A_2622 = arith.cmpi ne, %rem3A, %ne3A_2621 : i32
      %and3A = arith.andi %ne3A, %ne3A_2622 : i1
      %sub3A = arith.constant 1 : i32
      %sub3A_2623 = arith.subi %div3A, %sub3A : i32
      %select_n3A = arith.select %and3A, %sub3A_2623, %div3A : i32
      %jit3A_2624 = arith.constant 8 : i32
      %eq3A_2625 = arith.constant 0 : i32
      %eq3A_2626 = arith.cmpi eq, %jit3A_2624, %eq3A_2625 : i32
      %jit3A_2627 = arith.constant 1 : i32
      %select_n3A_2628 = arith.select %eq3A_2626, %jit3A_2627, %jit3A_2624 : i32
      %rem3A_2629 = arith.remsi %scan3A_2607, %select_n3A_2628 : i32
      %ne3A_2630 = arith.constant 0 : i32
      %ne3A_2631 = arith.cmpi ne, %rem3A_2629, %ne3A_2630 : i32
      %lt3A = arith.constant 0 : i32
      %lt3A_2632 = arith.cmpi slt, %rem3A_2629, %lt3A : i32
      %lt3A_2633 = arith.constant 0 : i32
      %lt3A_2634 = arith.cmpi slt, %select_n3A_2628, %lt3A_2633 : i32
      %ne3A_2635 = arith.xori %lt3A_2632, %lt3A_2634 : i1
      %and3A_2636 = arith.andi %ne3A_2635, %ne3A_2631 : i1
      %add3A_2637 = arith.addi %rem3A_2629, %select_n3A_2628 : i32
      %select_n3A_2638 = arith.select %and3A_2636, %add3A_2637, %rem3A_2629 : i32
      %mul3A_2639 = arith.constant 16 : i32
      %mul3A_2640 = arith.muli %select_n3A_2638, %mul3A_2639 : i32
      %get3A = arith.constant 0 : i32
      %get3A_2641 = arith.index_cast %get3A : i32 to index
      %get3A_2642 = arith.index_cast %select_n3A : i32 to index
      %get3A_2643 = arith.index_cast %mul3A_2640 : i32 to index
      %get3A_2644 = tpu.vector_load %arg7[%get3A_2641, %get3A_2642, %get3A_2643] {strides = array<i32>} : memref<2x8x128xi32, #tpu.memory_space<vmem>>, vector<1x1x16xi32>,
      %get3A_2645 = vector.shape_cast %get3A_2644 : vector<1x1x16xi32> to vector<16xi32>
      %mul3A_2646 = arith.constant 2 : i32
      %mul3A_2647 = vector.broadcast %mul3A_2646 : i32 to vector<16xi32>
      %mul3A_2648 = arith.muli %get3A_2645, %mul3A_2647 : vector<16xi32>
      %add3A_2649 = vector.broadcast %arg0 : i32 to vector<16xi32>
      %add3A_2650 = arith.addi %mul3A_2648, %add3A_2649 : vector<16xi32>
      %swap3A_2651 = arith.constant 0 : i32
      %swap3A_2652 = arith.index_cast %swap3A_2651 : i32 to index
      %swap3A_2653 = arith.index_cast %select_n3A : i32 to index
      %swap3A_2654 = arith.index_cast %mul3A_2640 : i32 to index
      %swap3A_2655 = tpu.vector_load %arg7[%swap3A_2652, %swap3A_2653, %swap3A_2654] {strides = array<i32>} : memref<2x8x128xi32, #tpu.memory_space<vmem>>, vector<1x1x16xi32>,
      %swap3A_2656 = vector.shape_cast %swap3A_2655 : vector<1x1x16xi32> to vector<16xi32>
      %swap3A_2657 = vector.shape_cast %add3A_2650 : vector<16xi32> to vector<1x1x16xi32>
      tpu.vector_store %arg7[%swap3A_2652, %swap3A_2653, %swap3A_2654], %swap3A_2657 {strides = array<i32>} : memref<2x8x128xi32, #tpu.memory_space<vmem>>, vector<1x1x16xi32>,
    }
    %scan3A_2493 = arith.constant 64 : i32
    %eq3A_2494 = arith.constant 1 : i32
    %eq3A_2495 = arith.cmpi eq, %arg0, %eq3A_2494 : i32
    %dma_start3A_2496 = arith.constant 0 : i32
    %dma_start3A_2497 = arith.constant 0 : i32
    %dma_start3A_2498 = arith.constant 0 : i32
    %dma_start3A_2499 = arith.constant 0 : i32
    %dma_start3A_2500 = arith.constant 0 : i32
    %dma_start3A_2501 = tpu.memref_slice %arg9[%dma_start3A_2498, %dma_start3A_2499, %dma_start3A_2500] : memref<2x128x128xf32, #tpu.memory_space<vmem>> -> memref<1x128x128xf32, #tpu.memory_space<vmem>>
    %dma_start3A_2502 = tpu.memref_squeeze %dma_start3A_2501 : memref<1x128x128xf32, #tpu.memory_space<vmem>> -> memref<128x128xf32, #tpu.memory_space<vmem>>
    %dma_start3A_2503 = arith.constant 0 : i32
    %dma_start3A_2504 = tpu.memref_slice %arg7[%dma_start3A_2496, %dma_start3A_2497, %dma_start3A_2503] : memref<2x8x128xi32, #tpu.memory_space<vmem>> -> memref<1x1x128xi32, #tpu.memory_space<vmem>>
    %dma_start3A_2505 = tpu.memref_squeeze %dma_start3A_2504 : memref<1x1x128xi32, #tpu.memory_space<vmem>> -> memref<128xi32, #tpu.memory_space<vmem>>
    %dma_start3A_2506 = arith.constant 0 : i32
    %dma_start3A_2507 = arith.constant 0 : i32
    %dma_start3A_2508 = tpu.memref_slice %arg2[%dma_start3A_2506, %dma_start3A_2507] : memref<20000x128xf32, #tpu.memory_space<hbm>> -> memref<20000x128xf32, #tpu.memory_space<hbm>>
    tpu.enqueue_indirect_dma source(%dma_start3A_2508 : memref<20000x128xf32, #tpu.memory_space<hbm>>) target(%dma_start3A_2502 : memref<128x128xf32, #tpu.memory_space<vmem>>) offsets(%dma_start3A_2505 : memref<128xi32, #tpu.memory_space<vmem>>) semaphore(%arg13 : memref<!tpu.dma_semaphore, #tpu.memory_space<semaphore_mem>>)
    %scan3A_2509 = arith.constant 0 : i32
    %scan3A_2510 = arith.constant 0 : i32
    %scan3A_2511 = arith.constant 8 : i32
    %scan3A_2512 = arith.addi %scan3A_2510, %scan3A_2511 : i32
    %scan3A_2513 = arith.constant 1 : i32
    scf.for %scan3A_2607 = %scan3A_2510 to %scan3A_2512 step %scan3A_2513  : i32 {
      %jit3A = arith.constant 2 : i32
      %eq3A_2608 = arith.constant 0 : i32
      %eq3A_2609 = arith.cmpi eq, %jit3A, %eq3A_2608 : i32
      %jit3A_2610 = arith.constant 1 : i32
      %select_n3A = arith.select %eq3A_2609, %jit3A_2610, %jit3A : i32
      %rem3A = arith.remsi %scan3A_2607, %select_n3A : i32
      %ne3A = arith.constant 0 : i32
      %ne3A_2611 = arith.cmpi ne, %rem3A, %ne3A : i32
      %lt3A = arith.constant 0 : i32
      %lt3A_2612 = arith.cmpi slt, %rem3A, %lt3A : i32
      %lt3A_2613 = arith.constant 0 : i32
      %lt3A_2614 = arith.cmpi slt, %select_n3A, %lt3A_2613 : i32
      %ne3A_2615 = arith.xori %lt3A_2612, %lt3A_2614 : i1
      %and3A = arith.andi %ne3A_2615, %ne3A_2611 : i1
      %add3A_2616 = arith.addi %rem3A, %select_n3A : i32
      %select_n3A_2617 = arith.select %and3A, %add3A_2616, %rem3A : i32
      %dma_wait3A_2618 = arith.constant 0 : i32
      %dma_wait3A_2619 = arith.constant 0 : i32
      %dma_wait3A_2620 = arith.constant 0 : i32
      %dma_wait3A_2621 = tpu.memref_slice %arg9[%select_n3A_2617, %dma_wait3A_2619, %dma_wait3A_2620] : memref<2x128x128xf32, #tpu.memory_space<vmem>> -> memref<1x128x128xf32, #tpu.memory_space<vmem>>
      %dma_wait3A_2622 = tpu.memref_squeeze %dma_wait3A_2621 : memref<1x128x128xf32, #tpu.memory_space<vmem>> -> memref<128x128xf32, #tpu.memory_space<vmem>>
      %dma_wait3A_2623 = arith.constant 0 : i32
      %dma_wait3A_2624 = tpu.memref_slice %arg7[%dma_wait3A_2618, %scan3A_2607, %dma_wait3A_2623] : memref<2x8x128xi32, #tpu.memory_space<vmem>> -> memref<1x1x128xi32, #tpu.memory_space<vmem>>
      %dma_wait3A_2625 = tpu.memref_squeeze %dma_wait3A_2624 : memref<1x1x128xi32, #tpu.memory_space<vmem>> -> memref<128xi32, #tpu.memory_space<vmem>>
      %dma_wait3A_2626 = arith.constant 0 : i32
      %dma_wait3A_2627 = arith.constant 0 : i32
      %dma_wait3A_2628 = tpu.memref_slice %arg2[%dma_wait3A_2626, %dma_wait3A_2627] : memref<20000x128xf32, #tpu.memory_space<hbm>> -> memref<20000x128xf32, #tpu.memory_space<hbm>>
      tpu.wait_indirect_dma semaphore(%arg13 : memref<!tpu.dma_semaphore, #tpu.memory_space<semaphore_mem>>) src(%dma_wait3A_2628 : memref<20000x128xf32, #tpu.memory_space<hbm>>) dst(%dma_wait3A_2622 : memref<128x128xf32, #tpu.memory_space<vmem>>)
      %dma_start3A_2629 = arith.constant 0 : i32
      %dma_start3A_2630 = arith.constant 0 : i32
      %dma_start3A_2631 = arith.constant 0 : i32
      %dma_start3A_2632 = tpu.memref_slice %arg9[%select_n3A_2617, %dma_start3A_2630, %dma_start3A_2631] : memref<2x128x128xf32, #tpu.memory_space<vmem>> -> memref<1x128x128xf32, #tpu.memory_space<vmem>>
      %dma_start3A_2633 = tpu.memref_squeeze %dma_start3A_2632 : memref<1x128x128xf32, #tpu.memory_space<vmem>> -> memref<128x128xf32, #tpu.memory_space<vmem>>
      %dma_start3A_2634 = arith.constant 0 : i32
      %dma_start3A_2635 = tpu.memref_slice %arg8[%dma_start3A_2629, %scan3A_2607, %dma_start3A_2634] : memref<2x8x128xi32, #tpu.memory_space<vmem>> -> memref<1x1x128xi32, #tpu.memory_space<vmem>>
      %dma_start3A_2636 = tpu.memref_squeeze %dma_start3A_2635 : memref<1x1x128xi32, #tpu.memory_space<vmem>> -> memref<128xi32, #tpu.memory_space<vmem>>
      %dma_start3A_2637 = arith.constant 0 : i32
      %dma_start3A_2638 = arith.constant 0 : i32
      %dma_start3A_2639 = tpu.memref_slice %arg18[%dma_start3A_2637, %dma_start3A_2638] : memref<10240x128xf32, #tpu.memory_space<vmem_shared>> -> memref<10240x128xf32, #tpu.memory_space<vmem_shared>>
      tpu.enqueue_indirect_dma source(%dma_start3A_2633 : memref<128x128xf32, #tpu.memory_space<vmem>>) target(%dma_start3A_2639 : memref<10240x128xf32, #tpu.memory_space<vmem_shared>>) offsets(%dma_start3A_2636 : memref<128xi32, #tpu.memory_space<vmem>>) semaphore(%arg15 : memref<!tpu.dma_semaphore, #tpu.memory_space<semaphore_mem>>) {add = true}
      %ge3A = arith.constant 1 : i32
      %ge3A_2640 = arith.cmpi sge, %scan3A_2607, %ge3A : i32
      %convert_element_type3A = arith.extui %ge3A_2640 : i1 to i32
      %cond3A = arith.constant 0 : i32
      %cond3A_2641 = arith.cmpi ne, %convert_element_type3A, %cond3A : i32
      scf.if %cond3A_2641 {
        %sub3A = arith.constant 1 : i32
        %sub3A_2652 = arith.subi %sub3A, %select_n3A_2617 : i32
        %sub3A_2653 = arith.constant 1 : i32
        %sub3A_2654 = arith.subi %scan3A_2607, %sub3A_2653 : i32
        %dma_wait3A_2655 = arith.constant 0 : i32
        %dma_wait3A_2656 = arith.constant 0 : i32
        %dma_wait3A_2657 = arith.constant 0 : i32
        %dma_wait3A_2658 = tpu.memref_slice %arg9[%sub3A_2652, %dma_wait3A_2656, %dma_wait3A_2657] : memref<2x128x128xf32, #tpu.memory_space<vmem>> -> memref<1x128x128xf32, #tpu.memory_space<vmem>>
        %dma_wait3A_2659 = tpu.memref_squeeze %dma_wait3A_2658 : memref<1x128x128xf32, #tpu.memory_space<vmem>> -> memref<128x128xf32, #tpu.memory_space<vmem>>
        %dma_wait3A_2660 = arith.constant 0 : i32
        %dma_wait3A_2661 = tpu.memref_slice %arg8[%dma_wait3A_2655, %sub3A_2654, %dma_wait3A_2660] : memref<2x8x128xi32, #tpu.memory_space<vmem>> -> memref<1x1x128xi32, #tpu.memory_space<vmem>>
        %dma_wait3A_2662 = tpu.memref_squeeze %dma_wait3A_2661 : memref<1x1x128xi32, #tpu.memory_space<vmem>> -> memref<128xi32, #tpu.memory_space<vmem>>
        %dma_wait3A_2663 = arith.constant 0 : i32
        %dma_wait3A_2664 = arith.constant 0 : i32
        %dma_wait3A_2665 = tpu.memref_slice %arg18[%dma_wait3A_2663, %dma_wait3A_2664] : memref<10240x128xf32, #tpu.memory_space<vmem_shared>> -> memref<10240x128xf32, #tpu.memory_space<vmem_shared>>
        tpu.wait_indirect_dma semaphore(%arg15 : memref<!tpu.dma_semaphore, #tpu.memory_space<semaphore_mem>>) src(%dma_wait3A_2659 : memref<128x128xf32, #tpu.memory_space<vmem>>) dst(%dma_wait3A_2665 : memref<10240x128xf32, #tpu.memory_space<vmem_shared>>)
      } else {
      }
      %add3A_2642 = arith.constant 1 : i32
      %add3A_2643 = arith.addi %scan3A_2607, %add3A_2642 : i32
      %lt3A_2644 = arith.constant 8 : i32
      %lt3A_2645 = arith.cmpi slt, %add3A_2643, %lt3A_2644 : i32
      %convert_element_type3A_2646 = arith.extui %lt3A_2645 : i1 to i32
      %cond3A_2647 = arith.constant 0 : i32
      %cond3A_2648 = arith.cmpi ne, %convert_element_type3A_2646, %cond3A_2647 : i32
      scf.if %cond3A_2648 {
        %add3A_2652 = arith.constant 1 : i32
        %add3A_2653 = arith.addi %scan3A_2607, %add3A_2652 : i32
        %sub3A = arith.constant 1 : i32
        %sub3A_2654 = arith.subi %sub3A, %select_n3A_2617 : i32
        %dma_start3A_2655 = arith.constant 0 : i32
        %dma_start3A_2656 = arith.constant 0 : i32
        %dma_start3A_2657 = arith.constant 0 : i32
        %dma_start3A_2658 = tpu.memref_slice %arg9[%sub3A_2654, %dma_start3A_2656, %dma_start3A_2657] : memref<2x128x128xf32, #tpu.memory_space<vmem>> -> memref<1x128x128xf32, #tpu.memory_space<vmem>>
        %dma_start3A_2659 = tpu.memref_squeeze %dma_start3A_2658 : memref<1x128x128xf32, #tpu.memory_space<vmem>> -> memref<128x128xf32, #tpu.memory_space<vmem>>
        %dma_start3A_2660 = arith.constant 0 : i32
        %dma_start3A_2661 = tpu.memref_slice %arg7[%dma_start3A_2655, %add3A_2653, %dma_start3A_2660] : memref<2x8x128xi32, #tpu.memory_space<vmem>> -> memref<1x1x128xi32, #tpu.memory_space<vmem>>
        %dma_start3A_2662 = tpu.memref_squeeze %dma_start3A_2661 : memref<1x1x128xi32, #tpu.memory_space<vmem>> -> memref<128xi32, #tpu.memory_space<vmem>>
        %dma_start3A_2663 = arith.constant 0 : i32
        %dma_start3A_2664 = arith.constant 0 : i32
        %dma_start3A_2665 = tpu.memref_slice %arg2[%dma_start3A_2663, %dma_start3A_2664] : memref<20000x128xf32, #tpu.memory_space<hbm>> -> memref<20000x128xf32, #tpu.memory_space<hbm>>
        tpu.enqueue_indirect_dma source(%dma_start3A_2665 : memref<20000x128xf32, #tpu.memory_space<hbm>>) target(%dma_start3A_2659 : memref<128x128xf32, #tpu.memory_space<vmem>>) offsets(%dma_start3A_2662 : memref<128xi32, #tpu.memory_space<vmem>>) semaphore(%arg13 : memref<!tpu.dma_semaphore, #tpu.memory_space<semaphore_mem>>)
      } else {
      }
      %convert_element_type3A_2649 = arith.extui %eq3A_2495 : i1 to i32
      %cond3A_2650 = arith.constant 0 : i32
      %cond3A_2651 = arith.cmpi ne, %convert_element_type3A_2649, %cond3A_2650 : i32
      scf.if %cond3A_2651 {
        %run_scoped3A = arith.constant 0 : i32
        "tpu.region"() ({
          %run_scoped3A_2652 = tpu.sem_alloc : memref<!tpu.dma_semaphore, #tpu.memory_space<semaphore_mem>>
          %dma_start3A_2653 = arith.constant 0 : i32
          %dma_start3A_2654 = tpu.memref_slice %arg8[%run_scoped3A, %scan3A_2607, %dma_start3A_2653] : memref<2x8x128xi32, #tpu.memory_space<vmem>> -> memref<1x1x128xi32, #tpu.memory_space<vmem>>
          %dma_start3A_2655 = tpu.memref_squeeze %dma_start3A_2654 : memref<1x1x128xi32, #tpu.memory_space<vmem>> -> memref<128xi32, #tpu.memory_space<vmem>>
          %dma_start3A_2656 = arith.constant 0 : i32
          %dma_start3A_2657 = tpu.memref_slice %arg19[%dma_start3A_2656] : memref<10240xf32, #tpu.memory_space<vmem_shared>> -> memref<10240xf32, #tpu.memory_space<vmem_shared>>
          tpu.enqueue_indirect_dma source(%arg10 : memref<128xf32, #tpu.memory_space<vmem>>) target(%dma_start3A_2657 : memref<10240xf32, #tpu.memory_space<vmem_shared>>) offsets(%dma_start3A_2655 : memref<128xi32, #tpu.memory_space<vmem>>) semaphore(%run_scoped3A_2652 : memref<!tpu.dma_semaphore, #tpu.memory_space<semaphore_mem>>) {add = true}
          %dma_wait3A_2658 = arith.constant 0 : i32
          %dma_wait3A_2659 = tpu.memref_slice %arg8[%run_scoped3A, %scan3A_2607, %dma_wait3A_2658] : memref<2x8x128xi32, #tpu.memory_space<vmem>> -> memref<1x1x128xi32, #tpu.memory_space<vmem>>
          %dma_wait3A_2660 = tpu.memref_squeeze %dma_wait3A_2659 : memref<1x1x128xi32, #tpu.memory_space<vmem>> -> memref<128xi32, #tpu.memory_space<vmem>>
          %dma_wait3A_2661 = arith.constant 0 : i32
          %dma_wait3A_2662 = tpu.memref_slice %arg19[%dma_wait3A_2661] : memref<10240xf32, #tpu.memory_space<vmem_shared>> -> memref<10240xf32, #tpu.memory_space<vmem_shared>>
          tpu.wait_indirect_dma semaphore(%run_scoped3A_2652 : memref<!tpu.dma_semaphore, #tpu.memory_space<semaphore_mem>>) src(%arg10 : memref<128xf32, #tpu.memory_space<vmem>>) dst(%dma_wait3A_2662 : memref<10240xf32, #tpu.memory_space<vmem_shared>>)
          tpu.yield
        }) : () -> ()
      } else {
      }
    }
    %scan3A_2514 = arith.constant 8 : i32
    %dma_wait3A_2515 = arith.constant 1 : i32
    %dma_wait3A_2516 = arith.constant 0 : i32
    %dma_wait3A_2517 = arith.constant 7 : i32
    %dma_wait3A_2518 = arith.constant 0 : i32
    %dma_wait3A_2519 = arith.constant 0 : i32
    %dma_wait3A_2520 = tpu.memref_slice %arg9[%dma_wait3A_2515, %dma_wait3A_2518, %dma_wait3A_2519] : memref<2x128x128xf32, #tpu.memory_space<vmem>> -> memref<1x128x128xf32, #tpu.memory_space<vmem>>
    %dma_wait3A_2521 = tpu.memref_squeeze %dma_wait3A_2520 : memref<1x128x128xf32, #tpu.memory_space<vmem>> -> memref<128x128xf32, #tpu.memory_space<vmem>>
    %dma_wait3A_2522 = arith.constant 0 : i32
    %dma_wait3A_2523 = tpu.memref_slice %arg8[%dma_wait3A_2516, %dma_wait3A_2517, %dma_wait3A_2522] : memref<2x8x128xi32, #tpu.memory_space<vmem>> -> memref<1x1x128xi32, #tpu.memory_space<vmem>>
    %dma_wait3A_2524 = tpu.memref_squeeze %dma_wait3A_2523 : memref<1x1x128xi32, #tpu.memory_space<vmem>> -> memref<128xi32, #tpu.memory_space<vmem>>
    %dma_wait3A_2525 = arith.constant 0 : i32
    %dma_wait3A_2526 = arith.constant 0 : i32
    %dma_wait3A_2527 = tpu.memref_slice %arg18[%dma_wait3A_2525, %dma_wait3A_2526] : memref<10240x128xf32, #tpu.memory_space<vmem_shared>> -> memref<10240x128xf32, #tpu.memory_space<vmem_shared>>
    tpu.wait_indirect_dma semaphore(%arg15 : memref<!tpu.dma_semaphore, #tpu.memory_space<semaphore_mem>>) src(%dma_wait3A_2521 : memref<128x128xf32, #tpu.memory_space<vmem>>) dst(%dma_wait3A_2527 : memref<10240x128xf32, #tpu.memory_space<vmem_shared>>)
    %mul3A_2528 = arith.constant 80 : i32
    %mul3A_2529 = arith.muli %arg1, %mul3A_2528 : i32
    %add3A_2530 = arith.constant 72 : i32
    %add3A_2531 = arith.addi %mul3A_2529, %add3A_2530 : i32
    %dma_wait3A_2532 = arith.constant 1 : i32
    %dma_wait3A_2533 = arith.constant 0 : i32
    %dma_wait3A_2534 = arith.constant 0 : i32
    %dma_wait3A_2535 = tpu.memref_slice %arg7[%dma_wait3A_2532, %dma_wait3A_2533, %dma_wait3A_2534] : memref<2x8x128xi32, #tpu.memory_space<vmem>> -> memref<1x8x128xi32, #tpu.memory_space<vmem>>
    %dma_wait3A_2536 = tpu.memref_squeeze %dma_wait3A_2535 : memref<1x8x128xi32, #tpu.memory_space<vmem>> -> memref<8x128xi32, #tpu.memory_space<vmem>>
    %dma_wait3A_2537 = arith.constant 0 : i32
    %dma_wait3A_2538 = tpu.memref_slice %arg3[%add3A_2531, %dma_wait3A_2537] : memref<1280x128xi32, #tpu.memory_space<hbm>> -> memref<8x128xi32, #tpu.memory_space<hbm>>
    %dma_wait3A_2539 = arith.constant 0 : i32
    %dma_wait3A_2540 = arith.constant 0 : i32
    %dma_wait3A_2541 = tpu.memref_slice %arg7[%dma_wait3A_2532, %dma_wait3A_2539, %dma_wait3A_2540] : memref<2x8x128xi32, #tpu.memory_space<vmem>> -> memref<1x8x128xi32, #tpu.memory_space<vmem>>
    %dma_wait3A_2542 = tpu.memref_squeeze %dma_wait3A_2541 : memref<1x8x128xi32, #tpu.memory_space<vmem>> -> memref<8x128xi32, #tpu.memory_space<vmem>>
    %dma_wait3A_2543 = arith.constant 0 : i32
    %dma_wait3A_2544 = tpu.memref_slice %arg3[%add3A_2531, %dma_wait3A_2543] : memref<1280x128xi32, #tpu.memory_space<hbm>> -> memref<8x128xi32, #tpu.memory_space<hbm>>
    tpu.wait_dma2 semaphore(%arg14 : memref<!tpu.dma_semaphore, #tpu.memory_space<semaphore_mem>>) src(%dma_wait3A_2544 : memref<8x128xi32, #tpu.memory_space<hbm>>) dst(%dma_wait3A_2542 : memref<8x128xi32, #tpu.memory_space<vmem>>)
    %dma_wait3A_2545 = arith.constant 1 : i32
    %dma_wait3A_2546 = arith.constant 0 : i32
    %dma_wait3A_2547 = arith.constant 0 : i32
    %dma_wait3A_2548 = tpu.memref_slice %arg8[%dma_wait3A_2545, %dma_wait3A_2546, %dma_wait3A_2547] : memref<2x8x128xi32, #tpu.memory_space<vmem>> -> memref<1x8x128xi32, #tpu.memory_space<vmem>>
    %dma_wait3A_2549 = tpu.memref_squeeze %dma_wait3A_2548 : memref<1x8x128xi32, #tpu.memory_space<vmem>> -> memref<8x128xi32, #tpu.memory_space<vmem>>
    %dma_wait3A_2550 = arith.constant 0 : i32
    %dma_wait3A_2551 = tpu.memref_slice %arg4[%add3A_2531, %dma_wait3A_2550] : memref<1280x128xi32, #tpu.memory_space<hbm>> -> memref<8x128xi32, #tpu.memory_space<hbm>>
    %dma_wait3A_2552 = arith.constant 0 : i32
    %dma_wait3A_2553 = arith.constant 0 : i32
    %dma_wait3A_2554 = tpu.memref_slice %arg8[%dma_wait3A_2545, %dma_wait3A_2552, %dma_wait3A_2553] : memref<2x8x128xi32, #tpu.memory_space<vmem>> -> memref<1x8x128xi32, #tpu.memory_space<vmem>>
    %dma_wait3A_2555 = tpu.memref_squeeze %dma_wait3A_2554 : memref<1x8x128xi32, #tpu.memory_space<vmem>> -> memref<8x128xi32, #tpu.memory_space<vmem>>
    %dma_wait3A_2556 = arith.constant 0 : i32
    %dma_wait3A_2557 = tpu.memref_slice %arg4[%add3A_2531, %dma_wait3A_2556] : memref<1280x128xi32, #tpu.memory_space<hbm>> -> memref<8x128xi32, #tpu.memory_space<hbm>>
    tpu.wait_dma2 semaphore(%arg14 : memref<!tpu.dma_semaphore, #tpu.memory_space<semaphore_mem>>) src(%dma_wait3A_2557 : memref<8x128xi32, #tpu.memory_space<hbm>>) dst(%dma_wait3A_2555 : memref<8x128xi32, #tpu.memory_space<vmem>>)
    %scan3A_2558 = arith.constant 0 : i32
    %scan3A_2559 = arith.constant 0 : i32
    %scan3A_2560 = arith.constant 64 : i32
    %scan3A_2561 = arith.addi %scan3A_2559, %scan3A_2560 : i32
    %scan3A_2562 = arith.constant 1 : i32
    scf.for %scan3A_2607 = %scan3A_2559 to %scan3A_2561 step %scan3A_2562  : i32 {
      %jit3A = arith.constant 8 : i32
      %div3A = arith.divsi %scan3A_2607, %jit3A : i32
      %sign3A = arith.constant 0 : i32
      %sign3A_2608 = arith.cmpi sgt, %scan3A_2607, %sign3A : i32
      %sign3A_2609 = arith.extui %sign3A_2608 : i1 to i32
      %sign3A_2610 = arith.constant 0 : i32
      %sign3A_2611 = arith.cmpi slt, %scan3A_2607, %sign3A_2610 : i32
      %sign3A_2612 = arith.extui %sign3A_2611 : i1 to i32
      %sign3A_2613 = arith.subi %sign3A_2609, %sign3A_2612 : i32
      %sign3A_2614 = arith.constant 0 : i32
      %sign3A_2615 = arith.cmpi sgt, %jit3A, %sign3A_2614 : i32
      %sign3A_2616 = arith.extui %sign3A_2615 : i1 to i32
      %sign3A_2617 = arith.constant 0 : i32
      %sign3A_2618 = arith.cmpi slt, %jit3A, %sign3A_2617 : i32
      %sign3A_2619 = arith.extui %sign3A_2618 : i1 to i32
      %sign3A_2620 = arith.subi %sign3A_2616, %sign3A_2619 : i32
      %ne3A = arith.cmpi ne, %sign3A_2613, %sign3A_2620 : i32
      %rem3A = arith.remsi %scan3A_2607, %jit3A : i32
      %ne3A_2621 = arith.constant 0 : i32
      %ne3A_2622 = arith.cmpi ne, %rem3A, %ne3A_2621 : i32
      %and3A = arith.andi %ne3A, %ne3A_2622 : i1
      %sub3A = arith.constant 1 : i32
      %sub3A_2623 = arith.subi %div3A, %sub3A : i32
      %select_n3A = arith.select %and3A, %sub3A_2623, %div3A : i32
      %jit3A_2624 = arith.constant 8 : i32
      %eq3A_2625 = arith.constant 0 : i32
      %eq3A_2626 = arith.cmpi eq, %jit3A_2624, %eq3A_2625 : i32
      %jit3A_2627 = arith.constant 1 : i32
      %select_n3A_2628 = arith.select %eq3A_2626, %jit3A_2627, %jit3A_2624 : i32
      %rem3A_2629 = arith.remsi %scan3A_2607, %select_n3A_2628 : i32
      %ne3A_2630 = arith.constant 0 : i32
      %ne3A_2631 = arith.cmpi ne, %rem3A_2629, %ne3A_2630 : i32
      %lt3A = arith.constant 0 : i32
      %lt3A_2632 = arith.cmpi slt, %rem3A_2629, %lt3A : i32
      %lt3A_2633 = arith.constant 0 : i32
      %lt3A_2634 = arith.cmpi slt, %select_n3A_2628, %lt3A_2633 : i32
      %ne3A_2635 = arith.xori %lt3A_2632, %lt3A_2634 : i1
      %and3A_2636 = arith.andi %ne3A_2635, %ne3A_2631 : i1
      %add3A_2637 = arith.addi %rem3A_2629, %select_n3A_2628 : i32
      %select_n3A_2638 = arith.select %and3A_2636, %add3A_2637, %rem3A_2629 : i32
      %mul3A_2639 = arith.constant 16 : i32
      %mul3A_2640 = arith.muli %select_n3A_2638, %mul3A_2639 : i32
      %get3A = arith.constant 1 : i32
      %get3A_2641 = arith.index_cast %get3A : i32 to index
      %get3A_2642 = arith.index_cast %select_n3A : i32 to index
      %get3A_2643 = arith.index_cast %mul3A_2640 : i32 to index
      %get3A_2644 = tpu.vector_load %arg7[%get3A_2641, %get3A_2642, %get3A_2643] {strides = array<i32>} : memref<2x8x128xi32, #tpu.memory_space<vmem>>, vector<1x1x16xi32>,
      %get3A_2645 = vector.shape_cast %get3A_2644 : vector<1x1x16xi32> to vector<16xi32>
      %mul3A_2646 = arith.constant 2 : i32
      %mul3A_2647 = vector.broadcast %mul3A_2646 : i32 to vector<16xi32>
      %mul3A_2648 = arith.muli %get3A_2645, %mul3A_2647 : vector<16xi32>
      %add3A_2649 = vector.broadcast %arg0 : i32 to vector<16xi32>
      %add3A_2650 = arith.addi %mul3A_2648, %add3A_2649 : vector<16xi32>
      %swap3A_2651 = arith.constant 1 : i32
      %swap3A_2652 = arith.index_cast %swap3A_2651 : i32 to index
      %swap3A_2653 = arith.index_cast %select_n3A : i32 to index
      %swap3A_2654 = arith.index_cast %mul3A_2640 : i32 to index
      %swap3A_2655 = tpu.vector_load %arg7[%swap3A_2652, %swap3A_2653, %swap3A_2654] {strides = array<i32>} : memref<2x8x128xi32, #tpu.memory_space<vmem>>, vector<1x1x16xi32>,
      %swap3A_2656 = vector.shape_cast %swap3A_2655 : vector<1x1x16xi32> to vector<16xi32>
      %swap3A_2657 = vector.shape_cast %add3A_2650 : vector<16xi32> to vector<1x1x16xi32>
      tpu.vector_store %arg7[%swap3A_2652, %swap3A_2653, %swap3A_2654], %swap3A_2657 {strides = array<i32>} : memref<2x8x128xi32, #tpu.memory_space<vmem>>, vector<1x1x16xi32>,
    }
    %scan3A_2563 = arith.constant 64 : i32
    %eq3A_2564 = arith.constant 1 : i32
    %eq3A_2565 = arith.cmpi eq, %arg0, %eq3A_2564 : i32
    %dma_start3A_2566 = arith.constant 1 : i32
    %dma_start3A_2567 = arith.constant 0 : i32
    %dma_start3A_2568 = arith.constant 0 : i32
    %dma_start3A_2569 = arith.constant 0 : i32
    %dma_start3A_2570 = arith.constant 0 : i32
    %dma_start3A_2571 = tpu.memref_slice %arg9[%dma_start3A_2568, %dma_start3A_2569, %dma_start3A_2570] : memref<2x128x128xf32, #tpu.memory_space<vmem>> -> memref<1x128x128xf32, #tpu.memory_space<vmem>>
    %dma_start3A_2572 = tpu.memref_squeeze %dma_start3A_2571 : memref<1x128x128xf32, #tpu.memory_space<vmem>> -> memref<128x128xf32, #tpu.memory_space<vmem>>
    %dma_start3A_2573 = arith.constant 0 : i32
    %dma_start3A_2574 = tpu.memref_slice %arg7[%dma_start3A_2566, %dma_start3A_2567, %dma_start3A_2573] : memref<2x8x128xi32, #tpu.memory_space<vmem>> -> memref<1x1x128xi32, #tpu.memory_space<vmem>>
    %dma_start3A_2575 = tpu.memref_squeeze %dma_start3A_2574 : memref<1x1x128xi32, #tpu.memory_space<vmem>> -> memref<128xi32, #tpu.memory_space<vmem>>
    %dma_start3A_2576 = arith.constant 0 : i32
    %dma_start3A_2577 = arith.constant 0 : i32
    %dma_start3A_2578 = tpu.memref_slice %arg2[%dma_start3A_2576, %dma_start3A_2577] : memref<20000x128xf32, #tpu.memory_space<hbm>> -> memref<20000x128xf32, #tpu.memory_space<hbm>>
    tpu.enqueue_indirect_dma source(%dma_start3A_2578 : memref<20000x128xf32, #tpu.memory_space<hbm>>) target(%dma_start3A_2572 : memref<128x128xf32, #tpu.memory_space<vmem>>) offsets(%dma_start3A_2575 : memref<128xi32, #tpu.memory_space<vmem>>) semaphore(%arg13 : memref<!tpu.dma_semaphore, #tpu.memory_space<semaphore_mem>>)
    %scan3A_2579 = arith.constant 0 : i32
    %scan3A_2580 = arith.constant 0 : i32
    %scan3A_2581 = arith.constant 8 : i32
    %scan3A_2582 = arith.addi %scan3A_2580, %scan3A_2581 : i32
    %scan3A_2583 = arith.constant 1 : i32
    scf.for %scan3A_2607 = %scan3A_2580 to %scan3A_2582 step %scan3A_2583  : i32 {
      %jit3A = arith.constant 2 : i32
      %eq3A_2608 = arith.constant 0 : i32
      %eq3A_2609 = arith.cmpi eq, %jit3A, %eq3A_2608 : i32
      %jit3A_2610 = arith.constant 1 : i32
      %select_n3A = arith.select %eq3A_2609, %jit3A_2610, %jit3A : i32
      %rem3A = arith.remsi %scan3A_2607, %select_n3A : i32
      %ne3A = arith.constant 0 : i32
      %ne3A_2611 = arith.cmpi ne, %rem3A, %ne3A : i32
      %lt3A = arith.constant 0 : i32
      %lt3A_2612 = arith.cmpi slt, %rem3A, %lt3A : i32
      %lt3A_2613 = arith.constant 0 : i32
      %lt3A_2614 = arith.cmpi slt, %select_n3A, %lt3A_2613 : i32
      %ne3A_2615 = arith.xori %lt3A_2612, %lt3A_2614 : i1
      %and3A = arith.andi %ne3A_2615, %ne3A_2611 : i1
      %add3A_2616 = arith.addi %rem3A, %select_n3A : i32
      %select_n3A_2617 = arith.select %and3A, %add3A_2616, %rem3A : i32
      %dma_wait3A_2618 = arith.constant 1 : i32
      %dma_wait3A_2619 = arith.constant 0 : i32
      %dma_wait3A_2620 = arith.constant 0 : i32
      %dma_wait3A_2621 = tpu.memref_slice %arg9[%select_n3A_2617, %dma_wait3A_2619, %dma_wait3A_2620] : memref<2x128x128xf32, #tpu.memory_space<vmem>> -> memref<1x128x128xf32, #tpu.memory_space<vmem>>
      %dma_wait3A_2622 = tpu.memref_squeeze %dma_wait3A_2621 : memref<1x128x128xf32, #tpu.memory_space<vmem>> -> memref<128x128xf32, #tpu.memory_space<vmem>>
      %dma_wait3A_2623 = arith.constant 0 : i32
      %dma_wait3A_2624 = tpu.memref_slice %arg7[%dma_wait3A_2618, %scan3A_2607, %dma_wait3A_2623] : memref<2x8x128xi32, #tpu.memory_space<vmem>> -> memref<1x1x128xi32, #tpu.memory_space<vmem>>
      %dma_wait3A_2625 = tpu.memref_squeeze %dma_wait3A_2624 : memref<1x1x128xi32, #tpu.memory_space<vmem>> -> memref<128xi32, #tpu.memory_space<vmem>>
      %dma_wait3A_2626 = arith.constant 0 : i32
      %dma_wait3A_2627 = arith.constant 0 : i32
      %dma_wait3A_2628 = tpu.memref_slice %arg2[%dma_wait3A_2626, %dma_wait3A_2627] : memref<20000x128xf32, #tpu.memory_space<hbm>> -> memref<20000x128xf32, #tpu.memory_space<hbm>>
      tpu.wait_indirect_dma semaphore(%arg13 : memref<!tpu.dma_semaphore, #tpu.memory_space<semaphore_mem>>) src(%dma_wait3A_2628 : memref<20000x128xf32, #tpu.memory_space<hbm>>) dst(%dma_wait3A_2622 : memref<128x128xf32, #tpu.memory_space<vmem>>)
      %dma_start3A_2629 = arith.constant 1 : i32
      %dma_start3A_2630 = arith.constant 0 : i32
      %dma_start3A_2631 = arith.constant 0 : i32
      %dma_start3A_2632 = tpu.memref_slice %arg9[%select_n3A_2617, %dma_start3A_2630, %dma_start3A_2631] : memref<2x128x128xf32, #tpu.memory_space<vmem>> -> memref<1x128x128xf32, #tpu.memory_space<vmem>>
      %dma_start3A_2633 = tpu.memref_squeeze %dma_start3A_2632 : memref<1x128x128xf32, #tpu.memory_space<vmem>> -> memref<128x128xf32, #tpu.memory_space<vmem>>
      %dma_start3A_2634 = arith.constant 0 : i32
      %dma_start3A_2635 = tpu.memref_slice %arg8[%dma_start3A_2629, %scan3A_2607, %dma_start3A_2634] : memref<2x8x128xi32, #tpu.memory_space<vmem>> -> memref<1x1x128xi32, #tpu.memory_space<vmem>>
      %dma_start3A_2636 = tpu.memref_squeeze %dma_start3A_2635 : memref<1x1x128xi32, #tpu.memory_space<vmem>> -> memref<128xi32, #tpu.memory_space<vmem>>
      %dma_start3A_2637 = arith.constant 0 : i32
      %dma_start3A_2638 = arith.constant 0 : i32
      %dma_start3A_2639 = tpu.memref_slice %arg18[%dma_start3A_2637, %dma_start3A_2638] : memref<10240x128xf32, #tpu.memory_space<vmem_shared>> -> memref<10240x128xf32, #tpu.memory_space<vmem_shared>>
      tpu.enqueue_indirect_dma source(%dma_start3A_2633 : memref<128x128xf32, #tpu.memory_space<vmem>>) target(%dma_start3A_2639 : memref<10240x128xf32, #tpu.memory_space<vmem_shared>>) offsets(%dma_start3A_2636 : memref<128xi32, #tpu.memory_space<vmem>>) semaphore(%arg15 : memref<!tpu.dma_semaphore, #tpu.memory_space<semaphore_mem>>) {add = true}
      %ge3A = arith.constant 1 : i32
      %ge3A_2640 = arith.cmpi sge, %scan3A_2607, %ge3A : i32
      %convert_element_type3A = arith.extui %ge3A_2640 : i1 to i32
      %cond3A = arith.constant 0 : i32
      %cond3A_2641 = arith.cmpi ne, %convert_element_type3A, %cond3A : i32
      scf.if %cond3A_2641 {
        %sub3A = arith.constant 1 : i32
        %sub3A_2652 = arith.subi %sub3A, %select_n3A_2617 : i32
        %sub3A_2653 = arith.constant 1 : i32
        %sub3A_2654 = arith.subi %scan3A_2607, %sub3A_2653 : i32
        %dma_wait3A_2655 = arith.constant 1 : i32
        %dma_wait3A_2656 = arith.constant 0 : i32
        %dma_wait3A_2657 = arith.constant 0 : i32
        %dma_wait3A_2658 = tpu.memref_slice %arg9[%sub3A_2652, %dma_wait3A_2656, %dma_wait3A_2657] : memref<2x128x128xf32, #tpu.memory_space<vmem>> -> memref<1x128x128xf32, #tpu.memory_space<vmem>>
        %dma_wait3A_2659 = tpu.memref_squeeze %dma_wait3A_2658 : memref<1x128x128xf32, #tpu.memory_space<vmem>> -> memref<128x128xf32, #tpu.memory_space<vmem>>
        %dma_wait3A_2660 = arith.constant 0 : i32
        %dma_wait3A_2661 = tpu.memref_slice %arg8[%dma_wait3A_2655, %sub3A_2654, %dma_wait3A_2660] : memref<2x8x128xi32, #tpu.memory_space<vmem>> -> memref<1x1x128xi32, #tpu.memory_space<vmem>>
        %dma_wait3A_2662 = tpu.memref_squeeze %dma_wait3A_2661 : memref<1x1x128xi32, #tpu.memory_space<vmem>> -> memref<128xi32, #tpu.memory_space<vmem>>
        %dma_wait3A_2663 = arith.constant 0 : i32
        %dma_wait3A_2664 = arith.constant 0 : i32
        %dma_wait3A_2665 = tpu.memref_slice %arg18[%dma_wait3A_2663, %dma_wait3A_2664] : memref<10240x128xf32, #tpu.memory_space<vmem_shared>> -> memref<10240x128xf32, #tpu.memory_space<vmem_shared>>
        tpu.wait_indirect_dma semaphore(%arg15 : memref<!tpu.dma_semaphore, #tpu.memory_space<semaphore_mem>>) src(%dma_wait3A_2659 : memref<128x128xf32, #tpu.memory_space<vmem>>) dst(%dma_wait3A_2665 : memref<10240x128xf32, #tpu.memory_space<vmem_shared>>)
      } else {
      }
      %add3A_2642 = arith.constant 1 : i32
      %add3A_2643 = arith.addi %scan3A_2607, %add3A_2642 : i32
      %lt3A_2644 = arith.constant 8 : i32
      %lt3A_2645 = arith.cmpi slt, %add3A_2643, %lt3A_2644 : i32
      %convert_element_type3A_2646 = arith.extui %lt3A_2645 : i1 to i32
      %cond3A_2647 = arith.constant 0 : i32
      %cond3A_2648 = arith.cmpi ne, %convert_element_type3A_2646, %cond3A_2647 : i32
      scf.if %cond3A_2648 {
        %add3A_2652 = arith.constant 1 : i32
        %add3A_2653 = arith.addi %scan3A_2607, %add3A_2652 : i32
        %sub3A = arith.constant 1 : i32
        %sub3A_2654 = arith.subi %sub3A, %select_n3A_2617 : i32
        %dma_start3A_2655 = arith.constant 1 : i32
        %dma_start3A_2656 = arith.constant 0 : i32
        %dma_start3A_2657 = arith.constant 0 : i32
        %dma_start3A_2658 = tpu.memref_slice %arg9[%sub3A_2654, %dma_start3A_2656, %dma_start3A_2657] : memref<2x128x128xf32, #tpu.memory_space<vmem>> -> memref<1x128x128xf32, #tpu.memory_space<vmem>>
        %dma_start3A_2659 = tpu.memref_squeeze %dma_start3A_2658 : memref<1x128x128xf32, #tpu.memory_space<vmem>> -> memref<128x128xf32, #tpu.memory_space<vmem>>
        %dma_start3A_2660 = arith.constant 0 : i32
        %dma_start3A_2661 = tpu.memref_slice %arg7[%dma_start3A_2655, %add3A_2653, %dma_start3A_2660] : memref<2x8x128xi32, #tpu.memory_space<vmem>> -> memref<1x1x128xi32, #tpu.memory_space<vmem>>
        %dma_start3A_2662 = tpu.memref_squeeze %dma_start3A_2661 : memref<1x1x128xi32, #tpu.memory_space<vmem>> -> memref<128xi32, #tpu.memory_space<vmem>>
        %dma_start3A_2663 = arith.constant 0 : i32
        %dma_start3A_2664 = arith.constant 0 : i32
        %dma_start3A_2665 = tpu.memref_slice %arg2[%dma_start3A_2663, %dma_start3A_2664] : memref<20000x128xf32, #tpu.memory_space<hbm>> -> memref<20000x128xf32, #tpu.memory_space<hbm>>
        tpu.enqueue_indirect_dma source(%dma_start3A_2665 : memref<20000x128xf32, #tpu.memory_space<hbm>>) target(%dma_start3A_2659 : memref<128x128xf32, #tpu.memory_space<vmem>>) offsets(%dma_start3A_2662 : memref<128xi32, #tpu.memory_space<vmem>>) semaphore(%arg13 : memref<!tpu.dma_semaphore, #tpu.memory_space<semaphore_mem>>)
      } else {
      }
      %convert_element_type3A_2649 = arith.extui %eq3A_2565 : i1 to i32
      %cond3A_2650 = arith.constant 0 : i32
      %cond3A_2651 = arith.cmpi ne, %convert_element_type3A_2649, %cond3A_2650 : i32
      scf.if %cond3A_2651 {
        %run_scoped3A = arith.constant 1 : i32
        "tpu.region"() ({
          %run_scoped3A_2652 = tpu.sem_alloc : memref<!tpu.dma_semaphore, #tpu.memory_space<semaphore_mem>>
          %dma_start3A_2653 = arith.constant 0 : i32
          %dma_start3A_2654 = tpu.memref_slice %arg8[%run_scoped3A, %scan3A_2607, %dma_start3A_2653] : memref<2x8x128xi32, #tpu.memory_space<vmem>> -> memref<1x1x128xi32, #tpu.memory_space<vmem>>
          %dma_start3A_2655 = tpu.memref_squeeze %dma_start3A_2654 : memref<1x1x128xi32, #tpu.memory_space<vmem>> -> memref<128xi32, #tpu.memory_space<vmem>>
          %dma_start3A_2656 = arith.constant 0 : i32
          %dma_start3A_2657 = tpu.memref_slice %arg19[%dma_start3A_2656] : memref<10240xf32, #tpu.memory_space<vmem_shared>> -> memref<10240xf32, #tpu.memory_space<vmem_shared>>
          tpu.enqueue_indirect_dma source(%arg10 : memref<128xf32, #tpu.memory_space<vmem>>) target(%dma_start3A_2657 : memref<10240xf32, #tpu.memory_space<vmem_shared>>) offsets(%dma_start3A_2655 : memref<128xi32, #tpu.memory_space<vmem>>) semaphore(%run_scoped3A_2652 : memref<!tpu.dma_semaphore, #tpu.memory_space<semaphore_mem>>) {add = true}
          %dma_wait3A_2658 = arith.constant 0 : i32
          %dma_wait3A_2659 = tpu.memref_slice %arg8[%run_scoped3A, %scan3A_2607, %dma_wait3A_2658] : memref<2x8x128xi32, #tpu.memory_space<vmem>> -> memref<1x1x128xi32, #tpu.memory_space<vmem>>
          %dma_wait3A_2660 = tpu.memref_squeeze %dma_wait3A_2659 : memref<1x1x128xi32, #tpu.memory_space<vmem>> -> memref<128xi32, #tpu.memory_space<vmem>>
          %dma_wait3A_2661 = arith.constant 0 : i32
          %dma_wait3A_2662 = tpu.memref_slice %arg19[%dma_wait3A_2661] : memref<10240xf32, #tpu.memory_space<vmem_shared>> -> memref<10240xf32, #tpu.memory_space<vmem_shared>>
          tpu.wait_indirect_dma semaphore(%run_scoped3A_2652 : memref<!tpu.dma_semaphore, #tpu.memory_space<semaphore_mem>>) src(%arg10 : memref<128xf32, #tpu.memory_space<vmem>>) dst(%dma_wait3A_2662 : memref<10240xf32, #tpu.memory_space<vmem_shared>>)
          tpu.yield
        }) : () -> ()
      } else {
      }
    }
    %scan3A_2584 = arith.constant 8 : i32
    %dma_wait3A_2585 = arith.constant 1 : i32
    %dma_wait3A_2586 = arith.constant 1 : i32
    %dma_wait3A_2587 = arith.constant 7 : i32
    %dma_wait3A_2588 = arith.constant 0 : i32
    %dma_wait3A_2589 = arith.constant 0 : i32
    %dma_wait3A_2590 = tpu.memref_slice %arg9[%dma_wait3A_2585, %dma_wait3A_2588, %dma_wait3A_2589] : memref<2x128x128xf32, #tpu.memory_space<vmem>> -> memref<1x128x128xf32, #tpu.memory_space<vmem>>
    %dma_wait3A_2591 = tpu.memref_squeeze %dma_wait3A_2590 : memref<1x128x128xf32, #tpu.memory_space<vmem>> -> memref<128x128xf32, #tpu.memory_space<vmem>>
    %dma_wait3A_2592 = arith.constant 0 : i32
    %dma_wait3A_2593 = tpu.memref_slice %arg8[%dma_wait3A_2586, %dma_wait3A_2587, %dma_wait3A_2592] : memref<2x8x128xi32, #tpu.memory_space<vmem>> -> memref<1x1x128xi32, #tpu.memory_space<vmem>>
    %dma_wait3A_2594 = tpu.memref_squeeze %dma_wait3A_2593 : memref<1x1x128xi32, #tpu.memory_space<vmem>> -> memref<128xi32, #tpu.memory_space<vmem>>
    %dma_wait3A_2595 = arith.constant 0 : i32
    %dma_wait3A_2596 = arith.constant 0 : i32
    %dma_wait3A_2597 = tpu.memref_slice %arg18[%dma_wait3A_2595, %dma_wait3A_2596] : memref<10240x128xf32, #tpu.memory_space<vmem_shared>> -> memref<10240x128xf32, #tpu.memory_space<vmem_shared>>
    tpu.wait_indirect_dma semaphore(%arg15 : memref<!tpu.dma_semaphore, #tpu.memory_space<semaphore_mem>>) src(%dma_wait3A_2591 : memref<128x128xf32, #tpu.memory_space<vmem>>) dst(%dma_wait3A_2597 : memref<10240x128xf32, #tpu.memory_space<vmem_shared>>)
    %barrier3A_2598 = arith.constant 0 : index
    tpu.barrier barrier_id(%barrier3A_2598)
    %mul3A_2599 = arith.constant 640 : i32
    %mul3A_2600 = arith.muli %arg1, %mul3A_2599 : i32
    %mul3A_2601 = arith.constant 640 : i32
    %mul3A_2602 = arith.muli %arg1, %mul3A_2601 : i32
    "tpu.region"() ({
      %run_scoped3A = tpu.sem_alloc : memref<!tpu.dma_semaphore, #tpu.memory_space<semaphore_mem>>
      %dma_start3A_2607 = arith.constant 0 : i32
      %dma_start3A_2608 = tpu.memref_slice %arg5[%arg0, %mul3A_2602, %dma_start3A_2607] : memref<2x10240x128xf32, #tpu.memory_space<hbm>> -> memref<1x640x128xf32, #tpu.memory_space<hbm>>
      %dma_start3A_2609 = tpu.memref_squeeze %dma_start3A_2608 : memref<1x640x128xf32, #tpu.memory_space<hbm>> -> memref<640x128xf32, #tpu.memory_space<hbm>>
      %dma_start3A_2610 = arith.constant 0 : i32
      %dma_start3A_2611 = tpu.memref_slice %arg18[%mul3A_2600, %dma_start3A_2610] : memref<10240x128xf32, #tpu.memory_space<vmem_shared>> -> memref<640x128xf32, #tpu.memory_space<vmem_shared>>
      tpu.enqueue_dma source(%dma_start3A_2611 : memref<640x128xf32, #tpu.memory_space<vmem_shared>>) target(%dma_start3A_2609 : memref<640x128xf32, #tpu.memory_space<hbm>>) target_semaphore(%run_scoped3A : memref<!tpu.dma_semaphore, #tpu.memory_space<semaphore_mem>>)
      %dma_wait3A_2612 = arith.constant 0 : i32
      %dma_wait3A_2613 = tpu.memref_slice %arg5[%arg0, %mul3A_2602, %dma_wait3A_2612] : memref<2x10240x128xf32, #tpu.memory_space<hbm>> -> memref<1x640x128xf32, #tpu.memory_space<hbm>>
      %dma_wait3A_2614 = tpu.memref_squeeze %dma_wait3A_2613 : memref<1x640x128xf32, #tpu.memory_space<hbm>> -> memref<640x128xf32, #tpu.memory_space<hbm>>
      %dma_wait3A_2615 = arith.constant 0 : i32
      %dma_wait3A_2616 = tpu.memref_slice %arg18[%mul3A_2600, %dma_wait3A_2615] : memref<10240x128xf32, #tpu.memory_space<vmem_shared>> -> memref<640x128xf32, #tpu.memory_space<vmem_shared>>
      tpu.wait_dma2 semaphore(%run_scoped3A : memref<!tpu.dma_semaphore, #tpu.memory_space<semaphore_mem>>) src(%dma_wait3A_2616 : memref<640x128xf32, #tpu.memory_space<vmem_shared>>) dst(%dma_wait3A_2614 : memref<640x128xf32, #tpu.memory_space<hbm>>)
      tpu.yield
    }) : () -> ()
    %mul3A_2603 = arith.constant 640 : i32
    %mul3A_2604 = arith.muli %arg1, %mul3A_2603 : i32
    %mul3A_2605 = arith.constant 640 : i32
    %mul3A_2606 = arith.muli %arg1, %mul3A_2605 : i32
    "tpu.region"() ({
      %run_scoped3A = tpu.sem_alloc : memref<!tpu.dma_semaphore, #tpu.memory_space<semaphore_mem>>
      %dma_start3A_2607 = tpu.memref_slice %arg6[%arg0, %mul3A_2606] : memref<2x10240xf32, #tpu.memory_space<hbm>> -> memref<1x640xf32, #tpu.memory_space<hbm>>
      %dma_start3A_2608 = tpu.memref_squeeze %dma_start3A_2607 : memref<1x640xf32, #tpu.memory_space<hbm>> -> memref<640xf32, #tpu.memory_space<hbm>>
      %dma_start3A_2609 = tpu.memref_slice %arg19[%mul3A_2604] : memref<10240xf32, #tpu.memory_space<vmem_shared>> -> memref<640xf32, #tpu.memory_space<vmem_shared>>
      tpu.enqueue_dma source(%dma_start3A_2609 : memref<640xf32, #tpu.memory_space<vmem_shared>>) target(%dma_start3A_2608 : memref<640xf32, #tpu.memory_space<hbm>>) target_semaphore(%run_scoped3A : memref<!tpu.dma_semaphore, #tpu.memory_space<semaphore_mem>>)
      %dma_wait3A_2610 = tpu.memref_slice %arg6[%arg0, %mul3A_2606] : memref<2x10240xf32, #tpu.memory_space<hbm>> -> memref<1x640xf32, #tpu.memory_space<hbm>>
      %dma_wait3A_2611 = tpu.memref_squeeze %dma_wait3A_2610 : memref<1x640xf32, #tpu.memory_space<hbm>> -> memref<640xf32, #tpu.memory_space<hbm>>
      %dma_wait3A_2612 = tpu.memref_slice %arg19[%mul3A_2604] : memref<10240xf32, #tpu.memory_space<vmem_shared>> -> memref<640xf32, #tpu.memory_space<vmem_shared>>
      tpu.wait_dma2 semaphore(%run_scoped3A : memref<!tpu.dma_semaphore, #tpu.memory_space<semaphore_mem>>) src(%dma_wait3A_2612 : memref<640xf32, #tpu.memory_space<vmem_shared>>) dst(%dma_wait3A_2611 : memref<640xf32, #tpu.memory_space<hbm>>)
      tpu.yield
    }) : () -> ()
    return
  }
}

module attributes {stable_mosaic.version = 14 : i64} {
  func.func @_tc_combine_kernel(%arg0: i32, %arg1: memref<1000x256xf32, #tpu.memory_space<vmem>>, %arg2: memref<1x1000x128xf32, #tpu.memory_space<vmem>>, %arg3: memref<1x1000x128xf32, #tpu.memory_space<vmem>>, %arg4: memref<1x1000x1xf32, #tpu.memory_space<vmem>>, %arg5: memref<1x1000x1xf32, #tpu.memory_space<vmem>>, %arg6: memref<256x256xf32, #tpu.memory_space<vmem>>, %arg7: memref<256x256xf32, #tpu.memory_space<vmem>>, %arg8: memref<1x256xf32, #tpu.memory_space<vmem>>, %arg9: memref<1000x256xf32, #tpu.memory_space<vmem>>) attributes {dimension_semantics = [#tpu.dimension_semantics<arbitrary>], iteration_bounds = array<i64: 10>, scalar_prefetch = 0 : i64, scratch_operands = 0 : i64, tpu.core_type = #tpu.core_type<tc>, window_params = [{transform_indices = @transform_0, window_bounds = array<i64: 1000, 256>}, {transform_indices = @transform_1, window_bounds = array<i64: 1, 1000, 128>}, {transform_indices = @transform_2, window_bounds = array<i64: 1, 1000, 128>}, {transform_indices = @transform_3, window_bounds = array<i64: 1, 1000, 1>}, {transform_indices = @transform_4, window_bounds = array<i64: 1, 1000, 1>}, {pipeline_mode = #tpu.pipeline_mode<synchronous>, transform_indices = @transform_5, window_bounds = array<i64: 256, 256>}, {pipeline_mode = #tpu.pipeline_mode<synchronous>, transform_indices = @transform_6, window_bounds = array<i64: 256, 256>}, {pipeline_mode = #tpu.pipeline_mode<synchronous>, transform_indices = @transform_7, window_bounds = array<i64: 1, 256>}, {transform_indices = @transform_8, window_bounds = array<i64: 1000, 256>}]} {
    %get3A = arith.constant 0 : index
    %get3A_0 = arith.constant 0 : index
    %get3A_1 = arith.constant 0 : index
    %get3A_2 = vector.load %arg4[%get3A, %get3A_0, %get3A_1] : memref<1x1000x1xf32, #tpu.memory_space<vmem>>, vector<1x1000x1xf32>
    %get3A_3 = vector.shape_cast %get3A_2 : vector<1x1000x1xf32> to vector<1000x1xf32>
    %get3A_4 = arith.constant 0 : index
    %get3A_5 = arith.constant 0 : index
    %get3A_6 = arith.constant 0 : index
    %get3A_7 = vector.load %arg5[%get3A_4, %get3A_5, %get3A_6] : memref<1x1000x1xf32, #tpu.memory_space<vmem>>, vector<1x1000x1xf32>
    %get3A_8 = vector.shape_cast %get3A_7 : vector<1x1000x1xf32> to vector<1000x1xf32>
    %add3A = arith.addf %get3A_3, %get3A_8 : vector<1000x1xf32>
    %max3A = arith.constant 1.000000e+00 : f32
    %max3A_9 = vector.broadcast %max3A : f32 to vector<1000x1xf32>
    %max3A_10 = arith.maximumf %add3A, %max3A_9 : vector<1000x1xf32>
    %get3A_11 = arith.constant 0 : index
    %get3A_12 = arith.constant 0 : index
    %get3A_13 = arith.constant 0 : index
    %get3A_14 = vector.load %arg2[%get3A_11, %get3A_12, %get3A_13] : memref<1x1000x128xf32, #tpu.memory_space<vmem>>, vector<1x1000x128xf32>
    %get3A_15 = vector.shape_cast %get3A_14 : vector<1x1000x128xf32> to vector<1000x128xf32>
    %get3A_16 = arith.constant 0 : index
    %get3A_17 = arith.constant 0 : index
    %get3A_18 = arith.constant 0 : index
    %get3A_19 = vector.load %arg3[%get3A_16, %get3A_17, %get3A_18] : memref<1x1000x128xf32, #tpu.memory_space<vmem>>, vector<1x1000x128xf32>
    %get3A_20 = vector.shape_cast %get3A_19 : vector<1x1000x128xf32> to vector<1000x128xf32>
    %concatenate3A = tpu.concatenate %get3A_15, %get3A_20 in 1 : vector<1000x128xf32>, vector<1000x128xf32> -> vector<1000x256xf32>
    %div3A = vector.broadcast %max3A_10 : vector<1000x1xf32> to vector<1000x256xf32>
    %div3A_21 = arith.divf %concatenate3A, %div3A : vector<1000x256xf32>
    %get3A_22 = arith.constant 0 : index
    %get3A_23 = arith.constant 0 : index
    %get3A_24 = vector.load %arg6[%get3A_22, %get3A_23] : memref<256x256xf32, #tpu.memory_space<vmem>>, vector<256x256xf32>
    %dot_general3A = arith.constant dense<0.000000e+00> : vector<1000x256xf32>
    %dot_general3A_25 = tpu.matmul %div3A_21, %get3A_24, %dot_general3A {dimension_numbers = #tpu.dot_dimension_numbers<[1], [1], [0], [0], [0, 0, 1, 0], [], []>, transpose_lhs_hint = false} : vector<1000x256xf32>, vector<256x256xf32>, vector<1000x256xf32> -> vector<1000x256xf32>
    %get3A_26 = arith.constant 0 : index
    %get3A_27 = arith.constant 0 : index
    %get3A_28 = vector.load %arg1[%get3A_26, %get3A_27] : memref<1000x256xf32, #tpu.memory_space<vmem>>, vector<1000x256xf32>
    %get3A_29 = arith.constant 0 : index
    %get3A_30 = arith.constant 0 : index
    %get3A_31 = vector.load %arg7[%get3A_29, %get3A_30] : memref<256x256xf32, #tpu.memory_space<vmem>>, vector<256x256xf32>
    %dot_general3A_32 = arith.constant dense<0.000000e+00> : vector<1000x256xf32>
    %dot_general3A_33 = tpu.matmul %get3A_28, %get3A_31, %dot_general3A_32 {dimension_numbers = #tpu.dot_dimension_numbers<[1], [1], [0], [0], [0, 0, 1, 0], [], []>, transpose_lhs_hint = false} : vector<1000x256xf32>, vector<256x256xf32>, vector<1000x256xf32> -> vector<1000x256xf32>
    %add3A_34 = arith.addf %dot_general3A_25, %dot_general3A_33 : vector<1000x256xf32>
    %get3A_35 = arith.constant 0 : index
    %get3A_36 = arith.constant 0 : index
    %get3A_37 = vector.load %arg8[%get3A_35, %get3A_36] : memref<1x256xf32, #tpu.memory_space<vmem>>, vector<1x256xf32>
    %add3A_38 = vector.broadcast %get3A_37 : vector<1x256xf32> to vector<1000x256xf32>
    %add3A_39 = arith.addf %add3A_34, %add3A_38 : vector<1000x256xf32>
    %gt3A = arith.constant 0.000000e+00 : f32
    %gt3A_40 = vector.broadcast %gt3A : f32 to vector<1000x256xf32>
    %gt3A_41 = arith.cmpf ogt, %add3A_39, %gt3A_40 : vector<1000x256xf32>
    %mul3A = arith.constant 0.00999999977 : f32
    %mul3A_42 = vector.broadcast %mul3A : f32 to vector<1000x256xf32>
    %mul3A_43 = arith.mulf %mul3A_42, %add3A_39 : vector<1000x256xf32>
    %select_n3A = arith.select %gt3A_41, %add3A_39, %mul3A_43 : vector<1000x256xi1>, vector<1000x256xf32>
    %get3A_44 = arith.constant 0 : index
    %get3A_45 = arith.constant 0 : index
    %get3A_46 = vector.load %arg1[%get3A_44, %get3A_45] : memref<1000x256xf32, #tpu.memory_space<vmem>>, vector<1000x256xf32>
    %add3A_47 = arith.addf %select_n3A, %get3A_46 : vector<1000x256xf32>
    %swap3A = arith.constant 0 : index
    %swap3A_48 = arith.constant 0 : index
    %swap3A_49 = vector.load %arg9[%swap3A, %swap3A_48] : memref<1000x256xf32, #tpu.memory_space<vmem>>, vector<1000x256xf32>
    tpu.vector_store %arg9[%swap3A, %swap3A_48], %add3A_47 {strides = array<i32>} : memref<1000x256xf32, #tpu.memory_space<vmem>>, vector<1000x256xf32>,
    return
  }
  func.func @transform_0(%arg0: i32) -> (i32, i32) {
    %c0_i32 = arith.constant 0 : i32
    %c0_i32_0 = arith.constant 0 : i32
    return %arg0, %c0_i32 : i32, i32
  }
  func.func @transform_1(%arg0: i32) -> (i32, i32, i32) {
    %c0_i32 = arith.constant 0 : i32
    %c0_i32_0 = arith.constant 0 : i32
    %c0_i32_1 = arith.constant 0 : i32
    return %c0_i32, %arg0, %c0_i32_0 : i32, i32, i32
  }
  func.func @transform_2(%arg0: i32) -> (i32, i32, i32) {
    %c1_i32 = arith.constant 1 : i32
    %c0_i32 = arith.constant 0 : i32
    %c0_i32_0 = arith.constant 0 : i32
    return %c1_i32, %arg0, %c0_i32 : i32, i32, i32
  }
  func.func @transform_3(%arg0: i32) -> (i32, i32, i32) {
    %c0_i32 = arith.constant 0 : i32
    %c0_i32_0 = arith.constant 0 : i32
    %c0_i32_1 = arith.constant 0 : i32
    return %c0_i32, %arg0, %c0_i32_0 : i32, i32, i32
  }
  func.func @transform_4(%arg0: i32) -> (i32, i32, i32) {
    %c1_i32 = arith.constant 1 : i32
    %c0_i32 = arith.constant 0 : i32
    %c0_i32_0 = arith.constant 0 : i32
    return %c1_i32, %arg0, %c0_i32 : i32, i32, i32
  }
  func.func @transform_5(%arg0: i32) -> (i32, i32) {
    %c0_i32 = arith.constant 0 : i32
    %c0_i32_0 = arith.constant 0 : i32
    %c0_i32_1 = arith.constant 0 : i32
    return %c0_i32, %c0_i32_0 : i32, i32
  }
  func.func @transform_6(%arg0: i32) -> (i32, i32) {
    %c0_i32 = arith.constant 0 : i32
    %c0_i32_0 = arith.constant 0 : i32
    %c0_i32_1 = arith.constant 0 : i32
    return %c0_i32, %c0_i32_0 : i32, i32
  }
  func.func @transform_7(%arg0: i32) -> (i32, i32) {
    %c0_i32 = arith.constant 0 : i32
    %c0_i32_0 = arith.constant 0 : i32
    %c0_i32_1 = arith.constant 0 : i32
    return %c0_i32, %c0_i32_0 : i32, i32
  }
  func.func @transform_8(%arg0: i32) -> (i32, i32) {
    %c0_i32 = arith.constant 0 : i32
    %c0_i32_0 = arith.constant 0 : i32
    return %arg0, %c0_i32 : i32, i32
  }
}

</mosaic_0001>

<sc_bundles>
// kernel: kernel.4.cloned.1.call-start
scs
__scs_entry_jumppad:
0x0: {  	(pc) =	sbr.rel $0x88, $3  }
0x1: {  	(tag) =	ssettag $0x0;
	lr =	simm.s32 $0x1  }
0x2: {  	[smem:$0x3F9C] =	sst lr;
	_ =	strace $0xD0000000  }
0x3: {  	_ = 	snop  }
0x4: {  	_ = 	snop  }
0x5: {  	_ = 	snop  }
0x6: {  	_ = 	snop  }
0x7: {  	_ = 	snop  }
__scs_overlays_trampoline_lowered:
0x8: {  	[smem:$0x3FAB] =	sst s0  }
0x9: {  	[smem:$0x3FAC] =	sst s1  }
0xa: {  	[smem:$0x3FAD] =	sst s2  }
0xb: {  	[smem:$0x3FAE] =	sst s3  }
0xc: {  	[smem:$0x3FAF] =	sst s4  }
0xd: {  	[smem:$0x3FB0] =	sst s5  }
0xe: {  	[smem:$0x3FB1] =	sst s6  }
0xf: {  	[smem:$0x3FB2] =	sst s7  }
0x10: {  	[smem:$0x3FB3] =	sst s8  }
0x11: {  	[smem:$0x3FB4] =	sst s9;
	s0 =	simm.s32 @!p0 $0x0  }
0x12: {  	s1 =	sld [smem:$0x3F9A];
	s0 =	simm.s32 @p0 $0x1  }
0x13: {  	[smem:$0x3FB5] =	sst s0;
	s0 =	simm.s32 @!p1 $0x0  }
0x14: {  	s2 =	sld [smem:$0x3F99];
	s0 =	simm.s32 @p1 $0x1  }
0x15: {  	[smem:$0x3FB6] =	sst s0;
	s0 =	simm.s32 @!p2 $0x0  }
0x16: {  	s3 =	sld [smem:$0x3FDB];
	s0 =	simm.s32 @p2 $0x1  }
0x17: {  	s4 =	simm.s32 $0x1BF5;
	[smem:$0x3FB8] =	sst s0  }
0x18: {  	s0 =	sld [smem:$0x3F9B];
	_ =	swait.ge [sflag:s4], $0x0  }
0x19: {  	s7 =	sld [smem:$0x3F9C]  }
0x1a: {  	s8 =	sadd.s32 $0xFFFFE003, lr  }
0x1b: {  	s9 =	sadd.s32 $0xFFFFFEF7, lr;
	s5 =	simm.s32 $0xFFFFFFFF;
	p2 =	slt.u32 s8, $0xFFFFF086  }
0x1c: {  	p1 =	slt.u32 s9, $0xF7A;
	s5 =	simm.s32 @!p2 $0x0  }
0x1d: {  	s5 =	simm.s32 @p1 $0x1;
	p0 =	seq.s32 s7, s2  }
0x1e: {  	s7 =	smul.u32 @!p0 $0xF7A, s2;
	p2 =	seq.s32 @!p0 s5, $0x0  }
0x1f: {  	s9 =	smul.u32 $0xF7A, s1;
	s8 =	simm.s32 @!p0 $0x1BF5;
	p2 =	por !p2, p0  }
0x20: {  	[sflag:s8] =	ssyncset.s32 @!p0 $0xFFFFF086;
	s6 =	sadd.s32 @!p0 s3, s7;
	s7 =	simm.s32 @!p0 $0x108  }
0x21: {  	s3 =	sadd.s32 s3, s9;
	s6 =	sadd.s32 @!p0 $0x88, s6;
	s7 =	simm.s32 @p2 $0x1082  }
0x22: {  	[simem:s7], [sflag:s8] =	dma.local @!p0 [hbm:s6], $0xF7A  }
0x23: {  	s9 =	sor.u32 $0xD0000000, s2;
	s6 =	simm.s32 $0x108;
	_ =	swait.ge @!p0 [sflag:s8], $0x0  }
0x24: {  	s3 =	sadd.s32 $0x88, s3;
	s6 =	simm.s32 @!p1 $0x1082;
	[sflag:s4] =	ssyncset.s32 $0xFFFFF086  }
0x25: {  	[simem:s6], [sflag:s4] =	dma.local [hbm:s3], $0xF7A  }
0x26: {  	[smem:$0x3F9C] =	sst s1;
	(tag) =	ssettag s2;
	_ =	strace s9  }
0x27: {  	s1 =	sld [smem:$0x3FAC]  }
0x28: {  	s2 =	sld [smem:$0x3FAD]  }
0x29: {  	s4 =	sld [smem:$0x3FAF]  }
0x2a: {  	p0 =	seq.s32 s5, $0x0;
	s5 =	sld [smem:$0x3FB0]  }
0x2b: {  	s6 =	sld [smem:$0x3FB1]  }
0x2c: {  	s7 =	sld [smem:$0x3FB2]  }
0x2d: {  	s3 =	simm.s32 $0x108;
	s8 =	sld [smem:$0x3FB3]  }
0x2e: {  	s3 =	simm.s32 @!p0 $0x1082;
	s9 =	sld [smem:$0x3FB4]  }
0x2f: {  	lr =	sadd.s32 s0, s3;
	s0 =	sld [smem:$0x3FAB]  }
0x30: {  	s3 =	sld [smem:$0x3FAE]  }
0x31: {  	[smem:$0x3FB7] =	sst s10  }
0x32: {  	s10 =	sld [smem:$0x3FB5];
	_ =	sdelay $0x3  }
0x33: {  	p0 =	seq.s32 s10, $0x1;
	s10 =	sld [smem:$0x3FB7];
	_ =	sdelay $0x3  }
0x34: {  	[smem:$0x3FB7] =	sst s10  }
0x35: {  	s10 =	sld [smem:$0x3FB6];
	_ =	sdelay $0x3  }
0x36: {  	p1 =	seq.s32 s10, $0x1;
	s10 =	sld [smem:$0x3FB7];
	_ =	sdelay $0x3  }
0x37: {  	[smem:$0x3FB7] =	sst s10  }
0x38: {  	s10 =	sld [smem:$0x3FB8]  }
0x39: {  	_ = 	snop;
	(pc) =	sbr.ind lr, $3  }
0x3a: {  	_ = 	snop  }
0x3b: {  	_ = 	snop  }
0x3c: {  	p2 =	seq.s32 s10, $0x1;
	s10 =	sld [smem:$0x3FB7]  }
0x3d: {  	_ =	shalt  }
0x3e: {  	_ =	shalt  }
0x3f: {  	_ =	shalt  }
0x40: {  	_ =	shalt  }
0x41: {  	_ =	shalt  }
0x42: {  	_ =	shalt  }
0x43: {  	_ =	shalt  }
0x44: {  	_ =	shalt  }
0x45: {  	_ =	shalt  }
0x46: {  	_ =	shalt  }
0x47: {  	_ =	shalt  }
0x48: {  	_ =	shalt  }
0x49: {  	_ =	shalt  }
0x4a: {  	_ =	shalt  }
0x4b: {  	_ =	shalt  }
0x4c: {  	_ =	shalt  }
0x4d: {  	_ =	shalt  }
0x4e: {  	_ =	shalt  }
0x4f: {  	_ =	shalt  }
0x50: {  	_ =	shalt  }
0x51: {  	_ =	shalt  }
0x52: {  	_ =	shalt  }
0x53: {  	_ =	shalt  }
0x54: {  	_ =	shalt  }
0x55: {  	_ =	shalt  }
0x56: {  	_ =	shalt  }
0x57: {  	_ =	shalt  }
0x58: {  	_ =	shalt  }
0x59: {  	_ =	shalt  }
0x5a: {  	_ =	shalt  }
0x5b: {  	_ =	shalt  }
0x5c: {  	_ =	shalt  }
0x5d: {  	_ =	shalt  }
0x5e: {  	_ =	shalt  }
0x5f: {  	_ =	shalt  }
0x60: {  	_ =	shalt  }
0x61: {  	_ =	shalt  }
0x62: {  	_ =	shalt  }
0x63: {  	_ =	shalt  }
0x64: {  	_ =	shalt  }
0x65: {  	_ =	shalt  }
0x66: {  	_ =	shalt  }
0x67: {  	_ =	shalt  }
0x68: {  	_ =	shalt  }
0x69: {  	_ =	shalt  }
0x6a: {  	_ =	shalt  }
0x6b: {  	_ =	shalt  }
0x6c: {  	_ =	shalt  }
0x6d: {  	_ =	shalt  }
0x6e: {  	_ =	shalt  }
0x6f: {  	_ =	shalt  }
0x70: {  	_ =	shalt  }
0x71: {  	_ =	shalt  }
0x72: {  	_ =	shalt  }
0x73: {  	_ =	shalt  }
0x74: {  	_ =	shalt  }
0x75: {  	_ =	shalt  }
0x76: {  	_ =	shalt  }
0x77: {  	_ =	shalt  }
0x78: {  	_ =	shalt  }
0x79: {  	_ =	shalt  }
0x7a: {  	_ =	shalt  }
0x7b: {  	_ =	shalt  }
0x7c: {  	_ =	shalt  }
0x7d: {  	_ =	shalt  }
0x7e: {  	_ =	shalt  }
0x7f: {  	_ =	shalt  }
0x80: {  	_ =	shalt  }
0x81: {  	_ =	shalt  }
0x82: {  	_ =	shalt  }
0x83: {  	_ =	shalt  }
0x84: {  	_ =	shalt  }
0x85: {  	_ =	shalt  }
0x86: {  	_ =	shalt  }
0x87: {  	_ =	shalt  }
.Lfunc_end0:
.L_simem_size_0:
called_computation_lowered:
.L_overlay_start_0:
0x88: {  	s2 =	sld [smem:$0x3FD9]  }
0x89: {  	s3 =	sld [smem:$0x3FFE];
	_ =	sdelay $0x1  }
0x8a: {  	s1 =	srdreg.scid  }
0x8b: {  	s0 =	sand.u32 $0x1, s1  }
0x8c: {  	s17 =	sshll.u32 s0, $0xA;
	s2 =	sadd.s32 s3, s2  }
0x8d: {  	s2 =	sadd.s32 s2, s17  }
0x8e: {  	[smem:$0x3FC3] =	sst s2  }
0x8f: {  	_ = 	snop  }
0x90: {  	s2 =	sld [smem:$0x3FD0];
	(tm) =	ssettm $0x1  }
0x91: {  	s18 =	sld [smem:$0x3FFB];
	_ =	sdelay $0x3  }
0x92: {  	_ =	strace s18  }
0x93: {  	s3 =	sld [smem:$0x3FFC];
	_ =	sdelay $0x3  }
0x94: {  	_ =	strace s3  }
0x95: {  	s3 =	sld [smem:$0x3FFD];
	_ =	sdelay $0x3  }
0x96: {  	_ =	strace s3  }
0x97: {  	_ =	strace $0x8FFFFFFF  }
0x98: {  	s19 =	sld [smem:$0x3FDB];
	_ =	sdelay $0x1  }
0x99: {  	s4 =	simm.s32 $_scs_section_size  }
0x9a: {  	s5 =	simm.s32 $_size__tile_overlayer_lowered;
	s6 =	simm.s32 $_tile_overlayer_lowered  }
0x9b: {  	s22 =	simm.s32 $0x1BFF;
	s21 =	sshll.u32 s6, $0x1;
	s3 =	sadd.s32 s4, s19  }
0x9c: {  	s7 =	simm.s32 $0x0;
	s20 =	sshll.u32 s5, $0x1;
	s5 =	sadd.s32 s21, s3  }
0x9d: {  	[timem:s7], [sflag:s22] =	dma.local [hbm:s5], s20  }
0x9e: {  	_ =	swait.ge [sflag:s22], s20  }
0x9f: {  	s4 =	ssub.s32 $0x0, s20;
	[sflag:s22] =	ssyncset.done $0x0  }
0xa0: {  	[sflag:s22] =	ssyncadd.s32 s4;
	_ =	sdelay $0x1  }
0xa1: {  	s23 =	simm.s32 $0x1B8B  }
0xa2: {  	_ =	swait.ge [sflag:s23], $0x1  }
0xa3: {  	[sflag:s23] =	ssyncset.done $0x0  }
0xa4: {  	s25 =	simm.s32 $0x1B8E;
	s24 =	sld [smem:$0x3FFE];
	[sflag:s23] =	ssyncadd.s32 $0xFFFFFFFF  }
0xa5: {  	s26 =	simm.s32 $execute0_lowered;
	[smem:$0x3FD2] =	sst s25  }
0xa6: {  	s5 =	sshll.u32 s26, $0x1;
	_ =	strace $0x80000046;
	[dreg:$0x1] =	wrdreg $0xFFFFFFFF  }
0xa7: {  	s28 =	simm.s32 $_size_execute0_lowered;
	s3 =	sadd.s32 s3, s5;
	[dreg:$0x0] =	wrdreg $0x0  }
0xa8: {  	s5 =	sshll.u32 s28, $0x1;
	[dreg:$0x2] =	wrdreg s3  }
0xa9: {  	[dreg:$0x3] =	wrdreg s5  }
0xaa: {  	[dreg:$0x4] =	wrdreg $0xC0  }
0xab: {  	_ =	task [dreg:s7], $0x5FFFF  }
0xac: {  	[dreg:$0x1] =	wrdreg $0xFFFFFFFF  }
0xad: {  	[dreg:$0x0] =	wrdreg $0x60  }
0xae: {  	[dreg:$0x2] =	wrdreg s2  }
0xaf: {  	[dreg:$0x3] =	wrdreg s24  }
0xb0: {  	[dreg:$0x4] =	wrdreg $0x9B000  }
0xb1: {  	[dreg:$0x5] =	wrdreg $0x1DB000  }
0xb2: {  	[dreg:$0x6] =	wrdreg $0x9  }
0xb3: {  	_ =	task.clear_ibuf [dreg:s7], $0x7FFFF;
	_ =	strace $0x90000046  }
0xb4: {  	s29 =	simm.s32 $0x9;
	_ =	strace $0x80000048  }
0xb5: {  	_ =	swait.ge [sflag:s29], $0x1  }
0xb6: {  	[sflag:s29] =	ssyncadd.s32 $0xFFFFFFFF  }
0xb7: {  	_ =	strace $0x90000048  }
0xb8: {  	_ =	sfence  }
0xb9: {  	s30 =	sld [smem:$0x0];
	_ =	sdelay $0x2  }
0xba: {  	s31 =	sshll.u32 s1, $0xD;
	s1 =	sshrl.u32 s1, $0x2  }
0xbb: {  	s3 =	sand.u32 $0x4000, s31;
	s1 =	sadd.s32 s1, s30  }
0xbc: {  	s0 =	sor.u32 s3, s0;
	s1 =	sshll.u32 s1, $0x11  }
0xbd: {  	s0 =	sor.u32 s1, s0  }
0xbe: {  	s0 =	sadd.s32 $0x8F2B, s0  }
0xbf: {  	[sflag:s0] =	ssyncadd.remote.s32 $0x1  }
0xc0: {  	_ =	sfence.sel $0xFFFF  }
0xc1: {  	[dreg:$0x0] =	wrdreg $0xFFFFFFFF;
	(pc) =	sbr.abs _section_cstart, $3  }
0xc2: {  	[dreg:$0x1] =	wrdreg $0xFFFFFFFF  }
0xc3: {  	_ =	task.clear_ibuf [dreg:s7], $0x2FFFF;
	_ =	strace $0x9FFFFFFF  }
0xc4: {  	(tm) =	ssettm $0x7FFFFFFF  }
0xc5: {  	_ =	shalt  }
tec
execute0_lowered:
.L_overlay_start_1:
0x0: {  	(tag) =	ssettag $0x1  }
0x1: {  	s0 =	srdreg.scid;
	s10 =	stileid.u32  }
0x2: {  	s2 =	rddreg [dreg:$0x1];
	s3 =	smul.u32 $0x14000, s10  }
0x3: {  	s1 =	simm.s32 $0x0;
	s22 =	sand.u32 $0x1, s0;
	s16 =	smul.u32 $0x500, s10  }
0x4: {  	[smem:$0x7FF] =	sst s1;
	s4 =	sadd.s32 $0x1A00, s2;
	s9 =	smul.u32 $0x2800, s10  }
0x5: {  	s5 =	sadd.s32 $0x6A00, s2;
	s0 =	smul.u32 $0x140000, s22;
	s6 =	sshll.u32 s22, $0x7  }
0x6: {  	s6 =	sor.u32 s6, s16;
	s17 =	sadd.s32 s4, s16;
	s18 =	sadd.s32 s5, s16  }
0x7: {  	s0 =	sadd.s32 s3, s0;
	[dreg:$0x5] =	wrdreg s17;
	s3 =	sor.u32 $0x80, s16  }
0x8: {  	s19 =	sshrl.u32 s9, $0x3;
	[dreg:$0x6] =	wrdreg s18;
	s20 =	sadd.s32 s4, s3  }
0x9: {  	s21 =	sadd.s32 $0x100, s19;
	s3 =	sadd.s32 s5, s3;
	[dreg:$0x7] =	wrdreg s20  }
0xa: {  	s24 =	sadd.s32 $0x180, s19;
	s23 =	sadd.s32 s4, s21;
	[dreg:$0x8] =	wrdreg s3  }
0xb: {  	s26 =	sadd.s32 $0x200, s19;
	s25 =	sadd.s32 s4, s24;
	[dreg:$0x9] =	wrdreg s23  }
0xc: {  	s11 =	sadd.s32 $0x280, s19;
	s9 =	sadd.s32 s4, s26;
	[dreg:$0xb] =	wrdreg s25  }
0xd: {  	s13 =	sadd.s32 $0x300, s19;
	s12 =	sadd.s32 s4, s11;
	[dreg:$0xd] =	wrdreg s9  }
0xe: {  	s15 =	sadd.s32 $0x380, s19;
	s14 =	sadd.s32 s4, s13;
	[dreg:$0xf] =	wrdreg s12  }
0xf: {  	s17 =	sadd.s32 $0x400, s19;
	s16 =	sadd.s32 s4, s15;
	[dreg:$0x11] =	wrdreg s14  }
0x10: {  	s18 =	sadd.s32 s4, s17;
	[dreg:$0x13] =	wrdreg s16  }
0x11: {  	[dreg:$0x15] =	wrdreg s18  }
0x12: {  	s19 =	sadd.s32 $0x480, s19;
	s20 =	rddreg [dreg:$0x0]  }
0x13: {  	s4 =	sadd.s32 s4, s19;
	s3 =	sadd.s32 s5, s21;
	s21 =	rddreg [dreg:$0x2]  }
0x14: {  	s7 =	ssub.s32 $0x2, s22;
	[dreg:$0x17] =	wrdreg s4  }
0x15: {  	s8 =	sshrl.u32 s7, $0x1;
	[dreg:$0xa] =	wrdreg s3  }
0x16: {  	s6 =	sshrl.u32 s6, $0x3;
	s3 =	sadd.s32 s5, s24;
	s24 =	rddreg [dreg:$0x3]  }
0x17: {  	s0 =	sshrl.u32 s0, $0x3;
	[dreg:$0xc] =	wrdreg s3;
	s3 =	sadd.s32 s5, s26  }
0x18: {  	s0 =	sadd.s32 s0, s2;
	[dreg:$0xe] =	wrdreg s3;
	s3 =	sadd.s32 s5, s11  }
0x19: {  	s2 =	sadd.s32 s6, s2;
	[dreg:$0x10] =	wrdreg s3;
	s3 =	sadd.s32 s5, s13  }
0x1a: {  	s6 =	ssub.s32 s7, s8;
	[dreg:$0x12] =	wrdreg s3;
	s3 =	sadd.s32 s5, s15  }
0x1b: {  	s23 =	smul.u32 $0x50000, s10;
	[dreg:$0x14] =	wrdreg s3;
	s3 =	sadd.s32 s5, s17  }
0x1c: {  	s25 =	smul.u32 $0xA00, s10;
	[dreg:$0x16] =	wrdreg s3;
	s3 =	sadd.s32 s5, s19  }
0x1d: {  	s0 =	sadd.s32 $0xC400, s0;
	s9 =	sadd.s32 $0xBA00, s2;
	[dreg:$0x18] =	wrdreg s3  }
0x1e: {  	s7 =	sshrl.u32 s23, $0x2;
	_ =	strace $0x80000047;
	[dreg:$0x19] =	wrdreg s0  }
0x1f: {  	s10 =	smax.u32 s6, $0x1;
	s26 =	sadd.s32 s7, s21;
	[dreg:$0x1a] =	wrdreg s9  }
0x20: {  	s11 =	sadd.s32 $0x800, s26;
	[dreg:$0x1b] =	wrdreg s10  }
0x21: {  	s12 =	sadd.s32 $0x1000, s26;
	[dreg:$0x1c] =	wrdreg s11  }
0x22: {  	s13 =	sadd.s32 $0x1800, s26;
	[dreg:$0x1d] =	wrdreg s12  }
0x23: {  	s14 =	sadd.s32 $0x2000, s26;
	[dreg:$0x1e] =	wrdreg s13  }
0x24: {  	s15 =	sadd.s32 $0x2800, s26;
	[dreg:$0x1f] =	wrdreg s14  }
0x25: {  	s16 =	sadd.s32 $0x3000, s26;
	[smem:$0x7E3] =	sst s15  }
0x26: {  	s17 =	sadd.s32 $0x3800, s26;
	[smem:$0x7E4] =	sst s16  }
0x27: {  	s18 =	sadd.s32 $0x4000, s26;
	[smem:$0x7E5] =	sst s17  }
0x28: {  	s19 =	sadd.s32 $0x4800, s26;
	[smem:$0x7E6] =	sst s18  }
0x29: {  	s23 =	sadd.s32 $0x5000, s26;
	[smem:$0x7E7] =	sst s19  }
0x2a: {  	s8 =	sshrl.u32 s25, $0x2;
	s25 =	sadd.s32 $0x5800, s26;
	[smem:$0x7E8] =	sst s23  }
0x2b: {  	s2 =	sadd.s32 $0x6000, s26;
	[smem:$0x7E9] =	sst s25  }
0x2c: {  	s3 =	sadd.s32 $0x6800, s26;
	[smem:$0x7EA] =	sst s2  }
0x2d: {  	s4 =	sadd.s32 $0x7000, s26;
	[smem:$0x7EB] =	sst s3  }
0x2e: {  	s5 =	sadd.s32 $0x7800, s26;
	[smem:$0x7EC] =	sst s4  }
0x2f: {  	s6 =	sadd.s32 $0x8000, s26;
	[smem:$0x7ED] =	sst s5  }
0x30: {  	s7 =	sadd.s32 $0x8800, s26;
	[smem:$0x7EE] =	sst s6  }
0x31: {  	s28 =	sadd.s32 s8, s24;
	s8 =	sadd.s32 $0x9000, s26;
	[smem:$0x7EF] =	sst s7  }
0x32: {  	[smem:$0x7F0] =	sst s8;
	s9 =	sadd.s32 $0x9800, s26  }
0x33: {  	s10 =	sadd.s32 $0xA000, s26;
	[smem:$0x7F1] =	sst s9  }
0x34: {  	s11 =	sadd.s32 $0xA800, s26;
	[smem:$0x7F2] =	sst s10  }
0x35: {  	s12 =	sadd.s32 $0xB000, s26;
	[smem:$0x7F3] =	sst s11  }
0x36: {  	s29 =	simm.s32 $0x1000;
	s13 =	sadd.s32 $0xB800, s26;
	[smem:$0x7F4] =	sst s12  }
0x37: {  	s30 =	simm.s32 $0x1;
	s14 =	sadd.s32 $0xC000, s26;
	[smem:$0x7F5] =	sst s13  }
0x38: {  	s31 =	simm.s32 $0x3;
	s15 =	sadd.s32 $0xC800, s26;
	[smem:$0x7F6] =	sst s14  }
0x39: {  	p0 =	sne.s32 s22, $0x0;
	s16 =	sadd.s32 $0xD000, s26;
	[smem:$0x7F7] =	sst s15  }
0x3a: {  	p1 =	seq.s32 s22, $0x0;
	s17 =	sadd.s32 $0xD800, s26;
	[smem:$0x7F8] =	sst s16  }
0x3b: {  	v0 =	vmov s22;
	s22 =	simm.s32 $0x0;
	s18 =	sadd.s32 $0xE000, s26;
	[smem:$0x7F9] =	sst s17  }
0x3c: {  	s19 =	sadd.s32 $0xE800, s26;
	s23 =	sadd.s32 $0xF000, s26;
	[smem:$0x7FA] =	sst s18  }
0x3d: {  	s25 =	sadd.s32 $0xF800, s26;
	s6 =	sadd.s32 $0x10000, s26;
	[smem:$0x7FB] =	sst s19  }
0x3e: {  	s7 =	sadd.s32 $0x10800, s26;
	s8 =	sadd.s32 $0x11000, s26;
	[smem:$0x7FC] =	sst s23  }
.Ltmp0:
0x3f: {  	[smem:$0x7FD] =	sst s25;
	s9 =	sadd.s32 $0x11800, s26;
	(pc) =	sbr.rel .LBB2_1-.Ltmp0, $4  }
0x40: {  	s10 =	sadd.s32 $0x12000, s26;
	s11 =	sadd.s32 $0x12800, s26;
	s12 =	sadd.s32 $0x13000, s26  }
0x41: {  	s13 =	sadd.s32 $0x13800, s26;
	s14 =	simm.s32 $0x800;
	s15 =	simm.s32 $0x9080  }
0x42: {  	s16 =	simm.s32 $0x4;
	s17 =	simm.s32 $0x5;
	s18 =	simm.s32 $0x2  }
0x43: {  	v1 =	vimm.f32 $0.0e+00;
	v2 =	vimm.f32 $1.000000000e+00;
	s19 =	simm.s32 $0x400;
	s23 =	simm.s32 $0xC00;
	s25 =	simm.s32 $0x80  }
.LBB2_61:
0x44: {  	_ =	swait.ge [sflag:s31], $0x4000  }
0x45: {  	[sflag:s31] =	ssyncset.done $0x0  }
0x46: {  	s0 =	stileid.u32;
	[sflag:s31] =	ssyncadd.s32 $0xFFFFC000  }
0x47: {  	s0 =	sshll.u32 s0, $0x6;
	[bflag:$0x0] =	sbarrier.arrive $0xFFFF  }
0x48: {  	s2 =	sshrl.u32 s26, $0x3;
	s0 =	sor.u32 $0x1C05, s0;
	s3 =	rddreg [dreg:$0x19]  }
0x49: {  	[hbm:s3], [sflag:s0] =	dma.local [spmem:s2], $0x2800  }
0x4a: {  	_ =	swait.ge [sflag:s17], $0x2800  }
0x4b: {  	s4 =	simm.s32 $0x20;
	s5 =	simm.s32 $0x10;
	[sflag:s17] =	ssyncset.done $0x0  }
0x4c: {  	s2 =	sshrl.u32 s28, $0x3;
	s3 =	rddreg [dreg:$0x1a];
	[sflag:s17] =	ssyncadd.s32 $0xFFFFD800  }
0x4d: {  	[hbm:s3@s4], [sflag:s0] =	dma.strided [spmem:s2@s5], $0x50, s30, $0x10   }
0x4e: {  	_ =	swait.ge [sflag:s17], $0x50  }
0x4f: {  	s22 =	sadd.s32 $0x1, s22;
	s5 =	rddreg [dreg:$0x1b]  }
0x50: {  	p2 =	sne.s32 s22, s5  }
.Ltmp1:
0x51: {  	_ = 	snop;
	(pc) =	sbr.rel @!p2 .LBB2_62-.Ltmp1, $3  }
0x52: {  	_ =	sdelay $0x1  }
0x53: {  	[sflag:s17] =	ssyncset.done $0x0  }
0x54: {  	[sflag:s17] =	ssyncadd.s32 $0xFFFFFFB0  }
.LBB2_1:
0x55: {  	[tilespmem:$0x9080] =	vst v1  }
0x56: {  	[tilespmem:$0x9090] =	vst v1  }
0x57: {  	[tilespmem:$0x90A0] =	vst v1  }
0x58: {  	[tilespmem:$0x90B0] =	vst v1  }
0x59: {  	[tilespmem:$0x90C0] =	vst v1  }
0x5a: {  	[tilespmem:$0x90D0] =	vst v1  }
0x5b: {  	[tilespmem:$0x90E0] =	vst v1  }
0x5c: {  	[tilespmem:$0x90F0] =	vst v1  }
0x5d: {  	[tilespmem:$0x9100] =	vst v1  }
0x5e: {  	[tilespmem:$0x9110] =	vst v1  }
0x5f: {  	[tilespmem:$0x9120] =	vst v1  }
0x60: {  	[tilespmem:$0x9130] =	vst v1  }
0x61: {  	[tilespmem:$0x9140] =	vst v1  }
0x62: {  	[tilespmem:$0x9150] =	vst v1  }
0x63: {  	[tilespmem:$0x9160] =	vst v1  }
0x64: {  	[tilespmem:$0x9170] =	vst v1  }
0x65: {  	[tilespmem:$0x9180] =	vst v1  }
0x66: {  	[tilespmem:$0x9190] =	vst v1  }
0x67: {  	[tilespmem:$0x91A0] =	vst v1  }
0x68: {  	[tilespmem:$0x91B0] =	vst v1  }
0x69: {  	[tilespmem:$0x91C0] =	vst v1  }
0x6a: {  	[tilespmem:$0x91D0] =	vst v1  }
0x6b: {  	[tilespmem:$0x91E0] =	vst v1  }
0x6c: {  	[tilespmem:$0x91F0] =	vst v1  }
0x6d: {  	[tilespmem:$0x9200] =	vst v1  }
0x6e: {  	[tilespmem:$0x9210] =	vst v1  }
0x6f: {  	[tilespmem:$0x9220] =	vst v1  }
0x70: {  	[tilespmem:$0x9230] =	vst v1  }
0x71: {  	[tilespmem:$0x9240] =	vst v1  }
0x72: {  	[tilespmem:$0x9250] =	vst v1  }
0x73: {  	[tilespmem:$0x9260] =	vst v1  }
0x74: {  	[tilespmem:$0x9270] =	vst v1  }
0x75: {  	[tilespmem:$0x9280] =	vst v1  }
0x76: {  	[tilespmem:$0x9290] =	vst v1  }
0x77: {  	[tilespmem:$0x92A0] =	vst v1  }
0x78: {  	[tilespmem:$0x92B0] =	vst v1  }
0x79: {  	[tilespmem:$0x92C0] =	vst v1  }
0x7a: {  	[tilespmem:$0x92D0] =	vst v1  }
0x7b: {  	[tilespmem:$0x92E0] =	vst v1  }
0x7c: {  	[tilespmem:$0x92F0] =	vst v1  }
0x7d: {  	[tilespmem:$0x9300] =	vst v1  }
0x7e: {  	[tilespmem:$0x9310] =	vst v1  }
0x7f: {  	[tilespmem:$0x9320] =	vst v1  }
0x80: {  	[tilespmem:$0x9330] =	vst v1  }
0x81: {  	[tilespmem:$0x9340] =	vst v1  }
0x82: {  	[tilespmem:$0x9350] =	vst v1  }
0x83: {  	[tilespmem:$0x9360] =	vst v1  }
0x84: {  	[tilespmem:$0x9370] =	vst v1  }
0x85: {  	[tilespmem:$0x9380] =	vst v1  }
0x86: {  	[tilespmem:$0x9390] =	vst v1  }
0x87: {  	[tilespmem:$0x93A0] =	vst v1  }
0x88: {  	[tilespmem:$0x93B0] =	vst v1  }
0x89: {  	[tilespmem:$0x93C0] =	vst v1  }
0x8a: {  	[tilespmem:$0x93D0] =	vst v1  }
0x8b: {  	[tilespmem:$0x93E0] =	vst v1  }
0x8c: {  	[tilespmem:$0x93F0] =	vst v1  }
0x8d: {  	[tilespmem:$0x9400] =	vst v1  }
0x8e: {  	[tilespmem:$0x9410] =	vst v1  }
0x8f: {  	[tilespmem:$0x9420] =	vst v1  }
0x90: {  	[tilespmem:$0x9430] =	vst v1  }
0x91: {  	[tilespmem:$0x9440] =	vst v1  }
0x92: {  	[tilespmem:$0x9450] =	vst v1  }
0x93: {  	[tilespmem:$0x9460] =	vst v1  }
0x94: {  	[tilespmem:$0x9470] =	vst v1  }
0x95: {  	[tilespmem:$0x9480] =	vst v1  }
0x96: {  	[tilespmem:$0x9490] =	vst v1  }
0x97: {  	[tilespmem:$0x94A0] =	vst v1  }
0x98: {  	[tilespmem:$0x94B0] =	vst v1  }
0x99: {  	[tilespmem:$0x94C0] =	vst v1  }
0x9a: {  	[tilespmem:$0x94D0] =	vst v1  }
0x9b: {  	[tilespmem:$0x94E0] =	vst v1  }
0x9c: {  	[tilespmem:$0x94F0] =	vst v1  }
0x9d: {  	[tilespmem:$0x9500] =	vst v1  }
0x9e: {  	[tilespmem:$0x9510] =	vst v1  }
0x9f: {  	[tilespmem:$0x9520] =	vst v1  }
0xa0: {  	[tilespmem:$0x9530] =	vst v1  }
0xa1: {  	[tilespmem:$0x9540] =	vst v1  }
0xa2: {  	[tilespmem:$0x9550] =	vst v1  }
0xa3: {  	[tilespmem:$0x9560] =	vst v1  }
0xa4: {  	[tilespmem:$0x9570] =	vst v1  }
0xa5: {  	[tilespmem:$0x9580] =	vst v1  }
0xa6: {  	[tilespmem:$0x9590] =	vst v1  }
0xa7: {  	[tilespmem:$0x95A0] =	vst v1  }
0xa8: {  	[tilespmem:$0x95B0] =	vst v1  }
0xa9: {  	[tilespmem:$0x95C0] =	vst v1  }
0xaa: {  	[tilespmem:$0x95D0] =	vst v1  }
0xab: {  	[tilespmem:$0x95E0] =	vst v1  }
0xac: {  	[tilespmem:$0x95F0] =	vst v1  }
0xad: {  	[tilespmem:$0x9600] =	vst v1  }
0xae: {  	[tilespmem:$0x9610] =	vst v1  }
0xaf: {  	[tilespmem:$0x9620] =	vst v1  }
0xb0: {  	[tilespmem:$0x9630] =	vst v1  }
0xb1: {  	[tilespmem:$0x9640] =	vst v1  }
0xb2: {  	[tilespmem:$0x9650] =	vst v1  }
0xb3: {  	[tilespmem:$0x9660] =	vst v1  }
0xb4: {  	[tilespmem:$0x9670] =	vst v1  }
0xb5: {  	[tilespmem:$0x9680] =	vst v1  }
0xb6: {  	[tilespmem:$0x9690] =	vst v1  }
0xb7: {  	[tilespmem:$0x96A0] =	vst v1  }
0xb8: {  	[tilespmem:$0x96B0] =	vst v1  }
0xb9: {  	[tilespmem:$0x96C0] =	vst v1  }
0xba: {  	[tilespmem:$0x96D0] =	vst v1  }
0xbb: {  	[tilespmem:$0x96E0] =	vst v1  }
0xbc: {  	[tilespmem:$0x96F0] =	vst v1  }
0xbd: {  	[tilespmem:$0x9700] =	vst v1  }
0xbe: {  	[tilespmem:$0x9710] =	vst v1  }
0xbf: {  	[tilespmem:$0x9720] =	vst v1  }
0xc0: {  	[tilespmem:$0x9730] =	vst v1  }
0xc1: {  	[tilespmem:$0x9740] =	vst v1  }
0xc2: {  	[tilespmem:$0x9750] =	vst v1  }
0xc3: {  	[tilespmem:$0x9760] =	vst v1  }
0xc4: {  	[tilespmem:$0x9770] =	vst v1  }
0xc5: {  	[tilespmem:$0x9780] =	vst v1  }
0xc6: {  	[tilespmem:$0x9790] =	vst v1  }
0xc7: {  	[tilespmem:$0x97A0] =	vst v1  }
0xc8: {  	[tilespmem:$0x97B0] =	vst v1  }
0xc9: {  	[tilespmem:$0x97C0] =	vst v1  }
0xca: {  	[tilespmem:$0x97D0] =	vst v1  }
0xcb: {  	[tilespmem:$0x97E0] =	vst v1  }
0xcc: {  	[tilespmem:$0x97F0] =	vst v1  }
0xcd: {  	[tilespmem:$0x9800] =	vst v1  }
0xce: {  	[tilespmem:$0x9810] =	vst v1  }
0xcf: {  	[tilespmem:$0x9820] =	vst v1  }
0xd0: {  	[tilespmem:$0x9830] =	vst v1  }
0xd1: {  	[tilespmem:$0x9840] =	vst v1  }
0xd2: {  	[tilespmem:$0x9850] =	vst v1  }
0xd3: {  	[tilespmem:$0x9860] =	vst v1  }
0xd4: {  	[tilespmem:$0x9870] =	vst v1  }
0xd5: {  	[tilespmem:$0x9880] =	vst v1  }
0xd6: {  	[tilespmem:$0x9890] =	vst v1  }
0xd7: {  	[tilespmem:$0x98A0] =	vst v1  }
0xd8: {  	[tilespmem:$0x98B0] =	vst v1  }
0xd9: {  	[tilespmem:$0x98C0] =	vst v1  }
0xda: {  	[tilespmem:$0x98D0] =	vst v1  }
0xdb: {  	[tilespmem:$0x98E0] =	vst v1  }
0xdc: {  	[tilespmem:$0x98F0] =	vst v1  }
0xdd: {  	[tilespmem:$0x9900] =	vst v1  }
0xde: {  	[tilespmem:$0x9910] =	vst v1  }
0xdf: {  	[tilespmem:$0x9920] =	vst v1  }
0xe0: {  	[tilespmem:$0x9930] =	vst v1  }
0xe1: {  	[tilespmem:$0x9940] =	vst v1  }
0xe2: {  	[tilespmem:$0x9950] =	vst v1  }
0xe3: {  	[tilespmem:$0x9960] =	vst v1  }
0xe4: {  	[tilespmem:$0x9970] =	vst v1  }
0xe5: {  	[tilespmem:$0x9980] =	vst v1  }
0xe6: {  	[tilespmem:$0x9990] =	vst v1  }
0xe7: {  	[tilespmem:$0x99A0] =	vst v1  }
0xe8: {  	[tilespmem:$0x99B0] =	vst v1  }
0xe9: {  	[tilespmem:$0x99C0] =	vst v1  }
0xea: {  	[tilespmem:$0x99D0] =	vst v1  }
0xeb: {  	[tilespmem:$0x99E0] =	vst v1  }
0xec: {  	[tilespmem:$0x99F0] =	vst v1  }
0xed: {  	[tilespmem:$0x9A00] =	vst v1  }
0xee: {  	[tilespmem:$0x9A10] =	vst v1  }
0xef: {  	[tilespmem:$0x9A20] =	vst v1  }
0xf0: {  	[tilespmem:$0x9A30] =	vst v1  }
0xf1: {  	[tilespmem:$0x9A40] =	vst v1  }
0xf2: {  	[tilespmem:$0x9A50] =	vst v1  }
0xf3: {  	[tilespmem:$0x9A60] =	vst v1  }
0xf4: {  	[tilespmem:$0x9A70] =	vst v1  }
0xf5: {  	[tilespmem:$0x9A80] =	vst v1  }
0xf6: {  	[tilespmem:$0x9A90] =	vst v1  }
0xf7: {  	[tilespmem:$0x9AA0] =	vst v1  }
0xf8: {  	[tilespmem:$0x9AB0] =	vst v1  }
0xf9: {  	[tilespmem:$0x9AC0] =	vst v1  }
0xfa: {  	[tilespmem:$0x9AD0] =	vst v1  }
0xfb: {  	[tilespmem:$0x9AE0] =	vst v1  }
0xfc: {  	[tilespmem:$0x9AF0] =	vst v1  }
0xfd: {  	[tilespmem:$0x9000] =	vst v2  }
0xfe: {  	[tilespmem:$0x9010] =	vst v2  }
0xff: {  	[tilespmem:$0x9020] =	vst v2  }
0x100: {  	[tilespmem:$0x9030] =	vst v2  }
0x101: {  	[tilespmem:$0x9040] =	vst v2  }
0x102: {  	[tilespmem:$0x9050] =	vst v2  }
0x103: {  	[tilespmem:$0x9060] =	vst v2  }
0x104: {  	[tilespmem:$0x9070] =	vst v2;
	s0 =	rddreg [dreg:$0x5]  }
0x105: {  	[tilespmem:s1], [sflag:$0x2] =	stream.linear.gather [hbm4b:s0+s1], $0x400, $0x38;
	[tilespmem:$0x1DD80] =	vst v63  }
0x106: {  	s5 =	rddreg [dreg:$0x6]  }
0x107: {  	[tilespmem:s14], [sflag:$0x2] =	stream.linear.gather [hbm4b:s5+s1], $0x400, $0x38;
	[tilespmem:$0x1DD80] =	vst v63  }
0x108: {  	_ = 	snop  }
0x109: {  	[spmem:s26] =	stream.linear.scatter [tilespmem:s15], [sflag:$0x4], $0x800, $0x38;
	[tilespmem:$0x1DD80] =	vst v63  }
0x10a: {  	s2 =	rddreg [dreg:$0x1c]  }
0x10b: {  	[spmem:s2] =	stream.linear.scatter [tilespmem:s15], [sflag:$0x4], $0x800, $0x38;
	[tilespmem:$0x1DD80] =	vst v63  }
0x10c: {  	s3 =	rddreg [dreg:$0x1d]  }
0x10d: {  	[spmem:s3] =	stream.linear.scatter [tilespmem:s15], [sflag:$0x4], $0x800, $0x38;
	[tilespmem:$0x1DD80] =	vst v63  }
0x10e: {  	s4 =	rddreg [dreg:$0x1e]  }
0x10f: {  	[spmem:s4] =	stream.linear.scatter [tilespmem:s15], [sflag:$0x4], $0x800, $0x38;
	[tilespmem:$0x1DD80] =	vst v63  }
0x110: {  	s5 =	rddreg [dreg:$0x1f]  }
0x111: {  	[spmem:s5] =	stream.linear.scatter [tilespmem:s15], [sflag:$0x4], $0x800, $0x38;
	[tilespmem:$0x1DD80] =	vst v63  }
0x112: {  	_ =	swait.ge [sflag:s16], $0x800  }
0x113: {  	[sflag:s16] =	ssyncset.done $0x0  }
0x114: {  	[sflag:s16] =	ssyncadd.s32 $0xFFFFF800  }
0x115: {  	_ =	swait.ge [sflag:s16], $0x800  }
0x116: {  	[sflag:s16] =	ssyncset.done $0x0  }
0x117: {  	[sflag:s16] =	ssyncadd.s32 $0xFFFFF800  }
0x118: {  	_ =	swait.ge [sflag:s16], $0x800  }
0x119: {  	[sflag:s16] =	ssyncset.done $0x0  }
0x11a: {  	[sflag:s16] =	ssyncadd.s32 $0xFFFFF800  }
0x11b: {  	_ =	swait.ge [sflag:s16], $0x800  }
0x11c: {  	[sflag:s16] =	ssyncset.done $0x0  }
0x11d: {  	[sflag:s16] =	ssyncadd.s32 $0xFFFFF800  }
0x11e: {  	_ =	swait.ge [sflag:s16], $0x800  }
0x11f: {  	s2 =	sld [smem:$0x7E3]  }
0x120: {  	[sflag:s16] =	ssyncset.done $0x0  }
0x121: {  	s3 =	sld [smem:$0x7E4];
	[sflag:s16] =	ssyncadd.s32 $0xFFFFF800  }
0x122: {  	[spmem:s2] =	stream.linear.scatter [tilespmem:s15], [sflag:$0x4], $0x800, $0x38;
	[tilespmem:$0x1DD80] =	vst v63  }
0x123: {  	s4 =	sld [smem:$0x7E5]  }
0x124: {  	[spmem:s3] =	stream.linear.scatter [tilespmem:s15], [sflag:$0x4], $0x800, $0x38;
	[tilespmem:$0x1DD80] =	vst v63  }
0x125: {  	s5 =	sld [smem:$0x7E6]  }
0x126: {  	[spmem:s4] =	stream.linear.scatter [tilespmem:s15], [sflag:$0x4], $0x800, $0x38;
	[tilespmem:$0x1DD80] =	vst v63  }
0x127: {  	s2 =	sld [smem:$0x7E7]  }
0x128: {  	[spmem:s5] =	stream.linear.scatter [tilespmem:s15], [sflag:$0x4], $0x800, $0x38;
	[tilespmem:$0x1DD80] =	vst v63  }
0x129: {  	_ = 	snop  }
0x12a: {  	[spmem:s2] =	stream.linear.scatter [tilespmem:s15], [sflag:$0x4], $0x800, $0x38;
	[tilespmem:$0x1DD80] =	vst v63  }
0x12b: {  	_ =	swait.ge [sflag:s16], $0x800  }
0x12c: {  	[sflag:s16] =	ssyncset.done $0x0  }
0x12d: {  	[sflag:s16] =	ssyncadd.s32 $0xFFFFF800  }
0x12e: {  	_ =	swait.ge [sflag:s16], $0x800  }
0x12f: {  	[sflag:s16] =	ssyncset.done $0x0  }
0x130: {  	[sflag:s16] =	ssyncadd.s32 $0xFFFFF800  }
0x131: {  	_ =	swait.ge [sflag:s16], $0x800  }
0x132: {  	[sflag:s16] =	ssyncset.done $0x0  }
0x133: {  	[sflag:s16] =	ssyncadd.s32 $0xFFFFF800  }
0x134: {  	_ =	swait.ge [sflag:s16], $0x800  }
0x135: {  	[sflag:s16] =	ssyncset.done $0x0  }
0x136: {  	[sflag:s16] =	ssyncadd.s32 $0xFFFFF800  }
0x137: {  	_ =	swait.ge [sflag:s16], $0x800  }
0x138: {  	s3 =	sld [smem:$0x7E8]  }
0x139: {  	[sflag:s16] =	ssyncset.done $0x0  }
0x13a: {  	s4 =	sld [smem:$0x7E9];
	[sflag:s16] =	ssyncadd.s32 $0xFFFFF800  }
0x13b: {  	[spmem:s3] =	stream.linear.scatter [tilespmem:s15], [sflag:$0x4], $0x800, $0x38;
	[tilespmem:$0x1DD80] =	vst v63  }
0x13c: {  	s5 =	sld [smem:$0x7EA]  }
0x13d: {  	[spmem:s4] =	stream.linear.scatter [tilespmem:s15], [sflag:$0x4], $0x800, $0x38;
	[tilespmem:$0x1DD80] =	vst v63  }
0x13e: {  	s2 =	sld [smem:$0x7EB]  }
0x13f: {  	[spmem:s5] =	stream.linear.scatter [tilespmem:s15], [sflag:$0x4], $0x800, $0x38;
	[tilespmem:$0x1DD80] =	vst v63  }
0x140: {  	s3 =	sld [smem:$0x7EC]  }
0x141: {  	[spmem:s2] =	stream.linear.scatter [tilespmem:s15], [sflag:$0x4], $0x800, $0x38;
	[tilespmem:$0x1DD80] =	vst v63  }
0x142: {  	_ = 	snop  }
0x143: {  	[spmem:s3] =	stream.linear.scatter [tilespmem:s15], [sflag:$0x4], $0x800, $0x38;
	[tilespmem:$0x1DD80] =	vst v63  }
0x144: {  	_ =	swait.ge [sflag:s16], $0x800  }
0x145: {  	[sflag:s16] =	ssyncset.done $0x0  }
0x146: {  	[sflag:s16] =	ssyncadd.s32 $0xFFFFF800  }
0x147: {  	_ =	swait.ge [sflag:s16], $0x800  }
0x148: {  	[sflag:s16] =	ssyncset.done $0x0  }
0x149: {  	[sflag:s16] =	ssyncadd.s32 $0xFFFFF800  }
0x14a: {  	_ =	swait.ge [sflag:s16], $0x800  }
0x14b: {  	[sflag:s16] =	ssyncset.done $0x0  }
0x14c: {  	[sflag:s16] =	ssyncadd.s32 $0xFFFFF800  }
0x14d: {  	_ =	swait.ge [sflag:s16], $0x800  }
0x14e: {  	[sflag:s16] =	ssyncset.done $0x0  }
0x14f: {  	[sflag:s16] =	ssyncadd.s32 $0xFFFFF800  }
0x150: {  	_ =	swait.ge [sflag:s16], $0x800  }
0x151: {  	s4 =	sld [smem:$0x7ED]  }
0x152: {  	[sflag:s16] =	ssyncset.done $0x0  }
0x153: {  	s5 =	sld [smem:$0x7EE];
	[sflag:s16] =	ssyncadd.s32 $0xFFFFF800  }
0x154: {  	[spmem:s4] =	stream.linear.scatter [tilespmem:s15], [sflag:$0x4], $0x800, $0x38;
	[tilespmem:$0x1DD80] =	vst v63  }
0x155: {  	s2 =	sld [smem:$0x7EF]  }
0x156: {  	[spmem:s5] =	stream.linear.scatter [tilespmem:s15], [sflag:$0x4], $0x800, $0x38;
	[tilespmem:$0x1DD80] =	vst v63  }
0x157: {  	s3 =	sld [smem:$0x7F0]  }
0x158: {  	[spmem:s2] =	stream.linear.scatter [tilespmem:s15], [sflag:$0x4], $0x800, $0x38;
	[tilespmem:$0x1DD80] =	vst v63  }
0x159: {  	s4 =	sld [smem:$0x7F1]  }
0x15a: {  	[spmem:s3] =	stream.linear.scatter [tilespmem:s15], [sflag:$0x4], $0x800, $0x38;
	[tilespmem:$0x1DD80] =	vst v63  }
0x15b: {  	_ = 	snop  }
0x15c: {  	[spmem:s4] =	stream.linear.scatter [tilespmem:s15], [sflag:$0x4], $0x800, $0x38;
	[tilespmem:$0x1DD80] =	vst v63  }
0x15d: {  	_ =	swait.ge [sflag:s16], $0x800  }
0x15e: {  	[sflag:s16] =	ssyncset.done $0x0  }
0x15f: {  	[sflag:s16] =	ssyncadd.s32 $0xFFFFF800  }
0x160: {  	_ =	swait.ge [sflag:s16], $0x800  }
0x161: {  	[sflag:s16] =	ssyncset.done $0x0  }
0x162: {  	[sflag:s16] =	ssyncadd.s32 $0xFFFFF800  }
0x163: {  	_ =	swait.ge [sflag:s16], $0x800  }
0x164: {  	[sflag:s16] =	ssyncset.done $0x0  }
0x165: {  	[sflag:s16] =	ssyncadd.s32 $0xFFFFF800  }
0x166: {  	_ =	swait.ge [sflag:s16], $0x800  }
0x167: {  	[sflag:s16] =	ssyncset.done $0x0  }
0x168: {  	[sflag:s16] =	ssyncadd.s32 $0xFFFFF800  }
0x169: {  	_ =	swait.ge [sflag:s16], $0x800  }
0x16a: {  	s5 =	sld [smem:$0x7F2]  }
0x16b: {  	[sflag:s16] =	ssyncset.done $0x0  }
0x16c: {  	s2 =	sld [smem:$0x7F3];
	[sflag:s16] =	ssyncadd.s32 $0xFFFFF800  }
0x16d: {  	[spmem:s5] =	stream.linear.scatter [tilespmem:s15], [sflag:$0x4], $0x800, $0x38;
	[tilespmem:$0x1DD80] =	vst v63  }
0x16e: {  	s3 =	sld [smem:$0x7F4]  }
0x16f: {  	[spmem:s2] =	stream.linear.scatter [tilespmem:s15], [sflag:$0x4], $0x800, $0x38;
	[tilespmem:$0x1DD80] =	vst v63  }
0x170: {  	s4 =	sld [smem:$0x7F5]  }
0x171: {  	[spmem:s3] =	stream.linear.scatter [tilespmem:s15], [sflag:$0x4], $0x800, $0x38;
	[tilespmem:$0x1DD80] =	vst v63  }
0x172: {  	s5 =	sld [smem:$0x7F6]  }
0x173: {  	[spmem:s4] =	stream.linear.scatter [tilespmem:s15], [sflag:$0x4], $0x800, $0x38;
	[tilespmem:$0x1DD80] =	vst v63  }
0x174: {  	_ = 	snop  }
0x175: {  	[spmem:s5] =	stream.linear.scatter [tilespmem:s15], [sflag:$0x4], $0x800, $0x38;
	[tilespmem:$0x1DD80] =	vst v63  }
0x176: {  	_ =	swait.ge [sflag:s16], $0x800  }
0x177: {  	[sflag:s16] =	ssyncset.done $0x0  }
0x178: {  	[sflag:s16] =	ssyncadd.s32 $0xFFFFF800  }
0x179: {  	_ =	swait.ge [sflag:s16], $0x800  }
0x17a: {  	[sflag:s16] =	ssyncset.done $0x0  }
0x17b: {  	[sflag:s16] =	ssyncadd.s32 $0xFFFFF800  }
0x17c: {  	_ =	swait.ge [sflag:s16], $0x800  }
0x17d: {  	[sflag:s16] =	ssyncset.done $0x0  }
0x17e: {  	[sflag:s16] =	ssyncadd.s32 $0xFFFFF800  }
0x17f: {  	_ =	swait.ge [sflag:s16], $0x800  }
0x180: {  	[sflag:s16] =	ssyncset.done $0x0  }
0x181: {  	[sflag:s16] =	ssyncadd.s32 $0xFFFFF800  }
0x182: {  	_ =	swait.ge [sflag:s16], $0x800  }
0x183: {  	s2 =	sld [smem:$0x7F7]  }
0x184: {  	[sflag:s16] =	ssyncset.done $0x0  }
0x185: {  	s3 =	sld [smem:$0x7F8];
	[sflag:s16] =	ssyncadd.s32 $0xFFFFF800  }
0x186: {  	[spmem:s2] =	stream.linear.scatter [tilespmem:s15], [sflag:$0x4], $0x800, $0x38;
	[tilespmem:$0x1DD80] =	vst v63  }
0x187: {  	s4 =	sld [smem:$0x7F9]  }
0x188: {  	[spmem:s3] =	stream.linear.scatter [tilespmem:s15], [sflag:$0x4], $0x800, $0x38;
	[tilespmem:$0x1DD80] =	vst v63  }
0x189: {  	s5 =	sld [smem:$0x7FA]  }
0x18a: {  	[spmem:s4] =	stream.linear.scatter [tilespmem:s15], [sflag:$0x4], $0x800, $0x38;
	[tilespmem:$0x1DD80] =	vst v63  }
0x18b: {  	s2 =	sld [smem:$0x7FB]  }
0x18c: {  	[spmem:s5] =	stream.linear.scatter [tilespmem:s15], [sflag:$0x4], $0x800, $0x38;
	[tilespmem:$0x1DD80] =	vst v63  }
0x18d: {  	_ = 	snop  }
0x18e: {  	[spmem:s2] =	stream.linear.scatter [tilespmem:s15], [sflag:$0x4], $0x800, $0x38;
	[tilespmem:$0x1DD80] =	vst v63  }
0x18f: {  	_ =	swait.ge [sflag:s16], $0x800  }
0x190: {  	[sflag:s16] =	ssyncset.done $0x0  }
0x191: {  	[sflag:s16] =	ssyncadd.s32 $0xFFFFF800  }
0x192: {  	_ =	swait.ge [sflag:s16], $0x800  }
0x193: {  	[sflag:s16] =	ssyncset.done $0x0  }
0x194: {  	[sflag:s16] =	ssyncadd.s32 $0xFFFFF800  }
0x195: {  	_ =	swait.ge [sflag:s16], $0x800  }
0x196: {  	[sflag:s16] =	ssyncset.done $0x0  }
0x197: {  	[sflag:s16] =	ssyncadd.s32 $0xFFFFF800  }
0x198: {  	_ =	swait.ge [sflag:s16], $0x800  }
0x199: {  	[sflag:s16] =	ssyncset.done $0x0  }
0x19a: {  	[sflag:s16] =	ssyncadd.s32 $0xFFFFF800  }
0x19b: {  	_ =	swait.ge [sflag:s16], $0x800  }
0x19c: {  	s3 =	sld [smem:$0x7FC]  }
0x19d: {  	[sflag:s16] =	ssyncset.done $0x0  }
0x19e: {  	s4 =	sld [smem:$0x7FD];
	[sflag:s16] =	ssyncadd.s32 $0xFFFFF800  }
0x19f: {  	[spmem:s3] =	stream.linear.scatter [tilespmem:s15], [sflag:$0x4], $0x800, $0x38;
	[tilespmem:$0x1DD80] =	vst v63  }
0x1a0: {  	_ = 	snop  }
0x1a1: {  	[spmem:s4] =	stream.linear.scatter [tilespmem:s15], [sflag:$0x4], $0x800, $0x38;
	[tilespmem:$0x1DD80] =	vst v63  }
0x1a2: {  	_ = 	snop  }
0x1a3: {  	[spmem:s6] =	stream.linear.scatter [tilespmem:s15], [sflag:$0x4], $0x800, $0x38;
	[tilespmem:$0x1DD80] =	vst v63  }
0x1a4: {  	_ = 	snop  }
0x1a5: {  	[spmem:s7] =	stream.linear.scatter [tilespmem:s15], [sflag:$0x4], $0x800, $0x38;
	[tilespmem:$0x1DD80] =	vst v63  }
0x1a6: {  	_ = 	snop  }
0x1a7: {  	[spmem:s8] =	stream.linear.scatter [tilespmem:s15], [sflag:$0x4], $0x800, $0x38;
	[tilespmem:$0x1DD80] =	vst v63  }
0x1a8: {  	_ =	swait.ge [sflag:s16], $0x800  }
0x1a9: {  	[sflag:s16] =	ssyncset.done $0x0  }
0x1aa: {  	[sflag:s16] =	ssyncadd.s32 $0xFFFFF800  }
0x1ab: {  	_ =	swait.ge [sflag:s16], $0x800  }
0x1ac: {  	[sflag:s16] =	ssyncset.done $0x0  }
0x1ad: {  	[sflag:s16] =	ssyncadd.s32 $0xFFFFF800  }
0x1ae: {  	_ =	swait.ge [sflag:s16], $0x800  }
0x1af: {  	[sflag:s16] =	ssyncset.done $0x0  }
0x1b0: {  	[sflag:s16] =	ssyncadd.s32 $0xFFFFF800  }
0x1b1: {  	_ =	swait.ge [sflag:s16], $0x800  }
0x1b2: {  	[sflag:s16] =	ssyncset.done $0x0  }
0x1b3: {  	[sflag:s16] =	ssyncadd.s32 $0xFFFFF800  }
0x1b4: {  	_ =	swait.ge [sflag:s16], $0x800  }
0x1b5: {  	[sflag:s16] =	ssyncset.done $0x0  }
0x1b6: {  	[sflag:s16] =	ssyncadd.s32 $0xFFFFF800  }
0x1b7: {  	[spmem:s9] =	stream.linear.scatter [tilespmem:s15], [sflag:$0x4], $0x800, $0x38;
	[tilespmem:$0x1DD80] =	vst v63  }
0x1b8: {  	_ = 	snop  }
0x1b9: {  	[spmem:s10] =	stream.linear.scatter [tilespmem:s15], [sflag:$0x4], $0x800, $0x38;
	[tilespmem:$0x1DD80] =	vst v63  }
0x1ba: {  	_ = 	snop  }
0x1bb: {  	[spmem:s11] =	stream.linear.scatter [tilespmem:s15], [sflag:$0x4], $0x800, $0x38;
	[tilespmem:$0x1DD80] =	vst v63  }
0x1bc: {  	_ = 	snop  }
0x1bd: {  	[spmem:s12] =	stream.linear.scatter [tilespmem:s15], [sflag:$0x4], $0x800, $0x38;
	[tilespmem:$0x1DD80] =	vst v63  }
0x1be: {  	_ = 	snop  }
0x1bf: {  	[spmem:s13] =	stream.linear.scatter [tilespmem:s15], [sflag:$0x4], $0x800, $0x38;
	[tilespmem:$0x1DD80] =	vst v63  }
0x1c0: {  	_ =	swait.ge [sflag:s16], $0x800  }
0x1c1: {  	[sflag:s16] =	ssyncset.done $0x0  }
0x1c2: {  	[sflag:s16] =	ssyncadd.s32 $0xFFFFF800  }
0x1c3: {  	_ =	swait.ge [sflag:s16], $0x800  }
0x1c4: {  	[sflag:s16] =	ssyncset.done $0x0  }
0x1c5: {  	[sflag:s16] =	ssyncadd.s32 $0xFFFFF800  }
0x1c6: {  	_ =	swait.ge [sflag:s16], $0x800  }
0x1c7: {  	[sflag:s16] =	ssyncset.done $0x0  }
0x1c8: {  	[sflag:s16] =	ssyncadd.s32 $0xFFFFF800  }
0x1c9: {  	_ =	swait.ge [sflag:s16], $0x800  }
0x1ca: {  	[sflag:s16] =	ssyncset.done $0x0  }
0x1cb: {  	[sflag:s16] =	ssyncadd.s32 $0xFFFFF800  }
0x1cc: {  	_ =	swait.ge [sflag:s16], $0x800  }
0x1cd: {  	[sflag:s16] =	ssyncset.done $0x0  }
0x1ce: {  	s5 =	simm.s32 $0x9880;
	[sflag:s16] =	ssyncadd.s32 $0xFFFFF800  }
0x1cf: {  	[spmem:s28] =	stream.linear.scatter [tilespmem:s5], [sflag:$0x5], $0x280, $0x38;
	[tilespmem:$0x1DD80] =	vst v63  }
0x1d0: {  	_ =	swait.ge [sflag:s17], $0x280  }
0x1d1: {  	[sflag:s17] =	ssyncset.done $0x0  }
0x1d2: {  	[sflag:s17] =	ssyncadd.s32 $0xFFFFFD80  }
0x1d3: {  	[bflag:$0x0] =	sbarrier.arrive $0xFFFF  }
0x1d4: {  	_ =	swait.ge [sflag:s18], $0x400  }
0x1d5: {  	[sflag:s18] =	ssyncset.done $0x0  }
0x1d6: {  	[sflag:s18] =	ssyncadd.s32 $0xFFFFFC00  }
0x1d7: {  	_ =	swait.ge [sflag:s18], $0x400  }
0x1d8: {  	[sflag:s18] =	ssyncset.done $0x0  }
0x1d9: {  	s4 =	sand.u32 $0xE00, s1;
	s2 =	rddreg [dreg:$0x7];
	[sflag:s18] =	ssyncadd.s32 $0xFFFFFC00  }
0x1da: {  	[tilespmem:s19], [sflag:$0x2] =	stream.linear.gather [hbm4b:s2+s1], $0x400, $0x38;
	[tilespmem:$0x1DD80] =	vst v63  }
0x1db: {  	s0 =	sshrl.u32 s4, $0x2;
	s2 =	sand.u32 $0x70, s1  }
0x1dc: {  	s3 =	rddreg [dreg:$0x8];
	s0 =	sor.u32 s2, s0  }
0x1dd: {  	[tilespmem:s23], [sflag:$0x2] =	stream.linear.gather [hbm4b:s3+s1], $0x400, $0x38;
	[tilespmem:$0x1DD80] =	vst v63  }
0x1de: {  	v3 =	vld [tilespmem:s0+$0x0];
	_ =	sdelay $0x3  }
0x1df: {  	s5 =	simm.s32 $0x40  }
0x1e0: {  	s4 =	sand.u32 $0xE00, s5;
	s2 =	simm.s32 $0x80;
	s3 =	simm.s32 $0x10;
	v3 =	vshll.u32 v3, $0x1  }
.LBB2_2:
0x1e1: {  	p2 =	sne.s32 s2, $0xFC0;
	s5 =	sand.u32 $0x70, s3;
	s4 =	sshrl.u32 s4, $0x2;
	v3 =	vor.u32 v0, v3  }
0x1e2: {  	[tilespmem:s0+$0x0] =	vst v3;
	s0 =	sor.u32 s5, s4  }
0x1e3: {  	v3 =	vld [tilespmem:s0+$0x0]  }
.Ltmp2:
0x1e4: {  	(pc) =	sbr.rel @p2 .LBB2_2-.Ltmp2, $2  }
0x1e5: {  	_ =	sdelay $0x2  }
0x1e6: {  	s3 =	sadd.s32 $0x10, s3;
	s4 =	sand.u32 $0xE00, s2;
	s2 =	sadd.s32 $0x40, s2;
	v3 =	vshll.u32 v3, $0x1  }
0x1e7: {  	s2 =	sand.u32 $0x70, s3;
	s5 =	sshrl.u32 s4, $0x2;
	v3 =	vor.u32 v0, v3  }
0x1e8: {  	s2 =	sor.u32 s2, s5;
	[tilespmem:s0+$0x0] =	vst v3  }
0x1e9: {  	v3 =	vld [tilespmem:s2+$0x0];
	_ =	sdelay $0x3  }
.Ltmp3:
0x1ea: {  	_ = 	snop;
	(pc) =	sbr.rel .LBB2_4-.Ltmp3, $4  }
0x1eb: {  	v3 =	vshll.u32 v3, $0x1  }
0x1ec: {  	v3 =	vor.u32 v0, v3  }
0x1ed: {  	s0 =	simm.s32 $0x0;
	[tilespmem:s2+$0x0] =	vst v3  }
0x1ee: {  	[tilespmem:s29], [sflag:$0x1] =	stream.indirect.gather [hbm4b:s20+s25], $0x80, s0, s25, $0xb8;
	[tilespmem:$0x1DD80] =	vst v63  }
.LBB2_6:
0x1ef: {  	s0 =	simm.s32 @!p0 $0x80;
	s3 =	simm.s32 @!p0 $0x9000;
	p2 =	slt.u32 s4, $0x8  }
0x1f0: {  	[spmem:s24] =	stream.indirect.scatter.add.f32 @!p0 [tilespmem:s3], [sflag:$0x5], $0x1, s2, s0, $0xb8;
	[tilespmem:$0x1DD80] =	vst v63  }
.Ltmp4:
0x1f1: {  	_ = 	snop;
	(pc) =	sbr.rel @!p2 .LBB2_7-.Ltmp4, $4  }
0x1f2: {  	s0 =	simm.s32 @!p0 $0x5  }
0x1f3: {  	_ =	swait.ge @!p0 [sflag:s0], $0x80  }
0x1f4: {  	[sflag:s0] =	ssyncset.done @!p0 $0x0  }
0x1f5: {  	[sflag:s0] =	ssyncadd.s32 @!p0 $0xFFFFFF80;
	s0 =	smov.u32 s4  }
.LBB2_4:
0x1f6: {  	s2 =	sand.u32 $0x1, s0;
	_ =	swait.ge [sflag:s30], $0x4000  }
0x1f7: {  	s4 =	sshll.u32 s0, $0x7;
	p2 =	seq.s32 s0, $0x0;
	s3 =	sshll.u32 s2, $0xE  }
0x1f8: {  	[sflag:s30] =	ssyncset.done $0x0;
	s4 =	sand.u32 $0x3FFFFF80, s4;
	p3 =	seq.s32 @!p2 s0, $0x7  }
0x1f9: {  	s5 =	sor.u32 $0x1000, s3;
	[sflag:s30] =	ssyncadd.s32 $0xFFFFC000;
	p3 =	por p2, !p3  }
.Ltmp5:
0x1fa: {  	s2 =	sadd.s32 $0x800, s4;
	s4 =	simm.s32 @!p2 $0x3;
	(pc) =	sbr.rel @!p3 .LBB2_6-.Ltmp5, $4  }
0x1fb: {  	[spmem:s21] =	stream.indirect.scatter.add.f32 [tilespmem:s5], [sflag:$0x3], $0x80, s2, s25, $0xb8;
	[tilespmem:$0x1DD80] =	vst v63  }
0x1fc: {  	_ =	swait.ge @!p2 [sflag:s4], $0x4000  }
0x1fd: {  	[sflag:s4] =	ssyncset.done @!p2 $0x0  }
0x1fe: {  	[sflag:s4] =	ssyncadd.s32 @!p2 $0xFFFFC000;
	s4 =	simm.s32 @!p2 $0x8  }
.Ltmp6:
0x1ff: {  	s4 =	sadd.s32 @!p2 $0x1, s0;
	(pc) =	sbr.rel .LBB2_6-.Ltmp6, $4  }
0x200: {  	s4 =	simm.s32 @p2 $0x1  }
0x201: {  	s3 =	sxor.u32 $0x4000, s3;
	s5 =	sshll.u32 s4, $0x7  }
0x202: {  	s0 =	sor.u32 $0x1000, s3;
	s3 =	sand.u32 $0x3FFFFF80, s5  }
0x203: {  	[tilespmem:s0], [sflag:$0x1] =	stream.indirect.gather [hbm4b:s20+s25], $0x80, s3, s25, $0xb8;
	[tilespmem:$0x1DD80] =	vst v63  }
.LBB2_7:
0x204: {  	_ =	swait.ge [sflag:s31], $0x4000  }
0x205: {  	[sflag:s31] =	ssyncset.done $0x0  }
0x206: {  	[sflag:s31] =	ssyncadd.s32 $0xFFFFC000  }
0x207: {  	_ =	swait.ge [sflag:s18], $0x400  }
0x208: {  	[sflag:s18] =	ssyncset.done $0x0  }
0x209: {  	[sflag:s18] =	ssyncadd.s32 $0xFFFFFC00  }
0x20a: {  	_ =	swait.ge [sflag:s18], $0x400  }
0x20b: {  	[sflag:s18] =	ssyncset.done $0x0  }
0x20c: {  	s0 =	simm.s32 $0x0;
	s2 =	rddreg [dreg:$0x9];
	[sflag:s18] =	ssyncadd.s32 $0xFFFFFC00  }
0x20d: {  	[tilespmem:s0], [sflag:$0x2] =	stream.linear.gather [hbm4b:s2+s0], $0x400, $0x38;
	[tilespmem:$0x1DD80] =	vst v63  }
0x20e: {  	s4 =	sand.u32 $0xE00, s0;
	s3 =	rddreg [dreg:$0xa]  }
0x20f: {  	[tilespmem:s14], [sflag:$0x2] =	stream.linear.gather [hbm4b:s3+s0], $0x400, $0x38;
	[tilespmem:$0x1DD80] =	vst v63  }
0x210: {  	s2 =	sshrl.u32 s4, $0x2;
	s0 =	sand.u32 $0x70, s0  }
0x211: {  	s0 =	sor.u32 s0, s2  }
0x212: {  	v3 =	vld [tilespmem:s0+$0x400];
	_ =	sdelay $0x3  }
0x213: {  	s5 =	simm.s32 $0x40  }
0x214: {  	s4 =	sand.u32 $0xE00, s5;
	s3 =	simm.s32 $0x10;
	s2 =	simm.s32 $0x80;
	v3 =	vshll.u32 v3, $0x1  }
.LBB2_8:
0x215: {  	p2 =	sne.s32 s2, $0xFC0;
	s5 =	sand.u32 $0x70, s3;
	s4 =	sshrl.u32 s4, $0x2;
	v3 =	vor.u32 v0, v3  }
0x216: {  	[tilespmem:s0+$0x400] =	vst v3;
	s0 =	sor.u32 s5, s4  }
0x217: {  	v3 =	vld [tilespmem:s0+$0x400]  }
.Ltmp7:
0x218: {  	(pc) =	sbr.rel @p2 .LBB2_8-.Ltmp7, $2  }
0x219: {  	_ =	sdelay $0x2  }
0x21a: {  	s3 =	sadd.s32 $0x10, s3;
	s4 =	sand.u32 $0xE00, s2;
	s2 =	sadd.s32 $0x40, s2;
	v3 =	vshll.u32 v3, $0x1  }
0x21b: {  	s2 =	sand.u32 $0x70, s3;
	s5 =	sshrl.u32 s4, $0x2;
	v3 =	vor.u32 v0, v3  }
0x21c: {  	s2 =	sor.u32 s2, s5;
	[tilespmem:s0+$0x400] =	vst v3  }
0x21d: {  	v3 =	vld [tilespmem:s2+$0x400];
	_ =	sdelay $0x3  }
.Ltmp8:
0x21e: {  	_ = 	snop;
	(pc) =	sbr.rel .LBB2_10-.Ltmp8, $4  }
0x21f: {  	v3 =	vshll.u32 v3, $0x1  }
0x220: {  	v3 =	vor.u32 v0, v3  }
0x221: {  	s0 =	simm.s32 $0x0;
	[tilespmem:s2+$0x400] =	vst v3  }
0x222: {  	[tilespmem:s29], [sflag:$0x1] =	stream.indirect.gather [hbm4b:s20+s25], $0x80, s19, s25, $0xb8;
	[tilespmem:$0x1DD80] =	vst v63  }
.LBB2_12:
0x223: {  	s0 =	simm.s32 @!p0 $0x80;
	s3 =	simm.s32 @!p0 $0x9000;
	p2 =	slt.u32 s4, $0x8  }
0x224: {  	[spmem:s24] =	stream.indirect.scatter.add.f32 @!p0 [tilespmem:s3], [sflag:$0x5], $0x1, s2, s0, $0xb8;
	[tilespmem:$0x1DD80] =	vst v63  }
.Ltmp9:
0x225: {  	_ = 	snop;
	(pc) =	sbr.rel @!p2 .LBB2_13-.Ltmp9, $4  }
0x226: {  	s0 =	simm.s32 @!p0 $0x5  }
0x227: {  	_ =	swait.ge @!p0 [sflag:s0], $0x80  }
0x228: {  	[sflag:s0] =	ssyncset.done @!p0 $0x0  }
0x229: {  	[sflag:s0] =	ssyncadd.s32 @!p0 $0xFFFFFF80;
	s0 =	smov.u32 s4  }
.LBB2_10:
0x22a: {  	s2 =	sand.u32 $0x1, s0;
	_ =	swait.ge [sflag:s30], $0x4000  }
0x22b: {  	s4 =	sshll.u32 s0, $0x7;
	p2 =	seq.s32 s0, $0x0;
	s3 =	sshll.u32 s2, $0xE  }
0x22c: {  	[sflag:s30] =	ssyncset.done $0x0;
	s4 =	sand.u32 $0x3FFFFF80, s4;
	p3 =	seq.s32 @!p2 s0, $0x7  }
0x22d: {  	s5 =	sor.u32 $0x1000, s3;
	[sflag:s30] =	ssyncadd.s32 $0xFFFFC000;
	p3 =	por p2, !p3  }
.Ltmp10:
0x22e: {  	s2 =	sadd.s32 $0xC00, s4;
	s4 =	simm.s32 @!p2 $0x3;
	(pc) =	sbr.rel @!p3 .LBB2_12-.Ltmp10, $4  }
0x22f: {  	[spmem:s21] =	stream.indirect.scatter.add.f32 [tilespmem:s5], [sflag:$0x3], $0x80, s2, s25, $0xb8;
	[tilespmem:$0x1DD80] =	vst v63  }
0x230: {  	_ =	swait.ge @!p2 [sflag:s4], $0x4000  }
0x231: {  	[sflag:s4] =	ssyncset.done @!p2 $0x0  }
0x232: {  	[sflag:s4] =	ssyncadd.s32 @!p2 $0xFFFFC000;
	s4 =	simm.s32 @!p2 $0x8  }
0x233: {  	s4 =	sadd.s32 @!p2 $0x1, s0  }
.Ltmp11:
0x234: {  	s4 =	simm.s32 @p2 $0x1;
	(pc) =	sbr.rel .LBB2_12-.Ltmp11, $4  }
0x235: {  	s5 =	sshll.u32 s4, $0x7  }
0x236: {  	s3 =	sxor.u32 $0x4000, s3;
	s0 =	sand.u32 $0x3FFFFF80, s5  }
0x237: {  	s3 =	sor.u32 $0x1000, s3;
	s0 =	sadd.s32 $0x400, s0  }
0x238: {  	[tilespmem:s3], [sflag:$0x1] =	stream.indirect.gather [hbm4b:s20+s25], $0x80, s0, s25, $0xb8;
	[tilespmem:$0x1DD80] =	vst v63  }
.LBB2_13:
0x239: {  	_ =	swait.ge [sflag:s31], $0x4000  }
0x23a: {  	[sflag:s31] =	ssyncset.done $0x0  }
0x23b: {  	[sflag:s31] =	ssyncadd.s32 $0xFFFFC000  }
0x23c: {  	_ =	swait.ge [sflag:s18], $0x400  }
0x23d: {  	[sflag:s18] =	ssyncset.done $0x0  }
0x23e: {  	[sflag:s18] =	ssyncadd.s32 $0xFFFFFC00  }
0x23f: {  	_ =	swait.ge [sflag:s18], $0x400  }
0x240: {  	[sflag:s18] =	ssyncset.done $0x0  }
0x241: {  	s0 =	simm.s32 $0x0;
	s2 =	rddreg [dreg:$0xb];
	[sflag:s18] =	ssyncadd.s32 $0xFFFFFC00  }
0x242: {  	[tilespmem:s19], [sflag:$0x2] =	stream.linear.gather [hbm4b:s2+s0], $0x400, $0x38;
	[tilespmem:$0x1DD80] =	vst v63  }
0x243: {  	s4 =	sand.u32 $0xE00, s0;
	s3 =	rddreg [dreg:$0xc]  }
0x244: {  	[tilespmem:s23], [sflag:$0x2] =	stream.linear.gather [hbm4b:s3+s0], $0x400, $0x38;
	[tilespmem:$0x1DD80] =	vst v63  }
0x245: {  	s2 =	sshrl.u32 s4, $0x2;
	s0 =	sand.u32 $0x70, s0  }
0x246: {  	s0 =	sor.u32 s0, s2  }
0x247: {  	v3 =	vld [tilespmem:s0+$0x0];
	_ =	sdelay $0x3  }
0x248: {  	s5 =	simm.s32 $0x40  }
0x249: {  	s4 =	sand.u32 $0xE00, s5;
	s3 =	simm.s32 $0x10;
	s2 =	simm.s32 $0x80;
	v3 =	vshll.u32 v3, $0x1  }
.LBB2_14:
0x24a: {  	p2 =	sne.s32 s2, $0xFC0;
	s5 =	sand.u32 $0x70, s3;
	s4 =	sshrl.u32 s4, $0x2;
	v3 =	vor.u32 v0, v3  }
0x24b: {  	[tilespmem:s0+$0x0] =	vst v3;
	s0 =	sor.u32 s5, s4  }
0x24c: {  	v3 =	vld [tilespmem:s0+$0x0]  }
.Ltmp12:
0x24d: {  	(pc) =	sbr.rel @p2 .LBB2_14-.Ltmp12, $2  }
0x24e: {  	_ =	sdelay $0x2  }
0x24f: {  	s3 =	sadd.s32 $0x10, s3;
	s4 =	sand.u32 $0xE00, s2;
	s2 =	sadd.s32 $0x40, s2;
	v3 =	vshll.u32 v3, $0x1  }
0x250: {  	s2 =	sand.u32 $0x70, s3;
	s5 =	sshrl.u32 s4, $0x2;
	v3 =	vor.u32 v0, v3  }
0x251: {  	s2 =	sor.u32 s2, s5;
	[tilespmem:s0+$0x0] =	vst v3  }
0x252: {  	v3 =	vld [tilespmem:s2+$0x0];
	_ =	sdelay $0x3  }
.Ltmp13:
0x253: {  	_ = 	snop;
	(pc) =	sbr.rel .LBB2_16-.Ltmp13, $4  }
0x254: {  	v3 =	vshll.u32 v3, $0x1  }
0x255: {  	v3 =	vor.u32 v0, v3  }
0x256: {  	s0 =	simm.s32 $0x0;
	[tilespmem:s2+$0x0] =	vst v3  }
0x257: {  	[tilespmem:s29], [sflag:$0x1] =	stream.indirect.gather [hbm4b:s20+s25], $0x80, s0, s25, $0xb8;
	[tilespmem:$0x1DD80] =	vst v63  }
.LBB2_18:
0x258: {  	s0 =	simm.s32 @!p0 $0x80;
	s3 =	simm.s32 @!p0 $0x9000;
	p2 =	slt.u32 s4, $0x8  }
0x259: {  	[spmem:s24] =	stream.indirect.scatter.add.f32 @!p0 [tilespmem:s3], [sflag:$0x5], $0x1, s2, s0, $0xb8;
	[tilespmem:$0x1DD80] =	vst v63  }
.Ltmp14:
0x25a: {  	_ = 	snop;
	(pc) =	sbr.rel @!p2 .LBB2_19-.Ltmp14, $4  }
0x25b: {  	s0 =	simm.s32 @!p0 $0x5  }
0x25c: {  	_ =	swait.ge @!p0 [sflag:s0], $0x80  }
0x25d: {  	[sflag:s0] =	ssyncset.done @!p0 $0x0  }
0x25e: {  	[sflag:s0] =	ssyncadd.s32 @!p0 $0xFFFFFF80;
	s0 =	smov.u32 s4  }
.LBB2_16:
0x25f: {  	s2 =	sand.u32 $0x1, s0;
	_ =	swait.ge [sflag:s30], $0x4000  }
0x260: {  	s4 =	sshll.u32 s0, $0x7;
	p2 =	seq.s32 s0, $0x0;
	s3 =	sshll.u32 s2, $0xE  }
0x261: {  	[sflag:s30] =	ssyncset.done $0x0;
	s4 =	sand.u32 $0x3FFFFF80, s4;
	p3 =	seq.s32 @!p2 s0, $0x7  }
0x262: {  	s5 =	sor.u32 $0x1000, s3;
	[sflag:s30] =	ssyncadd.s32 $0xFFFFC000;
	p3 =	por p2, !p3  }
.Ltmp15:
0x263: {  	s2 =	sadd.s32 $0x800, s4;
	s4 =	simm.s32 @!p2 $0x3;
	(pc) =	sbr.rel @!p3 .LBB2_18-.Ltmp15, $4  }
0x264: {  	[spmem:s21] =	stream.indirect.scatter.add.f32 [tilespmem:s5], [sflag:$0x3], $0x80, s2, s25, $0xb8;
	[tilespmem:$0x1DD80] =	vst v63  }
0x265: {  	_ =	swait.ge @!p2 [sflag:s4], $0x4000  }
0x266: {  	[sflag:s4] =	ssyncset.done @!p2 $0x0  }
0x267: {  	[sflag:s4] =	ssyncadd.s32 @!p2 $0xFFFFC000;
	s4 =	simm.s32 @!p2 $0x8  }
.Ltmp16:
0x268: {  	s4 =	sadd.s32 @!p2 $0x1, s0;
	(pc) =	sbr.rel .LBB2_18-.Ltmp16, $4  }
0x269: {  	s4 =	simm.s32 @p2 $0x1  }
0x26a: {  	s3 =	sxor.u32 $0x4000, s3;
	s5 =	sshll.u32 s4, $0x7  }
0x26b: {  	s0 =	sor.u32 $0x1000, s3;
	s3 =	sand.u32 $0x3FFFFF80, s5  }
0x26c: {  	[tilespmem:s0], [sflag:$0x1] =	stream.indirect.gather [hbm4b:s20+s25], $0x80, s3, s25, $0xb8;
	[tilespmem:$0x1DD80] =	vst v63  }
.LBB2_19:
0x26d: {  	_ =	swait.ge [sflag:s31], $0x4000  }
0x26e: {  	[sflag:s31] =	ssyncset.done $0x0  }
0x26f: {  	[sflag:s31] =	ssyncadd.s32 $0xFFFFC000  }
0x270: {  	_ =	swait.ge [sflag:s18], $0x400  }
0x271: {  	[sflag:s18] =	ssyncset.done $0x0  }
0x272: {  	[sflag:s18] =	ssyncadd.s32 $0xFFFFFC00  }
0x273: {  	_ =	swait.ge [sflag:s18], $0x400  }
0x274: {  	[sflag:s18] =	ssyncset.done $0x0  }
0x275: {  	s0 =	simm.s32 $0x0;
	s2 =	rddreg [dreg:$0xd];
	[sflag:s18] =	ssyncadd.s32 $0xFFFFFC00  }
0x276: {  	[tilespmem:s0], [sflag:$0x2] =	stream.linear.gather [hbm4b:s2+s0], $0x400, $0x38;
	[tilespmem:$0x1DD80] =	vst v63  }
0x277: {  	s4 =	sand.u32 $0xE00, s0;
	s3 =	rddreg [dreg:$0xe]  }
0x278: {  	[tilespmem:s14], [sflag:$0x2] =	stream.linear.gather [hbm4b:s3+s0], $0x400, $0x38;
	[tilespmem:$0x1DD80] =	vst v63  }
0x279: {  	s2 =	sshrl.u32 s4, $0x2;
	s0 =	sand.u32 $0x70, s0  }
0x27a: {  	s0 =	sor.u32 s0, s2  }
0x27b: {  	v3 =	vld [tilespmem:s0+$0x400];
	_ =	sdelay $0x3  }
0x27c: {  	s5 =	simm.s32 $0x40  }
0x27d: {  	s4 =	sand.u32 $0xE00, s5;
	s3 =	simm.s32 $0x10;
	s2 =	simm.s32 $0x80;
	v3 =	vshll.u32 v3, $0x1  }
.LBB2_20:
0x27e: {  	p2 =	sne.s32 s2, $0xFC0;
	s5 =	sand.u32 $0x70, s3;
	s4 =	sshrl.u32 s4, $0x2;
	v3 =	vor.u32 v0, v3  }
0x27f: {  	[tilespmem:s0+$0x400] =	vst v3;
	s0 =	sor.u32 s5, s4  }
0x280: {  	v3 =	vld [tilespmem:s0+$0x400]  }
.Ltmp17:
0x281: {  	(pc) =	sbr.rel @p2 .LBB2_20-.Ltmp17, $2  }
0x282: {  	_ =	sdelay $0x2  }
0x283: {  	s3 =	sadd.s32 $0x10, s3;
	s4 =	sand.u32 $0xE00, s2;
	s2 =	sadd.s32 $0x40, s2;
	v3 =	vshll.u32 v3, $0x1  }
0x284: {  	s2 =	sand.u32 $0x70, s3;
	s5 =	sshrl.u32 s4, $0x2;
	v3 =	vor.u32 v0, v3  }
0x285: {  	s2 =	sor.u32 s2, s5;
	[tilespmem:s0+$0x400] =	vst v3  }
0x286: {  	v3 =	vld [tilespmem:s2+$0x400];
	_ =	sdelay $0x3  }
.Ltmp18:
0x287: {  	_ = 	snop;
	(pc) =	sbr.rel .LBB2_22-.Ltmp18, $4  }
0x288: {  	v3 =	vshll.u32 v3, $0x1  }
0x289: {  	v3 =	vor.u32 v0, v3  }
0x28a: {  	s0 =	simm.s32 $0x0;
	[tilespmem:s2+$0x400] =	vst v3  }
0x28b: {  	[tilespmem:s29], [sflag:$0x1] =	stream.indirect.gather [hbm4b:s20+s25], $0x80, s19, s25, $0xb8;
	[tilespmem:$0x1DD80] =	vst v63  }
.LBB2_24:
0x28c: {  	s0 =	simm.s32 @!p0 $0x80;
	s3 =	simm.s32 @!p0 $0x9000;
	p2 =	slt.u32 s4, $0x8  }
0x28d: {  	[spmem:s24] =	stream.indirect.scatter.add.f32 @!p0 [tilespmem:s3], [sflag:$0x5], $0x1, s2, s0, $0xb8;
	[tilespmem:$0x1DD80] =	vst v63  }
.Ltmp19:
0x28e: {  	_ = 	snop;
	(pc) =	sbr.rel @!p2 .LBB2_25-.Ltmp19, $4  }
0x28f: {  	s0 =	simm.s32 @!p0 $0x5  }
0x290: {  	_ =	swait.ge @!p0 [sflag:s0], $0x80  }
0x291: {  	[sflag:s0] =	ssyncset.done @!p0 $0x0  }
0x292: {  	[sflag:s0] =	ssyncadd.s32 @!p0 $0xFFFFFF80;
	s0 =	smov.u32 s4  }
.LBB2_22:
0x293: {  	s2 =	sand.u32 $0x1, s0;
	_ =	swait.ge [sflag:s30], $0x4000  }
0x294: {  	s4 =	sshll.u32 s0, $0x7;
	p2 =	seq.s32 s0, $0x0;
	s3 =	sshll.u32 s2, $0xE  }
0x295: {  	[sflag:s30] =	ssyncset.done $0x0;
	s4 =	sand.u32 $0x3FFFFF80, s4;
	p3 =	seq.s32 @!p2 s0, $0x7  }
0x296: {  	s5 =	sor.u32 $0x1000, s3;
	[sflag:s30] =	ssyncadd.s32 $0xFFFFC000;
	p3 =	por p2, !p3  }
.Ltmp20:
0x297: {  	s2 =	sadd.s32 $0xC00, s4;
	s4 =	simm.s32 @!p2 $0x3;
	(pc) =	sbr.rel @!p3 .LBB2_24-.Ltmp20, $4  }
0x298: {  	[spmem:s21] =	stream.indirect.scatter.add.f32 [tilespmem:s5], [sflag:$0x3], $0x80, s2, s25, $0xb8;
	[tilespmem:$0x1DD80] =	vst v63  }
0x299: {  	_ =	swait.ge @!p2 [sflag:s4], $0x4000  }
0x29a: {  	[sflag:s4] =	ssyncset.done @!p2 $0x0  }
0x29b: {  	[sflag:s4] =	ssyncadd.s32 @!p2 $0xFFFFC000;
	s4 =	simm.s32 @!p2 $0x8  }
0x29c: {  	s4 =	sadd.s32 @!p2 $0x1, s0  }
.Ltmp21:
0x29d: {  	s4 =	simm.s32 @p2 $0x1;
	(pc) =	sbr.rel .LBB2_24-.Ltmp21, $4  }
0x29e: {  	s5 =	sshll.u32 s4, $0x7  }
0x29f: {  	s3 =	sxor.u32 $0x4000, s3;
	s0 =	sand.u32 $0x3FFFFF80, s5  }
0x2a0: {  	s3 =	sor.u32 $0x1000, s3;
	s0 =	sadd.s32 $0x400, s0  }
0x2a1: {  	[tilespmem:s3], [sflag:$0x1] =	stream.indirect.gather [hbm4b:s20+s25], $0x80, s0, s25, $0xb8;
	[tilespmem:$0x1DD80] =	vst v63  }
.LBB2_25:
0x2a2: {  	_ =	swait.ge [sflag:s31], $0x4000  }
0x2a3: {  	[sflag:s31] =	ssyncset.done $0x0  }
0x2a4: {  	[sflag:s31] =	ssyncadd.s32 $0xFFFFC000  }
0x2a5: {  	_ =	swait.ge [sflag:s18], $0x400  }
0x2a6: {  	[sflag:s18] =	ssyncset.done $0x0  }
0x2a7: {  	[sflag:s18] =	ssyncadd.s32 $0xFFFFFC00  }
0x2a8: {  	_ =	swait.ge [sflag:s18], $0x400  }
0x2a9: {  	[sflag:s18] =	ssyncset.done $0x0  }
0x2aa: {  	s0 =	simm.s32 $0x0;
	s2 =	rddreg [dreg:$0xf];
	[sflag:s18] =	ssyncadd.s32 $0xFFFFFC00  }
0x2ab: {  	[tilespmem:s19], [sflag:$0x2] =	stream.linear.gather [hbm4b:s2+s0], $0x400, $0x38;
	[tilespmem:$0x1DD80] =	vst v63  }
0x2ac: {  	s4 =	sand.u32 $0xE00, s0;
	s3 =	rddreg [dreg:$0x10]  }
0x2ad: {  	[tilespmem:s23], [sflag:$0x2] =	stream.linear.gather [hbm4b:s3+s0], $0x400, $0x38;
	[tilespmem:$0x1DD80] =	vst v63  }
0x2ae: {  	s2 =	sshrl.u32 s4, $0x2;
	s0 =	sand.u32 $0x70, s0  }
0x2af: {  	s0 =	sor.u32 s0, s2  }
0x2b0: {  	v3 =	vld [tilespmem:s0+$0x0];
	_ =	sdelay $0x3  }
0x2b1: {  	s5 =	simm.s32 $0x40  }
0x2b2: {  	s4 =	sand.u32 $0xE00, s5;
	s3 =	simm.s32 $0x10;
	s2 =	simm.s32 $0x80;
	v3 =	vshll.u32 v3, $0x1  }
.LBB2_26:
0x2b3: {  	p2 =	sne.s32 s2, $0xFC0;
	s5 =	sand.u32 $0x70, s3;
	s4 =	sshrl.u32 s4, $0x2;
	v3 =	vor.u32 v0, v3  }
0x2b4: {  	[tilespmem:s0+$0x0] =	vst v3;
	s0 =	sor.u32 s5, s4  }
0x2b5: {  	v3 =	vld [tilespmem:s0+$0x0]  }
.Ltmp22:
0x2b6: {  	(pc) =	sbr.rel @p2 .LBB2_26-.Ltmp22, $2  }
0x2b7: {  	_ =	sdelay $0x2  }
0x2b8: {  	s3 =	sadd.s32 $0x10, s3;
	s4 =	sand.u32 $0xE00, s2;
	s2 =	sadd.s32 $0x40, s2;
	v3 =	vshll.u32 v3, $0x1  }
0x2b9: {  	s2 =	sand.u32 $0x70, s3;
	s5 =	sshrl.u32 s4, $0x2;
	v3 =	vor.u32 v0, v3  }
0x2ba: {  	s2 =	sor.u32 s2, s5;
	[tilespmem:s0+$0x0] =	vst v3  }
0x2bb: {  	v3 =	vld [tilespmem:s2+$0x0];
	_ =	sdelay $0x3  }
.Ltmp23:
0x2bc: {  	_ = 	snop;
	(pc) =	sbr.rel .LBB2_28-.Ltmp23, $4  }
0x2bd: {  	v3 =	vshll.u32 v3, $0x1  }
0x2be: {  	v3 =	vor.u32 v0, v3  }
0x2bf: {  	s0 =	simm.s32 $0x0;
	[tilespmem:s2+$0x0] =	vst v3  }
0x2c0: {  	[tilespmem:s29], [sflag:$0x1] =	stream.indirect.gather [hbm4b:s20+s25], $0x80, s0, s25, $0xb8;
	[tilespmem:$0x1DD80] =	vst v63  }
.LBB2_30:
0x2c1: {  	s0 =	simm.s32 @!p0 $0x80;
	s3 =	simm.s32 @!p0 $0x9000;
	p2 =	slt.u32 s4, $0x8  }
0x2c2: {  	[spmem:s24] =	stream.indirect.scatter.add.f32 @!p0 [tilespmem:s3], [sflag:$0x5], $0x1, s2, s0, $0xb8;
	[tilespmem:$0x1DD80] =	vst v63  }
.Ltmp24:
0x2c3: {  	_ = 	snop;
	(pc) =	sbr.rel @!p2 .LBB2_31-.Ltmp24, $4  }
0x2c4: {  	s0 =	simm.s32 @!p0 $0x5  }
0x2c5: {  	_ =	swait.ge @!p0 [sflag:s0], $0x80  }
0x2c6: {  	[sflag:s0] =	ssyncset.done @!p0 $0x0  }
0x2c7: {  	[sflag:s0] =	ssyncadd.s32 @!p0 $0xFFFFFF80;
	s0 =	smov.u32 s4  }
.LBB2_28:
0x2c8: {  	s2 =	sand.u32 $0x1, s0;
	_ =	swait.ge [sflag:s30], $0x4000  }
0x2c9: {  	s4 =	sshll.u32 s0, $0x7;
	p2 =	seq.s32 s0, $0x0;
	s3 =	sshll.u32 s2, $0xE  }
0x2ca: {  	[sflag:s30] =	ssyncset.done $0x0;
	s4 =	sand.u32 $0x3FFFFF80, s4;
	p3 =	seq.s32 @!p2 s0, $0x7  }
0x2cb: {  	s5 =	sor.u32 $0x1000, s3;
	[sflag:s30] =	ssyncadd.s32 $0xFFFFC000;
	p3 =	por p2, !p3  }
.Ltmp25:
0x2cc: {  	s2 =	sadd.s32 $0x800, s4;
	s4 =	simm.s32 @!p2 $0x3;
	(pc) =	sbr.rel @!p3 .LBB2_30-.Ltmp25, $4  }
0x2cd: {  	[spmem:s21] =	stream.indirect.scatter.add.f32 [tilespmem:s5], [sflag:$0x3], $0x80, s2, s25, $0xb8;
	[tilespmem:$0x1DD80] =	vst v63  }
0x2ce: {  	_ =	swait.ge @!p2 [sflag:s4], $0x4000  }
0x2cf: {  	[sflag:s4] =	ssyncset.done @!p2 $0x0  }
0x2d0: {  	[sflag:s4] =	ssyncadd.s32 @!p2 $0xFFFFC000;
	s4 =	simm.s32 @!p2 $0x8  }
.Ltmp26:
0x2d1: {  	s4 =	sadd.s32 @!p2 $0x1, s0;
	(pc) =	sbr.rel .LBB2_30-.Ltmp26, $4  }
0x2d2: {  	s4 =	simm.s32 @p2 $0x1  }
0x2d3: {  	s3 =	sxor.u32 $0x4000, s3;
	s5 =	sshll.u32 s4, $0x7  }
0x2d4: {  	s0 =	sor.u32 $0x1000, s3;
	s3 =	sand.u32 $0x3FFFFF80, s5  }
0x2d5: {  	[tilespmem:s0], [sflag:$0x1] =	stream.indirect.gather [hbm4b:s20+s25], $0x80, s3, s25, $0xb8;
	[tilespmem:$0x1DD80] =	vst v63  }
.LBB2_31:
0x2d6: {  	_ =	swait.ge [sflag:s31], $0x4000  }
0x2d7: {  	[sflag:s31] =	ssyncset.done $0x0  }
0x2d8: {  	[sflag:s31] =	ssyncadd.s32 $0xFFFFC000  }
0x2d9: {  	_ =	swait.ge [sflag:s18], $0x400  }
0x2da: {  	[sflag:s18] =	ssyncset.done $0x0  }
0x2db: {  	[sflag:s18] =	ssyncadd.s32 $0xFFFFFC00  }
0x2dc: {  	_ =	swait.ge [sflag:s18], $0x400  }
0x2dd: {  	[sflag:s18] =	ssyncset.done $0x0  }
0x2de: {  	s0 =	simm.s32 $0x0;
	s2 =	rddreg [dreg:$0x11];
	[sflag:s18] =	ssyncadd.s32 $0xFFFFFC00  }
0x2df: {  	[tilespmem:s0], [sflag:$0x2] =	stream.linear.gather [hbm4b:s2+s0], $0x400, $0x38;
	[tilespmem:$0x1DD80] =	vst v63  }
0x2e0: {  	s4 =	sand.u32 $0xE00, s0;
	s3 =	rddreg [dreg:$0x12]  }
0x2e1: {  	[tilespmem:s14], [sflag:$0x2] =	stream.linear.gather [hbm4b:s3+s0], $0x400, $0x38;
	[tilespmem:$0x1DD80] =	vst v63  }
0x2e2: {  	s2 =	sshrl.u32 s4, $0x2;
	s0 =	sand.u32 $0x70, s0  }
0x2e3: {  	s0 =	sor.u32 s0, s2  }
0x2e4: {  	v3 =	vld [tilespmem:s0+$0x400];
	_ =	sdelay $0x3  }
0x2e5: {  	s5 =	simm.s32 $0x40  }
0x2e6: {  	s4 =	sand.u32 $0xE00, s5;
	s3 =	simm.s32 $0x10;
	s2 =	simm.s32 $0x80;
	v3 =	vshll.u32 v3, $0x1  }
.LBB2_32:
0x2e7: {  	p2 =	sne.s32 s2, $0xFC0;
	s5 =	sand.u32 $0x70, s3;
	s4 =	sshrl.u32 s4, $0x2;
	v3 =	vor.u32 v0, v3  }
0x2e8: {  	[tilespmem:s0+$0x400] =	vst v3;
	s0 =	sor.u32 s5, s4  }
0x2e9: {  	v3 =	vld [tilespmem:s0+$0x400]  }
.Ltmp27:
0x2ea: {  	(pc) =	sbr.rel @p2 .LBB2_32-.Ltmp27, $2  }
0x2eb: {  	_ =	sdelay $0x2  }
0x2ec: {  	s3 =	sadd.s32 $0x10, s3;
	s4 =	sand.u32 $0xE00, s2;
	s2 =	sadd.s32 $0x40, s2;
	v3 =	vshll.u32 v3, $0x1  }
0x2ed: {  	s2 =	sand.u32 $0x70, s3;
	s5 =	sshrl.u32 s4, $0x2;
	v3 =	vor.u32 v0, v3  }
0x2ee: {  	s2 =	sor.u32 s2, s5;
	[tilespmem:s0+$0x400] =	vst v3  }
0x2ef: {  	v3 =	vld [tilespmem:s2+$0x400];
	_ =	sdelay $0x3  }
.Ltmp28:
0x2f0: {  	_ = 	snop;
	(pc) =	sbr.rel .LBB2_34-.Ltmp28, $4  }
0x2f1: {  	v3 =	vshll.u32 v3, $0x1  }
0x2f2: {  	v3 =	vor.u32 v0, v3  }
0x2f3: {  	s0 =	simm.s32 $0x0;
	[tilespmem:s2+$0x400] =	vst v3  }
0x2f4: {  	[tilespmem:s29], [sflag:$0x1] =	stream.indirect.gather [hbm4b:s20+s25], $0x80, s19, s25, $0xb8;
	[tilespmem:$0x1DD80] =	vst v63  }
.LBB2_36:
0x2f5: {  	s0 =	simm.s32 @!p1 $0x80;
	s3 =	simm.s32 @!p1 $0x9000;
	p2 =	slt.u32 s4, $0x8  }
0x2f6: {  	[spmem:s24] =	stream.indirect.scatter.add.f32 @!p1 [tilespmem:s3], [sflag:$0x5], $0x1, s2, s0, $0xb8;
	[tilespmem:$0x1DD80] =	vst v63  }
.Ltmp29:
0x2f7: {  	_ = 	snop;
	(pc) =	sbr.rel @!p2 .LBB2_37-.Ltmp29, $4  }
0x2f8: {  	s0 =	simm.s32 @!p1 $0x5  }
0x2f9: {  	_ =	swait.ge @!p1 [sflag:s0], $0x80  }
0x2fa: {  	[sflag:s0] =	ssyncset.done @!p1 $0x0  }
0x2fb: {  	[sflag:s0] =	ssyncadd.s32 @!p1 $0xFFFFFF80;
	s0 =	smov.u32 s4  }
.LBB2_34:
0x2fc: {  	s2 =	sand.u32 $0x1, s0;
	_ =	swait.ge [sflag:s30], $0x4000  }
0x2fd: {  	s4 =	sshll.u32 s0, $0x7;
	p2 =	seq.s32 s0, $0x0;
	s3 =	sshll.u32 s2, $0xE  }
0x2fe: {  	[sflag:s30] =	ssyncset.done $0x0;
	s4 =	sand.u32 $0x3FFFFF80, s4;
	p3 =	seq.s32 @!p2 s0, $0x7  }
0x2ff: {  	s5 =	sor.u32 $0x1000, s3;
	[sflag:s30] =	ssyncadd.s32 $0xFFFFC000;
	p3 =	por p2, !p3  }
.Ltmp30:
0x300: {  	s2 =	sadd.s32 $0xC00, s4;
	s4 =	simm.s32 @!p2 $0x3;
	(pc) =	sbr.rel @!p3 .LBB2_36-.Ltmp30, $4  }
0x301: {  	[spmem:s21] =	stream.indirect.scatter.add.f32 [tilespmem:s5], [sflag:$0x3], $0x80, s2, s25, $0xb8;
	[tilespmem:$0x1DD80] =	vst v63  }
0x302: {  	_ =	swait.ge @!p2 [sflag:s4], $0x4000  }
0x303: {  	[sflag:s4] =	ssyncset.done @!p2 $0x0  }
0x304: {  	[sflag:s4] =	ssyncadd.s32 @!p2 $0xFFFFC000;
	s4 =	simm.s32 @!p2 $0x8  }
0x305: {  	s4 =	sadd.s32 @!p2 $0x1, s0  }
.Ltmp31:
0x306: {  	s4 =	simm.s32 @p2 $0x1;
	(pc) =	sbr.rel .LBB2_36-.Ltmp31, $4  }
0x307: {  	s5 =	sshll.u32 s4, $0x7  }
0x308: {  	s3 =	sxor.u32 $0x4000, s3;
	s0 =	sand.u32 $0x3FFFFF80, s5  }
0x309: {  	s3 =	sor.u32 $0x1000, s3;
	s0 =	sadd.s32 $0x400, s0  }
0x30a: {  	[tilespmem:s3], [sflag:$0x1] =	stream.indirect.gather [hbm4b:s20+s25], $0x80, s0, s25, $0xb8;
	[tilespmem:$0x1DD80] =	vst v63  }
.LBB2_37:
0x30b: {  	_ =	swait.ge [sflag:s31], $0x4000  }
0x30c: {  	[sflag:s31] =	ssyncset.done $0x0  }
0x30d: {  	[sflag:s31] =	ssyncadd.s32 $0xFFFFC000  }
0x30e: {  	_ =	swait.ge [sflag:s18], $0x400  }
0x30f: {  	[sflag:s18] =	ssyncset.done $0x0  }
0x310: {  	[sflag:s18] =	ssyncadd.s32 $0xFFFFFC00  }
0x311: {  	_ =	swait.ge [sflag:s18], $0x400  }
0x312: {  	[sflag:s18] =	ssyncset.done $0x0  }
0x313: {  	s0 =	simm.s32 $0x0;
	s2 =	rddreg [dreg:$0x13];
	[sflag:s18] =	ssyncadd.s32 $0xFFFFFC00  }
0x314: {  	[tilespmem:s19], [sflag:$0x2] =	stream.linear.gather [hbm4b:s2+s0], $0x400, $0x38;
	[tilespmem:$0x1DD80] =	vst v63  }
0x315: {  	s4 =	sand.u32 $0xE00, s0;
	s3 =	rddreg [dreg:$0x14]  }
0x316: {  	[tilespmem:s23], [sflag:$0x2] =	stream.linear.gather [hbm4b:s3+s0], $0x400, $0x38;
	[tilespmem:$0x1DD80] =	vst v63  }
0x317: {  	s2 =	sshrl.u32 s4, $0x2;
	s0 =	sand.u32 $0x70, s0  }
0x318: {  	s0 =	sor.u32 s0, s2  }
0x319: {  	v3 =	vld [tilespmem:s0+$0x0];
	_ =	sdelay $0x3  }
0x31a: {  	s5 =	simm.s32 $0x40  }
0x31b: {  	s4 =	sand.u32 $0xE00, s5;
	s3 =	simm.s32 $0x10;
	s2 =	simm.s32 $0x80;
	v3 =	vshll.u32 v3, $0x1  }
.LBB2_38:
0x31c: {  	p2 =	sne.s32 s2, $0xFC0;
	s5 =	sand.u32 $0x70, s3;
	s4 =	sshrl.u32 s4, $0x2;
	v3 =	vor.u32 v0, v3  }
0x31d: {  	[tilespmem:s0+$0x0] =	vst v3;
	s0 =	sor.u32 s5, s4  }
0x31e: {  	v3 =	vld [tilespmem:s0+$0x0]  }
.Ltmp32:
0x31f: {  	(pc) =	sbr.rel @p2 .LBB2_38-.Ltmp32, $2  }
0x320: {  	_ =	sdelay $0x2  }
0x321: {  	s3 =	sadd.s32 $0x10, s3;
	s4 =	sand.u32 $0xE00, s2;
	s2 =	sadd.s32 $0x40, s2;
	v3 =	vshll.u32 v3, $0x1  }
0x322: {  	s2 =	sand.u32 $0x70, s3;
	s5 =	sshrl.u32 s4, $0x2;
	v3 =	vor.u32 v0, v3  }
0x323: {  	s2 =	sor.u32 s2, s5;
	[tilespmem:s0+$0x0] =	vst v3  }
0x324: {  	v3 =	vld [tilespmem:s2+$0x0];
	_ =	sdelay $0x3  }
.Ltmp33:
0x325: {  	_ = 	snop;
	(pc) =	sbr.rel .LBB2_40-.Ltmp33, $4  }
0x326: {  	v3 =	vshll.u32 v3, $0x1  }
0x327: {  	v3 =	vor.u32 v0, v3  }
0x328: {  	s0 =	simm.s32 $0x0;
	[tilespmem:s2+$0x0] =	vst v3  }
0x329: {  	[tilespmem:s29], [sflag:$0x1] =	stream.indirect.gather [hbm4b:s20+s25], $0x80, s0, s25, $0xb8;
	[tilespmem:$0x1DD80] =	vst v63  }
.LBB2_42:
0x32a: {  	s0 =	simm.s32 @!p1 $0x80;
	s3 =	simm.s32 @!p1 $0x9000;
	p2 =	slt.u32 s4, $0x8  }
0x32b: {  	[spmem:s24] =	stream.indirect.scatter.add.f32 @!p1 [tilespmem:s3], [sflag:$0x5], $0x1, s2, s0, $0xb8;
	[tilespmem:$0x1DD80] =	vst v63  }
.Ltmp34:
0x32c: {  	_ = 	snop;
	(pc) =	sbr.rel @!p2 .LBB2_43-.Ltmp34, $4  }
0x32d: {  	s0 =	simm.s32 @!p1 $0x5  }
0x32e: {  	_ =	swait.ge @!p1 [sflag:s0], $0x80  }
0x32f: {  	[sflag:s0] =	ssyncset.done @!p1 $0x0  }
0x330: {  	[sflag:s0] =	ssyncadd.s32 @!p1 $0xFFFFFF80;
	s0 =	smov.u32 s4  }
.LBB2_40:
0x331: {  	s2 =	sand.u32 $0x1, s0;
	_ =	swait.ge [sflag:s30], $0x4000  }
0x332: {  	s4 =	sshll.u32 s0, $0x7;
	p2 =	seq.s32 s0, $0x0;
	s3 =	sshll.u32 s2, $0xE  }
0x333: {  	[sflag:s30] =	ssyncset.done $0x0;
	s4 =	sand.u32 $0x3FFFFF80, s4;
	p3 =	seq.s32 @!p2 s0, $0x7  }
0x334: {  	s5 =	sor.u32 $0x1000, s3;
	[sflag:s30] =	ssyncadd.s32 $0xFFFFC000;
	p3 =	por p2, !p3  }
.Ltmp35:
0x335: {  	s2 =	sadd.s32 $0x800, s4;
	s4 =	simm.s32 @!p2 $0x3;
	(pc) =	sbr.rel @!p3 .LBB2_42-.Ltmp35, $4  }
0x336: {  	[spmem:s21] =	stream.indirect.scatter.add.f32 [tilespmem:s5], [sflag:$0x3], $0x80, s2, s25, $0xb8;
	[tilespmem:$0x1DD80] =	vst v63  }
0x337: {  	_ =	swait.ge @!p2 [sflag:s4], $0x4000  }
0x338: {  	[sflag:s4] =	ssyncset.done @!p2 $0x0  }
0x339: {  	[sflag:s4] =	ssyncadd.s32 @!p2 $0xFFFFC000;
	s4 =	simm.s32 @!p2 $0x8  }
.Ltmp36:
0x33a: {  	s4 =	sadd.s32 @!p2 $0x1, s0;
	(pc) =	sbr.rel .LBB2_42-.Ltmp36, $4  }
0x33b: {  	s4 =	simm.s32 @p2 $0x1  }
0x33c: {  	s3 =	sxor.u32 $0x4000, s3;
	s5 =	sshll.u32 s4, $0x7  }
0x33d: {  	s0 =	sor.u32 $0x1000, s3;
	s3 =	sand.u32 $0x3FFFFF80, s5  }
0x33e: {  	[tilespmem:s0], [sflag:$0x1] =	stream.indirect.gather [hbm4b:s20+s25], $0x80, s3, s25, $0xb8;
	[tilespmem:$0x1DD80] =	vst v63  }
.LBB2_43:
0x33f: {  	_ =	swait.ge [sflag:s31], $0x4000  }
0x340: {  	[sflag:s31] =	ssyncset.done $0x0  }
0x341: {  	[sflag:s31] =	ssyncadd.s32 $0xFFFFC000  }
0x342: {  	_ =	swait.ge [sflag:s18], $0x400  }
0x343: {  	[sflag:s18] =	ssyncset.done $0x0  }
0x344: {  	[sflag:s18] =	ssyncadd.s32 $0xFFFFFC00  }
0x345: {  	_ =	swait.ge [sflag:s18], $0x400  }
0x346: {  	[sflag:s18] =	ssyncset.done $0x0  }
0x347: {  	s0 =	simm.s32 $0x0;
	s2 =	rddreg [dreg:$0x15];
	[sflag:s18] =	ssyncadd.s32 $0xFFFFFC00  }
0x348: {  	[tilespmem:s0], [sflag:$0x2] =	stream.linear.gather [hbm4b:s2+s0], $0x400, $0x38;
	[tilespmem:$0x1DD80] =	vst v63  }
0x349: {  	s4 =	sand.u32 $0xE00, s0;
	s3 =	rddreg [dreg:$0x16]  }
0x34a: {  	[tilespmem:s14], [sflag:$0x2] =	stream.linear.gather [hbm4b:s3+s0], $0x400, $0x38;
	[tilespmem:$0x1DD80] =	vst v63  }
0x34b: {  	s2 =	sshrl.u32 s4, $0x2;
	s0 =	sand.u32 $0x70, s0  }
0x34c: {  	s0 =	sor.u32 s0, s2  }
0x34d: {  	v3 =	vld [tilespmem:s0+$0x400];
	_ =	sdelay $0x3  }
0x34e: {  	s5 =	simm.s32 $0x40  }
0x34f: {  	s4 =	sand.u32 $0xE00, s5;
	s3 =	simm.s32 $0x10;
	s2 =	simm.s32 $0x80;
	v3 =	vshll.u32 v3, $0x1  }
.LBB2_44:
0x350: {  	p2 =	sne.s32 s2, $0xFC0;
	s5 =	sand.u32 $0x70, s3;
	s4 =	sshrl.u32 s4, $0x2;
	v3 =	vor.u32 v0, v3  }
0x351: {  	[tilespmem:s0+$0x400] =	vst v3;
	s0 =	sor.u32 s5, s4  }
0x352: {  	v3 =	vld [tilespmem:s0+$0x400]  }
.Ltmp37:
0x353: {  	(pc) =	sbr.rel @p2 .LBB2_44-.Ltmp37, $2  }
0x354: {  	_ =	sdelay $0x2  }
0x355: {  	s3 =	sadd.s32 $0x10, s3;
	s4 =	sand.u32 $0xE00, s2;
	s2 =	sadd.s32 $0x40, s2;
	v3 =	vshll.u32 v3, $0x1  }
0x356: {  	s2 =	sand.u32 $0x70, s3;
	s5 =	sshrl.u32 s4, $0x2;
	v3 =	vor.u32 v0, v3  }
0x357: {  	s2 =	sor.u32 s2, s5;
	[tilespmem:s0+$0x400] =	vst v3  }
0x358: {  	v3 =	vld [tilespmem:s2+$0x400];
	_ =	sdelay $0x3  }
.Ltmp38:
0x359: {  	_ = 	snop;
	(pc) =	sbr.rel .LBB2_46-.Ltmp38, $4  }
0x35a: {  	v3 =	vshll.u32 v3, $0x1  }
0x35b: {  	v3 =	vor.u32 v0, v3  }
0x35c: {  	s0 =	simm.s32 $0x0;
	[tilespmem:s2+$0x400] =	vst v3  }
0x35d: {  	[tilespmem:s29], [sflag:$0x1] =	stream.indirect.gather [hbm4b:s20+s25], $0x80, s19, s25, $0xb8;
	[tilespmem:$0x1DD80] =	vst v63  }
.LBB2_48:
0x35e: {  	s0 =	simm.s32 @!p1 $0x80;
	s3 =	simm.s32 @!p1 $0x9000;
	p2 =	slt.u32 s4, $0x8  }
0x35f: {  	[spmem:s24] =	stream.indirect.scatter.add.f32 @!p1 [tilespmem:s3], [sflag:$0x5], $0x1, s2, s0, $0xb8;
	[tilespmem:$0x1DD80] =	vst v63  }
.Ltmp39:
0x360: {  	_ = 	snop;
	(pc) =	sbr.rel @!p2 .LBB2_49-.Ltmp39, $4  }
0x361: {  	s0 =	simm.s32 @!p1 $0x5  }
0x362: {  	_ =	swait.ge @!p1 [sflag:s0], $0x80  }
0x363: {  	[sflag:s0] =	ssyncset.done @!p1 $0x0  }
0x364: {  	[sflag:s0] =	ssyncadd.s32 @!p1 $0xFFFFFF80;
	s0 =	smov.u32 s4  }
.LBB2_46:
0x365: {  	s2 =	sand.u32 $0x1, s0;
	_ =	swait.ge [sflag:s30], $0x4000  }
0x366: {  	s4 =	sshll.u32 s0, $0x7;
	p2 =	seq.s32 s0, $0x0;
	s3 =	sshll.u32 s2, $0xE  }
0x367: {  	[sflag:s30] =	ssyncset.done $0x0;
	s4 =	sand.u32 $0x3FFFFF80, s4;
	p3 =	seq.s32 @!p2 s0, $0x7  }
0x368: {  	s5 =	sor.u32 $0x1000, s3;
	[sflag:s30] =	ssyncadd.s32 $0xFFFFC000;
	p3 =	por p2, !p3  }
.Ltmp40:
0x369: {  	s2 =	sadd.s32 $0xC00, s4;
	s4 =	simm.s32 @!p2 $0x3;
	(pc) =	sbr.rel @!p3 .LBB2_48-.Ltmp40, $4  }
0x36a: {  	[spmem:s21] =	stream.indirect.scatter.add.f32 [tilespmem:s5], [sflag:$0x3], $0x80, s2, s25, $0xb8;
	[tilespmem:$0x1DD80] =	vst v63  }
0x36b: {  	_ =	swait.ge @!p2 [sflag:s4], $0x4000  }
0x36c: {  	[sflag:s4] =	ssyncset.done @!p2 $0x0  }
0x36d: {  	[sflag:s4] =	ssyncadd.s32 @!p2 $0xFFFFC000;
	s4 =	simm.s32 @!p2 $0x8  }
0x36e: {  	s4 =	sadd.s32 @!p2 $0x1, s0  }
.Ltmp41:
0x36f: {  	s4 =	simm.s32 @p2 $0x1;
	(pc) =	sbr.rel .LBB2_48-.Ltmp41, $4  }
0x370: {  	s5 =	sshll.u32 s4, $0x7  }
0x371: {  	s3 =	sxor.u32 $0x4000, s3;
	s0 =	sand.u32 $0x3FFFFF80, s5  }
0x372: {  	s3 =	sor.u32 $0x1000, s3;
	s0 =	sadd.s32 $0x400, s0  }
0x373: {  	[tilespmem:s3], [sflag:$0x1] =	stream.indirect.gather [hbm4b:s20+s25], $0x80, s0, s25, $0xb8;
	[tilespmem:$0x1DD80] =	vst v63  }
.LBB2_49:
0x374: {  	_ =	swait.ge [sflag:s31], $0x4000  }
0x375: {  	[sflag:s31] =	ssyncset.done $0x0  }
0x376: {  	[sflag:s31] =	ssyncadd.s32 $0xFFFFC000  }
0x377: {  	_ =	swait.ge [sflag:s18], $0x400  }
0x378: {  	[sflag:s18] =	ssyncset.done $0x0  }
0x379: {  	[sflag:s18] =	ssyncadd.s32 $0xFFFFFC00  }
0x37a: {  	_ =	swait.ge [sflag:s18], $0x400  }
0x37b: {  	[sflag:s18] =	ssyncset.done $0x0  }
0x37c: {  	s0 =	simm.s32 $0x0;
	s2 =	rddreg [dreg:$0x17];
	[sflag:s18] =	ssyncadd.s32 $0xFFFFFC00  }
0x37d: {  	[tilespmem:s19], [sflag:$0x2] =	stream.linear.gather [hbm4b:s2+s0], $0x400, $0x38;
	[tilespmem:$0x1DD80] =	vst v63  }
0x37e: {  	s4 =	sand.u32 $0xE00, s0;
	s3 =	rddreg [dreg:$0x18]  }
0x37f: {  	[tilespmem:s23], [sflag:$0x2] =	stream.linear.gather [hbm4b:s3+s0], $0x400, $0x38;
	[tilespmem:$0x1DD80] =	vst v63  }
0x380: {  	s2 =	sshrl.u32 s4, $0x2;
	s0 =	sand.u32 $0x70, s0  }
0x381: {  	s0 =	sor.u32 s0, s2  }
0x382: {  	v3 =	vld [tilespmem:s0+$0x0];
	_ =	sdelay $0x3  }
0x383: {  	s5 =	simm.s32 $0x40  }
0x384: {  	s4 =	sand.u32 $0xE00, s5;
	s3 =	simm.s32 $0x10;
	s2 =	simm.s32 $0x80;
	v3 =	vshll.u32 v3, $0x1  }
.LBB2_50:
0x385: {  	p2 =	sne.s32 s2, $0xFC0;
	s5 =	sand.u32 $0x70, s3;
	s4 =	sshrl.u32 s4, $0x2;
	v3 =	vor.u32 v0, v3  }
0x386: {  	[tilespmem:s0+$0x0] =	vst v3;
	s0 =	sor.u32 s5, s4  }
0x387: {  	v3 =	vld [tilespmem:s0+$0x0]  }
.Ltmp42:
0x388: {  	(pc) =	sbr.rel @p2 .LBB2_50-.Ltmp42, $2  }
0x389: {  	_ =	sdelay $0x2  }
0x38a: {  	s3 =	sadd.s32 $0x10, s3;
	s4 =	sand.u32 $0xE00, s2;
	s2 =	sadd.s32 $0x40, s2;
	v3 =	vshll.u32 v3, $0x1  }
0x38b: {  	s2 =	sand.u32 $0x70, s3;
	s5 =	sshrl.u32 s4, $0x2;
	v3 =	vor.u32 v0, v3  }
0x38c: {  	s2 =	sor.u32 s2, s5;
	[tilespmem:s0+$0x0] =	vst v3  }
0x38d: {  	v3 =	vld [tilespmem:s2+$0x0];
	_ =	sdelay $0x3  }
.Ltmp43:
0x38e: {  	_ = 	snop;
	(pc) =	sbr.rel .LBB2_52-.Ltmp43, $4  }
0x38f: {  	v3 =	vshll.u32 v3, $0x1  }
0x390: {  	v3 =	vor.u32 v0, v3  }
0x391: {  	s0 =	simm.s32 $0x0;
	[tilespmem:s2+$0x0] =	vst v3  }
0x392: {  	[tilespmem:s29], [sflag:$0x1] =	stream.indirect.gather [hbm4b:s20+s25], $0x80, s0, s25, $0xb8;
	[tilespmem:$0x1DD80] =	vst v63  }
.LBB2_54:
0x393: {  	s0 =	simm.s32 @!p1 $0x80;
	s3 =	simm.s32 @!p1 $0x9000;
	p2 =	slt.u32 s4, $0x8  }
0x394: {  	[spmem:s24] =	stream.indirect.scatter.add.f32 @!p1 [tilespmem:s3], [sflag:$0x5], $0x1, s2, s0, $0xb8;
	[tilespmem:$0x1DD80] =	vst v63  }
.Ltmp44:
0x395: {  	_ = 	snop;
	(pc) =	sbr.rel @!p2 .LBB2_55-.Ltmp44, $4  }
0x396: {  	s0 =	simm.s32 @!p1 $0x5  }
0x397: {  	_ =	swait.ge @!p1 [sflag:s0], $0x80  }
0x398: {  	[sflag:s0] =	ssyncset.done @!p1 $0x0  }
0x399: {  	[sflag:s0] =	ssyncadd.s32 @!p1 $0xFFFFFF80;
	s0 =	smov.u32 s4  }
.LBB2_52:
0x39a: {  	s2 =	sand.u32 $0x1, s0;
	_ =	swait.ge [sflag:s30], $0x4000  }
0x39b: {  	s4 =	sshll.u32 s0, $0x7;
	p2 =	seq.s32 s0, $0x0;
	s3 =	sshll.u32 s2, $0xE  }
0x39c: {  	[sflag:s30] =	ssyncset.done $0x0;
	s4 =	sand.u32 $0x3FFFFF80, s4;
	p3 =	seq.s32 @!p2 s0, $0x7  }
0x39d: {  	s5 =	sor.u32 $0x1000, s3;
	[sflag:s30] =	ssyncadd.s32 $0xFFFFC000;
	p3 =	por p2, !p3  }
.Ltmp45:
0x39e: {  	s2 =	sadd.s32 $0x800, s4;
	s4 =	simm.s32 @!p2 $0x3;
	(pc) =	sbr.rel @!p3 .LBB2_54-.Ltmp45, $4  }
0x39f: {  	[spmem:s21] =	stream.indirect.scatter.add.f32 [tilespmem:s5], [sflag:$0x3], $0x80, s2, s25, $0xb8;
	[tilespmem:$0x1DD80] =	vst v63  }
0x3a0: {  	_ =	swait.ge @!p2 [sflag:s4], $0x4000  }
0x3a1: {  	[sflag:s4] =	ssyncset.done @!p2 $0x0  }
0x3a2: {  	[sflag:s4] =	ssyncadd.s32 @!p2 $0xFFFFC000;
	s4 =	simm.s32 @!p2 $0x8  }
.Ltmp46:
0x3a3: {  	s4 =	sadd.s32 @!p2 $0x1, s0;
	(pc) =	sbr.rel .LBB2_54-.Ltmp46, $4  }
0x3a4: {  	s4 =	simm.s32 @p2 $0x1  }
0x3a5: {  	s3 =	sxor.u32 $0x4000, s3;
	s5 =	sshll.u32 s4, $0x7  }
0x3a6: {  	s0 =	sor.u32 $0x1000, s3;
	s3 =	sand.u32 $0x3FFFFF80, s5  }
0x3a7: {  	[tilespmem:s0], [sflag:$0x1] =	stream.indirect.gather [hbm4b:s20+s25], $0x80, s3, s25, $0xb8;
	[tilespmem:$0x1DD80] =	vst v63  }
.LBB2_55:
0x3a8: {  	_ =	swait.ge [sflag:s31], $0x4000  }
0x3a9: {  	[sflag:s31] =	ssyncset.done $0x0  }
0x3aa: {  	[sflag:s31] =	ssyncadd.s32 $0xFFFFC000  }
0x3ab: {  	_ =	swait.ge [sflag:s18], $0x400  }
0x3ac: {  	[sflag:s18] =	ssyncset.done $0x0  }
0x3ad: {  	s0 =	simm.s32 $0x0;
	[sflag:s18] =	ssyncadd.s32 $0xFFFFFC00  }
0x3ae: {  	s2 =	sand.u32 $0xE00, s0;
	_ =	swait.ge [sflag:s18], $0x400  }
0x3af: {  	s0 =	sand.u32 $0x70, s0;
	s2 =	sshrl.u32 s2, $0x2;
	[sflag:s18] =	ssyncset.done $0x0  }
0x3b0: {  	s0 =	sor.u32 s0, s2;
	[sflag:s18] =	ssyncadd.s32 $0xFFFFFC00  }
0x3b1: {  	v3 =	vld [tilespmem:s0+$0x400];
	_ =	sdelay $0x3  }
0x3b2: {  	s5 =	simm.s32 $0x40  }
0x3b3: {  	s3 =	simm.s32 $0x10;
	s4 =	sand.u32 $0xE00, s5;
	s2 =	simm.s32 $0x80;
	v3 =	vshll.u32 v3, $0x1  }
.LBB2_56:
0x3b4: {  	p2 =	sne.s32 s2, $0xFC0;
	s5 =	sand.u32 $0x70, s3;
	s4 =	sshrl.u32 s4, $0x2;
	v3 =	vor.u32 v0, v3  }
0x3b5: {  	[tilespmem:s0+$0x400] =	vst v3;
	s0 =	sor.u32 s5, s4  }
0x3b6: {  	v3 =	vld [tilespmem:s0+$0x400]  }
.Ltmp47:
0x3b7: {  	(pc) =	sbr.rel @p2 .LBB2_56-.Ltmp47, $2  }
0x3b8: {  	_ =	sdelay $0x2  }
0x3b9: {  	s3 =	sadd.s32 $0x10, s3;
	s4 =	sand.u32 $0xE00, s2;
	s2 =	sadd.s32 $0x40, s2;
	v3 =	vshll.u32 v3, $0x1  }
0x3ba: {  	s2 =	sand.u32 $0x70, s3;
	s5 =	sshrl.u32 s4, $0x2;
	v3 =	vor.u32 v0, v3  }
0x3bb: {  	s2 =	sor.u32 s2, s5;
	[tilespmem:s0+$0x400] =	vst v3  }
0x3bc: {  	v3 =	vld [tilespmem:s2+$0x400];
	_ =	sdelay $0x3  }
.Ltmp48:
0x3bd: {  	_ = 	snop;
	(pc) =	sbr.rel .LBB2_58-.Ltmp48, $4  }
0x3be: {  	v3 =	vshll.u32 v3, $0x1  }
0x3bf: {  	v3 =	vor.u32 v0, v3  }
0x3c0: {  	s0 =	simm.s32 $0x0;
	[tilespmem:s2+$0x400] =	vst v3  }
0x3c1: {  	[tilespmem:s29], [sflag:$0x1] =	stream.indirect.gather [hbm4b:s20+s25], $0x80, s19, s25, $0xb8;
	[tilespmem:$0x1DD80] =	vst v63  }
.LBB2_60:
0x3c2: {  	s0 =	simm.s32 @!p1 $0x80;
	s3 =	simm.s32 @!p1 $0x9000;
	p2 =	slt.u32 s4, $0x8  }
0x3c3: {  	[spmem:s24] =	stream.indirect.scatter.add.f32 @!p1 [tilespmem:s3], [sflag:$0x5], $0x1, s2, s0, $0xb8;
	[tilespmem:$0x1DD80] =	vst v63  }
.Ltmp49:
0x3c4: {  	_ = 	snop;
	(pc) =	sbr.rel @!p2 .LBB2_61-.Ltmp49, $4  }
0x3c5: {  	s0 =	simm.s32 @!p1 $0x5  }
0x3c6: {  	_ =	swait.ge @!p1 [sflag:s0], $0x80  }
0x3c7: {  	[sflag:s0] =	ssyncset.done @!p1 $0x0  }
0x3c8: {  	[sflag:s0] =	ssyncadd.s32 @!p1 $0xFFFFFF80;
	s0 =	smov.u32 s4  }
.LBB2_58:
0x3c9: {  	s2 =	sand.u32 $0x1, s0;
	_ =	swait.ge [sflag:s30], $0x4000  }
0x3ca: {  	s4 =	sshll.u32 s0, $0x7;
	p2 =	seq.s32 s0, $0x0;
	s3 =	sshll.u32 s2, $0xE  }
0x3cb: {  	[sflag:s30] =	ssyncset.done $0x0;
	s4 =	sand.u32 $0x3FFFFF80, s4;
	p3 =	seq.s32 @!p2 s0, $0x7  }
0x3cc: {  	s5 =	sor.u32 $0x1000, s3;
	[sflag:s30] =	ssyncadd.s32 $0xFFFFC000;
	p3 =	por p2, !p3  }
.Ltmp50:
0x3cd: {  	s2 =	sadd.s32 $0xC00, s4;
	s4 =	simm.s32 @!p2 $0x3;
	(pc) =	sbr.rel @!p3 .LBB2_60-.Ltmp50, $4  }
0x3ce: {  	[spmem:s21] =	stream.indirect.scatter.add.f32 [tilespmem:s5], [sflag:$0x3], $0x80, s2, s25, $0xb8;
	[tilespmem:$0x1DD80] =	vst v63  }
0x3cf: {  	_ =	swait.ge @!p2 [sflag:s4], $0x4000  }
0x3d0: {  	[sflag:s4] =	ssyncset.done @!p2 $0x0  }
0x3d1: {  	[sflag:s4] =	ssyncadd.s32 @!p2 $0xFFFFC000;
	s4 =	simm.s32 @!p2 $0x8  }
0x3d2: {  	s4 =	sadd.s32 @!p2 $0x1, s0  }
.Ltmp51:
0x3d3: {  	s4 =	simm.s32 @p2 $0x1;
	(pc) =	sbr.rel .LBB2_60-.Ltmp51, $4  }
0x3d4: {  	s5 =	sshll.u32 s4, $0x7  }
0x3d5: {  	s3 =	sxor.u32 $0x4000, s3;
	s0 =	sand.u32 $0x3FFFFF80, s5  }
0x3d6: {  	s3 =	sor.u32 $0x1000, s3;
	s0 =	sadd.s32 $0x400, s0  }
0x3d7: {  	[tilespmem:s3], [sflag:$0x1] =	stream.indirect.gather [hbm4b:s20+s25], $0x80, s0, s25, $0xb8;
	[tilespmem:$0x1DD80] =	vst v63  }
.LBB2_62:
0x3d8: {  	_ =	sfence.sel $0x180000  }
0x3d9: {  	[bflag:$0x0] =	sbarrier.arrive $0xFFFF  }
0x3da: {  	_ =	strace $0x90000047  }
0x3db: {  	s0 =	stileid.u32;
	[bflag:$0x2] =	sbarrier.arrive $0xFFFF  }
0x3dc: {  	p0 =	sne.s32 s0, $0x0;
	s0 =	rddreg [dreg:$0x4]  }
0x3dd: {  	s0 =	sadd.s32 @!p0 $0x100000, s0  }
0x3de: {  	[sflag:s0] =	ssyncadd.tile.s32 @!p0 $0x1;
	_ =	shalt  }
.Lfunc_end2:
_tile_overlayer_lowered:
.L_overlay_start_2:
0x3df: {  	(tag) =	ssettag $0x2  }
0x3e0: {  	s0 =	rddreg [dreg:$0x0];
	s2 =	stileid.u32  }
0x3e1: {  	s1 =	rddreg [dreg:$0x1];
	p0 =	sne.s32 s2, $0x0  }
0x3e2: {  	s3 =	rddreg [dreg:$0x2];
	[bflag:$0x3] =	sbarrier.arrive $0xFFFF;
	s2 =	simm.s32 @!p0 $0x1C05  }
0x3e3: {  	[timem:s3], [sflag:s2] =	dma.local @!p0 [hbm:s0], s1  }
0x3e4: {  	s0 =	simm.s32 @!p0 $0x5  }
0x3e5: {  	_ =	swait.ge @!p0 [sflag:s0], s1  }
0x3e6: {  	s1 =	ssub.s32 @!p0 $0x0, s1;
	[sflag:s0] =	ssyncset.done @!p0 $0x0  }
0x3e7: {  	[sflag:s0] =	ssyncadd.s32 @!p0 s1  }
0x3e8: {  	[bflag:$0x3] =	sbarrier.arrive $0xFFFF  }
0x3e9: {  	_ =	shalt  }

</sc_bundles>
